<compile_context>
chip_gen: v7x
topology: tpu7x:2x2x1
jax: 0.10.2.dev20260603
libtpu: 0.0.44.dev20260713+nightly
codegen_flags: <defaults>
</compile_context>

<pallas_src>
import jax
import jax.numpy as jnp
from jax import lax
from jax.experimental import pallas as pl
from jax.experimental.pallas import tpu as pltpu
from jax.experimental.pallas import tpu_sc as plsc

_MAX = 64
_S = 512
_H = 256
_GI = 128
_CJ = 64
_W = 192


def _sc_body(x_hbm, t_hbm, out_hbm, idx_a, idx_b, xc, dwin, ob0, ob1, ob2,
             ob3, gsem, s0, s2):
    wid = lax.axis_index("s") * 2 + lax.axis_index("c")
    g = wid // 8
    cc = wid % 8
    jbase = cc * _CJ
    ibase = g * _GI
    base_k = 384 - _GI * g + _CJ * cc

    lane = lax.iota(jnp.int32, 16)
    for m0 in range(0, 96, 16):
        v = lane + (m0 + base_k - 511)
        idx_a[pl.ds(m0, 16)] = jnp.clip(v, -_MAX, _MAX) + _MAX
        idx_b[pl.ds(m0, 16)] = jnp.clip(v + 96, -_MAX, _MAX) + _MAX

    h1 = pltpu.async_copy(t_hbm.at[idx_a], dwin.at[pl.ds(0, 96)], gsem)
    h2 = pltpu.async_copy(t_hbm.at[idx_b], dwin.at[pl.ds(96, 96)], gsem)
    pltpu.sync_copy(x_hbm.at[0, pl.ds(jbase, _CJ)], xc)
    h1.wait()
    h2.wait()

    def pair(ba, bb, sa, ia, off, c0, first):
        jb = jbase + c0

        @pl.when(jnp.logical_not(first))
        def _():
            pltpu.make_async_copy(
                xc, out_hbm.at[ia, pl.ds(jbase, _CJ)], sa).wait()

        @plsc.parallel_loop(0, _CJ // 2, unroll=4)
        def _row(jj):
            for v in range(_H // 16):
                sl = pl.ds(v * 16, 16)
                a = xc[c0 + jj, sl]
                ba[jj, sl] = a + dwin[off + c0 + jj, sl]
                bb[jj, sl] = a + dwin[off - 1 + c0 + jj, sl]

        pltpu.async_copy(ba, out_hbm.at[ia, pl.ds(jb, _CJ // 2)], sa)
        pltpu.async_copy(bb, out_hbm.at[ia + 1, pl.ds(jb, _CJ // 2)], sa)

    def step(t, carry):
        ii0 = 2 * t
        i0 = ibase + ii0
        off0 = (_GI - 1) - ii0
        first = t == 0
        pair(ob0, ob1, s0, i0, off0, 0, first)
        pair(ob2, ob3, s2, i0, off0, _CJ // 2, first)
        return carry

    lax.fori_loop(0, _GI // 2, step, 0)
    pltpu.make_async_copy(xc, out_hbm.at[ibase, pl.ds(jbase, _CJ)], s0).wait()
    pltpu.make_async_copy(xc, out_hbm.at[ibase, pl.ds(jbase, _CJ)], s2).wait()


def kernel(x, table):
    mesh = plsc.VectorSubcoreMesh(core_axis_name="c", subcore_axis_name="s")
    run = pl.kernel(
        _sc_body,
        out_type=jax.ShapeDtypeStruct((_S, _S, _H), jnp.float32),
        mesh=mesh,
        scratch_types=[
            pltpu.VMEM((96,), jnp.int32),
            pltpu.VMEM((96,), jnp.int32),
            pltpu.VMEM((_CJ, _H), jnp.float32),
            pltpu.VMEM((_W, _H), jnp.float32),
            pltpu.VMEM((_CJ // 2, _H), jnp.float32),
            pltpu.VMEM((_CJ // 2, _H), jnp.float32),
            pltpu.VMEM((_CJ // 2, _H), jnp.float32),
            pltpu.VMEM((_CJ // 2, _H), jnp.float32),
            pltpu.SemaphoreType.DMA,
            pltpu.SemaphoreType.DMA,
            pltpu.SemaphoreType.DMA,
        ],
    )
    return run(x, table)

# --- scband reference (transcript-rebuilt; emitter-appended) ---
"""Pipeline reference for scband-relative-positional-encoding-50964081934661 (READ-ONLY COPY).

The authoritative reference and input builder live on the scoring server;
editing this copy changes nothing except your own understanding.
"""

import jax, jax.numpy as jnp
import numpy as np

MAX_REL_POS = 64
SEQ_LEN = 512
HIDDEN = 256


def setup_inputs(seed: int = 0) -> dict:
    key = jax.random.key(seed)
    k1, k2 = jax.random.split(key)
    x = jax.random.normal(k1, (1, SEQ_LEN, HIDDEN), dtype=jnp.float32)
    table = jax.random.normal(k2, (2 * MAX_REL_POS + 1, HIDDEN), dtype=jnp.float32) * 0.02
    return {"x": x, "table": table}


def reference(x, table):
    seq_len = x.shape[1]
    range_vec = jnp.arange(seq_len)
    range_mat = jnp.broadcast_to(range_vec[None, :], (seq_len, seq_len))
    distance_mat = range_mat - range_mat.T
    distance_mat_clipped = jnp.clip(distance_mat, -MAX_REL_POS, MAX_REL_POS)
    final_mat = distance_mat_clipped + MAX_REL_POS  # int indices in [0, 2*max+1)
    # embedding lookup: gather rows of table with a [S, S] index grid -> [S, S, H]
    relative_position_embeddings = jnp.take(table, final_mat, axis=0)
    return x + relative_position_embeddings

if __name__ == "__main__":
    import jax
    _d = setup_inputs()
    print(jax.jit(kernel)(*tuple(_d.values())))

</pallas_src>

<mosaic_0001>
#map = affine_map<(d0, d1) -> (0, 0, 0)>
#map1 = affine_map<(d0, d1) -> (0, 0)>
module attributes {stable_mosaic.version = 14 : i64} {
  func.func @_sc_body(%arg0: i32, %arg1: i32, %arg2: memref<1x512x256xf32, #tpu.memory_space<hbm>>, %arg3: memref<129x256xf32, #tpu.memory_space<hbm>>, %arg4: memref<512x512x256xf32, #tpu.memory_space<hbm>>, %arg5: memref<96xi32, #tpu.memory_space<vmem>>, %arg6: memref<96xi32, #tpu.memory_space<vmem>>, %arg7: memref<64x256xf32, #tpu.memory_space<vmem>>, %arg8: memref<192x256xf32, #tpu.memory_space<vmem>>, %arg9: memref<32x256xf32, #tpu.memory_space<vmem>>, %arg10: memref<32x256xf32, #tpu.memory_space<vmem>>, %arg11: memref<32x256xf32, #tpu.memory_space<vmem>>, %arg12: memref<32x256xf32, #tpu.memory_space<vmem>>, %arg13: memref<!tpu.dma_semaphore, #tpu.memory_space<semaphore_mem>>, %arg14: memref<!tpu.dma_semaphore, #tpu.memory_space<semaphore_mem>>, %arg15: memref<!tpu.dma_semaphore, #tpu.memory_space<semaphore_mem>>) attributes {dimension_semantics = [#tpu.dimension_semantics<core_parallel>, #tpu.dimension_semantics<subcore_parallel>], iteration_bounds = array<i64: 2, 16>, scalar_prefetch = 0 : i64, scratch_operands = 11 : i64, tpu.core_type = #tpu.core_type<sc_vector_subcore>, window_params = [{transform_indices = #map}, {transform_indices = #map1}, {transform_indices = #map}]} {
    %mul3A = arith.constant 2 : i32
    %mul3A_0 = arith.muli %arg1, %mul3A : i32
    %add3A = arith.addi %mul3A_0, %arg0 : i32
    %jit3A = arith.constant 8 : i32
    %div3A = arith.divsi %add3A, %jit3A : i32
    %sign3A = arith.constant 0 : i32
    %sign3A_1 = arith.cmpi sgt, %add3A, %sign3A : i32
    %sign3A_2 = arith.extui %sign3A_1 : i1 to i32
    %sign3A_3 = arith.constant 0 : i32
    %sign3A_4 = arith.cmpi slt, %add3A, %sign3A_3 : i32
    %sign3A_5 = arith.extui %sign3A_4 : i1 to i32
    %sign3A_6 = arith.subi %sign3A_2, %sign3A_5 : i32
    %sign3A_7 = arith.constant 0 : i32
    %sign3A_8 = arith.cmpi sgt, %jit3A, %sign3A_7 : i32
    %sign3A_9 = arith.extui %sign3A_8 : i1 to i32
    %sign3A_10 = arith.constant 0 : i32
    %sign3A_11 = arith.cmpi slt, %jit3A, %sign3A_10 : i32
    %sign3A_12 = arith.extui %sign3A_11 : i1 to i32
    %sign3A_13 = arith.subi %sign3A_9, %sign3A_12 : i32
    %ne3A = arith.cmpi ne, %sign3A_6, %sign3A_13 : i32
    %rem3A = arith.remsi %add3A, %jit3A : i32
    %ne3A_14 = arith.constant 0 : i32
    %ne3A_15 = arith.cmpi ne, %rem3A, %ne3A_14 : i32
    %and3A = arith.andi %ne3A, %ne3A_15 : i1
    %sub3A = arith.constant 1 : i32
    %sub3A_16 = arith.subi %div3A, %sub3A : i32
    %select_n3A = arith.select %and3A, %sub3A_16, %div3A : i32
    %jit3A_17 = arith.constant 8 : i32
    %eq3A = arith.constant 0 : i32
    %eq3A_18 = arith.cmpi eq, %jit3A_17, %eq3A : i32
    %jit3A_19 = arith.constant 1 : i32
    %select_n3A_20 = arith.select %eq3A_18, %jit3A_19, %jit3A_17 : i32
    %rem3A_21 = arith.remsi %add3A, %select_n3A_20 : i32
    %ne3A_22 = arith.constant 0 : i32
    %ne3A_23 = arith.cmpi ne, %rem3A_21, %ne3A_22 : i32
    %lt3A = arith.constant 0 : i32
    %lt3A_24 = arith.cmpi slt, %rem3A_21, %lt3A : i32
    %lt3A_25 = arith.constant 0 : i32
    %lt3A_26 = arith.cmpi slt, %select_n3A_20, %lt3A_25 : i32
    %ne3A_27 = arith.xori %lt3A_24, %lt3A_26 : i1
    %and3A_28 = arith.andi %ne3A_27, %ne3A_23 : i1
    %add3A_29 = arith.addi %rem3A_21, %select_n3A_20 : i32
    %select_n3A_30 = arith.select %and3A_28, %add3A_29, %rem3A_21 : i32
    %mul3A_31 = arith.constant 64 : i32
    %mul3A_32 = arith.muli %select_n3A_30, %mul3A_31 : i32
    %mul3A_33 = arith.constant 128 : i32
    %mul3A_34 = arith.muli %select_n3A, %mul3A_33 : i32
    %mul3A_35 = arith.constant 128 : i32
    %mul3A_36 = arith.muli %mul3A_35, %select_n3A : i32
    %sub3A_37 = arith.constant 384 : i32
    %sub3A_38 = arith.subi %sub3A_37, %mul3A_36 : i32
    %mul3A_39 = arith.constant 64 : i32
    %mul3A_40 = arith.muli %mul3A_39, %select_n3A_30 : i32
    %add3A_41 = arith.addi %sub3A_38, %mul3A_40 : i32
    %iota3A = tpu.iota {dimensions = array<i32: 0>} : vector<16xi32>
    %add3A_42 = arith.constant 0 : i32
    %add3A_43 = arith.addi %add3A_42, %add3A_41 : i32
    %sub3A_44 = arith.constant 511 : i32
    %sub3A_45 = arith.subi %add3A_43, %sub3A_44 : i32
    %add3A_46 = vector.broadcast %sub3A_45 : i32 to vector<16xi32>
    %add3A_47 = arith.addi %iota3A, %add3A_46 : vector<16xi32>
    %jit3A_48 = arith.constant -64 : i32
    %jit3A_49 = arith.constant 64 : i32
    %max3A = vector.broadcast %jit3A_48 : i32 to vector<16xi32>
    %max3A_50 = arith.maxsi %max3A, %add3A_47 : vector<16xi32>
    %min3A = vector.broadcast %jit3A_49 : i32 to vector<16xi32>
    %min3A_51 = arith.minsi %min3A, %max3A_50 : vector<16xi32>
    %add3A_52 = arith.constant 64 : i32
    %add3A_53 = vector.broadcast %add3A_52 : i32 to vector<16xi32>
    %add3A_54 = arith.addi %min3A_51, %add3A_53 : vector<16xi32>
    %swap3A = arith.constant 0 : index
    %swap3A_55 = tpu.vector_load %arg5[%swap3A] {strides = array<i32>} : memref<96xi32, #tpu.memory_space<vmem>>, vector<16xi32>,
    %swap3A_56 = vector.shape_cast %swap3A_55 : vector<16xi32> to vector<16xi32>
    %swap3A_57 = vector.shape_cast %add3A_54 : vector<16xi32> to vector<16xi32>
    tpu.vector_store %arg5[%swap3A], %swap3A_57 {strides = array<i32>} : memref<96xi32, #tpu.memory_space<vmem>>, vector<16xi32>,
    %add3A_58 = arith.constant 96 : i32
    %add3A_59 = vector.broadcast %add3A_58 : i32 to vector<16xi32>
    %add3A_60 = arith.addi %add3A_47, %add3A_59 : vector<16xi32>
    %jit3A_61 = arith.constant -64 : i32
    %jit3A_62 = arith.constant 64 : i32
    %max3A_63 = vector.broadcast %jit3A_61 : i32 to vector<16xi32>
    %max3A_64 = arith.maxsi %max3A_63, %add3A_60 : vector<16xi32>
    %min3A_65 = vector.broadcast %jit3A_62 : i32 to vector<16xi32>
    %min3A_66 = arith.minsi %min3A_65, %max3A_64 : vector<16xi32>
    %add3A_67 = arith.constant 64 : i32
    %add3A_68 = vector.broadcast %add3A_67 : i32 to vector<16xi32>
    %add3A_69 = arith.addi %min3A_66, %add3A_68 : vector<16xi32>
    %swap3A_70 = arith.constant 0 : index
    %swap3A_71 = tpu.vector_load %arg6[%swap3A_70] {strides = array<i32>} : memref<96xi32, #tpu.memory_space<vmem>>, vector<16xi32>,
    %swap3A_72 = vector.shape_cast %swap3A_71 : vector<16xi32> to vector<16xi32>
    %swap3A_73 = vector.shape_cast %add3A_69 : vector<16xi32> to vector<16xi32>
    tpu.vector_store %arg6[%swap3A_70], %swap3A_73 {strides = array<i32>} : memref<96xi32, #tpu.memory_space<vmem>>, vector<16xi32>,
    %add3A_74 = arith.constant 16 : i32
    %add3A_75 = arith.addi %add3A_74, %add3A_41 : i32
    %sub3A_76 = arith.constant 511 : i32
    %sub3A_77 = arith.subi %add3A_75, %sub3A_76 : i32
    %add3A_78 = vector.broadcast %sub3A_77 : i32 to vector<16xi32>
    %add3A_79 = arith.addi %iota3A, %add3A_78 : vector<16xi32>
    %jit3A_80 = arith.constant -64 : i32
    %jit3A_81 = arith.constant 64 : i32
    %max3A_82 = vector.broadcast %jit3A_80 : i32 to vector<16xi32>
    %max3A_83 = arith.maxsi %max3A_82, %add3A_79 : vector<16xi32>
    %min3A_84 = vector.broadcast %jit3A_81 : i32 to vector<16xi32>
    %min3A_85 = arith.minsi %min3A_84, %max3A_83 : vector<16xi32>
    %add3A_86 = arith.constant 64 : i32
    %add3A_87 = vector.broadcast %add3A_86 : i32 to vector<16xi32>
    %add3A_88 = arith.addi %min3A_85, %add3A_87 : vector<16xi32>
    %swap3A_89 = arith.constant 16 : index
    %swap3A_90 = tpu.vector_load %arg5[%swap3A_89] {strides = array<i32>} : memref<96xi32, #tpu.memory_space<vmem>>, vector<16xi32>,
    %swap3A_91 = vector.shape_cast %swap3A_90 : vector<16xi32> to vector<16xi32>
    %swap3A_92 = vector.shape_cast %add3A_88 : vector<16xi32> to vector<16xi32>
    tpu.vector_store %arg5[%swap3A_89], %swap3A_92 {strides = array<i32>} : memref<96xi32, #tpu.memory_space<vmem>>, vector<16xi32>,
    %add3A_93 = arith.constant 96 : i32
    %add3A_94 = vector.broadcast %add3A_93 : i32 to vector<16xi32>
    %add3A_95 = arith.addi %add3A_79, %add3A_94 : vector<16xi32>
    %jit3A_96 = arith.constant -64 : i32
    %jit3A_97 = arith.constant 64 : i32
    %max3A_98 = vector.broadcast %jit3A_96 : i32 to vector<16xi32>
    %max3A_99 = arith.maxsi %max3A_98, %add3A_95 : vector<16xi32>
    %min3A_100 = vector.broadcast %jit3A_97 : i32 to vector<16xi32>
    %min3A_101 = arith.minsi %min3A_100, %max3A_99 : vector<16xi32>
    %add3A_102 = arith.constant 64 : i32
    %add3A_103 = vector.broadcast %add3A_102 : i32 to vector<16xi32>
    %add3A_104 = arith.addi %min3A_101, %add3A_103 : vector<16xi32>
    %swap3A_105 = arith.constant 16 : index
    %swap3A_106 = tpu.vector_load %arg6[%swap3A_105] {strides = array<i32>} : memref<96xi32, #tpu.memory_space<vmem>>, vector<16xi32>,
    %swap3A_107 = vector.shape_cast %swap3A_106 : vector<16xi32> to vector<16xi32>
    %swap3A_108 = vector.shape_cast %add3A_104 : vector<16xi32> to vector<16xi32>
    tpu.vector_store %arg6[%swap3A_105], %swap3A_108 {strides = array<i32>} : memref<96xi32, #tpu.memory_space<vmem>>, vector<16xi32>,
    %add3A_109 = arith.constant 32 : i32
    %add3A_110 = arith.addi %add3A_109, %add3A_41 : i32
    %sub3A_111 = arith.constant 511 : i32
    %sub3A_112 = arith.subi %add3A_110, %sub3A_111 : i32
    %add3A_113 = vector.broadcast %sub3A_112 : i32 to vector<16xi32>
    %add3A_114 = arith.addi %iota3A, %add3A_113 : vector<16xi32>
    %jit3A_115 = arith.constant -64 : i32
    %jit3A_116 = arith.constant 64 : i32
    %max3A_117 = vector.broadcast %jit3A_115 : i32 to vector<16xi32>
    %max3A_118 = arith.maxsi %max3A_117, %add3A_114 : vector<16xi32>
    %min3A_119 = vector.broadcast %jit3A_116 : i32 to vector<16xi32>
    %min3A_120 = arith.minsi %min3A_119, %max3A_118 : vector<16xi32>
    %add3A_121 = arith.constant 64 : i32
    %add3A_122 = vector.broadcast %add3A_121 : i32 to vector<16xi32>
    %add3A_123 = arith.addi %min3A_120, %add3A_122 : vector<16xi32>
    %swap3A_124 = arith.constant 32 : index
    %swap3A_125 = tpu.vector_load %arg5[%swap3A_124] {strides = array<i32>} : memref<96xi32, #tpu.memory_space<vmem>>, vector<16xi32>,
    %swap3A_126 = vector.shape_cast %swap3A_125 : vector<16xi32> to vector<16xi32>
    %swap3A_127 = vector.shape_cast %add3A_123 : vector<16xi32> to vector<16xi32>
    tpu.vector_store %arg5[%swap3A_124], %swap3A_127 {strides = array<i32>} : memref<96xi32, #tpu.memory_space<vmem>>, vector<16xi32>,
    %add3A_128 = arith.constant 96 : i32
    %add3A_129 = vector.broadcast %add3A_128 : i32 to vector<16xi32>
    %add3A_130 = arith.addi %add3A_114, %add3A_129 : vector<16xi32>
    %jit3A_131 = arith.constant -64 : i32
    %jit3A_132 = arith.constant 64 : i32
    %max3A_133 = vector.broadcast %jit3A_131 : i32 to vector<16xi32>
    %max3A_134 = arith.maxsi %max3A_133, %add3A_130 : vector<16xi32>
    %min3A_135 = vector.broadcast %jit3A_132 : i32 to vector<16xi32>
    %min3A_136 = arith.minsi %min3A_135, %max3A_134 : vector<16xi32>
    %add3A_137 = arith.constant 64 : i32
    %add3A_138 = vector.broadcast %add3A_137 : i32 to vector<16xi32>
    %add3A_139 = arith.addi %min3A_136, %add3A_138 : vector<16xi32>
    %swap3A_140 = arith.constant 32 : index
    %swap3A_141 = tpu.vector_load %arg6[%swap3A_140] {strides = array<i32>} : memref<96xi32, #tpu.memory_space<vmem>>, vector<16xi32>,
    %swap3A_142 = vector.shape_cast %swap3A_141 : vector<16xi32> to vector<16xi32>
    %swap3A_143 = vector.shape_cast %add3A_139 : vector<16xi32> to vector<16xi32>
    tpu.vector_store %arg6[%swap3A_140], %swap3A_143 {strides = array<i32>} : memref<96xi32, #tpu.memory_space<vmem>>, vector<16xi32>,
    %add3A_144 = arith.constant 48 : i32
    %add3A_145 = arith.addi %add3A_144, %add3A_41 : i32
    %sub3A_146 = arith.constant 511 : i32
    %sub3A_147 = arith.subi %add3A_145, %sub3A_146 : i32
    %add3A_148 = vector.broadcast %sub3A_147 : i32 to vector<16xi32>
    %add3A_149 = arith.addi %iota3A, %add3A_148 : vector<16xi32>
    %jit3A_150 = arith.constant -64 : i32
    %jit3A_151 = arith.constant 64 : i32
    %max3A_152 = vector.broadcast %jit3A_150 : i32 to vector<16xi32>
    %max3A_153 = arith.maxsi %max3A_152, %add3A_149 : vector<16xi32>
    %min3A_154 = vector.broadcast %jit3A_151 : i32 to vector<16xi32>
    %min3A_155 = arith.minsi %min3A_154, %max3A_153 : vector<16xi32>
    %add3A_156 = arith.constant 64 : i32
    %add3A_157 = vector.broadcast %add3A_156 : i32 to vector<16xi32>
    %add3A_158 = arith.addi %min3A_155, %add3A_157 : vector<16xi32>
    %swap3A_159 = arith.constant 48 : index
    %swap3A_160 = tpu.vector_load %arg5[%swap3A_159] {strides = array<i32>} : memref<96xi32, #tpu.memory_space<vmem>>, vector<16xi32>,
    %swap3A_161 = vector.shape_cast %swap3A_160 : vector<16xi32> to vector<16xi32>
    %swap3A_162 = vector.shape_cast %add3A_158 : vector<16xi32> to vector<16xi32>
    tpu.vector_store %arg5[%swap3A_159], %swap3A_162 {strides = array<i32>} : memref<96xi32, #tpu.memory_space<vmem>>, vector<16xi32>,
    %add3A_163 = arith.constant 96 : i32
    %add3A_164 = vector.broadcast %add3A_163 : i32 to vector<16xi32>
    %add3A_165 = arith.addi %add3A_149, %add3A_164 : vector<16xi32>
    %jit3A_166 = arith.constant -64 : i32
    %jit3A_167 = arith.constant 64 : i32
    %max3A_168 = vector.broadcast %jit3A_166 : i32 to vector<16xi32>
    %max3A_169 = arith.maxsi %max3A_168, %add3A_165 : vector<16xi32>
    %min3A_170 = vector.broadcast %jit3A_167 : i32 to vector<16xi32>
    %min3A_171 = arith.minsi %min3A_170, %max3A_169 : vector<16xi32>
    %add3A_172 = arith.constant 64 : i32
    %add3A_173 = vector.broadcast %add3A_172 : i32 to vector<16xi32>
    %add3A_174 = arith.addi %min3A_171, %add3A_173 : vector<16xi32>
    %swap3A_175 = arith.constant 48 : index
    %swap3A_176 = tpu.vector_load %arg6[%swap3A_175] {strides = array<i32>} : memref<96xi32, #tpu.memory_space<vmem>>, vector<16xi32>,
    %swap3A_177 = vector.shape_cast %swap3A_176 : vector<16xi32> to vector<16xi32>
    %swap3A_178 = vector.shape_cast %add3A_174 : vector<16xi32> to vector<16xi32>
    tpu.vector_store %arg6[%swap3A_175], %swap3A_178 {strides = array<i32>} : memref<96xi32, #tpu.memory_space<vmem>>, vector<16xi32>,
    %add3A_179 = arith.constant 64 : i32
    %add3A_180 = arith.addi %add3A_179, %add3A_41 : i32
    %sub3A_181 = arith.constant 511 : i32
    %sub3A_182 = arith.subi %add3A_180, %sub3A_181 : i32
    %add3A_183 = vector.broadcast %sub3A_182 : i32 to vector<16xi32>
    %add3A_184 = arith.addi %iota3A, %add3A_183 : vector<16xi32>
    %jit3A_185 = arith.constant -64 : i32
    %jit3A_186 = arith.constant 64 : i32
    %max3A_187 = vector.broadcast %jit3A_185 : i32 to vector<16xi32>
    %max3A_188 = arith.maxsi %max3A_187, %add3A_184 : vector<16xi32>
    %min3A_189 = vector.broadcast %jit3A_186 : i32 to vector<16xi32>
    %min3A_190 = arith.minsi %min3A_189, %max3A_188 : vector<16xi32>
    %add3A_191 = arith.constant 64 : i32
    %add3A_192 = vector.broadcast %add3A_191 : i32 to vector<16xi32>
    %add3A_193 = arith.addi %min3A_190, %add3A_192 : vector<16xi32>
    %swap3A_194 = arith.constant 64 : index
    %swap3A_195 = tpu.vector_load %arg5[%swap3A_194] {strides = array<i32>} : memref<96xi32, #tpu.memory_space<vmem>>, vector<16xi32>,
    %swap3A_196 = vector.shape_cast %swap3A_195 : vector<16xi32> to vector<16xi32>
    %swap3A_197 = vector.shape_cast %add3A_193 : vector<16xi32> to vector<16xi32>
    tpu.vector_store %arg5[%swap3A_194], %swap3A_197 {strides = array<i32>} : memref<96xi32, #tpu.memory_space<vmem>>, vector<16xi32>,
    %add3A_198 = arith.constant 96 : i32
    %add3A_199 = vector.broadcast %add3A_198 : i32 to vector<16xi32>
    %add3A_200 = arith.addi %add3A_184, %add3A_199 : vector<16xi32>
    %jit3A_201 = arith.constant -64 : i32
    %jit3A_202 = arith.constant 64 : i32
    %max3A_203 = vector.broadcast %jit3A_201 : i32 to vector<16xi32>
    %max3A_204 = arith.maxsi %max3A_203, %add3A_200 : vector<16xi32>
    %min3A_205 = vector.broadcast %jit3A_202 : i32 to vector<16xi32>
    %min3A_206 = arith.minsi %min3A_205, %max3A_204 : vector<16xi32>
    %add3A_207 = arith.constant 64 : i32
    %add3A_208 = vector.broadcast %add3A_207 : i32 to vector<16xi32>
    %add3A_209 = arith.addi %min3A_206, %add3A_208 : vector<16xi32>
    %swap3A_210 = arith.constant 64 : index
    %swap3A_211 = tpu.vector_load %arg6[%swap3A_210] {strides = array<i32>} : memref<96xi32, #tpu.memory_space<vmem>>, vector<16xi32>,
    %swap3A_212 = vector.shape_cast %swap3A_211 : vector<16xi32> to vector<16xi32>
    %swap3A_213 = vector.shape_cast %add3A_209 : vector<16xi32> to vector<16xi32>
    tpu.vector_store %arg6[%swap3A_210], %swap3A_213 {strides = array<i32>} : memref<96xi32, #tpu.memory_space<vmem>>, vector<16xi32>,
    %add3A_214 = arith.constant 80 : i32
    %add3A_215 = arith.addi %add3A_214, %add3A_41 : i32
    %sub3A_216 = arith.constant 511 : i32
    %sub3A_217 = arith.subi %add3A_215, %sub3A_216 : i32
    %add3A_218 = vector.broadcast %sub3A_217 : i32 to vector<16xi32>
    %add3A_219 = arith.addi %iota3A, %add3A_218 : vector<16xi32>
    %jit3A_220 = arith.constant -64 : i32
    %jit3A_221 = arith.constant 64 : i32
    %max3A_222 = vector.broadcast %jit3A_220 : i32 to vector<16xi32>
    %max3A_223 = arith.maxsi %max3A_222, %add3A_219 : vector<16xi32>
    %min3A_224 = vector.broadcast %jit3A_221 : i32 to vector<16xi32>
    %min3A_225 = arith.minsi %min3A_224, %max3A_223 : vector<16xi32>
    %add3A_226 = arith.constant 64 : i32
    %add3A_227 = vector.broadcast %add3A_226 : i32 to vector<16xi32>
    %add3A_228 = arith.addi %min3A_225, %add3A_227 : vector<16xi32>
    %swap3A_229 = arith.constant 80 : index
    %swap3A_230 = tpu.vector_load %arg5[%swap3A_229] {strides = array<i32>} : memref<96xi32, #tpu.memory_space<vmem>>, vector<16xi32>,
    %swap3A_231 = vector.shape_cast %swap3A_230 : vector<16xi32> to vector<16xi32>
    %swap3A_232 = vector.shape_cast %add3A_228 : vector<16xi32> to vector<16xi32>
    tpu.vector_store %arg5[%swap3A_229], %swap3A_232 {strides = array<i32>} : memref<96xi32, #tpu.memory_space<vmem>>, vector<16xi32>,
    %add3A_233 = arith.constant 96 : i32
    %add3A_234 = vector.broadcast %add3A_233 : i32 to vector<16xi32>
    %add3A_235 = arith.addi %add3A_219, %add3A_234 : vector<16xi32>
    %jit3A_236 = arith.constant -64 : i32
    %jit3A_237 = arith.constant 64 : i32
    %max3A_238 = vector.broadcast %jit3A_236 : i32 to vector<16xi32>
    %max3A_239 = arith.maxsi %max3A_238, %add3A_235 : vector<16xi32>
    %min3A_240 = vector.broadcast %jit3A_237 : i32 to vector<16xi32>
    %min3A_241 = arith.minsi %min3A_240, %max3A_239 : vector<16xi32>
    %add3A_242 = arith.constant 64 : i32
    %add3A_243 = vector.broadcast %add3A_242 : i32 to vector<16xi32>
    %add3A_244 = arith.addi %min3A_241, %add3A_243 : vector<16xi32>
    %swap3A_245 = arith.constant 80 : index
    %swap3A_246 = tpu.vector_load %arg6[%swap3A_245] {strides = array<i32>} : memref<96xi32, #tpu.memory_space<vmem>>, vector<16xi32>,
    %swap3A_247 = vector.shape_cast %swap3A_246 : vector<16xi32> to vector<16xi32>
    %swap3A_248 = vector.shape_cast %add3A_244 : vector<16xi32> to vector<16xi32>
    tpu.vector_store %arg6[%swap3A_245], %swap3A_248 {strides = array<i32>} : memref<96xi32, #tpu.memory_space<vmem>>, vector<16xi32>,
    %dma_start3A = arith.constant 0 : i32
    %dma_start3A_249 = arith.constant 0 : i32
    %dma_start3A_250 = tpu.memref_slice %arg8[%dma_start3A, %dma_start3A_249] : memref<192x256xf32, #tpu.memory_space<vmem>> -> memref<96x256xf32, #tpu.memory_space<vmem>>
    %dma_start3A_251 = arith.constant 0 : i32
    %dma_start3A_252 = arith.constant 0 : i32
    %dma_start3A_253 = tpu.memref_slice %arg3[%dma_start3A_251, %dma_start3A_252] : memref<129x256xf32, #tpu.memory_space<hbm>> -> memref<129x256xf32, #tpu.memory_space<hbm>>
    tpu.enqueue_indirect_dma source(%dma_start3A_253 : memref<129x256xf32, #tpu.memory_space<hbm>>) target(%dma_start3A_250 : memref<96x256xf32, #tpu.memory_space<vmem>>) offsets(%arg5 : memref<96xi32, #tpu.memory_space<vmem>>) semaphore(%arg13 : memref<!tpu.dma_semaphore, #tpu.memory_space<semaphore_mem>>)
    %dma_start3A_254 = arith.constant 96 : i32
    %dma_start3A_255 = arith.constant 0 : i32
    %dma_start3A_256 = tpu.memref_slice %arg8[%dma_start3A_254, %dma_start3A_255] : memref<192x256xf32, #tpu.memory_space<vmem>> -> memref<96x256xf32, #tpu.memory_space<vmem>>
    %dma_start3A_257 = arith.constant 0 : i32
    %dma_start3A_258 = arith.constant 0 : i32
    %dma_start3A_259 = tpu.memref_slice %arg3[%dma_start3A_257, %dma_start3A_258] : memref<129x256xf32, #tpu.memory_space<hbm>> -> memref<129x256xf32, #tpu.memory_space<hbm>>
    tpu.enqueue_indirect_dma source(%dma_start3A_259 : memref<129x256xf32, #tpu.memory_space<hbm>>) target(%dma_start3A_256 : memref<96x256xf32, #tpu.memory_space<vmem>>) offsets(%arg6 : memref<96xi32, #tpu.memory_space<vmem>>) semaphore(%arg13 : memref<!tpu.dma_semaphore, #tpu.memory_space<semaphore_mem>>)
    %run_scoped3A = arith.constant 0 : i32
    "tpu.region"() ({
      %run_scoped3A_288 = tpu.sem_alloc : memref<!tpu.dma_semaphore, #tpu.memory_space<semaphore_mem>>
      %dma_start3A_289 = arith.constant 0 : i32
      %dma_start3A_290 = tpu.memref_slice %arg2[%run_scoped3A, %mul3A_32, %dma_start3A_289] : memref<1x512x256xf32, #tpu.memory_space<hbm>> -> memref<1x64x256xf32, #tpu.memory_space<hbm>>
      %dma_start3A_291 = tpu.memref_squeeze %dma_start3A_290 : memref<1x64x256xf32, #tpu.memory_space<hbm>> -> memref<64x256xf32, #tpu.memory_space<hbm>>
      %dma_start3A_292 = arith.constant 0 : i32
      %dma_start3A_293 = tpu.memref_slice %arg2[%run_scoped3A, %mul3A_32, %dma_start3A_292] : memref<1x512x256xf32, #tpu.memory_space<hbm>> -> memref<1x64x256xf32, #tpu.memory_space<hbm>>
      %dma_start3A_294 = tpu.memref_squeeze %dma_start3A_293 : memref<1x64x256xf32, #tpu.memory_space<hbm>> -> memref<64x256xf32, #tpu.memory_space<hbm>>
      tpu.enqueue_dma source(%dma_start3A_294 : memref<64x256xf32, #tpu.memory_space<hbm>>) target(%arg7 : memref<64x256xf32, #tpu.memory_space<vmem>>) target_semaphore(%run_scoped3A_288 : memref<!tpu.dma_semaphore, #tpu.memory_space<semaphore_mem>>)
      %dma_wait3A_295 = arith.constant 0 : i32
      %dma_wait3A_296 = tpu.memref_slice %arg2[%run_scoped3A, %mul3A_32, %dma_wait3A_295] : memref<1x512x256xf32, #tpu.memory_space<hbm>> -> memref<1x64x256xf32, #tpu.memory_space<hbm>>
      %dma_wait3A_297 = tpu.memref_squeeze %dma_wait3A_296 : memref<1x64x256xf32, #tpu.memory_space<hbm>> -> memref<64x256xf32, #tpu.memory_space<hbm>>
      %dma_wait3A_298 = arith.constant 0 : i32
      %dma_wait3A_299 = tpu.memref_slice %arg2[%run_scoped3A, %mul3A_32, %dma_wait3A_298] : memref<1x512x256xf32, #tpu.memory_space<hbm>> -> memref<1x64x256xf32, #tpu.memory_space<hbm>>
      %dma_wait3A_300 = tpu.memref_squeeze %dma_wait3A_299 : memref<1x64x256xf32, #tpu.memory_space<hbm>> -> memref<64x256xf32, #tpu.memory_space<hbm>>
      tpu.wait_dma2 semaphore(%run_scoped3A_288 : memref<!tpu.dma_semaphore, #tpu.memory_space<semaphore_mem>>) src(%dma_wait3A_300 : memref<64x256xf32, #tpu.memory_space<hbm>>) dst(%arg7 : memref<64x256xf32, #tpu.memory_space<vmem>>)
      tpu.yield
    }) : () -> ()
    %dma_wait3A = arith.constant 0 : i32
    %dma_wait3A_260 = arith.constant 0 : i32
    %dma_wait3A_261 = tpu.memref_slice %arg8[%dma_wait3A, %dma_wait3A_260] : memref<192x256xf32, #tpu.memory_space<vmem>> -> memref<96x256xf32, #tpu.memory_space<vmem>>
    %dma_wait3A_262 = arith.constant 0 : i32
    %dma_wait3A_263 = arith.constant 0 : i32
    %dma_wait3A_264 = tpu.memref_slice %arg3[%dma_wait3A_262, %dma_wait3A_263] : memref<129x256xf32, #tpu.memory_space<hbm>> -> memref<129x256xf32, #tpu.memory_space<hbm>>
    tpu.wait_indirect_dma semaphore(%arg13 : memref<!tpu.dma_semaphore, #tpu.memory_space<semaphore_mem>>) src(%dma_wait3A_264 : memref<129x256xf32, #tpu.memory_space<hbm>>) dst(%dma_wait3A_261 : memref<96x256xf32, #tpu.memory_space<vmem>>)
    %dma_wait3A_265 = arith.constant 96 : i32
    %dma_wait3A_266 = arith.constant 0 : i32
    %dma_wait3A_267 = tpu.memref_slice %arg8[%dma_wait3A_265, %dma_wait3A_266] : memref<192x256xf32, #tpu.memory_space<vmem>> -> memref<96x256xf32, #tpu.memory_space<vmem>>
    %dma_wait3A_268 = arith.constant 0 : i32
    %dma_wait3A_269 = arith.constant 0 : i32
    %dma_wait3A_270 = tpu.memref_slice %arg3[%dma_wait3A_268, %dma_wait3A_269] : memref<129x256xf32, #tpu.memory_space<hbm>> -> memref<129x256xf32, #tpu.memory_space<hbm>>
    tpu.wait_indirect_dma semaphore(%arg13 : memref<!tpu.dma_semaphore, #tpu.memory_space<semaphore_mem>>) src(%dma_wait3A_270 : memref<129x256xf32, #tpu.memory_space<hbm>>) dst(%dma_wait3A_267 : memref<96x256xf32, #tpu.memory_space<vmem>>)
    %scan3A = arith.constant 0 : i32
    %scan3A_271 = arith.constant 0 : i32
    %scan3A_272 = arith.constant 64 : i32
    %scan3A_273 = arith.addi %scan3A_271, %scan3A_272 : i32
    %scan3A_274 = arith.constant 1 : i32
    scf.for %scan3A_288 = %scan3A_271 to %scan3A_273 step %scan3A_274  : i32 {
      %mul3A_289 = arith.constant 2 : i32
      %mul3A_290 = arith.muli %mul3A_289, %scan3A_288 : i32
      %add3A_291 = arith.addi %mul3A_34, %mul3A_290 : i32
      %sub3A_292 = arith.constant 127 : i32
      %sub3A_293 = arith.subi %sub3A_292, %mul3A_290 : i32
      %eq3A_294 = arith.constant 0 : i32
      %eq3A_295 = arith.cmpi eq, %scan3A_288, %eq3A_294 : i32
      %add3A_296 = arith.constant 0 : i32
      %add3A_297 = arith.addi %mul3A_32, %add3A_296 : i32
      %not3A = arith.constant true
      %not3A_298 = arith.xori %eq3A_295, %not3A : i1
      %convert_element_type3A = arith.extui %not3A_298 : i1 to i32
      %cond3A = arith.constant 0 : i32
      %cond3A_299 = arith.cmpi ne, %convert_element_type3A, %cond3A : i32
      scf.if %cond3A_299 {
        %dma_wait3A_340 = arith.constant 0 : i32
        %dma_wait3A_341 = tpu.memref_slice %arg4[%add3A_291, %mul3A_32, %dma_wait3A_340] : memref<512x512x256xf32, #tpu.memory_space<hbm>> -> memref<1x64x256xf32, #tpu.memory_space<hbm>>
        %dma_wait3A_342 = tpu.memref_squeeze %dma_wait3A_341 : memref<1x64x256xf32, #tpu.memory_space<hbm>> -> memref<64x256xf32, #tpu.memory_space<hbm>>
        %dma_wait3A_343 = arith.constant 0 : i32
        %dma_wait3A_344 = tpu.memref_slice %arg4[%add3A_291, %mul3A_32, %dma_wait3A_343] : memref<512x512x256xf32, #tpu.memory_space<hbm>> -> memref<1x64x256xf32, #tpu.memory_space<hbm>>
        %dma_wait3A_345 = tpu.memref_squeeze %dma_wait3A_344 : memref<1x64x256xf32, #tpu.memory_space<hbm>> -> memref<64x256xf32, #tpu.memory_space<hbm>>
        tpu.wait_dma2 semaphore(%arg14 : memref<!tpu.dma_semaphore, #tpu.memory_space<semaphore_mem>>) src(%arg7 : memref<64x256xf32, #tpu.memory_space<vmem>>) dst(%dma_wait3A_345 : memref<64x256xf32, #tpu.memory_space<hbm>>)
      } else {
      }
      %parallel_loop3A = arith.constant 0 : i32
      %parallel_loop3A_300 = arith.constant 32 : i32
      %parallel_loop3A_301 = arith.constant 1 : i32
      scf.for %parallel_loop3A_340 = %parallel_loop3A to %parallel_loop3A_300 step %parallel_loop3A_301  : i32 {
        %parallel_loop3A_341 = arith.constant 0 : i32
        %parallel_loop3A_342 = arith.addi %parallel_loop3A_341, %parallel_loop3A_340 : i32
        %parallel_loop3A_343 = arith.index_cast %parallel_loop3A_342 : i32 to index
        %parallel_loop3A_344 = arith.constant 0 : index
        %parallel_loop3A_345 = tpu.vector_load %arg7[%parallel_loop3A_343, %parallel_loop3A_344] {strides = array<i32>} : memref<64x256xf32, #tpu.memory_space<vmem>>, vector<1x16xf32>,
        %parallel_loop3A_346 = vector.shape_cast %parallel_loop3A_345 : vector<1x16xf32> to vector<16xf32>
        %parallel_loop3A_347 = arith.constant 0 : i32
        %parallel_loop3A_348 = arith.addi %sub3A_293, %parallel_loop3A_347 : i32
        %parallel_loop3A_349 = arith.addi %parallel_loop3A_348, %parallel_loop3A_340 : i32
        %parallel_loop3A_350 = arith.index_cast %parallel_loop3A_349 : i32 to index
        %parallel_loop3A_351 = arith.constant 0 : index
        %parallel_loop3A_352 = tpu.vector_load %arg8[%parallel_loop3A_350, %parallel_loop3A_351] {strides = array<i32>} : memref<192x256xf32, #tpu.memory_space<vmem>>, vector<1x16xf32>,
        %parallel_loop3A_353 = vector.shape_cast %parallel_loop3A_352 : vector<1x16xf32> to vector<16xf32>
        %parallel_loop3A_354 = arith.addf %parallel_loop3A_346, %parallel_loop3A_353 : vector<16xf32>
        %parallel_loop3A_355 = arith.index_cast %parallel_loop3A_340 : i32 to index
        %parallel_loop3A_356 = arith.constant 0 : index
        %parallel_loop3A_357 = tpu.vector_load %arg9[%parallel_loop3A_355, %parallel_loop3A_356] {strides = array<i32>} : memref<32x256xf32, #tpu.memory_space<vmem>>, vector<1x16xf32>,
        %parallel_loop3A_358 = vector.shape_cast %parallel_loop3A_357 : vector<1x16xf32> to vector<16xf32>
        %parallel_loop3A_359 = vector.shape_cast %parallel_loop3A_354 : vector<16xf32> to vector<1x16xf32>
        tpu.vector_store %arg9[%parallel_loop3A_355, %parallel_loop3A_356], %parallel_loop3A_359 {strides = array<i32>} : memref<32x256xf32, #tpu.memory_space<vmem>>, vector<1x16xf32>,
        %parallel_loop3A_360 = arith.constant 1 : i32
        %parallel_loop3A_361 = arith.subi %sub3A_293, %parallel_loop3A_360 : i32
        %parallel_loop3A_362 = arith.constant 0 : i32
        %parallel_loop3A_363 = arith.addi %parallel_loop3A_361, %parallel_loop3A_362 : i32
        %parallel_loop3A_364 = arith.addi %parallel_loop3A_363, %parallel_loop3A_340 : i32
        %parallel_loop3A_365 = arith.index_cast %parallel_loop3A_364 : i32 to index
        %parallel_loop3A_366 = arith.constant 0 : index
        %parallel_loop3A_367 = tpu.vector_load %arg8[%parallel_loop3A_365, %parallel_loop3A_366] {strides = array<i32>} : memref<192x256xf32, #tpu.memory_space<vmem>>, vector<1x16xf32>,
        %parallel_loop3A_368 = vector.shape_cast %parallel_loop3A_367 : vector<1x16xf32> to vector<16xf32>
        %parallel_loop3A_369 = arith.addf %parallel_loop3A_346, %parallel_loop3A_368 : vector<16xf32>
        %parallel_loop3A_370 = arith.index_cast %parallel_loop3A_340 : i32 to index
        %parallel_loop3A_371 = arith.constant 0 : index
        %parallel_loop3A_372 = tpu.vector_load %arg10[%parallel_loop3A_370, %parallel_loop3A_371] {strides = array<i32>} : memref<32x256xf32, #tpu.memory_space<vmem>>, vector<1x16xf32>,
        %parallel_loop3A_373 = vector.shape_cast %parallel_loop3A_372 : vector<1x16xf32> to vector<16xf32>
        %parallel_loop3A_374 = vector.shape_cast %parallel_loop3A_369 : vector<16xf32> to vector<1x16xf32>
        tpu.vector_store %arg10[%parallel_loop3A_370, %parallel_loop3A_371], %parallel_loop3A_374 {strides = array<i32>} : memref<32x256xf32, #tpu.memory_space<vmem>>, vector<1x16xf32>,
        %parallel_loop3A_375 = arith.constant 0 : i32
        %parallel_loop3A_376 = arith.addi %parallel_loop3A_375, %parallel_loop3A_340 : i32
        %parallel_loop3A_377 = arith.index_cast %parallel_loop3A_376 : i32 to index
        %parallel_loop3A_378 = arith.constant 16 : index
        %parallel_loop3A_379 = tpu.vector_load %arg7[%parallel_loop3A_377, %parallel_loop3A_378] {strides = array<i32>} : memref<64x256xf32, #tpu.memory_space<vmem>>, vector<1x16xf32>,
        %parallel_loop3A_380 = vector.shape_cast %parallel_loop3A_379 : vector<1x16xf32> to vector<16xf32>
        %parallel_loop3A_381 = arith.constant 0 : i32
        %parallel_loop3A_382 = arith.addi %sub3A_293, %parallel_loop3A_381 : i32
        %parallel_loop3A_383 = arith.addi %parallel_loop3A_382, %parallel_loop3A_340 : i32
        %parallel_loop3A_384 = arith.index_cast %parallel_loop3A_383 : i32 to index
        %parallel_loop3A_385 = arith.constant 16 : index
        %parallel_loop3A_386 = tpu.vector_load %arg8[%parallel_loop3A_384, %parallel_loop3A_385] {strides = array<i32>} : memref<192x256xf32, #tpu.memory_space<vmem>>, vector<1x16xf32>,
        %parallel_loop3A_387 = vector.shape_cast %parallel_loop3A_386 : vector<1x16xf32> to vector<16xf32>
        %parallel_loop3A_388 = arith.addf %parallel_loop3A_380, %parallel_loop3A_387 : vector<16xf32>
        %parallel_loop3A_389 = arith.index_cast %parallel_loop3A_340 : i32 to index
        %parallel_loop3A_390 = arith.constant 16 : index
        %parallel_loop3A_391 = tpu.vector_load %arg9[%parallel_loop3A_389, %parallel_loop3A_390] {strides = array<i32>} : memref<32x256xf32, #tpu.memory_space<vmem>>, vector<1x16xf32>,
        %parallel_loop3A_392 = vector.shape_cast %parallel_loop3A_391 : vector<1x16xf32> to vector<16xf32>
        %parallel_loop3A_393 = vector.shape_cast %parallel_loop3A_388 : vector<16xf32> to vector<1x16xf32>
        tpu.vector_store %arg9[%parallel_loop3A_389, %parallel_loop3A_390], %parallel_loop3A_393 {strides = array<i32>} : memref<32x256xf32, #tpu.memory_space<vmem>>, vector<1x16xf32>,
        %parallel_loop3A_394 = arith.constant 1 : i32
        %parallel_loop3A_395 = arith.subi %sub3A_293, %parallel_loop3A_394 : i32
        %parallel_loop3A_396 = arith.constant 0 : i32
        %parallel_loop3A_397 = arith.addi %parallel_loop3A_395, %parallel_loop3A_396 : i32
        %parallel_loop3A_398 = arith.addi %parallel_loop3A_397, %parallel_loop3A_340 : i32
        %parallel_loop3A_399 = arith.index_cast %parallel_loop3A_398 : i32 to index
        %parallel_loop3A_400 = arith.constant 16 : index
        %parallel_loop3A_401 = tpu.vector_load %arg8[%parallel_loop3A_399, %parallel_loop3A_400] {strides = array<i32>} : memref<192x256xf32, #tpu.memory_space<vmem>>, vector<1x16xf32>,
        %parallel_loop3A_402 = vector.shape_cast %parallel_loop3A_401 : vector<1x16xf32> to vector<16xf32>
        %parallel_loop3A_403 = arith.addf %parallel_loop3A_380, %parallel_loop3A_402 : vector<16xf32>
        %parallel_loop3A_404 = arith.index_cast %parallel_loop3A_340 : i32 to index
        %parallel_loop3A_405 = arith.constant 16 : index
        %parallel_loop3A_406 = tpu.vector_load %arg10[%parallel_loop3A_404, %parallel_loop3A_405] {strides = array<i32>} : memref<32x256xf32, #tpu.memory_space<vmem>>, vector<1x16xf32>,
        %parallel_loop3A_407 = vector.shape_cast %parallel_loop3A_406 : vector<1x16xf32> to vector<16xf32>
        %parallel_loop3A_408 = vector.shape_cast %parallel_loop3A_403 : vector<16xf32> to vector<1x16xf32>
        tpu.vector_store %arg10[%parallel_loop3A_404, %parallel_loop3A_405], %parallel_loop3A_408 {strides = array<i32>} : memref<32x256xf32, #tpu.memory_space<vmem>>, vector<1x16xf32>,
        %parallel_loop3A_409 = arith.constant 0 : i32
        %parallel_loop3A_410 = arith.addi %parallel_loop3A_409, %parallel_loop3A_340 : i32
        %parallel_loop3A_411 = arith.index_cast %parallel_loop3A_410 : i32 to index
        %parallel_loop3A_412 = arith.constant 32 : index
        %parallel_loop3A_413 = tpu.vector_load %arg7[%parallel_loop3A_411, %parallel_loop3A_412] {strides = array<i32>} : memref<64x256xf32, #tpu.memory_space<vmem>>, vector<1x16xf32>,
        %parallel_loop3A_414 = vector.shape_cast %parallel_loop3A_413 : vector<1x16xf32> to vector<16xf32>
        %parallel_loop3A_415 = arith.constant 0 : i32
        %parallel_loop3A_416 = arith.addi %sub3A_293, %parallel_loop3A_415 : i32
        %parallel_loop3A_417 = arith.addi %parallel_loop3A_416, %parallel_loop3A_340 : i32
        %parallel_loop3A_418 = arith.index_cast %parallel_loop3A_417 : i32 to index
        %parallel_loop3A_419 = arith.constant 32 : index
        %parallel_loop3A_420 = tpu.vector_load %arg8[%parallel_loop3A_418, %parallel_loop3A_419] {strides = array<i32>} : memref<192x256xf32, #tpu.memory_space<vmem>>, vector<1x16xf32>,
        %parallel_loop3A_421 = vector.shape_cast %parallel_loop3A_420 : vector<1x16xf32> to vector<16xf32>
        %parallel_loop3A_422 = arith.addf %parallel_loop3A_414, %parallel_loop3A_421 : vector<16xf32>
        %parallel_loop3A_423 = arith.index_cast %parallel_loop3A_340 : i32 to index
        %parallel_loop3A_424 = arith.constant 32 : index
        %parallel_loop3A_425 = tpu.vector_load %arg9[%parallel_loop3A_423, %parallel_loop3A_424] {strides = array<i32>} : memref<32x256xf32, #tpu.memory_space<vmem>>, vector<1x16xf32>,
        %parallel_loop3A_426 = vector.shape_cast %parallel_loop3A_425 : vector<1x16xf32> to vector<16xf32>
        %parallel_loop3A_427 = vector.shape_cast %parallel_loop3A_422 : vector<16xf32> to vector<1x16xf32>
        tpu.vector_store %arg9[%parallel_loop3A_423, %parallel_loop3A_424], %parallel_loop3A_427 {strides = array<i32>} : memref<32x256xf32, #tpu.memory_space<vmem>>, vector<1x16xf32>,
        %parallel_loop3A_428 = arith.constant 1 : i32
        %parallel_loop3A_429 = arith.subi %sub3A_293, %parallel_loop3A_428 : i32
        %parallel_loop3A_430 = arith.constant 0 : i32
        %parallel_loop3A_431 = arith.addi %parallel_loop3A_429, %parallel_loop3A_430 : i32
        %parallel_loop3A_432 = arith.addi %parallel_loop3A_431, %parallel_loop3A_340 : i32
        %parallel_loop3A_433 = arith.index_cast %parallel_loop3A_432 : i32 to index
        %parallel_loop3A_434 = arith.constant 32 : index
        %parallel_loop3A_435 = tpu.vector_load %arg8[%parallel_loop3A_433, %parallel_loop3A_434] {strides = array<i32>} : memref<192x256xf32, #tpu.memory_space<vmem>>, vector<1x16xf32>,
        %parallel_loop3A_436 = vector.shape_cast %parallel_loop3A_435 : vector<1x16xf32> to vector<16xf32>
        %parallel_loop3A_437 = arith.addf %parallel_loop3A_414, %parallel_loop3A_436 : vector<16xf32>
        %parallel_loop3A_438 = arith.index_cast %parallel_loop3A_340 : i32 to index
        %parallel_loop3A_439 = arith.constant 32 : index
        %parallel_loop3A_440 = tpu.vector_load %arg10[%parallel_loop3A_438, %parallel_loop3A_439] {strides = array<i32>} : memref<32x256xf32, #tpu.memory_space<vmem>>, vector<1x16xf32>,
        %parallel_loop3A_441 = vector.shape_cast %parallel_loop3A_440 : vector<1x16xf32> to vector<16xf32>
        %parallel_loop3A_442 = vector.shape_cast %parallel_loop3A_437 : vector<16xf32> to vector<1x16xf32>
        tpu.vector_store %arg10[%parallel_loop3A_438, %parallel_loop3A_439], %parallel_loop3A_442 {strides = array<i32>} : memref<32x256xf32, #tpu.memory_space<vmem>>, vector<1x16xf32>,
        %parallel_loop3A_443 = arith.constant 0 : i32
        %parallel_loop3A_444 = arith.addi %parallel_loop3A_443, %parallel_loop3A_340 : i32
        %parallel_loop3A_445 = arith.index_cast %parallel_loop3A_444 : i32 to index
        %parallel_loop3A_446 = arith.constant 48 : index
        %parallel_loop3A_447 = tpu.vector_load %arg7[%parallel_loop3A_445, %parallel_loop3A_446] {strides = array<i32>} : memref<64x256xf32, #tpu.memory_space<vmem>>, vector<1x16xf32>,
        %parallel_loop3A_448 = vector.shape_cast %parallel_loop3A_447 : vector<1x16xf32> to vector<16xf32>
        %parallel_loop3A_449 = arith.constant 0 : i32
        %parallel_loop3A_450 = arith.addi %sub3A_293, %parallel_loop3A_449 : i32
        %parallel_loop3A_451 = arith.addi %parallel_loop3A_450, %parallel_loop3A_340 : i32
        %parallel_loop3A_452 = arith.index_cast %parallel_loop3A_451 : i32 to index
        %parallel_loop3A_453 = arith.constant 48 : index
        %parallel_loop3A_454 = tpu.vector_load %arg8[%parallel_loop3A_452, %parallel_loop3A_453] {strides = array<i32>} : memref<192x256xf32, #tpu.memory_space<vmem>>, vector<1x16xf32>,
        %parallel_loop3A_455 = vector.shape_cast %parallel_loop3A_454 : vector<1x16xf32> to vector<16xf32>
        %parallel_loop3A_456 = arith.addf %parallel_loop3A_448, %parallel_loop3A_455 : vector<16xf32>
        %parallel_loop3A_457 = arith.index_cast %parallel_loop3A_340 : i32 to index
        %parallel_loop3A_458 = arith.constant 48 : index
        %parallel_loop3A_459 = tpu.vector_load %arg9[%parallel_loop3A_457, %parallel_loop3A_458] {strides = array<i32>} : memref<32x256xf32, #tpu.memory_space<vmem>>, vector<1x16xf32>,
        %parallel_loop3A_460 = vector.shape_cast %parallel_loop3A_459 : vector<1x16xf32> to vector<16xf32>
        %parallel_loop3A_461 = vector.shape_cast %parallel_loop3A_456 : vector<16xf32> to vector<1x16xf32>
        tpu.vector_store %arg9[%parallel_loop3A_457, %parallel_loop3A_458], %parallel_loop3A_461 {strides = array<i32>} : memref<32x256xf32, #tpu.memory_space<vmem>>, vector<1x16xf32>,
        %parallel_loop3A_462 = arith.constant 1 : i32
        %parallel_loop3A_463 = arith.subi %sub3A_293, %parallel_loop3A_462 : i32
        %parallel_loop3A_464 = arith.constant 0 : i32
        %parallel_loop3A_465 = arith.addi %parallel_loop3A_463, %parallel_loop3A_464 : i32
        %parallel_loop3A_466 = arith.addi %parallel_loop3A_465, %parallel_loop3A_340 : i32
        %parallel_loop3A_467 = arith.index_cast %parallel_loop3A_466 : i32 to index
        %parallel_loop3A_468 = arith.constant 48 : index
        %parallel_loop3A_469 = tpu.vector_load %arg8[%parallel_loop3A_467, %parallel_loop3A_468] {strides = array<i32>} : memref<192x256xf32, #tpu.memory_space<vmem>>, vector<1x16xf32>,
        %parallel_loop3A_470 = vector.shape_cast %parallel_loop3A_469 : vector<1x16xf32> to vector<16xf32>
        %parallel_loop3A_471 = arith.addf %parallel_loop3A_448, %parallel_loop3A_470 : vector<16xf32>
        %parallel_loop3A_472 = arith.index_cast %parallel_loop3A_340 : i32 to index
        %parallel_loop3A_473 = arith.constant 48 : index
        %parallel_loop3A_474 = tpu.vector_load %arg10[%parallel_loop3A_472, %parallel_loop3A_473] {strides = array<i32>} : memref<32x256xf32, #tpu.memory_space<vmem>>, vector<1x16xf32>,
        %parallel_loop3A_475 = vector.shape_cast %parallel_loop3A_474 : vector<1x16xf32> to vector<16xf32>
        %parallel_loop3A_476 = vector.shape_cast %parallel_loop3A_471 : vector<16xf32> to vector<1x16xf32>
        tpu.vector_store %arg10[%parallel_loop3A_472, %parallel_loop3A_473], %parallel_loop3A_476 {strides = array<i32>} : memref<32x256xf32, #tpu.memory_space<vmem>>, vector<1x16xf32>,
        %parallel_loop3A_477 = arith.constant 0 : i32
        %parallel_loop3A_478 = arith.addi %parallel_loop3A_477, %parallel_loop3A_340 : i32
        %parallel_loop3A_479 = arith.index_cast %parallel_loop3A_478 : i32 to index
        %parallel_loop3A_480 = arith.constant 64 : index
        %parallel_loop3A_481 = tpu.vector_load %arg7[%parallel_loop3A_479, %parallel_loop3A_480] {strides = array<i32>} : memref<64x256xf32, #tpu.memory_space<vmem>>, vector<1x16xf32>,
        %parallel_loop3A_482 = vector.shape_cast %parallel_loop3A_481 : vector<1x16xf32> to vector<16xf32>
        %parallel_loop3A_483 = arith.constant 0 : i32
        %parallel_loop3A_484 = arith.addi %sub3A_293, %parallel_loop3A_483 : i32
        %parallel_loop3A_485 = arith.addi %parallel_loop3A_484, %parallel_loop3A_340 : i32
        %parallel_loop3A_486 = arith.index_cast %parallel_loop3A_485 : i32 to index
        %parallel_loop3A_487 = arith.constant 64 : index
        %parallel_loop3A_488 = tpu.vector_load %arg8[%parallel_loop3A_486, %parallel_loop3A_487] {strides = array<i32>} : memref<192x256xf32, #tpu.memory_space<vmem>>, vector<1x16xf32>,
        %parallel_loop3A_489 = vector.shape_cast %parallel_loop3A_488 : vector<1x16xf32> to vector<16xf32>
        %parallel_loop3A_490 = arith.addf %parallel_loop3A_482, %parallel_loop3A_489 : vector<16xf32>
        %parallel_loop3A_491 = arith.index_cast %parallel_loop3A_340 : i32 to index
        %parallel_loop3A_492 = arith.constant 64 : index
        %parallel_loop3A_493 = tpu.vector_load %arg9[%parallel_loop3A_491, %parallel_loop3A_492] {strides = array<i32>} : memref<32x256xf32, #tpu.memory_space<vmem>>, vector<1x16xf32>,
        %parallel_loop3A_494 = vector.shape_cast %parallel_loop3A_493 : vector<1x16xf32> to vector<16xf32>
        %parallel_loop3A_495 = vector.shape_cast %parallel_loop3A_490 : vector<16xf32> to vector<1x16xf32>
        tpu.vector_store %arg9[%parallel_loop3A_491, %parallel_loop3A_492], %parallel_loop3A_495 {strides = array<i32>} : memref<32x256xf32, #tpu.memory_space<vmem>>, vector<1x16xf32>,
        %parallel_loop3A_496 = arith.constant 1 : i32
        %parallel_loop3A_497 = arith.subi %sub3A_293, %parallel_loop3A_496 : i32
        %parallel_loop3A_498 = arith.constant 0 : i32
        %parallel_loop3A_499 = arith.addi %parallel_loop3A_497, %parallel_loop3A_498 : i32
        %parallel_loop3A_500 = arith.addi %parallel_loop3A_499, %parallel_loop3A_340 : i32
        %parallel_loop3A_501 = arith.index_cast %parallel_loop3A_500 : i32 to index
        %parallel_loop3A_502 = arith.constant 64 : index
        %parallel_loop3A_503 = tpu.vector_load %arg8[%parallel_loop3A_501, %parallel_loop3A_502] {strides = array<i32>} : memref<192x256xf32, #tpu.memory_space<vmem>>, vector<1x16xf32>,
        %parallel_loop3A_504 = vector.shape_cast %parallel_loop3A_503 : vector<1x16xf32> to vector<16xf32>
        %parallel_loop3A_505 = arith.addf %parallel_loop3A_482, %parallel_loop3A_504 : vector<16xf32>
        %parallel_loop3A_506 = arith.index_cast %parallel_loop3A_340 : i32 to index
        %parallel_loop3A_507 = arith.constant 64 : index
        %parallel_loop3A_508 = tpu.vector_load %arg10[%parallel_loop3A_506, %parallel_loop3A_507] {strides = array<i32>} : memref<32x256xf32, #tpu.memory_space<vmem>>, vector<1x16xf32>,
        %parallel_loop3A_509 = vector.shape_cast %parallel_loop3A_508 : vector<1x16xf32> to vector<16xf32>
        %parallel_loop3A_510 = vector.shape_cast %parallel_loop3A_505 : vector<16xf32> to vector<1x16xf32>
        tpu.vector_store %arg10[%parallel_loop3A_506, %parallel_loop3A_507], %parallel_loop3A_510 {strides = array<i32>} : memref<32x256xf32, #tpu.memory_space<vmem>>, vector<1x16xf32>,
        %parallel_loop3A_511 = arith.constant 0 : i32
        %parallel_loop3A_512 = arith.addi %parallel_loop3A_511, %parallel_loop3A_340 : i32
        %parallel_loop3A_513 = arith.index_cast %parallel_loop3A_512 : i32 to index
        %parallel_loop3A_514 = arith.constant 80 : index
        %parallel_loop3A_515 = tpu.vector_load %arg7[%parallel_loop3A_513, %parallel_loop3A_514] {strides = array<i32>} : memref<64x256xf32, #tpu.memory_space<vmem>>, vector<1x16xf32>,
        %parallel_loop3A_516 = vector.shape_cast %parallel_loop3A_515 : vector<1x16xf32> to vector<16xf32>
        %parallel_loop3A_517 = arith.constant 0 : i32
        %parallel_loop3A_518 = arith.addi %sub3A_293, %parallel_loop3A_517 : i32
        %parallel_loop3A_519 = arith.addi %parallel_loop3A_518, %parallel_loop3A_340 : i32
        %parallel_loop3A_520 = arith.index_cast %parallel_loop3A_519 : i32 to index
        %parallel_loop3A_521 = arith.constant 80 : index
        %parallel_loop3A_522 = tpu.vector_load %arg8[%parallel_loop3A_520, %parallel_loop3A_521] {strides = array<i32>} : memref<192x256xf32, #tpu.memory_space<vmem>>, vector<1x16xf32>,
        %parallel_loop3A_523 = vector.shape_cast %parallel_loop3A_522 : vector<1x16xf32> to vector<16xf32>
        %parallel_loop3A_524 = arith.addf %parallel_loop3A_516, %parallel_loop3A_523 : vector<16xf32>
        %parallel_loop3A_525 = arith.index_cast %parallel_loop3A_340 : i32 to index
        %parallel_loop3A_526 = arith.constant 80 : index
        %parallel_loop3A_527 = tpu.vector_load %arg9[%parallel_loop3A_525, %parallel_loop3A_526] {strides = array<i32>} : memref<32x256xf32, #tpu.memory_space<vmem>>, vector<1x16xf32>,
        %parallel_loop3A_528 = vector.shape_cast %parallel_loop3A_527 : vector<1x16xf32> to vector<16xf32>
        %parallel_loop3A_529 = vector.shape_cast %parallel_loop3A_524 : vector<16xf32> to vector<1x16xf32>
        tpu.vector_store %arg9[%parallel_loop3A_525, %parallel_loop3A_526], %parallel_loop3A_529 {strides = array<i32>} : memref<32x256xf32, #tpu.memory_space<vmem>>, vector<1x16xf32>,
        %parallel_loop3A_530 = arith.constant 1 : i32
        %parallel_loop3A_531 = arith.subi %sub3A_293, %parallel_loop3A_530 : i32
        %parallel_loop3A_532 = arith.constant 0 : i32
        %parallel_loop3A_533 = arith.addi %parallel_loop3A_531, %parallel_loop3A_532 : i32
        %parallel_loop3A_534 = arith.addi %parallel_loop3A_533, %parallel_loop3A_340 : i32
        %parallel_loop3A_535 = arith.index_cast %parallel_loop3A_534 : i32 to index
        %parallel_loop3A_536 = arith.constant 80 : index
        %parallel_loop3A_537 = tpu.vector_load %arg8[%parallel_loop3A_535, %parallel_loop3A_536] {strides = array<i32>} : memref<192x256xf32, #tpu.memory_space<vmem>>, vector<1x16xf32>,
        %parallel_loop3A_538 = vector.shape_cast %parallel_loop3A_537 : vector<1x16xf32> to vector<16xf32>
        %parallel_loop3A_539 = arith.addf %parallel_loop3A_516, %parallel_loop3A_538 : vector<16xf32>
        %parallel_loop3A_540 = arith.index_cast %parallel_loop3A_340 : i32 to index
        %parallel_loop3A_541 = arith.constant 80 : index
        %parallel_loop3A_542 = tpu.vector_load %arg10[%parallel_loop3A_540, %parallel_loop3A_541] {strides = array<i32>} : memref<32x256xf32, #tpu.memory_space<vmem>>, vector<1x16xf32>,
        %parallel_loop3A_543 = vector.shape_cast %parallel_loop3A_542 : vector<1x16xf32> to vector<16xf32>
        %parallel_loop3A_544 = vector.shape_cast %parallel_loop3A_539 : vector<16xf32> to vector<1x16xf32>
        tpu.vector_store %arg10[%parallel_loop3A_540, %parallel_loop3A_541], %parallel_loop3A_544 {strides = array<i32>} : memref<32x256xf32, #tpu.memory_space<vmem>>, vector<1x16xf32>,
        %parallel_loop3A_545 = arith.constant 0 : i32
        %parallel_loop3A_546 = arith.addi %parallel_loop3A_545, %parallel_loop3A_340 : i32
        %parallel_loop3A_547 = arith.index_cast %parallel_loop3A_546 : i32 to index
        %parallel_loop3A_548 = arith.constant 96 : index
        %parallel_loop3A_549 = tpu.vector_load %arg7[%parallel_loop3A_547, %parallel_loop3A_548] {strides = array<i32>} : memref<64x256xf32, #tpu.memory_space<vmem>>, vector<1x16xf32>,
        %parallel_loop3A_550 = vector.shape_cast %parallel_loop3A_549 : vector<1x16xf32> to vector<16xf32>
        %parallel_loop3A_551 = arith.constant 0 : i32
        %parallel_loop3A_552 = arith.addi %sub3A_293, %parallel_loop3A_551 : i32
        %parallel_loop3A_553 = arith.addi %parallel_loop3A_552, %parallel_loop3A_340 : i32
        %parallel_loop3A_554 = arith.index_cast %parallel_loop3A_553 : i32 to index
        %parallel_loop3A_555 = arith.constant 96 : index
        %parallel_loop3A_556 = tpu.vector_load %arg8[%parallel_loop3A_554, %parallel_loop3A_555] {strides = array<i32>} : memref<192x256xf32, #tpu.memory_space<vmem>>, vector<1x16xf32>,
        %parallel_loop3A_557 = vector.shape_cast %parallel_loop3A_556 : vector<1x16xf32> to vector<16xf32>
        %parallel_loop3A_558 = arith.addf %parallel_loop3A_550, %parallel_loop3A_557 : vector<16xf32>
        %parallel_loop3A_559 = arith.index_cast %parallel_loop3A_340 : i32 to index
        %parallel_loop3A_560 = arith.constant 96 : index
        %parallel_loop3A_561 = tpu.vector_load %arg9[%parallel_loop3A_559, %parallel_loop3A_560] {strides = array<i32>} : memref<32x256xf32, #tpu.memory_space<vmem>>, vector<1x16xf32>,
        %parallel_loop3A_562 = vector.shape_cast %parallel_loop3A_561 : vector<1x16xf32> to vector<16xf32>
        %parallel_loop3A_563 = vector.shape_cast %parallel_loop3A_558 : vector<16xf32> to vector<1x16xf32>
        tpu.vector_store %arg9[%parallel_loop3A_559, %parallel_loop3A_560], %parallel_loop3A_563 {strides = array<i32>} : memref<32x256xf32, #tpu.memory_space<vmem>>, vector<1x16xf32>,
        %parallel_loop3A_564 = arith.constant 1 : i32
        %parallel_loop3A_565 = arith.subi %sub3A_293, %parallel_loop3A_564 : i32
        %parallel_loop3A_566 = arith.constant 0 : i32
        %parallel_loop3A_567 = arith.addi %parallel_loop3A_565, %parallel_loop3A_566 : i32
        %parallel_loop3A_568 = arith.addi %parallel_loop3A_567, %parallel_loop3A_340 : i32
        %parallel_loop3A_569 = arith.index_cast %parallel_loop3A_568 : i32 to index
        %parallel_loop3A_570 = arith.constant 96 : index
        %parallel_loop3A_571 = tpu.vector_load %arg8[%parallel_loop3A_569, %parallel_loop3A_570] {strides = array<i32>} : memref<192x256xf32, #tpu.memory_space<vmem>>, vector<1x16xf32>,
        %parallel_loop3A_572 = vector.shape_cast %parallel_loop3A_571 : vector<1x16xf32> to vector<16xf32>
        %parallel_loop3A_573 = arith.addf %parallel_loop3A_550, %parallel_loop3A_572 : vector<16xf32>
        %parallel_loop3A_574 = arith.index_cast %parallel_loop3A_340 : i32 to index
        %parallel_loop3A_575 = arith.constant 96 : index
        %parallel_loop3A_576 = tpu.vector_load %arg10[%parallel_loop3A_574, %parallel_loop3A_575] {strides = array<i32>} : memref<32x256xf32, #tpu.memory_space<vmem>>, vector<1x16xf32>,
        %parallel_loop3A_577 = vector.shape_cast %parallel_loop3A_576 : vector<1x16xf32> to vector<16xf32>
        %parallel_loop3A_578 = vector.shape_cast %parallel_loop3A_573 : vector<16xf32> to vector<1x16xf32>
        tpu.vector_store %arg10[%parallel_loop3A_574, %parallel_loop3A_575], %parallel_loop3A_578 {strides = array<i32>} : memref<32x256xf32, #tpu.memory_space<vmem>>, vector<1x16xf32>,
        %parallel_loop3A_579 = arith.constant 0 : i32
        %parallel_loop3A_580 = arith.addi %parallel_loop3A_579, %parallel_loop3A_340 : i32
        %parallel_loop3A_581 = arith.index_cast %parallel_loop3A_580 : i32 to index
        %parallel_loop3A_582 = arith.constant 112 : index
        %parallel_loop3A_583 = tpu.vector_load %arg7[%parallel_loop3A_581, %parallel_loop3A_582] {strides = array<i32>} : memref<64x256xf32, #tpu.memory_space<vmem>>, vector<1x16xf32>,
        %parallel_loop3A_584 = vector.shape_cast %parallel_loop3A_583 : vector<1x16xf32> to vector<16xf32>
        %parallel_loop3A_585 = arith.constant 0 : i32
        %parallel_loop3A_586 = arith.addi %sub3A_293, %parallel_loop3A_585 : i32
        %parallel_loop3A_587 = arith.addi %parallel_loop3A_586, %parallel_loop3A_340 : i32
        %parallel_loop3A_588 = arith.index_cast %parallel_loop3A_587 : i32 to index
        %parallel_loop3A_589 = arith.constant 112 : index
        %parallel_loop3A_590 = tpu.vector_load %arg8[%parallel_loop3A_588, %parallel_loop3A_589] {strides = array<i32>} : memref<192x256xf32, #tpu.memory_space<vmem>>, vector<1x16xf32>,
        %parallel_loop3A_591 = vector.shape_cast %parallel_loop3A_590 : vector<1x16xf32> to vector<16xf32>
        %parallel_loop3A_592 = arith.addf %parallel_loop3A_584, %parallel_loop3A_591 : vector<16xf32>
        %parallel_loop3A_593 = arith.index_cast %parallel_loop3A_340 : i32 to index
        %parallel_loop3A_594 = arith.constant 112 : index
        %parallel_loop3A_595 = tpu.vector_load %arg9[%parallel_loop3A_593, %parallel_loop3A_594] {strides = array<i32>} : memref<32x256xf32, #tpu.memory_space<vmem>>, vector<1x16xf32>,
        %parallel_loop3A_596 = vector.shape_cast %parallel_loop3A_595 : vector<1x16xf32> to vector<16xf32>
        %parallel_loop3A_597 = vector.shape_cast %parallel_loop3A_592 : vector<16xf32> to vector<1x16xf32>
        tpu.vector_store %arg9[%parallel_loop3A_593, %parallel_loop3A_594], %parallel_loop3A_597 {strides = array<i32>} : memref<32x256xf32, #tpu.memory_space<vmem>>, vector<1x16xf32>,
        %parallel_loop3A_598 = arith.constant 1 : i32
        %parallel_loop3A_599 = arith.subi %sub3A_293, %parallel_loop3A_598 : i32
        %parallel_loop3A_600 = arith.constant 0 : i32
        %parallel_loop3A_601 = arith.addi %parallel_loop3A_599, %parallel_loop3A_600 : i32
        %parallel_loop3A_602 = arith.addi %parallel_loop3A_601, %parallel_loop3A_340 : i32
        %parallel_loop3A_603 = arith.index_cast %parallel_loop3A_602 : i32 to index
        %parallel_loop3A_604 = arith.constant 112 : index
        %parallel_loop3A_605 = tpu.vector_load %arg8[%parallel_loop3A_603, %parallel_loop3A_604] {strides = array<i32>} : memref<192x256xf32, #tpu.memory_space<vmem>>, vector<1x16xf32>,
        %parallel_loop3A_606 = vector.shape_cast %parallel_loop3A_605 : vector<1x16xf32> to vector<16xf32>
        %parallel_loop3A_607 = arith.addf %parallel_loop3A_584, %parallel_loop3A_606 : vector<16xf32>
        %parallel_loop3A_608 = arith.index_cast %parallel_loop3A_340 : i32 to index
        %parallel_loop3A_609 = arith.constant 112 : index
        %parallel_loop3A_610 = tpu.vector_load %arg10[%parallel_loop3A_608, %parallel_loop3A_609] {strides = array<i32>} : memref<32x256xf32, #tpu.memory_space<vmem>>, vector<1x16xf32>,
        %parallel_loop3A_611 = vector.shape_cast %parallel_loop3A_610 : vector<1x16xf32> to vector<16xf32>
        %parallel_loop3A_612 = vector.shape_cast %parallel_loop3A_607 : vector<16xf32> to vector<1x16xf32>
        tpu.vector_store %arg10[%parallel_loop3A_608, %parallel_loop3A_609], %parallel_loop3A_612 {strides = array<i32>} : memref<32x256xf32, #tpu.memory_space<vmem>>, vector<1x16xf32>,
        %parallel_loop3A_613 = arith.constant 0 : i32
        %parallel_loop3A_614 = arith.addi %parallel_loop3A_613, %parallel_loop3A_340 : i32
        %parallel_loop3A_615 = arith.index_cast %parallel_loop3A_614 : i32 to index
        %parallel_loop3A_616 = arith.constant 128 : index
        %parallel_loop3A_617 = tpu.vector_load %arg7[%parallel_loop3A_615, %parallel_loop3A_616] {strides = array<i32>} : memref<64x256xf32, #tpu.memory_space<vmem>>, vector<1x16xf32>,
        %parallel_loop3A_618 = vector.shape_cast %parallel_loop3A_617 : vector<1x16xf32> to vector<16xf32>
        %parallel_loop3A_619 = arith.constant 0 : i32
        %parallel_loop3A_620 = arith.addi %sub3A_293, %parallel_loop3A_619 : i32
        %parallel_loop3A_621 = arith.addi %parallel_loop3A_620, %parallel_loop3A_340 : i32
        %parallel_loop3A_622 = arith.index_cast %parallel_loop3A_621 : i32 to index
        %parallel_loop3A_623 = arith.constant 128 : index
        %parallel_loop3A_624 = tpu.vector_load %arg8[%parallel_loop3A_622, %parallel_loop3A_623] {strides = array<i32>} : memref<192x256xf32, #tpu.memory_space<vmem>>, vector<1x16xf32>,
        %parallel_loop3A_625 = vector.shape_cast %parallel_loop3A_624 : vector<1x16xf32> to vector<16xf32>
        %parallel_loop3A_626 = arith.addf %parallel_loop3A_618, %parallel_loop3A_625 : vector<16xf32>
        %parallel_loop3A_627 = arith.index_cast %parallel_loop3A_340 : i32 to index
        %parallel_loop3A_628 = arith.constant 128 : index
        %parallel_loop3A_629 = tpu.vector_load %arg9[%parallel_loop3A_627, %parallel_loop3A_628] {strides = array<i32>} : memref<32x256xf32, #tpu.memory_space<vmem>>, vector<1x16xf32>,
        %parallel_loop3A_630 = vector.shape_cast %parallel_loop3A_629 : vector<1x16xf32> to vector<16xf32>
        %parallel_loop3A_631 = vector.shape_cast %parallel_loop3A_626 : vector<16xf32> to vector<1x16xf32>
        tpu.vector_store %arg9[%parallel_loop3A_627, %parallel_loop3A_628], %parallel_loop3A_631 {strides = array<i32>} : memref<32x256xf32, #tpu.memory_space<vmem>>, vector<1x16xf32>,
        %parallel_loop3A_632 = arith.constant 1 : i32
        %parallel_loop3A_633 = arith.subi %sub3A_293, %parallel_loop3A_632 : i32
        %parallel_loop3A_634 = arith.constant 0 : i32
        %parallel_loop3A_635 = arith.addi %parallel_loop3A_633, %parallel_loop3A_634 : i32
        %parallel_loop3A_636 = arith.addi %parallel_loop3A_635, %parallel_loop3A_340 : i32
        %parallel_loop3A_637 = arith.index_cast %parallel_loop3A_636 : i32 to index
        %parallel_loop3A_638 = arith.constant 128 : index
        %parallel_loop3A_639 = tpu.vector_load %arg8[%parallel_loop3A_637, %parallel_loop3A_638] {strides = array<i32>} : memref<192x256xf32, #tpu.memory_space<vmem>>, vector<1x16xf32>,
        %parallel_loop3A_640 = vector.shape_cast %parallel_loop3A_639 : vector<1x16xf32> to vector<16xf32>
        %parallel_loop3A_641 = arith.addf %parallel_loop3A_618, %parallel_loop3A_640 : vector<16xf32>
        %parallel_loop3A_642 = arith.index_cast %parallel_loop3A_340 : i32 to index
        %parallel_loop3A_643 = arith.constant 128 : index
        %parallel_loop3A_644 = tpu.vector_load %arg10[%parallel_loop3A_642, %parallel_loop3A_643] {strides = array<i32>} : memref<32x256xf32, #tpu.memory_space<vmem>>, vector<1x16xf32>,
        %parallel_loop3A_645 = vector.shape_cast %parallel_loop3A_644 : vector<1x16xf32> to vector<16xf32>
        %parallel_loop3A_646 = vector.shape_cast %parallel_loop3A_641 : vector<16xf32> to vector<1x16xf32>
        tpu.vector_store %arg10[%parallel_loop3A_642, %parallel_loop3A_643], %parallel_loop3A_646 {strides = array<i32>} : memref<32x256xf32, #tpu.memory_space<vmem>>, vector<1x16xf32>,
        %parallel_loop3A_647 = arith.constant 0 : i32
        %parallel_loop3A_648 = arith.addi %parallel_loop3A_647, %parallel_loop3A_340 : i32
        %parallel_loop3A_649 = arith.index_cast %parallel_loop3A_648 : i32 to index
        %parallel_loop3A_650 = arith.constant 144 : index
        %parallel_loop3A_651 = tpu.vector_load %arg7[%parallel_loop3A_649, %parallel_loop3A_650] {strides = array<i32>} : memref<64x256xf32, #tpu.memory_space<vmem>>, vector<1x16xf32>,
        %parallel_loop3A_652 = vector.shape_cast %parallel_loop3A_651 : vector<1x16xf32> to vector<16xf32>
        %parallel_loop3A_653 = arith.constant 0 : i32
        %parallel_loop3A_654 = arith.addi %sub3A_293, %parallel_loop3A_653 : i32
        %parallel_loop3A_655 = arith.addi %parallel_loop3A_654, %parallel_loop3A_340 : i32
        %parallel_loop3A_656 = arith.index_cast %parallel_loop3A_655 : i32 to index
        %parallel_loop3A_657 = arith.constant 144 : index
        %parallel_loop3A_658 = tpu.vector_load %arg8[%parallel_loop3A_656, %parallel_loop3A_657] {strides = array<i32>} : memref<192x256xf32, #tpu.memory_space<vmem>>, vector<1x16xf32>,
        %parallel_loop3A_659 = vector.shape_cast %parallel_loop3A_658 : vector<1x16xf32> to vector<16xf32>
        %parallel_loop3A_660 = arith.addf %parallel_loop3A_652, %parallel_loop3A_659 : vector<16xf32>
        %parallel_loop3A_661 = arith.index_cast %parallel_loop3A_340 : i32 to index
        %parallel_loop3A_662 = arith.constant 144 : index
        %parallel_loop3A_663 = tpu.vector_load %arg9[%parallel_loop3A_661, %parallel_loop3A_662] {strides = array<i32>} : memref<32x256xf32, #tpu.memory_space<vmem>>, vector<1x16xf32>,
        %parallel_loop3A_664 = vector.shape_cast %parallel_loop3A_663 : vector<1x16xf32> to vector<16xf32>
        %parallel_loop3A_665 = vector.shape_cast %parallel_loop3A_660 : vector<16xf32> to vector<1x16xf32>
        tpu.vector_store %arg9[%parallel_loop3A_661, %parallel_loop3A_662], %parallel_loop3A_665 {strides = array<i32>} : memref<32x256xf32, #tpu.memory_space<vmem>>, vector<1x16xf32>,
        %parallel_loop3A_666 = arith.constant 1 : i32
        %parallel_loop3A_667 = arith.subi %sub3A_293, %parallel_loop3A_666 : i32
        %parallel_loop3A_668 = arith.constant 0 : i32
        %parallel_loop3A_669 = arith.addi %parallel_loop3A_667, %parallel_loop3A_668 : i32
        %parallel_loop3A_670 = arith.addi %parallel_loop3A_669, %parallel_loop3A_340 : i32
        %parallel_loop3A_671 = arith.index_cast %parallel_loop3A_670 : i32 to index
        %parallel_loop3A_672 = arith.constant 144 : index
        %parallel_loop3A_673 = tpu.vector_load %arg8[%parallel_loop3A_671, %parallel_loop3A_672] {strides = array<i32>} : memref<192x256xf32, #tpu.memory_space<vmem>>, vector<1x16xf32>,
        %parallel_loop3A_674 = vector.shape_cast %parallel_loop3A_673 : vector<1x16xf32> to vector<16xf32>
        %parallel_loop3A_675 = arith.addf %parallel_loop3A_652, %parallel_loop3A_674 : vector<16xf32>
        %parallel_loop3A_676 = arith.index_cast %parallel_loop3A_340 : i32 to index
        %parallel_loop3A_677 = arith.constant 144 : index
        %parallel_loop3A_678 = tpu.vector_load %arg10[%parallel_loop3A_676, %parallel_loop3A_677] {strides = array<i32>} : memref<32x256xf32, #tpu.memory_space<vmem>>, vector<1x16xf32>,
        %parallel_loop3A_679 = vector.shape_cast %parallel_loop3A_678 : vector<1x16xf32> to vector<16xf32>
        %parallel_loop3A_680 = vector.shape_cast %parallel_loop3A_675 : vector<16xf32> to vector<1x16xf32>
        tpu.vector_store %arg10[%parallel_loop3A_676, %parallel_loop3A_677], %parallel_loop3A_680 {strides = array<i32>} : memref<32x256xf32, #tpu.memory_space<vmem>>, vector<1x16xf32>,
        %parallel_loop3A_681 = arith.constant 0 : i32
        %parallel_loop3A_682 = arith.addi %parallel_loop3A_681, %parallel_loop3A_340 : i32
        %parallel_loop3A_683 = arith.index_cast %parallel_loop3A_682 : i32 to index
        %parallel_loop3A_684 = arith.constant 160 : index
        %parallel_loop3A_685 = tpu.vector_load %arg7[%parallel_loop3A_683, %parallel_loop3A_684] {strides = array<i32>} : memref<64x256xf32, #tpu.memory_space<vmem>>, vector<1x16xf32>,
        %parallel_loop3A_686 = vector.shape_cast %parallel_loop3A_685 : vector<1x16xf32> to vector<16xf32>
        %parallel_loop3A_687 = arith.constant 0 : i32
        %parallel_loop3A_688 = arith.addi %sub3A_293, %parallel_loop3A_687 : i32
        %parallel_loop3A_689 = arith.addi %parallel_loop3A_688, %parallel_loop3A_340 : i32
        %parallel_loop3A_690 = arith.index_cast %parallel_loop3A_689 : i32 to index
        %parallel_loop3A_691 = arith.constant 160 : index
        %parallel_loop3A_692 = tpu.vector_load %arg8[%parallel_loop3A_690, %parallel_loop3A_691] {strides = array<i32>} : memref<192x256xf32, #tpu.memory_space<vmem>>, vector<1x16xf32>,
        %parallel_loop3A_693 = vector.shape_cast %parallel_loop3A_692 : vector<1x16xf32> to vector<16xf32>
        %parallel_loop3A_694 = arith.addf %parallel_loop3A_686, %parallel_loop3A_693 : vector<16xf32>
        %parallel_loop3A_695 = arith.index_cast %parallel_loop3A_340 : i32 to index
        %parallel_loop3A_696 = arith.constant 160 : index
        %parallel_loop3A_697 = tpu.vector_load %arg9[%parallel_loop3A_695, %parallel_loop3A_696] {strides = array<i32>} : memref<32x256xf32, #tpu.memory_space<vmem>>, vector<1x16xf32>,
        %parallel_loop3A_698 = vector.shape_cast %parallel_loop3A_697 : vector<1x16xf32> to vector<16xf32>
        %parallel_loop3A_699 = vector.shape_cast %parallel_loop3A_694 : vector<16xf32> to vector<1x16xf32>
        tpu.vector_store %arg9[%parallel_loop3A_695, %parallel_loop3A_696], %parallel_loop3A_699 {strides = array<i32>} : memref<32x256xf32, #tpu.memory_space<vmem>>, vector<1x16xf32>,
        %parallel_loop3A_700 = arith.constant 1 : i32
        %parallel_loop3A_701 = arith.subi %sub3A_293, %parallel_loop3A_700 : i32
        %parallel_loop3A_702 = arith.constant 0 : i32
        %parallel_loop3A_703 = arith.addi %parallel_loop3A_701, %parallel_loop3A_702 : i32
        %parallel_loop3A_704 = arith.addi %parallel_loop3A_703, %parallel_loop3A_340 : i32
        %parallel_loop3A_705 = arith.index_cast %parallel_loop3A_704 : i32 to index
        %parallel_loop3A_706 = arith.constant 160 : index
        %parallel_loop3A_707 = tpu.vector_load %arg8[%parallel_loop3A_705, %parallel_loop3A_706] {strides = array<i32>} : memref<192x256xf32, #tpu.memory_space<vmem>>, vector<1x16xf32>,
        %parallel_loop3A_708 = vector.shape_cast %parallel_loop3A_707 : vector<1x16xf32> to vector<16xf32>
        %parallel_loop3A_709 = arith.addf %parallel_loop3A_686, %parallel_loop3A_708 : vector<16xf32>
        %parallel_loop3A_710 = arith.index_cast %parallel_loop3A_340 : i32 to index
        %parallel_loop3A_711 = arith.constant 160 : index
        %parallel_loop3A_712 = tpu.vector_load %arg10[%parallel_loop3A_710, %parallel_loop3A_711] {strides = array<i32>} : memref<32x256xf32, #tpu.memory_space<vmem>>, vector<1x16xf32>,
        %parallel_loop3A_713 = vector.shape_cast %parallel_loop3A_712 : vector<1x16xf32> to vector<16xf32>
        %parallel_loop3A_714 = vector.shape_cast %parallel_loop3A_709 : vector<16xf32> to vector<1x16xf32>
        tpu.vector_store %arg10[%parallel_loop3A_710, %parallel_loop3A_711], %parallel_loop3A_714 {strides = array<i32>} : memref<32x256xf32, #tpu.memory_space<vmem>>, vector<1x16xf32>,
        %parallel_loop3A_715 = arith.constant 0 : i32
        %parallel_loop3A_716 = arith.addi %parallel_loop3A_715, %parallel_loop3A_340 : i32
        %parallel_loop3A_717 = arith.index_cast %parallel_loop3A_716 : i32 to index
        %parallel_loop3A_718 = arith.constant 176 : index
        %parallel_loop3A_719 = tpu.vector_load %arg7[%parallel_loop3A_717, %parallel_loop3A_718] {strides = array<i32>} : memref<64x256xf32, #tpu.memory_space<vmem>>, vector<1x16xf32>,
        %parallel_loop3A_720 = vector.shape_cast %parallel_loop3A_719 : vector<1x16xf32> to vector<16xf32>
        %parallel_loop3A_721 = arith.constant 0 : i32
        %parallel_loop3A_722 = arith.addi %sub3A_293, %parallel_loop3A_721 : i32
        %parallel_loop3A_723 = arith.addi %parallel_loop3A_722, %parallel_loop3A_340 : i32
        %parallel_loop3A_724 = arith.index_cast %parallel_loop3A_723 : i32 to index
        %parallel_loop3A_725 = arith.constant 176 : index
        %parallel_loop3A_726 = tpu.vector_load %arg8[%parallel_loop3A_724, %parallel_loop3A_725] {strides = array<i32>} : memref<192x256xf32, #tpu.memory_space<vmem>>, vector<1x16xf32>,
        %parallel_loop3A_727 = vector.shape_cast %parallel_loop3A_726 : vector<1x16xf32> to vector<16xf32>
        %parallel_loop3A_728 = arith.addf %parallel_loop3A_720, %parallel_loop3A_727 : vector<16xf32>
        %parallel_loop3A_729 = arith.index_cast %parallel_loop3A_340 : i32 to index
        %parallel_loop3A_730 = arith.constant 176 : index
        %parallel_loop3A_731 = tpu.vector_load %arg9[%parallel_loop3A_729, %parallel_loop3A_730] {strides = array<i32>} : memref<32x256xf32, #tpu.memory_space<vmem>>, vector<1x16xf32>,
        %parallel_loop3A_732 = vector.shape_cast %parallel_loop3A_731 : vector<1x16xf32> to vector<16xf32>
        %parallel_loop3A_733 = vector.shape_cast %parallel_loop3A_728 : vector<16xf32> to vector<1x16xf32>
        tpu.vector_store %arg9[%parallel_loop3A_729, %parallel_loop3A_730], %parallel_loop3A_733 {strides = array<i32>} : memref<32x256xf32, #tpu.memory_space<vmem>>, vector<1x16xf32>,
        %parallel_loop3A_734 = arith.constant 1 : i32
        %parallel_loop3A_735 = arith.subi %sub3A_293, %parallel_loop3A_734 : i32
        %parallel_loop3A_736 = arith.constant 0 : i32
        %parallel_loop3A_737 = arith.addi %parallel_loop3A_735, %parallel_loop3A_736 : i32
        %parallel_loop3A_738 = arith.addi %parallel_loop3A_737, %parallel_loop3A_340 : i32
        %parallel_loop3A_739 = arith.index_cast %parallel_loop3A_738 : i32 to index
        %parallel_loop3A_740 = arith.constant 176 : index
        %parallel_loop3A_741 = tpu.vector_load %arg8[%parallel_loop3A_739, %parallel_loop3A_740] {strides = array<i32>} : memref<192x256xf32, #tpu.memory_space<vmem>>, vector<1x16xf32>,
        %parallel_loop3A_742 = vector.shape_cast %parallel_loop3A_741 : vector<1x16xf32> to vector<16xf32>
        %parallel_loop3A_743 = arith.addf %parallel_loop3A_720, %parallel_loop3A_742 : vector<16xf32>
        %parallel_loop3A_744 = arith.index_cast %parallel_loop3A_340 : i32 to index
        %parallel_loop3A_745 = arith.constant 176 : index
        %parallel_loop3A_746 = tpu.vector_load %arg10[%parallel_loop3A_744, %parallel_loop3A_745] {strides = array<i32>} : memref<32x256xf32, #tpu.memory_space<vmem>>, vector<1x16xf32>,
        %parallel_loop3A_747 = vector.shape_cast %parallel_loop3A_746 : vector<1x16xf32> to vector<16xf32>
        %parallel_loop3A_748 = vector.shape_cast %parallel_loop3A_743 : vector<16xf32> to vector<1x16xf32>
        tpu.vector_store %arg10[%parallel_loop3A_744, %parallel_loop3A_745], %parallel_loop3A_748 {strides = array<i32>} : memref<32x256xf32, #tpu.memory_space<vmem>>, vector<1x16xf32>,
        %parallel_loop3A_749 = arith.constant 0 : i32
        %parallel_loop3A_750 = arith.addi %parallel_loop3A_749, %parallel_loop3A_340 : i32
        %parallel_loop3A_751 = arith.index_cast %parallel_loop3A_750 : i32 to index
        %parallel_loop3A_752 = arith.constant 192 : index
        %parallel_loop3A_753 = tpu.vector_load %arg7[%parallel_loop3A_751, %parallel_loop3A_752] {strides = array<i32>} : memref<64x256xf32, #tpu.memory_space<vmem>>, vector<1x16xf32>,
        %parallel_loop3A_754 = vector.shape_cast %parallel_loop3A_753 : vector<1x16xf32> to vector<16xf32>
        %parallel_loop3A_755 = arith.constant 0 : i32
        %parallel_loop3A_756 = arith.addi %sub3A_293, %parallel_loop3A_755 : i32
        %parallel_loop3A_757 = arith.addi %parallel_loop3A_756, %parallel_loop3A_340 : i32
        %parallel_loop3A_758 = arith.index_cast %parallel_loop3A_757 : i32 to index
        %parallel_loop3A_759 = arith.constant 192 : index
        %parallel_loop3A_760 = tpu.vector_load %arg8[%parallel_loop3A_758, %parallel_loop3A_759] {strides = array<i32>} : memref<192x256xf32, #tpu.memory_space<vmem>>, vector<1x16xf32>,
        %parallel_loop3A_761 = vector.shape_cast %parallel_loop3A_760 : vector<1x16xf32> to vector<16xf32>
        %parallel_loop3A_762 = arith.addf %parallel_loop3A_754, %parallel_loop3A_761 : vector<16xf32>
        %parallel_loop3A_763 = arith.index_cast %parallel_loop3A_340 : i32 to index
        %parallel_loop3A_764 = arith.constant 192 : index
        %parallel_loop3A_765 = tpu.vector_load %arg9[%parallel_loop3A_763, %parallel_loop3A_764] {strides = array<i32>} : memref<32x256xf32, #tpu.memory_space<vmem>>, vector<1x16xf32>,
        %parallel_loop3A_766 = vector.shape_cast %parallel_loop3A_765 : vector<1x16xf32> to vector<16xf32>
        %parallel_loop3A_767 = vector.shape_cast %parallel_loop3A_762 : vector<16xf32> to vector<1x16xf32>
        tpu.vector_store %arg9[%parallel_loop3A_763, %parallel_loop3A_764], %parallel_loop3A_767 {strides = array<i32>} : memref<32x256xf32, #tpu.memory_space<vmem>>, vector<1x16xf32>,
        %parallel_loop3A_768 = arith.constant 1 : i32
        %parallel_loop3A_769 = arith.subi %sub3A_293, %parallel_loop3A_768 : i32
        %parallel_loop3A_770 = arith.constant 0 : i32
        %parallel_loop3A_771 = arith.addi %parallel_loop3A_769, %parallel_loop3A_770 : i32
        %parallel_loop3A_772 = arith.addi %parallel_loop3A_771, %parallel_loop3A_340 : i32
        %parallel_loop3A_773 = arith.index_cast %parallel_loop3A_772 : i32 to index
        %parallel_loop3A_774 = arith.constant 192 : index
        %parallel_loop3A_775 = tpu.vector_load %arg8[%parallel_loop3A_773, %parallel_loop3A_774] {strides = array<i32>} : memref<192x256xf32, #tpu.memory_space<vmem>>, vector<1x16xf32>,
        %parallel_loop3A_776 = vector.shape_cast %parallel_loop3A_775 : vector<1x16xf32> to vector<16xf32>
        %parallel_loop3A_777 = arith.addf %parallel_loop3A_754, %parallel_loop3A_776 : vector<16xf32>
        %parallel_loop3A_778 = arith.index_cast %parallel_loop3A_340 : i32 to index
        %parallel_loop3A_779 = arith.constant 192 : index
        %parallel_loop3A_780 = tpu.vector_load %arg10[%parallel_loop3A_778, %parallel_loop3A_779] {strides = array<i32>} : memref<32x256xf32, #tpu.memory_space<vmem>>, vector<1x16xf32>,
        %parallel_loop3A_781 = vector.shape_cast %parallel_loop3A_780 : vector<1x16xf32> to vector<16xf32>
        %parallel_loop3A_782 = vector.shape_cast %parallel_loop3A_777 : vector<16xf32> to vector<1x16xf32>
        tpu.vector_store %arg10[%parallel_loop3A_778, %parallel_loop3A_779], %parallel_loop3A_782 {strides = array<i32>} : memref<32x256xf32, #tpu.memory_space<vmem>>, vector<1x16xf32>,
        %parallel_loop3A_783 = arith.constant 0 : i32
        %parallel_loop3A_784 = arith.addi %parallel_loop3A_783, %parallel_loop3A_340 : i32
        %parallel_loop3A_785 = arith.index_cast %parallel_loop3A_784 : i32 to index
        %parallel_loop3A_786 = arith.constant 208 : index
        %parallel_loop3A_787 = tpu.vector_load %arg7[%parallel_loop3A_785, %parallel_loop3A_786] {strides = array<i32>} : memref<64x256xf32, #tpu.memory_space<vmem>>, vector<1x16xf32>,
        %parallel_loop3A_788 = vector.shape_cast %parallel_loop3A_787 : vector<1x16xf32> to vector<16xf32>
        %parallel_loop3A_789 = arith.constant 0 : i32
        %parallel_loop3A_790 = arith.addi %sub3A_293, %parallel_loop3A_789 : i32
        %parallel_loop3A_791 = arith.addi %parallel_loop3A_790, %parallel_loop3A_340 : i32
        %parallel_loop3A_792 = arith.index_cast %parallel_loop3A_791 : i32 to index
        %parallel_loop3A_793 = arith.constant 208 : index
        %parallel_loop3A_794 = tpu.vector_load %arg8[%parallel_loop3A_792, %parallel_loop3A_793] {strides = array<i32>} : memref<192x256xf32, #tpu.memory_space<vmem>>, vector<1x16xf32>,
        %parallel_loop3A_795 = vector.shape_cast %parallel_loop3A_794 : vector<1x16xf32> to vector<16xf32>
        %parallel_loop3A_796 = arith.addf %parallel_loop3A_788, %parallel_loop3A_795 : vector<16xf32>
        %parallel_loop3A_797 = arith.index_cast %parallel_loop3A_340 : i32 to index
        %parallel_loop3A_798 = arith.constant 208 : index
        %parallel_loop3A_799 = tpu.vector_load %arg9[%parallel_loop3A_797, %parallel_loop3A_798] {strides = array<i32>} : memref<32x256xf32, #tpu.memory_space<vmem>>, vector<1x16xf32>,
        %parallel_loop3A_800 = vector.shape_cast %parallel_loop3A_799 : vector<1x16xf32> to vector<16xf32>
        %parallel_loop3A_801 = vector.shape_cast %parallel_loop3A_796 : vector<16xf32> to vector<1x16xf32>
        tpu.vector_store %arg9[%parallel_loop3A_797, %parallel_loop3A_798], %parallel_loop3A_801 {strides = array<i32>} : memref<32x256xf32, #tpu.memory_space<vmem>>, vector<1x16xf32>,
        %parallel_loop3A_802 = arith.constant 1 : i32
        %parallel_loop3A_803 = arith.subi %sub3A_293, %parallel_loop3A_802 : i32
        %parallel_loop3A_804 = arith.constant 0 : i32
        %parallel_loop3A_805 = arith.addi %parallel_loop3A_803, %parallel_loop3A_804 : i32
        %parallel_loop3A_806 = arith.addi %parallel_loop3A_805, %parallel_loop3A_340 : i32
        %parallel_loop3A_807 = arith.index_cast %parallel_loop3A_806 : i32 to index
        %parallel_loop3A_808 = arith.constant 208 : index
        %parallel_loop3A_809 = tpu.vector_load %arg8[%parallel_loop3A_807, %parallel_loop3A_808] {strides = array<i32>} : memref<192x256xf32, #tpu.memory_space<vmem>>, vector<1x16xf32>,
        %parallel_loop3A_810 = vector.shape_cast %parallel_loop3A_809 : vector<1x16xf32> to vector<16xf32>
        %parallel_loop3A_811 = arith.addf %parallel_loop3A_788, %parallel_loop3A_810 : vector<16xf32>
        %parallel_loop3A_812 = arith.index_cast %parallel_loop3A_340 : i32 to index
        %parallel_loop3A_813 = arith.constant 208 : index
        %parallel_loop3A_814 = tpu.vector_load %arg10[%parallel_loop3A_812, %parallel_loop3A_813] {strides = array<i32>} : memref<32x256xf32, #tpu.memory_space<vmem>>, vector<1x16xf32>,
        %parallel_loop3A_815 = vector.shape_cast %parallel_loop3A_814 : vector<1x16xf32> to vector<16xf32>
        %parallel_loop3A_816 = vector.shape_cast %parallel_loop3A_811 : vector<16xf32> to vector<1x16xf32>
        tpu.vector_store %arg10[%parallel_loop3A_812, %parallel_loop3A_813], %parallel_loop3A_816 {strides = array<i32>} : memref<32x256xf32, #tpu.memory_space<vmem>>, vector<1x16xf32>,
        %parallel_loop3A_817 = arith.constant 0 : i32
        %parallel_loop3A_818 = arith.addi %parallel_loop3A_817, %parallel_loop3A_340 : i32
        %parallel_loop3A_819 = arith.index_cast %parallel_loop3A_818 : i32 to index
        %parallel_loop3A_820 = arith.constant 224 : index
        %parallel_loop3A_821 = tpu.vector_load %arg7[%parallel_loop3A_819, %parallel_loop3A_820] {strides = array<i32>} : memref<64x256xf32, #tpu.memory_space<vmem>>, vector<1x16xf32>,
        %parallel_loop3A_822 = vector.shape_cast %parallel_loop3A_821 : vector<1x16xf32> to vector<16xf32>
        %parallel_loop3A_823 = arith.constant 0 : i32
        %parallel_loop3A_824 = arith.addi %sub3A_293, %parallel_loop3A_823 : i32
        %parallel_loop3A_825 = arith.addi %parallel_loop3A_824, %parallel_loop3A_340 : i32
        %parallel_loop3A_826 = arith.index_cast %parallel_loop3A_825 : i32 to index
        %parallel_loop3A_827 = arith.constant 224 : index
        %parallel_loop3A_828 = tpu.vector_load %arg8[%parallel_loop3A_826, %parallel_loop3A_827] {strides = array<i32>} : memref<192x256xf32, #tpu.memory_space<vmem>>, vector<1x16xf32>,
        %parallel_loop3A_829 = vector.shape_cast %parallel_loop3A_828 : vector<1x16xf32> to vector<16xf32>
        %parallel_loop3A_830 = arith.addf %parallel_loop3A_822, %parallel_loop3A_829 : vector<16xf32>
        %parallel_loop3A_831 = arith.index_cast %parallel_loop3A_340 : i32 to index
        %parallel_loop3A_832 = arith.constant 224 : index
        %parallel_loop3A_833 = tpu.vector_load %arg9[%parallel_loop3A_831, %parallel_loop3A_832] {strides = array<i32>} : memref<32x256xf32, #tpu.memory_space<vmem>>, vector<1x16xf32>,
        %parallel_loop3A_834 = vector.shape_cast %parallel_loop3A_833 : vector<1x16xf32> to vector<16xf32>
        %parallel_loop3A_835 = vector.shape_cast %parallel_loop3A_830 : vector<16xf32> to vector<1x16xf32>
        tpu.vector_store %arg9[%parallel_loop3A_831, %parallel_loop3A_832], %parallel_loop3A_835 {strides = array<i32>} : memref<32x256xf32, #tpu.memory_space<vmem>>, vector<1x16xf32>,
        %parallel_loop3A_836 = arith.constant 1 : i32
        %parallel_loop3A_837 = arith.subi %sub3A_293, %parallel_loop3A_836 : i32
        %parallel_loop3A_838 = arith.constant 0 : i32
        %parallel_loop3A_839 = arith.addi %parallel_loop3A_837, %parallel_loop3A_838 : i32
        %parallel_loop3A_840 = arith.addi %parallel_loop3A_839, %parallel_loop3A_340 : i32
        %parallel_loop3A_841 = arith.index_cast %parallel_loop3A_840 : i32 to index
        %parallel_loop3A_842 = arith.constant 224 : index
        %parallel_loop3A_843 = tpu.vector_load %arg8[%parallel_loop3A_841, %parallel_loop3A_842] {strides = array<i32>} : memref<192x256xf32, #tpu.memory_space<vmem>>, vector<1x16xf32>,
        %parallel_loop3A_844 = vector.shape_cast %parallel_loop3A_843 : vector<1x16xf32> to vector<16xf32>
        %parallel_loop3A_845 = arith.addf %parallel_loop3A_822, %parallel_loop3A_844 : vector<16xf32>
        %parallel_loop3A_846 = arith.index_cast %parallel_loop3A_340 : i32 to index
        %parallel_loop3A_847 = arith.constant 224 : index
        %parallel_loop3A_848 = tpu.vector_load %arg10[%parallel_loop3A_846, %parallel_loop3A_847] {strides = array<i32>} : memref<32x256xf32, #tpu.memory_space<vmem>>, vector<1x16xf32>,
        %parallel_loop3A_849 = vector.shape_cast %parallel_loop3A_848 : vector<1x16xf32> to vector<16xf32>
        %parallel_loop3A_850 = vector.shape_cast %parallel_loop3A_845 : vector<16xf32> to vector<1x16xf32>
        tpu.vector_store %arg10[%parallel_loop3A_846, %parallel_loop3A_847], %parallel_loop3A_850 {strides = array<i32>} : memref<32x256xf32, #tpu.memory_space<vmem>>, vector<1x16xf32>,
        %parallel_loop3A_851 = arith.constant 0 : i32
        %parallel_loop3A_852 = arith.addi %parallel_loop3A_851, %parallel_loop3A_340 : i32
        %parallel_loop3A_853 = arith.index_cast %parallel_loop3A_852 : i32 to index
        %parallel_loop3A_854 = arith.constant 240 : index
        %parallel_loop3A_855 = tpu.vector_load %arg7[%parallel_loop3A_853, %parallel_loop3A_854] {strides = array<i32>} : memref<64x256xf32, #tpu.memory_space<vmem>>, vector<1x16xf32>,
        %parallel_loop3A_856 = vector.shape_cast %parallel_loop3A_855 : vector<1x16xf32> to vector<16xf32>
        %parallel_loop3A_857 = arith.constant 0 : i32
        %parallel_loop3A_858 = arith.addi %sub3A_293, %parallel_loop3A_857 : i32
        %parallel_loop3A_859 = arith.addi %parallel_loop3A_858, %parallel_loop3A_340 : i32
        %parallel_loop3A_860 = arith.index_cast %parallel_loop3A_859 : i32 to index
        %parallel_loop3A_861 = arith.constant 240 : index
        %parallel_loop3A_862 = tpu.vector_load %arg8[%parallel_loop3A_860, %parallel_loop3A_861] {strides = array<i32>} : memref<192x256xf32, #tpu.memory_space<vmem>>, vector<1x16xf32>,
        %parallel_loop3A_863 = vector.shape_cast %parallel_loop3A_862 : vector<1x16xf32> to vector<16xf32>
        %parallel_loop3A_864 = arith.addf %parallel_loop3A_856, %parallel_loop3A_863 : vector<16xf32>
        %parallel_loop3A_865 = arith.index_cast %parallel_loop3A_340 : i32 to index
        %parallel_loop3A_866 = arith.constant 240 : index
        %parallel_loop3A_867 = tpu.vector_load %arg9[%parallel_loop3A_865, %parallel_loop3A_866] {strides = array<i32>} : memref<32x256xf32, #tpu.memory_space<vmem>>, vector<1x16xf32>,
        %parallel_loop3A_868 = vector.shape_cast %parallel_loop3A_867 : vector<1x16xf32> to vector<16xf32>
        %parallel_loop3A_869 = vector.shape_cast %parallel_loop3A_864 : vector<16xf32> to vector<1x16xf32>
        tpu.vector_store %arg9[%parallel_loop3A_865, %parallel_loop3A_866], %parallel_loop3A_869 {strides = array<i32>} : memref<32x256xf32, #tpu.memory_space<vmem>>, vector<1x16xf32>,
        %parallel_loop3A_870 = arith.constant 1 : i32
        %parallel_loop3A_871 = arith.subi %sub3A_293, %parallel_loop3A_870 : i32
        %parallel_loop3A_872 = arith.constant 0 : i32
        %parallel_loop3A_873 = arith.addi %parallel_loop3A_871, %parallel_loop3A_872 : i32
        %parallel_loop3A_874 = arith.addi %parallel_loop3A_873, %parallel_loop3A_340 : i32
        %parallel_loop3A_875 = arith.index_cast %parallel_loop3A_874 : i32 to index
        %parallel_loop3A_876 = arith.constant 240 : index
        %parallel_loop3A_877 = tpu.vector_load %arg8[%parallel_loop3A_875, %parallel_loop3A_876] {strides = array<i32>} : memref<192x256xf32, #tpu.memory_space<vmem>>, vector<1x16xf32>,
        %parallel_loop3A_878 = vector.shape_cast %parallel_loop3A_877 : vector<1x16xf32> to vector<16xf32>
        %parallel_loop3A_879 = arith.addf %parallel_loop3A_856, %parallel_loop3A_878 : vector<16xf32>
        %parallel_loop3A_880 = arith.index_cast %parallel_loop3A_340 : i32 to index
        %parallel_loop3A_881 = arith.constant 240 : index
        %parallel_loop3A_882 = tpu.vector_load %arg10[%parallel_loop3A_880, %parallel_loop3A_881] {strides = array<i32>} : memref<32x256xf32, #tpu.memory_space<vmem>>, vector<1x16xf32>,
        %parallel_loop3A_883 = vector.shape_cast %parallel_loop3A_882 : vector<1x16xf32> to vector<16xf32>
        %parallel_loop3A_884 = vector.shape_cast %parallel_loop3A_879 : vector<16xf32> to vector<1x16xf32>
        tpu.vector_store %arg10[%parallel_loop3A_880, %parallel_loop3A_881], %parallel_loop3A_884 {strides = array<i32>} : memref<32x256xf32, #tpu.memory_space<vmem>>, vector<1x16xf32>,
      } {sc.loop_unroll_factor = 4 : i64, sc.parallel_access}
      %dma_start3A_302 = arith.constant 0 : i32
      %dma_start3A_303 = tpu.memref_slice %arg4[%add3A_291, %add3A_297, %dma_start3A_302] : memref<512x512x256xf32, #tpu.memory_space<hbm>> -> memref<1x32x256xf32, #tpu.memory_space<hbm>>
      %dma_start3A_304 = tpu.memref_squeeze %dma_start3A_303 : memref<1x32x256xf32, #tpu.memory_space<hbm>> -> memref<32x256xf32, #tpu.memory_space<hbm>>
      %dma_start3A_305 = arith.constant 0 : i32
      %dma_start3A_306 = tpu.memref_slice %arg4[%add3A_291, %add3A_297, %dma_start3A_305] : memref<512x512x256xf32, #tpu.memory_space<hbm>> -> memref<1x32x256xf32, #tpu.memory_space<hbm>>
      %dma_start3A_307 = tpu.memref_squeeze %dma_start3A_306 : memref<1x32x256xf32, #tpu.memory_space<hbm>> -> memref<32x256xf32, #tpu.memory_space<hbm>>
      tpu.enqueue_dma source(%arg9 : memref<32x256xf32, #tpu.memory_space<vmem>>) target(%dma_start3A_307 : memref<32x256xf32, #tpu.memory_space<hbm>>) target_semaphore(%arg14 : memref<!tpu.dma_semaphore, #tpu.memory_space<semaphore_mem>>)
      %add3A_308 = arith.constant 1 : i32
      %add3A_309 = arith.addi %add3A_291, %add3A_308 : i32
      %dma_start3A_310 = arith.constant 0 : i32
      %dma_start3A_311 = tpu.memref_slice %arg4[%add3A_309, %add3A_297, %dma_start3A_310] : memref<512x512x256xf32, #tpu.memory_space<hbm>> -> memref<1x32x256xf32, #tpu.memory_space<hbm>>
      %dma_start3A_312 = tpu.memref_squeeze %dma_start3A_311 : memref<1x32x256xf32, #tpu.memory_space<hbm>> -> memref<32x256xf32, #tpu.memory_space<hbm>>
      %dma_start3A_313 = arith.constant 0 : i32
      %dma_start3A_314 = tpu.memref_slice %arg4[%add3A_309, %add3A_297, %dma_start3A_313] : memref<512x512x256xf32, #tpu.memory_space<hbm>> -> memref<1x32x256xf32, #tpu.memory_space<hbm>>
      %dma_start3A_315 = tpu.memref_squeeze %dma_start3A_314 : memref<1x32x256xf32, #tpu.memory_space<hbm>> -> memref<32x256xf32, #tpu.memory_space<hbm>>
      tpu.enqueue_dma source(%arg10 : memref<32x256xf32, #tpu.memory_space<vmem>>) target(%dma_start3A_315 : memref<32x256xf32, #tpu.memory_space<hbm>>) target_semaphore(%arg14 : memref<!tpu.dma_semaphore, #tpu.memory_space<semaphore_mem>>)
      %add3A_316 = arith.constant 32 : i32
      %add3A_317 = arith.addi %mul3A_32, %add3A_316 : i32
      %not3A_318 = arith.constant true
      %not3A_319 = arith.xori %eq3A_295, %not3A_318 : i1
      %convert_element_type3A_320 = arith.extui %not3A_319 : i1 to i32
      %cond3A_321 = arith.constant 0 : i32
      %cond3A_322 = arith.cmpi ne, %convert_element_type3A_320, %cond3A_321 : i32
      scf.if %cond3A_322 {
        %dma_wait3A_340 = arith.constant 0 : i32
        %dma_wait3A_341 = tpu.memref_slice %arg4[%add3A_291, %mul3A_32, %dma_wait3A_340] : memref<512x512x256xf32, #tpu.memory_space<hbm>> -> memref<1x64x256xf32, #tpu.memory_space<hbm>>
        %dma_wait3A_342 = tpu.memref_squeeze %dma_wait3A_341 : memref<1x64x256xf32, #tpu.memory_space<hbm>> -> memref<64x256xf32, #tpu.memory_space<hbm>>
        %dma_wait3A_343 = arith.constant 0 : i32
        %dma_wait3A_344 = tpu.memref_slice %arg4[%add3A_291, %mul3A_32, %dma_wait3A_343] : memref<512x512x256xf32, #tpu.memory_space<hbm>> -> memref<1x64x256xf32, #tpu.memory_space<hbm>>
        %dma_wait3A_345 = tpu.memref_squeeze %dma_wait3A_344 : memref<1x64x256xf32, #tpu.memory_space<hbm>> -> memref<64x256xf32, #tpu.memory_space<hbm>>
        tpu.wait_dma2 semaphore(%arg15 : memref<!tpu.dma_semaphore, #tpu.memory_space<semaphore_mem>>) src(%arg7 : memref<64x256xf32, #tpu.memory_space<vmem>>) dst(%dma_wait3A_345 : memref<64x256xf32, #tpu.memory_space<hbm>>)
      } else {
      }
      %parallel_loop3A_323 = arith.constant 0 : i32
      %parallel_loop3A_324 = arith.constant 32 : i32
      %parallel_loop3A_325 = arith.constant 1 : i32
      scf.for %parallel_loop3A_340 = %parallel_loop3A_323 to %parallel_loop3A_324 step %parallel_loop3A_325  : i32 {
        %parallel_loop3A_341 = arith.constant 32 : i32
        %parallel_loop3A_342 = arith.addi %parallel_loop3A_341, %parallel_loop3A_340 : i32
        %parallel_loop3A_343 = arith.index_cast %parallel_loop3A_342 : i32 to index
        %parallel_loop3A_344 = arith.constant 0 : index
        %parallel_loop3A_345 = tpu.vector_load %arg7[%parallel_loop3A_343, %parallel_loop3A_344] {strides = array<i32>} : memref<64x256xf32, #tpu.memory_space<vmem>>, vector<1x16xf32>,
        %parallel_loop3A_346 = vector.shape_cast %parallel_loop3A_345 : vector<1x16xf32> to vector<16xf32>
        %parallel_loop3A_347 = arith.constant 32 : i32
        %parallel_loop3A_348 = arith.addi %sub3A_293, %parallel_loop3A_347 : i32
        %parallel_loop3A_349 = arith.addi %parallel_loop3A_348, %parallel_loop3A_340 : i32
        %parallel_loop3A_350 = arith.index_cast %parallel_loop3A_349 : i32 to index
        %parallel_loop3A_351 = arith.constant 0 : index
        %parallel_loop3A_352 = tpu.vector_load %arg8[%parallel_loop3A_350, %parallel_loop3A_351] {strides = array<i32>} : memref<192x256xf32, #tpu.memory_space<vmem>>, vector<1x16xf32>,
        %parallel_loop3A_353 = vector.shape_cast %parallel_loop3A_352 : vector<1x16xf32> to vector<16xf32>
        %parallel_loop3A_354 = arith.addf %parallel_loop3A_346, %parallel_loop3A_353 : vector<16xf32>
        %parallel_loop3A_355 = arith.index_cast %parallel_loop3A_340 : i32 to index
        %parallel_loop3A_356 = arith.constant 0 : index
        %parallel_loop3A_357 = tpu.vector_load %arg11[%parallel_loop3A_355, %parallel_loop3A_356] {strides = array<i32>} : memref<32x256xf32, #tpu.memory_space<vmem>>, vector<1x16xf32>,
        %parallel_loop3A_358 = vector.shape_cast %parallel_loop3A_357 : vector<1x16xf32> to vector<16xf32>
        %parallel_loop3A_359 = vector.shape_cast %parallel_loop3A_354 : vector<16xf32> to vector<1x16xf32>
        tpu.vector_store %arg11[%parallel_loop3A_355, %parallel_loop3A_356], %parallel_loop3A_359 {strides = array<i32>} : memref<32x256xf32, #tpu.memory_space<vmem>>, vector<1x16xf32>,
        %parallel_loop3A_360 = arith.constant 1 : i32
        %parallel_loop3A_361 = arith.subi %sub3A_293, %parallel_loop3A_360 : i32
        %parallel_loop3A_362 = arith.constant 32 : i32
        %parallel_loop3A_363 = arith.addi %parallel_loop3A_361, %parallel_loop3A_362 : i32
        %parallel_loop3A_364 = arith.addi %parallel_loop3A_363, %parallel_loop3A_340 : i32
        %parallel_loop3A_365 = arith.index_cast %parallel_loop3A_364 : i32 to index
        %parallel_loop3A_366 = arith.constant 0 : index
        %parallel_loop3A_367 = tpu.vector_load %arg8[%parallel_loop3A_365, %parallel_loop3A_366] {strides = array<i32>} : memref<192x256xf32, #tpu.memory_space<vmem>>, vector<1x16xf32>,
        %parallel_loop3A_368 = vector.shape_cast %parallel_loop3A_367 : vector<1x16xf32> to vector<16xf32>
        %parallel_loop3A_369 = arith.addf %parallel_loop3A_346, %parallel_loop3A_368 : vector<16xf32>
        %parallel_loop3A_370 = arith.index_cast %parallel_loop3A_340 : i32 to index
        %parallel_loop3A_371 = arith.constant 0 : index
        %parallel_loop3A_372 = tpu.vector_load %arg12[%parallel_loop3A_370, %parallel_loop3A_371] {strides = array<i32>} : memref<32x256xf32, #tpu.memory_space<vmem>>, vector<1x16xf32>,
        %parallel_loop3A_373 = vector.shape_cast %parallel_loop3A_372 : vector<1x16xf32> to vector<16xf32>
        %parallel_loop3A_374 = vector.shape_cast %parallel_loop3A_369 : vector<16xf32> to vector<1x16xf32>
        tpu.vector_store %arg12[%parallel_loop3A_370, %parallel_loop3A_371], %parallel_loop3A_374 {strides = array<i32>} : memref<32x256xf32, #tpu.memory_space<vmem>>, vector<1x16xf32>,
        %parallel_loop3A_375 = arith.constant 32 : i32
        %parallel_loop3A_376 = arith.addi %parallel_loop3A_375, %parallel_loop3A_340 : i32
        %parallel_loop3A_377 = arith.index_cast %parallel_loop3A_376 : i32 to index
        %parallel_loop3A_378 = arith.constant 16 : index
        %parallel_loop3A_379 = tpu.vector_load %arg7[%parallel_loop3A_377, %parallel_loop3A_378] {strides = array<i32>} : memref<64x256xf32, #tpu.memory_space<vmem>>, vector<1x16xf32>,
        %parallel_loop3A_380 = vector.shape_cast %parallel_loop3A_379 : vector<1x16xf32> to vector<16xf32>
        %parallel_loop3A_381 = arith.constant 32 : i32
        %parallel_loop3A_382 = arith.addi %sub3A_293, %parallel_loop3A_381 : i32
        %parallel_loop3A_383 = arith.addi %parallel_loop3A_382, %parallel_loop3A_340 : i32
        %parallel_loop3A_384 = arith.index_cast %parallel_loop3A_383 : i32 to index
        %parallel_loop3A_385 = arith.constant 16 : index
        %parallel_loop3A_386 = tpu.vector_load %arg8[%parallel_loop3A_384, %parallel_loop3A_385] {strides = array<i32>} : memref<192x256xf32, #tpu.memory_space<vmem>>, vector<1x16xf32>,
        %parallel_loop3A_387 = vector.shape_cast %parallel_loop3A_386 : vector<1x16xf32> to vector<16xf32>
        %parallel_loop3A_388 = arith.addf %parallel_loop3A_380, %parallel_loop3A_387 : vector<16xf32>
        %parallel_loop3A_389 = arith.index_cast %parallel_loop3A_340 : i32 to index
        %parallel_loop3A_390 = arith.constant 16 : index
        %parallel_loop3A_391 = tpu.vector_load %arg11[%parallel_loop3A_389, %parallel_loop3A_390] {strides = array<i32>} : memref<32x256xf32, #tpu.memory_space<vmem>>, vector<1x16xf32>,
        %parallel_loop3A_392 = vector.shape_cast %parallel_loop3A_391 : vector<1x16xf32> to vector<16xf32>
        %parallel_loop3A_393 = vector.shape_cast %parallel_loop3A_388 : vector<16xf32> to vector<1x16xf32>
        tpu.vector_store %arg11[%parallel_loop3A_389, %parallel_loop3A_390], %parallel_loop3A_393 {strides = array<i32>} : memref<32x256xf32, #tpu.memory_space<vmem>>, vector<1x16xf32>,
        %parallel_loop3A_394 = arith.constant 1 : i32
        %parallel_loop3A_395 = arith.subi %sub3A_293, %parallel_loop3A_394 : i32
        %parallel_loop3A_396 = arith.constant 32 : i32
        %parallel_loop3A_397 = arith.addi %parallel_loop3A_395, %parallel_loop3A_396 : i32
        %parallel_loop3A_398 = arith.addi %parallel_loop3A_397, %parallel_loop3A_340 : i32
        %parallel_loop3A_399 = arith.index_cast %parallel_loop3A_398 : i32 to index
        %parallel_loop3A_400 = arith.constant 16 : index
        %parallel_loop3A_401 = tpu.vector_load %arg8[%parallel_loop3A_399, %parallel_loop3A_400] {strides = array<i32>} : memref<192x256xf32, #tpu.memory_space<vmem>>, vector<1x16xf32>,
        %parallel_loop3A_402 = vector.shape_cast %parallel_loop3A_401 : vector<1x16xf32> to vector<16xf32>
        %parallel_loop3A_403 = arith.addf %parallel_loop3A_380, %parallel_loop3A_402 : vector<16xf32>
        %parallel_loop3A_404 = arith.index_cast %parallel_loop3A_340 : i32 to index
        %parallel_loop3A_405 = arith.constant 16 : index
        %parallel_loop3A_406 = tpu.vector_load %arg12[%parallel_loop3A_404, %parallel_loop3A_405] {strides = array<i32>} : memref<32x256xf32, #tpu.memory_space<vmem>>, vector<1x16xf32>,
        %parallel_loop3A_407 = vector.shape_cast %parallel_loop3A_406 : vector<1x16xf32> to vector<16xf32>
        %parallel_loop3A_408 = vector.shape_cast %parallel_loop3A_403 : vector<16xf32> to vector<1x16xf32>
        tpu.vector_store %arg12[%parallel_loop3A_404, %parallel_loop3A_405], %parallel_loop3A_408 {strides = array<i32>} : memref<32x256xf32, #tpu.memory_space<vmem>>, vector<1x16xf32>,
        %parallel_loop3A_409 = arith.constant 32 : i32
        %parallel_loop3A_410 = arith.addi %parallel_loop3A_409, %parallel_loop3A_340 : i32
        %parallel_loop3A_411 = arith.index_cast %parallel_loop3A_410 : i32 to index
        %parallel_loop3A_412 = arith.constant 32 : index
        %parallel_loop3A_413 = tpu.vector_load %arg7[%parallel_loop3A_411, %parallel_loop3A_412] {strides = array<i32>} : memref<64x256xf32, #tpu.memory_space<vmem>>, vector<1x16xf32>,
        %parallel_loop3A_414 = vector.shape_cast %parallel_loop3A_413 : vector<1x16xf32> to vector<16xf32>
        %parallel_loop3A_415 = arith.constant 32 : i32
        %parallel_loop3A_416 = arith.addi %sub3A_293, %parallel_loop3A_415 : i32
        %parallel_loop3A_417 = arith.addi %parallel_loop3A_416, %parallel_loop3A_340 : i32
        %parallel_loop3A_418 = arith.index_cast %parallel_loop3A_417 : i32 to index
        %parallel_loop3A_419 = arith.constant 32 : index
        %parallel_loop3A_420 = tpu.vector_load %arg8[%parallel_loop3A_418, %parallel_loop3A_419] {strides = array<i32>} : memref<192x256xf32, #tpu.memory_space<vmem>>, vector<1x16xf32>,
        %parallel_loop3A_421 = vector.shape_cast %parallel_loop3A_420 : vector<1x16xf32> to vector<16xf32>
        %parallel_loop3A_422 = arith.addf %parallel_loop3A_414, %parallel_loop3A_421 : vector<16xf32>
        %parallel_loop3A_423 = arith.index_cast %parallel_loop3A_340 : i32 to index
        %parallel_loop3A_424 = arith.constant 32 : index
        %parallel_loop3A_425 = tpu.vector_load %arg11[%parallel_loop3A_423, %parallel_loop3A_424] {strides = array<i32>} : memref<32x256xf32, #tpu.memory_space<vmem>>, vector<1x16xf32>,
        %parallel_loop3A_426 = vector.shape_cast %parallel_loop3A_425 : vector<1x16xf32> to vector<16xf32>
        %parallel_loop3A_427 = vector.shape_cast %parallel_loop3A_422 : vector<16xf32> to vector<1x16xf32>
        tpu.vector_store %arg11[%parallel_loop3A_423, %parallel_loop3A_424], %parallel_loop3A_427 {strides = array<i32>} : memref<32x256xf32, #tpu.memory_space<vmem>>, vector<1x16xf32>,
        %parallel_loop3A_428 = arith.constant 1 : i32
        %parallel_loop3A_429 = arith.subi %sub3A_293, %parallel_loop3A_428 : i32
        %parallel_loop3A_430 = arith.constant 32 : i32
        %parallel_loop3A_431 = arith.addi %parallel_loop3A_429, %parallel_loop3A_430 : i32
        %parallel_loop3A_432 = arith.addi %parallel_loop3A_431, %parallel_loop3A_340 : i32
        %parallel_loop3A_433 = arith.index_cast %parallel_loop3A_432 : i32 to index
        %parallel_loop3A_434 = arith.constant 32 : index
        %parallel_loop3A_435 = tpu.vector_load %arg8[%parallel_loop3A_433, %parallel_loop3A_434] {strides = array<i32>} : memref<192x256xf32, #tpu.memory_space<vmem>>, vector<1x16xf32>,
        %parallel_loop3A_436 = vector.shape_cast %parallel_loop3A_435 : vector<1x16xf32> to vector<16xf32>
        %parallel_loop3A_437 = arith.addf %parallel_loop3A_414, %parallel_loop3A_436 : vector<16xf32>
        %parallel_loop3A_438 = arith.index_cast %parallel_loop3A_340 : i32 to index
        %parallel_loop3A_439 = arith.constant 32 : index
        %parallel_loop3A_440 = tpu.vector_load %arg12[%parallel_loop3A_438, %parallel_loop3A_439] {strides = array<i32>} : memref<32x256xf32, #tpu.memory_space<vmem>>, vector<1x16xf32>,
        %parallel_loop3A_441 = vector.shape_cast %parallel_loop3A_440 : vector<1x16xf32> to vector<16xf32>
        %parallel_loop3A_442 = vector.shape_cast %parallel_loop3A_437 : vector<16xf32> to vector<1x16xf32>
        tpu.vector_store %arg12[%parallel_loop3A_438, %parallel_loop3A_439], %parallel_loop3A_442 {strides = array<i32>} : memref<32x256xf32, #tpu.memory_space<vmem>>, vector<1x16xf32>,
        %parallel_loop3A_443 = arith.constant 32 : i32
        %parallel_loop3A_444 = arith.addi %parallel_loop3A_443, %parallel_loop3A_340 : i32
        %parallel_loop3A_445 = arith.index_cast %parallel_loop3A_444 : i32 to index
        %parallel_loop3A_446 = arith.constant 48 : index
        %parallel_loop3A_447 = tpu.vector_load %arg7[%parallel_loop3A_445, %parallel_loop3A_446] {strides = array<i32>} : memref<64x256xf32, #tpu.memory_space<vmem>>, vector<1x16xf32>,
        %parallel_loop3A_448 = vector.shape_cast %parallel_loop3A_447 : vector<1x16xf32> to vector<16xf32>
        %parallel_loop3A_449 = arith.constant 32 : i32
        %parallel_loop3A_450 = arith.addi %sub3A_293, %parallel_loop3A_449 : i32
        %parallel_loop3A_451 = arith.addi %parallel_loop3A_450, %parallel_loop3A_340 : i32
        %parallel_loop3A_452 = arith.index_cast %parallel_loop3A_451 : i32 to index
        %parallel_loop3A_453 = arith.constant 48 : index
        %parallel_loop3A_454 = tpu.vector_load %arg8[%parallel_loop3A_452, %parallel_loop3A_453] {strides = array<i32>} : memref<192x256xf32, #tpu.memory_space<vmem>>, vector<1x16xf32>,
        %parallel_loop3A_455 = vector.shape_cast %parallel_loop3A_454 : vector<1x16xf32> to vector<16xf32>
        %parallel_loop3A_456 = arith.addf %parallel_loop3A_448, %parallel_loop3A_455 : vector<16xf32>
        %parallel_loop3A_457 = arith.index_cast %parallel_loop3A_340 : i32 to index
        %parallel_loop3A_458 = arith.constant 48 : index
        %parallel_loop3A_459 = tpu.vector_load %arg11[%parallel_loop3A_457, %parallel_loop3A_458] {strides = array<i32>} : memref<32x256xf32, #tpu.memory_space<vmem>>, vector<1x16xf32>,
        %parallel_loop3A_460 = vector.shape_cast %parallel_loop3A_459 : vector<1x16xf32> to vector<16xf32>
        %parallel_loop3A_461 = vector.shape_cast %parallel_loop3A_456 : vector<16xf32> to vector<1x16xf32>
        tpu.vector_store %arg11[%parallel_loop3A_457, %parallel_loop3A_458], %parallel_loop3A_461 {strides = array<i32>} : memref<32x256xf32, #tpu.memory_space<vmem>>, vector<1x16xf32>,
        %parallel_loop3A_462 = arith.constant 1 : i32
        %parallel_loop3A_463 = arith.subi %sub3A_293, %parallel_loop3A_462 : i32
        %parallel_loop3A_464 = arith.constant 32 : i32
        %parallel_loop3A_465 = arith.addi %parallel_loop3A_463, %parallel_loop3A_464 : i32
        %parallel_loop3A_466 = arith.addi %parallel_loop3A_465, %parallel_loop3A_340 : i32
        %parallel_loop3A_467 = arith.index_cast %parallel_loop3A_466 : i32 to index
        %parallel_loop3A_468 = arith.constant 48 : index
        %parallel_loop3A_469 = tpu.vector_load %arg8[%parallel_loop3A_467, %parallel_loop3A_468] {strides = array<i32>} : memref<192x256xf32, #tpu.memory_space<vmem>>, vector<1x16xf32>,
        %parallel_loop3A_470 = vector.shape_cast %parallel_loop3A_469 : vector<1x16xf32> to vector<16xf32>
        %parallel_loop3A_471 = arith.addf %parallel_loop3A_448, %parallel_loop3A_470 : vector<16xf32>
        %parallel_loop3A_472 = arith.index_cast %parallel_loop3A_340 : i32 to index
        %parallel_loop3A_473 = arith.constant 48 : index
        %parallel_loop3A_474 = tpu.vector_load %arg12[%parallel_loop3A_472, %parallel_loop3A_473] {strides = array<i32>} : memref<32x256xf32, #tpu.memory_space<vmem>>, vector<1x16xf32>,
        %parallel_loop3A_475 = vector.shape_cast %parallel_loop3A_474 : vector<1x16xf32> to vector<16xf32>
        %parallel_loop3A_476 = vector.shape_cast %parallel_loop3A_471 : vector<16xf32> to vector<1x16xf32>
        tpu.vector_store %arg12[%parallel_loop3A_472, %parallel_loop3A_473], %parallel_loop3A_476 {strides = array<i32>} : memref<32x256xf32, #tpu.memory_space<vmem>>, vector<1x16xf32>,
        %parallel_loop3A_477 = arith.constant 32 : i32
        %parallel_loop3A_478 = arith.addi %parallel_loop3A_477, %parallel_loop3A_340 : i32
        %parallel_loop3A_479 = arith.index_cast %parallel_loop3A_478 : i32 to index
        %parallel_loop3A_480 = arith.constant 64 : index
        %parallel_loop3A_481 = tpu.vector_load %arg7[%parallel_loop3A_479, %parallel_loop3A_480] {strides = array<i32>} : memref<64x256xf32, #tpu.memory_space<vmem>>, vector<1x16xf32>,
        %parallel_loop3A_482 = vector.shape_cast %parallel_loop3A_481 : vector<1x16xf32> to vector<16xf32>
        %parallel_loop3A_483 = arith.constant 32 : i32
        %parallel_loop3A_484 = arith.addi %sub3A_293, %parallel_loop3A_483 : i32
        %parallel_loop3A_485 = arith.addi %parallel_loop3A_484, %parallel_loop3A_340 : i32
        %parallel_loop3A_486 = arith.index_cast %parallel_loop3A_485 : i32 to index
        %parallel_loop3A_487 = arith.constant 64 : index
        %parallel_loop3A_488 = tpu.vector_load %arg8[%parallel_loop3A_486, %parallel_loop3A_487] {strides = array<i32>} : memref<192x256xf32, #tpu.memory_space<vmem>>, vector<1x16xf32>,
        %parallel_loop3A_489 = vector.shape_cast %parallel_loop3A_488 : vector<1x16xf32> to vector<16xf32>
        %parallel_loop3A_490 = arith.addf %parallel_loop3A_482, %parallel_loop3A_489 : vector<16xf32>
        %parallel_loop3A_491 = arith.index_cast %parallel_loop3A_340 : i32 to index
        %parallel_loop3A_492 = arith.constant 64 : index
        %parallel_loop3A_493 = tpu.vector_load %arg11[%parallel_loop3A_491, %parallel_loop3A_492] {strides = array<i32>} : memref<32x256xf32, #tpu.memory_space<vmem>>, vector<1x16xf32>,
        %parallel_loop3A_494 = vector.shape_cast %parallel_loop3A_493 : vector<1x16xf32> to vector<16xf32>
        %parallel_loop3A_495 = vector.shape_cast %parallel_loop3A_490 : vector<16xf32> to vector<1x16xf32>
        tpu.vector_store %arg11[%parallel_loop3A_491, %parallel_loop3A_492], %parallel_loop3A_495 {strides = array<i32>} : memref<32x256xf32, #tpu.memory_space<vmem>>, vector<1x16xf32>,
        %parallel_loop3A_496 = arith.constant 1 : i32
        %parallel_loop3A_497 = arith.subi %sub3A_293, %parallel_loop3A_496 : i32
        %parallel_loop3A_498 = arith.constant 32 : i32
        %parallel_loop3A_499 = arith.addi %parallel_loop3A_497, %parallel_loop3A_498 : i32
        %parallel_loop3A_500 = arith.addi %parallel_loop3A_499, %parallel_loop3A_340 : i32
        %parallel_loop3A_501 = arith.index_cast %parallel_loop3A_500 : i32 to index
        %parallel_loop3A_502 = arith.constant 64 : index
        %parallel_loop3A_503 = tpu.vector_load %arg8[%parallel_loop3A_501, %parallel_loop3A_502] {strides = array<i32>} : memref<192x256xf32, #tpu.memory_space<vmem>>, vector<1x16xf32>,
        %parallel_loop3A_504 = vector.shape_cast %parallel_loop3A_503 : vector<1x16xf32> to vector<16xf32>
        %parallel_loop3A_505 = arith.addf %parallel_loop3A_482, %parallel_loop3A_504 : vector<16xf32>
        %parallel_loop3A_506 = arith.index_cast %parallel_loop3A_340 : i32 to index
        %parallel_loop3A_507 = arith.constant 64 : index
        %parallel_loop3A_508 = tpu.vector_load %arg12[%parallel_loop3A_506, %parallel_loop3A_507] {strides = array<i32>} : memref<32x256xf32, #tpu.memory_space<vmem>>, vector<1x16xf32>,
        %parallel_loop3A_509 = vector.shape_cast %parallel_loop3A_508 : vector<1x16xf32> to vector<16xf32>
        %parallel_loop3A_510 = vector.shape_cast %parallel_loop3A_505 : vector<16xf32> to vector<1x16xf32>
        tpu.vector_store %arg12[%parallel_loop3A_506, %parallel_loop3A_507], %parallel_loop3A_510 {strides = array<i32>} : memref<32x256xf32, #tpu.memory_space<vmem>>, vector<1x16xf32>,
        %parallel_loop3A_511 = arith.constant 32 : i32
        %parallel_loop3A_512 = arith.addi %parallel_loop3A_511, %parallel_loop3A_340 : i32
        %parallel_loop3A_513 = arith.index_cast %parallel_loop3A_512 : i32 to index
        %parallel_loop3A_514 = arith.constant 80 : index
        %parallel_loop3A_515 = tpu.vector_load %arg7[%parallel_loop3A_513, %parallel_loop3A_514] {strides = array<i32>} : memref<64x256xf32, #tpu.memory_space<vmem>>, vector<1x16xf32>,
        %parallel_loop3A_516 = vector.shape_cast %parallel_loop3A_515 : vector<1x16xf32> to vector<16xf32>
        %parallel_loop3A_517 = arith.constant 32 : i32
        %parallel_loop3A_518 = arith.addi %sub3A_293, %parallel_loop3A_517 : i32
        %parallel_loop3A_519 = arith.addi %parallel_loop3A_518, %parallel_loop3A_340 : i32
        %parallel_loop3A_520 = arith.index_cast %parallel_loop3A_519 : i32 to index
        %parallel_loop3A_521 = arith.constant 80 : index
        %parallel_loop3A_522 = tpu.vector_load %arg8[%parallel_loop3A_520, %parallel_loop3A_521] {strides = array<i32>} : memref<192x256xf32, #tpu.memory_space<vmem>>, vector<1x16xf32>,
        %parallel_loop3A_523 = vector.shape_cast %parallel_loop3A_522 : vector<1x16xf32> to vector<16xf32>
        %parallel_loop3A_524 = arith.addf %parallel_loop3A_516, %parallel_loop3A_523 : vector<16xf32>
        %parallel_loop3A_525 = arith.index_cast %parallel_loop3A_340 : i32 to index
        %parallel_loop3A_526 = arith.constant 80 : index
        %parallel_loop3A_527 = tpu.vector_load %arg11[%parallel_loop3A_525, %parallel_loop3A_526] {strides = array<i32>} : memref<32x256xf32, #tpu.memory_space<vmem>>, vector<1x16xf32>,
        %parallel_loop3A_528 = vector.shape_cast %parallel_loop3A_527 : vector<1x16xf32> to vector<16xf32>
        %parallel_loop3A_529 = vector.shape_cast %parallel_loop3A_524 : vector<16xf32> to vector<1x16xf32>
        tpu.vector_store %arg11[%parallel_loop3A_525, %parallel_loop3A_526], %parallel_loop3A_529 {strides = array<i32>} : memref<32x256xf32, #tpu.memory_space<vmem>>, vector<1x16xf32>,
        %parallel_loop3A_530 = arith.constant 1 : i32
        %parallel_loop3A_531 = arith.subi %sub3A_293, %parallel_loop3A_530 : i32
        %parallel_loop3A_532 = arith.constant 32 : i32
        %parallel_loop3A_533 = arith.addi %parallel_loop3A_531, %parallel_loop3A_532 : i32
        %parallel_loop3A_534 = arith.addi %parallel_loop3A_533, %parallel_loop3A_340 : i32
        %parallel_loop3A_535 = arith.index_cast %parallel_loop3A_534 : i32 to index
        %parallel_loop3A_536 = arith.constant 80 : index
        %parallel_loop3A_537 = tpu.vector_load %arg8[%parallel_loop3A_535, %parallel_loop3A_536] {strides = array<i32>} : memref<192x256xf32, #tpu.memory_space<vmem>>, vector<1x16xf32>,
        %parallel_loop3A_538 = vector.shape_cast %parallel_loop3A_537 : vector<1x16xf32> to vector<16xf32>
        %parallel_loop3A_539 = arith.addf %parallel_loop3A_516, %parallel_loop3A_538 : vector<16xf32>
        %parallel_loop3A_540 = arith.index_cast %parallel_loop3A_340 : i32 to index
        %parallel_loop3A_541 = arith.constant 80 : index
        %parallel_loop3A_542 = tpu.vector_load %arg12[%parallel_loop3A_540, %parallel_loop3A_541] {strides = array<i32>} : memref<32x256xf32, #tpu.memory_space<vmem>>, vector<1x16xf32>,
        %parallel_loop3A_543 = vector.shape_cast %parallel_loop3A_542 : vector<1x16xf32> to vector<16xf32>
        %parallel_loop3A_544 = vector.shape_cast %parallel_loop3A_539 : vector<16xf32> to vector<1x16xf32>
        tpu.vector_store %arg12[%parallel_loop3A_540, %parallel_loop3A_541], %parallel_loop3A_544 {strides = array<i32>} : memref<32x256xf32, #tpu.memory_space<vmem>>, vector<1x16xf32>,
        %parallel_loop3A_545 = arith.constant 32 : i32
        %parallel_loop3A_546 = arith.addi %parallel_loop3A_545, %parallel_loop3A_340 : i32
        %parallel_loop3A_547 = arith.index_cast %parallel_loop3A_546 : i32 to index
        %parallel_loop3A_548 = arith.constant 96 : index
        %parallel_loop3A_549 = tpu.vector_load %arg7[%parallel_loop3A_547, %parallel_loop3A_548] {strides = array<i32>} : memref<64x256xf32, #tpu.memory_space<vmem>>, vector<1x16xf32>,
        %parallel_loop3A_550 = vector.shape_cast %parallel_loop3A_549 : vector<1x16xf32> to vector<16xf32>
        %parallel_loop3A_551 = arith.constant 32 : i32
        %parallel_loop3A_552 = arith.addi %sub3A_293, %parallel_loop3A_551 : i32
        %parallel_loop3A_553 = arith.addi %parallel_loop3A_552, %parallel_loop3A_340 : i32
        %parallel_loop3A_554 = arith.index_cast %parallel_loop3A_553 : i32 to index
        %parallel_loop3A_555 = arith.constant 96 : index
        %parallel_loop3A_556 = tpu.vector_load %arg8[%parallel_loop3A_554, %parallel_loop3A_555] {strides = array<i32>} : memref<192x256xf32, #tpu.memory_space<vmem>>, vector<1x16xf32>,
        %parallel_loop3A_557 = vector.shape_cast %parallel_loop3A_556 : vector<1x16xf32> to vector<16xf32>
        %parallel_loop3A_558 = arith.addf %parallel_loop3A_550, %parallel_loop3A_557 : vector<16xf32>
        %parallel_loop3A_559 = arith.index_cast %parallel_loop3A_340 : i32 to index
        %parallel_loop3A_560 = arith.constant 96 : index
        %parallel_loop3A_561 = tpu.vector_load %arg11[%parallel_loop3A_559, %parallel_loop3A_560] {strides = array<i32>} : memref<32x256xf32, #tpu.memory_space<vmem>>, vector<1x16xf32>,
        %parallel_loop3A_562 = vector.shape_cast %parallel_loop3A_561 : vector<1x16xf32> to vector<16xf32>
        %parallel_loop3A_563 = vector.shape_cast %parallel_loop3A_558 : vector<16xf32> to vector<1x16xf32>
        tpu.vector_store %arg11[%parallel_loop3A_559, %parallel_loop3A_560], %parallel_loop3A_563 {strides = array<i32>} : memref<32x256xf32, #tpu.memory_space<vmem>>, vector<1x16xf32>,
        %parallel_loop3A_564 = arith.constant 1 : i32
        %parallel_loop3A_565 = arith.subi %sub3A_293, %parallel_loop3A_564 : i32
        %parallel_loop3A_566 = arith.constant 32 : i32
        %parallel_loop3A_567 = arith.addi %parallel_loop3A_565, %parallel_loop3A_566 : i32
        %parallel_loop3A_568 = arith.addi %parallel_loop3A_567, %parallel_loop3A_340 : i32
        %parallel_loop3A_569 = arith.index_cast %parallel_loop3A_568 : i32 to index
        %parallel_loop3A_570 = arith.constant 96 : index
        %parallel_loop3A_571 = tpu.vector_load %arg8[%parallel_loop3A_569, %parallel_loop3A_570] {strides = array<i32>} : memref<192x256xf32, #tpu.memory_space<vmem>>, vector<1x16xf32>,
        %parallel_loop3A_572 = vector.shape_cast %parallel_loop3A_571 : vector<1x16xf32> to vector<16xf32>
        %parallel_loop3A_573 = arith.addf %parallel_loop3A_550, %parallel_loop3A_572 : vector<16xf32>
        %parallel_loop3A_574 = arith.index_cast %parallel_loop3A_340 : i32 to index
        %parallel_loop3A_575 = arith.constant 96 : index
        %parallel_loop3A_576 = tpu.vector_load %arg12[%parallel_loop3A_574, %parallel_loop3A_575] {strides = array<i32>} : memref<32x256xf32, #tpu.memory_space<vmem>>, vector<1x16xf32>,
        %parallel_loop3A_577 = vector.shape_cast %parallel_loop3A_576 : vector<1x16xf32> to vector<16xf32>
        %parallel_loop3A_578 = vector.shape_cast %parallel_loop3A_573 : vector<16xf32> to vector<1x16xf32>
        tpu.vector_store %arg12[%parallel_loop3A_574, %parallel_loop3A_575], %parallel_loop3A_578 {strides = array<i32>} : memref<32x256xf32, #tpu.memory_space<vmem>>, vector<1x16xf32>,
        %parallel_loop3A_579 = arith.constant 32 : i32
        %parallel_loop3A_580 = arith.addi %parallel_loop3A_579, %parallel_loop3A_340 : i32
        %parallel_loop3A_581 = arith.index_cast %parallel_loop3A_580 : i32 to index
        %parallel_loop3A_582 = arith.constant 112 : index
        %parallel_loop3A_583 = tpu.vector_load %arg7[%parallel_loop3A_581, %parallel_loop3A_582] {strides = array<i32>} : memref<64x256xf32, #tpu.memory_space<vmem>>, vector<1x16xf32>,
        %parallel_loop3A_584 = vector.shape_cast %parallel_loop3A_583 : vector<1x16xf32> to vector<16xf32>
        %parallel_loop3A_585 = arith.constant 32 : i32
        %parallel_loop3A_586 = arith.addi %sub3A_293, %parallel_loop3A_585 : i32
        %parallel_loop3A_587 = arith.addi %parallel_loop3A_586, %parallel_loop3A_340 : i32
        %parallel_loop3A_588 = arith.index_cast %parallel_loop3A_587 : i32 to index
        %parallel_loop3A_589 = arith.constant 112 : index
        %parallel_loop3A_590 = tpu.vector_load %arg8[%parallel_loop3A_588, %parallel_loop3A_589] {strides = array<i32>} : memref<192x256xf32, #tpu.memory_space<vmem>>, vector<1x16xf32>,
        %parallel_loop3A_591 = vector.shape_cast %parallel_loop3A_590 : vector<1x16xf32> to vector<16xf32>
        %parallel_loop3A_592 = arith.addf %parallel_loop3A_584, %parallel_loop3A_591 : vector<16xf32>
        %parallel_loop3A_593 = arith.index_cast %parallel_loop3A_340 : i32 to index
        %parallel_loop3A_594 = arith.constant 112 : index
        %parallel_loop3A_595 = tpu.vector_load %arg11[%parallel_loop3A_593, %parallel_loop3A_594] {strides = array<i32>} : memref<32x256xf32, #tpu.memory_space<vmem>>, vector<1x16xf32>,
        %parallel_loop3A_596 = vector.shape_cast %parallel_loop3A_595 : vector<1x16xf32> to vector<16xf32>
        %parallel_loop3A_597 = vector.shape_cast %parallel_loop3A_592 : vector<16xf32> to vector<1x16xf32>
        tpu.vector_store %arg11[%parallel_loop3A_593, %parallel_loop3A_594], %parallel_loop3A_597 {strides = array<i32>} : memref<32x256xf32, #tpu.memory_space<vmem>>, vector<1x16xf32>,
        %parallel_loop3A_598 = arith.constant 1 : i32
        %parallel_loop3A_599 = arith.subi %sub3A_293, %parallel_loop3A_598 : i32
        %parallel_loop3A_600 = arith.constant 32 : i32
        %parallel_loop3A_601 = arith.addi %parallel_loop3A_599, %parallel_loop3A_600 : i32
        %parallel_loop3A_602 = arith.addi %parallel_loop3A_601, %parallel_loop3A_340 : i32
        %parallel_loop3A_603 = arith.index_cast %parallel_loop3A_602 : i32 to index
        %parallel_loop3A_604 = arith.constant 112 : index
        %parallel_loop3A_605 = tpu.vector_load %arg8[%parallel_loop3A_603, %parallel_loop3A_604] {strides = array<i32>} : memref<192x256xf32, #tpu.memory_space<vmem>>, vector<1x16xf32>,
        %parallel_loop3A_606 = vector.shape_cast %parallel_loop3A_605 : vector<1x16xf32> to vector<16xf32>
        %parallel_loop3A_607 = arith.addf %parallel_loop3A_584, %parallel_loop3A_606 : vector<16xf32>
        %parallel_loop3A_608 = arith.index_cast %parallel_loop3A_340 : i32 to index
        %parallel_loop3A_609 = arith.constant 112 : index
        %parallel_loop3A_610 = tpu.vector_load %arg12[%parallel_loop3A_608, %parallel_loop3A_609] {strides = array<i32>} : memref<32x256xf32, #tpu.memory_space<vmem>>, vector<1x16xf32>,
        %parallel_loop3A_611 = vector.shape_cast %parallel_loop3A_610 : vector<1x16xf32> to vector<16xf32>
        %parallel_loop3A_612 = vector.shape_cast %parallel_loop3A_607 : vector<16xf32> to vector<1x16xf32>
        tpu.vector_store %arg12[%parallel_loop3A_608, %parallel_loop3A_609], %parallel_loop3A_612 {strides = array<i32>} : memref<32x256xf32, #tpu.memory_space<vmem>>, vector<1x16xf32>,
        %parallel_loop3A_613 = arith.constant 32 : i32
        %parallel_loop3A_614 = arith.addi %parallel_loop3A_613, %parallel_loop3A_340 : i32
        %parallel_loop3A_615 = arith.index_cast %parallel_loop3A_614 : i32 to index
        %parallel_loop3A_616 = arith.constant 128 : index
        %parallel_loop3A_617 = tpu.vector_load %arg7[%parallel_loop3A_615, %parallel_loop3A_616] {strides = array<i32>} : memref<64x256xf32, #tpu.memory_space<vmem>>, vector<1x16xf32>,
        %parallel_loop3A_618 = vector.shape_cast %parallel_loop3A_617 : vector<1x16xf32> to vector<16xf32>
        %parallel_loop3A_619 = arith.constant 32 : i32
        %parallel_loop3A_620 = arith.addi %sub3A_293, %parallel_loop3A_619 : i32
        %parallel_loop3A_621 = arith.addi %parallel_loop3A_620, %parallel_loop3A_340 : i32
        %parallel_loop3A_622 = arith.index_cast %parallel_loop3A_621 : i32 to index
        %parallel_loop3A_623 = arith.constant 128 : index
        %parallel_loop3A_624 = tpu.vector_load %arg8[%parallel_loop3A_622, %parallel_loop3A_623] {strides = array<i32>} : memref<192x256xf32, #tpu.memory_space<vmem>>, vector<1x16xf32>,
        %parallel_loop3A_625 = vector.shape_cast %parallel_loop3A_624 : vector<1x16xf32> to vector<16xf32>
        %parallel_loop3A_626 = arith.addf %parallel_loop3A_618, %parallel_loop3A_625 : vector<16xf32>
        %parallel_loop3A_627 = arith.index_cast %parallel_loop3A_340 : i32 to index
        %parallel_loop3A_628 = arith.constant 128 : index
        %parallel_loop3A_629 = tpu.vector_load %arg11[%parallel_loop3A_627, %parallel_loop3A_628] {strides = array<i32>} : memref<32x256xf32, #tpu.memory_space<vmem>>, vector<1x16xf32>,
        %parallel_loop3A_630 = vector.shape_cast %parallel_loop3A_629 : vector<1x16xf32> to vector<16xf32>
        %parallel_loop3A_631 = vector.shape_cast %parallel_loop3A_626 : vector<16xf32> to vector<1x16xf32>
        tpu.vector_store %arg11[%parallel_loop3A_627, %parallel_loop3A_628], %parallel_loop3A_631 {strides = array<i32>} : memref<32x256xf32, #tpu.memory_space<vmem>>, vector<1x16xf32>,
        %parallel_loop3A_632 = arith.constant 1 : i32
        %parallel_loop3A_633 = arith.subi %sub3A_293, %parallel_loop3A_632 : i32
        %parallel_loop3A_634 = arith.constant 32 : i32
        %parallel_loop3A_635 = arith.addi %parallel_loop3A_633, %parallel_loop3A_634 : i32
        %parallel_loop3A_636 = arith.addi %parallel_loop3A_635, %parallel_loop3A_340 : i32
        %parallel_loop3A_637 = arith.index_cast %parallel_loop3A_636 : i32 to index
        %parallel_loop3A_638 = arith.constant 128 : index
        %parallel_loop3A_639 = tpu.vector_load %arg8[%parallel_loop3A_637, %parallel_loop3A_638] {strides = array<i32>} : memref<192x256xf32, #tpu.memory_space<vmem>>, vector<1x16xf32>,
        %parallel_loop3A_640 = vector.shape_cast %parallel_loop3A_639 : vector<1x16xf32> to vector<16xf32>
        %parallel_loop3A_641 = arith.addf %parallel_loop3A_618, %parallel_loop3A_640 : vector<16xf32>
        %parallel_loop3A_642 = arith.index_cast %parallel_loop3A_340 : i32 to index
        %parallel_loop3A_643 = arith.constant 128 : index
        %parallel_loop3A_644 = tpu.vector_load %arg12[%parallel_loop3A_642, %parallel_loop3A_643] {strides = array<i32>} : memref<32x256xf32, #tpu.memory_space<vmem>>, vector<1x16xf32>,
        %parallel_loop3A_645 = vector.shape_cast %parallel_loop3A_644 : vector<1x16xf32> to vector<16xf32>
        %parallel_loop3A_646 = vector.shape_cast %parallel_loop3A_641 : vector<16xf32> to vector<1x16xf32>
        tpu.vector_store %arg12[%parallel_loop3A_642, %parallel_loop3A_643], %parallel_loop3A_646 {strides = array<i32>} : memref<32x256xf32, #tpu.memory_space<vmem>>, vector<1x16xf32>,
        %parallel_loop3A_647 = arith.constant 32 : i32
        %parallel_loop3A_648 = arith.addi %parallel_loop3A_647, %parallel_loop3A_340 : i32
        %parallel_loop3A_649 = arith.index_cast %parallel_loop3A_648 : i32 to index
        %parallel_loop3A_650 = arith.constant 144 : index
        %parallel_loop3A_651 = tpu.vector_load %arg7[%parallel_loop3A_649, %parallel_loop3A_650] {strides = array<i32>} : memref<64x256xf32, #tpu.memory_space<vmem>>, vector<1x16xf32>,
        %parallel_loop3A_652 = vector.shape_cast %parallel_loop3A_651 : vector<1x16xf32> to vector<16xf32>
        %parallel_loop3A_653 = arith.constant 32 : i32
        %parallel_loop3A_654 = arith.addi %sub3A_293, %parallel_loop3A_653 : i32
        %parallel_loop3A_655 = arith.addi %parallel_loop3A_654, %parallel_loop3A_340 : i32
        %parallel_loop3A_656 = arith.index_cast %parallel_loop3A_655 : i32 to index
        %parallel_loop3A_657 = arith.constant 144 : index
        %parallel_loop3A_658 = tpu.vector_load %arg8[%parallel_loop3A_656, %parallel_loop3A_657] {strides = array<i32>} : memref<192x256xf32, #tpu.memory_space<vmem>>, vector<1x16xf32>,
        %parallel_loop3A_659 = vector.shape_cast %parallel_loop3A_658 : vector<1x16xf32> to vector<16xf32>
        %parallel_loop3A_660 = arith.addf %parallel_loop3A_652, %parallel_loop3A_659 : vector<16xf32>
        %parallel_loop3A_661 = arith.index_cast %parallel_loop3A_340 : i32 to index
        %parallel_loop3A_662 = arith.constant 144 : index
        %parallel_loop3A_663 = tpu.vector_load %arg11[%parallel_loop3A_661, %parallel_loop3A_662] {strides = array<i32>} : memref<32x256xf32, #tpu.memory_space<vmem>>, vector<1x16xf32>,
        %parallel_loop3A_664 = vector.shape_cast %parallel_loop3A_663 : vector<1x16xf32> to vector<16xf32>
        %parallel_loop3A_665 = vector.shape_cast %parallel_loop3A_660 : vector<16xf32> to vector<1x16xf32>
        tpu.vector_store %arg11[%parallel_loop3A_661, %parallel_loop3A_662], %parallel_loop3A_665 {strides = array<i32>} : memref<32x256xf32, #tpu.memory_space<vmem>>, vector<1x16xf32>,
        %parallel_loop3A_666 = arith.constant 1 : i32
        %parallel_loop3A_667 = arith.subi %sub3A_293, %parallel_loop3A_666 : i32
        %parallel_loop3A_668 = arith.constant 32 : i32
        %parallel_loop3A_669 = arith.addi %parallel_loop3A_667, %parallel_loop3A_668 : i32
        %parallel_loop3A_670 = arith.addi %parallel_loop3A_669, %parallel_loop3A_340 : i32
        %parallel_loop3A_671 = arith.index_cast %parallel_loop3A_670 : i32 to index
        %parallel_loop3A_672 = arith.constant 144 : index
        %parallel_loop3A_673 = tpu.vector_load %arg8[%parallel_loop3A_671, %parallel_loop3A_672] {strides = array<i32>} : memref<192x256xf32, #tpu.memory_space<vmem>>, vector<1x16xf32>,
        %parallel_loop3A_674 = vector.shape_cast %parallel_loop3A_673 : vector<1x16xf32> to vector<16xf32>
        %parallel_loop3A_675 = arith.addf %parallel_loop3A_652, %parallel_loop3A_674 : vector<16xf32>
        %parallel_loop3A_676 = arith.index_cast %parallel_loop3A_340 : i32 to index
        %parallel_loop3A_677 = arith.constant 144 : index
        %parallel_loop3A_678 = tpu.vector_load %arg12[%parallel_loop3A_676, %parallel_loop3A_677] {strides = array<i32>} : memref<32x256xf32, #tpu.memory_space<vmem>>, vector<1x16xf32>,
        %parallel_loop3A_679 = vector.shape_cast %parallel_loop3A_678 : vector<1x16xf32> to vector<16xf32>
        %parallel_loop3A_680 = vector.shape_cast %parallel_loop3A_675 : vector<16xf32> to vector<1x16xf32>
        tpu.vector_store %arg12[%parallel_loop3A_676, %parallel_loop3A_677], %parallel_loop3A_680 {strides = array<i32>} : memref<32x256xf32, #tpu.memory_space<vmem>>, vector<1x16xf32>,
        %parallel_loop3A_681 = arith.constant 32 : i32
        %parallel_loop3A_682 = arith.addi %parallel_loop3A_681, %parallel_loop3A_340 : i32
        %parallel_loop3A_683 = arith.index_cast %parallel_loop3A_682 : i32 to index
        %parallel_loop3A_684 = arith.constant 160 : index
        %parallel_loop3A_685 = tpu.vector_load %arg7[%parallel_loop3A_683, %parallel_loop3A_684] {strides = array<i32>} : memref<64x256xf32, #tpu.memory_space<vmem>>, vector<1x16xf32>,
        %parallel_loop3A_686 = vector.shape_cast %parallel_loop3A_685 : vector<1x16xf32> to vector<16xf32>
        %parallel_loop3A_687 = arith.constant 32 : i32
        %parallel_loop3A_688 = arith.addi %sub3A_293, %parallel_loop3A_687 : i32
        %parallel_loop3A_689 = arith.addi %parallel_loop3A_688, %parallel_loop3A_340 : i32
        %parallel_loop3A_690 = arith.index_cast %parallel_loop3A_689 : i32 to index
        %parallel_loop3A_691 = arith.constant 160 : index
        %parallel_loop3A_692 = tpu.vector_load %arg8[%parallel_loop3A_690, %parallel_loop3A_691] {strides = array<i32>} : memref<192x256xf32, #tpu.memory_space<vmem>>, vector<1x16xf32>,
        %parallel_loop3A_693 = vector.shape_cast %parallel_loop3A_692 : vector<1x16xf32> to vector<16xf32>
        %parallel_loop3A_694 = arith.addf %parallel_loop3A_686, %parallel_loop3A_693 : vector<16xf32>
        %parallel_loop3A_695 = arith.index_cast %parallel_loop3A_340 : i32 to index
        %parallel_loop3A_696 = arith.constant 160 : index
        %parallel_loop3A_697 = tpu.vector_load %arg11[%parallel_loop3A_695, %parallel_loop3A_696] {strides = array<i32>} : memref<32x256xf32, #tpu.memory_space<vmem>>, vector<1x16xf32>,
        %parallel_loop3A_698 = vector.shape_cast %parallel_loop3A_697 : vector<1x16xf32> to vector<16xf32>
        %parallel_loop3A_699 = vector.shape_cast %parallel_loop3A_694 : vector<16xf32> to vector<1x16xf32>
        tpu.vector_store %arg11[%parallel_loop3A_695, %parallel_loop3A_696], %parallel_loop3A_699 {strides = array<i32>} : memref<32x256xf32, #tpu.memory_space<vmem>>, vector<1x16xf32>,
        %parallel_loop3A_700 = arith.constant 1 : i32
        %parallel_loop3A_701 = arith.subi %sub3A_293, %parallel_loop3A_700 : i32
        %parallel_loop3A_702 = arith.constant 32 : i32
        %parallel_loop3A_703 = arith.addi %parallel_loop3A_701, %parallel_loop3A_702 : i32
        %parallel_loop3A_704 = arith.addi %parallel_loop3A_703, %parallel_loop3A_340 : i32
        %parallel_loop3A_705 = arith.index_cast %parallel_loop3A_704 : i32 to index
        %parallel_loop3A_706 = arith.constant 160 : index
        %parallel_loop3A_707 = tpu.vector_load %arg8[%parallel_loop3A_705, %parallel_loop3A_706] {strides = array<i32>} : memref<192x256xf32, #tpu.memory_space<vmem>>, vector<1x16xf32>,
        %parallel_loop3A_708 = vector.shape_cast %parallel_loop3A_707 : vector<1x16xf32> to vector<16xf32>
        %parallel_loop3A_709 = arith.addf %parallel_loop3A_686, %parallel_loop3A_708 : vector<16xf32>
        %parallel_loop3A_710 = arith.index_cast %parallel_loop3A_340 : i32 to index
        %parallel_loop3A_711 = arith.constant 160 : index
        %parallel_loop3A_712 = tpu.vector_load %arg12[%parallel_loop3A_710, %parallel_loop3A_711] {strides = array<i32>} : memref<32x256xf32, #tpu.memory_space<vmem>>, vector<1x16xf32>,
        %parallel_loop3A_713 = vector.shape_cast %parallel_loop3A_712 : vector<1x16xf32> to vector<16xf32>
        %parallel_loop3A_714 = vector.shape_cast %parallel_loop3A_709 : vector<16xf32> to vector<1x16xf32>
        tpu.vector_store %arg12[%parallel_loop3A_710, %parallel_loop3A_711], %parallel_loop3A_714 {strides = array<i32>} : memref<32x256xf32, #tpu.memory_space<vmem>>, vector<1x16xf32>,
        %parallel_loop3A_715 = arith.constant 32 : i32
        %parallel_loop3A_716 = arith.addi %parallel_loop3A_715, %parallel_loop3A_340 : i32
        %parallel_loop3A_717 = arith.index_cast %parallel_loop3A_716 : i32 to index
        %parallel_loop3A_718 = arith.constant 176 : index
        %parallel_loop3A_719 = tpu.vector_load %arg7[%parallel_loop3A_717, %parallel_loop3A_718] {strides = array<i32>} : memref<64x256xf32, #tpu.memory_space<vmem>>, vector<1x16xf32>,
        %parallel_loop3A_720 = vector.shape_cast %parallel_loop3A_719 : vector<1x16xf32> to vector<16xf32>
        %parallel_loop3A_721 = arith.constant 32 : i32
        %parallel_loop3A_722 = arith.addi %sub3A_293, %parallel_loop3A_721 : i32
        %parallel_loop3A_723 = arith.addi %parallel_loop3A_722, %parallel_loop3A_340 : i32
        %parallel_loop3A_724 = arith.index_cast %parallel_loop3A_723 : i32 to index
        %parallel_loop3A_725 = arith.constant 176 : index
        %parallel_loop3A_726 = tpu.vector_load %arg8[%parallel_loop3A_724, %parallel_loop3A_725] {strides = array<i32>} : memref<192x256xf32, #tpu.memory_space<vmem>>, vector<1x16xf32>,
        %parallel_loop3A_727 = vector.shape_cast %parallel_loop3A_726 : vector<1x16xf32> to vector<16xf32>
        %parallel_loop3A_728 = arith.addf %parallel_loop3A_720, %parallel_loop3A_727 : vector<16xf32>
        %parallel_loop3A_729 = arith.index_cast %parallel_loop3A_340 : i32 to index
        %parallel_loop3A_730 = arith.constant 176 : index
        %parallel_loop3A_731 = tpu.vector_load %arg11[%parallel_loop3A_729, %parallel_loop3A_730] {strides = array<i32>} : memref<32x256xf32, #tpu.memory_space<vmem>>, vector<1x16xf32>,
        %parallel_loop3A_732 = vector.shape_cast %parallel_loop3A_731 : vector<1x16xf32> to vector<16xf32>
        %parallel_loop3A_733 = vector.shape_cast %parallel_loop3A_728 : vector<16xf32> to vector<1x16xf32>
        tpu.vector_store %arg11[%parallel_loop3A_729, %parallel_loop3A_730], %parallel_loop3A_733 {strides = array<i32>} : memref<32x256xf32, #tpu.memory_space<vmem>>, vector<1x16xf32>,
        %parallel_loop3A_734 = arith.constant 1 : i32
        %parallel_loop3A_735 = arith.subi %sub3A_293, %parallel_loop3A_734 : i32
        %parallel_loop3A_736 = arith.constant 32 : i32
        %parallel_loop3A_737 = arith.addi %parallel_loop3A_735, %parallel_loop3A_736 : i32
        %parallel_loop3A_738 = arith.addi %parallel_loop3A_737, %parallel_loop3A_340 : i32
        %parallel_loop3A_739 = arith.index_cast %parallel_loop3A_738 : i32 to index
        %parallel_loop3A_740 = arith.constant 176 : index
        %parallel_loop3A_741 = tpu.vector_load %arg8[%parallel_loop3A_739, %parallel_loop3A_740] {strides = array<i32>} : memref<192x256xf32, #tpu.memory_space<vmem>>, vector<1x16xf32>,
        %parallel_loop3A_742 = vector.shape_cast %parallel_loop3A_741 : vector<1x16xf32> to vector<16xf32>
        %parallel_loop3A_743 = arith.addf %parallel_loop3A_720, %parallel_loop3A_742 : vector<16xf32>
        %parallel_loop3A_744 = arith.index_cast %parallel_loop3A_340 : i32 to index
        %parallel_loop3A_745 = arith.constant 176 : index
        %parallel_loop3A_746 = tpu.vector_load %arg12[%parallel_loop3A_744, %parallel_loop3A_745] {strides = array<i32>} : memref<32x256xf32, #tpu.memory_space<vmem>>, vector<1x16xf32>,
        %parallel_loop3A_747 = vector.shape_cast %parallel_loop3A_746 : vector<1x16xf32> to vector<16xf32>
        %parallel_loop3A_748 = vector.shape_cast %parallel_loop3A_743 : vector<16xf32> to vector<1x16xf32>
        tpu.vector_store %arg12[%parallel_loop3A_744, %parallel_loop3A_745], %parallel_loop3A_748 {strides = array<i32>} : memref<32x256xf32, #tpu.memory_space<vmem>>, vector<1x16xf32>,
        %parallel_loop3A_749 = arith.constant 32 : i32
        %parallel_loop3A_750 = arith.addi %parallel_loop3A_749, %parallel_loop3A_340 : i32
        %parallel_loop3A_751 = arith.index_cast %parallel_loop3A_750 : i32 to index
        %parallel_loop3A_752 = arith.constant 192 : index
        %parallel_loop3A_753 = tpu.vector_load %arg7[%parallel_loop3A_751, %parallel_loop3A_752] {strides = array<i32>} : memref<64x256xf32, #tpu.memory_space<vmem>>, vector<1x16xf32>,
        %parallel_loop3A_754 = vector.shape_cast %parallel_loop3A_753 : vector<1x16xf32> to vector<16xf32>
        %parallel_loop3A_755 = arith.constant 32 : i32
        %parallel_loop3A_756 = arith.addi %sub3A_293, %parallel_loop3A_755 : i32
        %parallel_loop3A_757 = arith.addi %parallel_loop3A_756, %parallel_loop3A_340 : i32
        %parallel_loop3A_758 = arith.index_cast %parallel_loop3A_757 : i32 to index
        %parallel_loop3A_759 = arith.constant 192 : index
        %parallel_loop3A_760 = tpu.vector_load %arg8[%parallel_loop3A_758, %parallel_loop3A_759] {strides = array<i32>} : memref<192x256xf32, #tpu.memory_space<vmem>>, vector<1x16xf32>,
        %parallel_loop3A_761 = vector.shape_cast %parallel_loop3A_760 : vector<1x16xf32> to vector<16xf32>
        %parallel_loop3A_762 = arith.addf %parallel_loop3A_754, %parallel_loop3A_761 : vector<16xf32>
        %parallel_loop3A_763 = arith.index_cast %parallel_loop3A_340 : i32 to index
        %parallel_loop3A_764 = arith.constant 192 : index
        %parallel_loop3A_765 = tpu.vector_load %arg11[%parallel_loop3A_763, %parallel_loop3A_764] {strides = array<i32>} : memref<32x256xf32, #tpu.memory_space<vmem>>, vector<1x16xf32>,
        %parallel_loop3A_766 = vector.shape_cast %parallel_loop3A_765 : vector<1x16xf32> to vector<16xf32>
        %parallel_loop3A_767 = vector.shape_cast %parallel_loop3A_762 : vector<16xf32> to vector<1x16xf32>
        tpu.vector_store %arg11[%parallel_loop3A_763, %parallel_loop3A_764], %parallel_loop3A_767 {strides = array<i32>} : memref<32x256xf32, #tpu.memory_space<vmem>>, vector<1x16xf32>,
        %parallel_loop3A_768 = arith.constant 1 : i32
        %parallel_loop3A_769 = arith.subi %sub3A_293, %parallel_loop3A_768 : i32
        %parallel_loop3A_770 = arith.constant 32 : i32
        %parallel_loop3A_771 = arith.addi %parallel_loop3A_769, %parallel_loop3A_770 : i32
        %parallel_loop3A_772 = arith.addi %parallel_loop3A_771, %parallel_loop3A_340 : i32
        %parallel_loop3A_773 = arith.index_cast %parallel_loop3A_772 : i32 to index
        %parallel_loop3A_774 = arith.constant 192 : index
        %parallel_loop3A_775 = tpu.vector_load %arg8[%parallel_loop3A_773, %parallel_loop3A_774] {strides = array<i32>} : memref<192x256xf32, #tpu.memory_space<vmem>>, vector<1x16xf32>,
        %parallel_loop3A_776 = vector.shape_cast %parallel_loop3A_775 : vector<1x16xf32> to vector<16xf32>
        %parallel_loop3A_777 = arith.addf %parallel_loop3A_754, %parallel_loop3A_776 : vector<16xf32>
        %parallel_loop3A_778 = arith.index_cast %parallel_loop3A_340 : i32 to index
        %parallel_loop3A_779 = arith.constant 192 : index
        %parallel_loop3A_780 = tpu.vector_load %arg12[%parallel_loop3A_778, %parallel_loop3A_779] {strides = array<i32>} : memref<32x256xf32, #tpu.memory_space<vmem>>, vector<1x16xf32>,
        %parallel_loop3A_781 = vector.shape_cast %parallel_loop3A_780 : vector<1x16xf32> to vector<16xf32>
        %parallel_loop3A_782 = vector.shape_cast %parallel_loop3A_777 : vector<16xf32> to vector<1x16xf32>
        tpu.vector_store %arg12[%parallel_loop3A_778, %parallel_loop3A_779], %parallel_loop3A_782 {strides = array<i32>} : memref<32x256xf32, #tpu.memory_space<vmem>>, vector<1x16xf32>,
        %parallel_loop3A_783 = arith.constant 32 : i32
        %parallel_loop3A_784 = arith.addi %parallel_loop3A_783, %parallel_loop3A_340 : i32
        %parallel_loop3A_785 = arith.index_cast %parallel_loop3A_784 : i32 to index
        %parallel_loop3A_786 = arith.constant 208 : index
        %parallel_loop3A_787 = tpu.vector_load %arg7[%parallel_loop3A_785, %parallel_loop3A_786] {strides = array<i32>} : memref<64x256xf32, #tpu.memory_space<vmem>>, vector<1x16xf32>,
        %parallel_loop3A_788 = vector.shape_cast %parallel_loop3A_787 : vector<1x16xf32> to vector<16xf32>
        %parallel_loop3A_789 = arith.constant 32 : i32
        %parallel_loop3A_790 = arith.addi %sub3A_293, %parallel_loop3A_789 : i32
        %parallel_loop3A_791 = arith.addi %parallel_loop3A_790, %parallel_loop3A_340 : i32
        %parallel_loop3A_792 = arith.index_cast %parallel_loop3A_791 : i32 to index
        %parallel_loop3A_793 = arith.constant 208 : index
        %parallel_loop3A_794 = tpu.vector_load %arg8[%parallel_loop3A_792, %parallel_loop3A_793] {strides = array<i32>} : memref<192x256xf32, #tpu.memory_space<vmem>>, vector<1x16xf32>,
        %parallel_loop3A_795 = vector.shape_cast %parallel_loop3A_794 : vector<1x16xf32> to vector<16xf32>
        %parallel_loop3A_796 = arith.addf %parallel_loop3A_788, %parallel_loop3A_795 : vector<16xf32>
        %parallel_loop3A_797 = arith.index_cast %parallel_loop3A_340 : i32 to index
        %parallel_loop3A_798 = arith.constant 208 : index
        %parallel_loop3A_799 = tpu.vector_load %arg11[%parallel_loop3A_797, %parallel_loop3A_798] {strides = array<i32>} : memref<32x256xf32, #tpu.memory_space<vmem>>, vector<1x16xf32>,
        %parallel_loop3A_800 = vector.shape_cast %parallel_loop3A_799 : vector<1x16xf32> to vector<16xf32>
        %parallel_loop3A_801 = vector.shape_cast %parallel_loop3A_796 : vector<16xf32> to vector<1x16xf32>
        tpu.vector_store %arg11[%parallel_loop3A_797, %parallel_loop3A_798], %parallel_loop3A_801 {strides = array<i32>} : memref<32x256xf32, #tpu.memory_space<vmem>>, vector<1x16xf32>,
        %parallel_loop3A_802 = arith.constant 1 : i32
        %parallel_loop3A_803 = arith.subi %sub3A_293, %parallel_loop3A_802 : i32
        %parallel_loop3A_804 = arith.constant 32 : i32
        %parallel_loop3A_805 = arith.addi %parallel_loop3A_803, %parallel_loop3A_804 : i32
        %parallel_loop3A_806 = arith.addi %parallel_loop3A_805, %parallel_loop3A_340 : i32
        %parallel_loop3A_807 = arith.index_cast %parallel_loop3A_806 : i32 to index
        %parallel_loop3A_808 = arith.constant 208 : index
        %parallel_loop3A_809 = tpu.vector_load %arg8[%parallel_loop3A_807, %parallel_loop3A_808] {strides = array<i32>} : memref<192x256xf32, #tpu.memory_space<vmem>>, vector<1x16xf32>,
        %parallel_loop3A_810 = vector.shape_cast %parallel_loop3A_809 : vector<1x16xf32> to vector<16xf32>
        %parallel_loop3A_811 = arith.addf %parallel_loop3A_788, %parallel_loop3A_810 : vector<16xf32>
        %parallel_loop3A_812 = arith.index_cast %parallel_loop3A_340 : i32 to index
        %parallel_loop3A_813 = arith.constant 208 : index
        %parallel_loop3A_814 = tpu.vector_load %arg12[%parallel_loop3A_812, %parallel_loop3A_813] {strides = array<i32>} : memref<32x256xf32, #tpu.memory_space<vmem>>, vector<1x16xf32>,
        %parallel_loop3A_815 = vector.shape_cast %parallel_loop3A_814 : vector<1x16xf32> to vector<16xf32>
        %parallel_loop3A_816 = vector.shape_cast %parallel_loop3A_811 : vector<16xf32> to vector<1x16xf32>
        tpu.vector_store %arg12[%parallel_loop3A_812, %parallel_loop3A_813], %parallel_loop3A_816 {strides = array<i32>} : memref<32x256xf32, #tpu.memory_space<vmem>>, vector<1x16xf32>,
        %parallel_loop3A_817 = arith.constant 32 : i32
        %parallel_loop3A_818 = arith.addi %parallel_loop3A_817, %parallel_loop3A_340 : i32
        %parallel_loop3A_819 = arith.index_cast %parallel_loop3A_818 : i32 to index
        %parallel_loop3A_820 = arith.constant 224 : index
        %parallel_loop3A_821 = tpu.vector_load %arg7[%parallel_loop3A_819, %parallel_loop3A_820] {strides = array<i32>} : memref<64x256xf32, #tpu.memory_space<vmem>>, vector<1x16xf32>,
        %parallel_loop3A_822 = vector.shape_cast %parallel_loop3A_821 : vector<1x16xf32> to vector<16xf32>
        %parallel_loop3A_823 = arith.constant 32 : i32
        %parallel_loop3A_824 = arith.addi %sub3A_293, %parallel_loop3A_823 : i32
        %parallel_loop3A_825 = arith.addi %parallel_loop3A_824, %parallel_loop3A_340 : i32
        %parallel_loop3A_826 = arith.index_cast %parallel_loop3A_825 : i32 to index
        %parallel_loop3A_827 = arith.constant 224 : index
        %parallel_loop3A_828 = tpu.vector_load %arg8[%parallel_loop3A_826, %parallel_loop3A_827] {strides = array<i32>} : memref<192x256xf32, #tpu.memory_space<vmem>>, vector<1x16xf32>,
        %parallel_loop3A_829 = vector.shape_cast %parallel_loop3A_828 : vector<1x16xf32> to vector<16xf32>
        %parallel_loop3A_830 = arith.addf %parallel_loop3A_822, %parallel_loop3A_829 : vector<16xf32>
        %parallel_loop3A_831 = arith.index_cast %parallel_loop3A_340 : i32 to index
        %parallel_loop3A_832 = arith.constant 224 : index
        %parallel_loop3A_833 = tpu.vector_load %arg11[%parallel_loop3A_831, %parallel_loop3A_832] {strides = array<i32>} : memref<32x256xf32, #tpu.memory_space<vmem>>, vector<1x16xf32>,
        %parallel_loop3A_834 = vector.shape_cast %parallel_loop3A_833 : vector<1x16xf32> to vector<16xf32>
        %parallel_loop3A_835 = vector.shape_cast %parallel_loop3A_830 : vector<16xf32> to vector<1x16xf32>
        tpu.vector_store %arg11[%parallel_loop3A_831, %parallel_loop3A_832], %parallel_loop3A_835 {strides = array<i32>} : memref<32x256xf32, #tpu.memory_space<vmem>>, vector<1x16xf32>,
        %parallel_loop3A_836 = arith.constant 1 : i32
        %parallel_loop3A_837 = arith.subi %sub3A_293, %parallel_loop3A_836 : i32
        %parallel_loop3A_838 = arith.constant 32 : i32
        %parallel_loop3A_839 = arith.addi %parallel_loop3A_837, %parallel_loop3A_838 : i32
        %parallel_loop3A_840 = arith.addi %parallel_loop3A_839, %parallel_loop3A_340 : i32
        %parallel_loop3A_841 = arith.index_cast %parallel_loop3A_840 : i32 to index
        %parallel_loop3A_842 = arith.constant 224 : index
        %parallel_loop3A_843 = tpu.vector_load %arg8[%parallel_loop3A_841, %parallel_loop3A_842] {strides = array<i32>} : memref<192x256xf32, #tpu.memory_space<vmem>>, vector<1x16xf32>,
        %parallel_loop3A_844 = vector.shape_cast %parallel_loop3A_843 : vector<1x16xf32> to vector<16xf32>
        %parallel_loop3A_845 = arith.addf %parallel_loop3A_822, %parallel_loop3A_844 : vector<16xf32>
        %parallel_loop3A_846 = arith.index_cast %parallel_loop3A_340 : i32 to index
        %parallel_loop3A_847 = arith.constant 224 : index
        %parallel_loop3A_848 = tpu.vector_load %arg12[%parallel_loop3A_846, %parallel_loop3A_847] {strides = array<i32>} : memref<32x256xf32, #tpu.memory_space<vmem>>, vector<1x16xf32>,
        %parallel_loop3A_849 = vector.shape_cast %parallel_loop3A_848 : vector<1x16xf32> to vector<16xf32>
        %parallel_loop3A_850 = vector.shape_cast %parallel_loop3A_845 : vector<16xf32> to vector<1x16xf32>
        tpu.vector_store %arg12[%parallel_loop3A_846, %parallel_loop3A_847], %parallel_loop3A_850 {strides = array<i32>} : memref<32x256xf32, #tpu.memory_space<vmem>>, vector<1x16xf32>,
        %parallel_loop3A_851 = arith.constant 32 : i32
        %parallel_loop3A_852 = arith.addi %parallel_loop3A_851, %parallel_loop3A_340 : i32
        %parallel_loop3A_853 = arith.index_cast %parallel_loop3A_852 : i32 to index
        %parallel_loop3A_854 = arith.constant 240 : index
        %parallel_loop3A_855 = tpu.vector_load %arg7[%parallel_loop3A_853, %parallel_loop3A_854] {strides = array<i32>} : memref<64x256xf32, #tpu.memory_space<vmem>>, vector<1x16xf32>,
        %parallel_loop3A_856 = vector.shape_cast %parallel_loop3A_855 : vector<1x16xf32> to vector<16xf32>
        %parallel_loop3A_857 = arith.constant 32 : i32
        %parallel_loop3A_858 = arith.addi %sub3A_293, %parallel_loop3A_857 : i32
        %parallel_loop3A_859 = arith.addi %parallel_loop3A_858, %parallel_loop3A_340 : i32
        %parallel_loop3A_860 = arith.index_cast %parallel_loop3A_859 : i32 to index
        %parallel_loop3A_861 = arith.constant 240 : index
        %parallel_loop3A_862 = tpu.vector_load %arg8[%parallel_loop3A_860, %parallel_loop3A_861] {strides = array<i32>} : memref<192x256xf32, #tpu.memory_space<vmem>>, vector<1x16xf32>,
        %parallel_loop3A_863 = vector.shape_cast %parallel_loop3A_862 : vector<1x16xf32> to vector<16xf32>
        %parallel_loop3A_864 = arith.addf %parallel_loop3A_856, %parallel_loop3A_863 : vector<16xf32>
        %parallel_loop3A_865 = arith.index_cast %parallel_loop3A_340 : i32 to index
        %parallel_loop3A_866 = arith.constant 240 : index
        %parallel_loop3A_867 = tpu.vector_load %arg11[%parallel_loop3A_865, %parallel_loop3A_866] {strides = array<i32>} : memref<32x256xf32, #tpu.memory_space<vmem>>, vector<1x16xf32>,
        %parallel_loop3A_868 = vector.shape_cast %parallel_loop3A_867 : vector<1x16xf32> to vector<16xf32>
        %parallel_loop3A_869 = vector.shape_cast %parallel_loop3A_864 : vector<16xf32> to vector<1x16xf32>
        tpu.vector_store %arg11[%parallel_loop3A_865, %parallel_loop3A_866], %parallel_loop3A_869 {strides = array<i32>} : memref<32x256xf32, #tpu.memory_space<vmem>>, vector<1x16xf32>,
        %parallel_loop3A_870 = arith.constant 1 : i32
        %parallel_loop3A_871 = arith.subi %sub3A_293, %parallel_loop3A_870 : i32
        %parallel_loop3A_872 = arith.constant 32 : i32
        %parallel_loop3A_873 = arith.addi %parallel_loop3A_871, %parallel_loop3A_872 : i32
        %parallel_loop3A_874 = arith.addi %parallel_loop3A_873, %parallel_loop3A_340 : i32
        %parallel_loop3A_875 = arith.index_cast %parallel_loop3A_874 : i32 to index
        %parallel_loop3A_876 = arith.constant 240 : index
        %parallel_loop3A_877 = tpu.vector_load %arg8[%parallel_loop3A_875, %parallel_loop3A_876] {strides = array<i32>} : memref<192x256xf32, #tpu.memory_space<vmem>>, vector<1x16xf32>,
        %parallel_loop3A_878 = vector.shape_cast %parallel_loop3A_877 : vector<1x16xf32> to vector<16xf32>
        %parallel_loop3A_879 = arith.addf %parallel_loop3A_856, %parallel_loop3A_878 : vector<16xf32>
        %parallel_loop3A_880 = arith.index_cast %parallel_loop3A_340 : i32 to index
        %parallel_loop3A_881 = arith.constant 240 : index
        %parallel_loop3A_882 = tpu.vector_load %arg12[%parallel_loop3A_880, %parallel_loop3A_881] {strides = array<i32>} : memref<32x256xf32, #tpu.memory_space<vmem>>, vector<1x16xf32>,
        %parallel_loop3A_883 = vector.shape_cast %parallel_loop3A_882 : vector<1x16xf32> to vector<16xf32>
        %parallel_loop3A_884 = vector.shape_cast %parallel_loop3A_879 : vector<16xf32> to vector<1x16xf32>
        tpu.vector_store %arg12[%parallel_loop3A_880, %parallel_loop3A_881], %parallel_loop3A_884 {strides = array<i32>} : memref<32x256xf32, #tpu.memory_space<vmem>>, vector<1x16xf32>,
      } {sc.loop_unroll_factor = 4 : i64, sc.parallel_access}
      %dma_start3A_326 = arith.constant 0 : i32
      %dma_start3A_327 = tpu.memref_slice %arg4[%add3A_291, %add3A_317, %dma_start3A_326] : memref<512x512x256xf32, #tpu.memory_space<hbm>> -> memref<1x32x256xf32, #tpu.memory_space<hbm>>
      %dma_start3A_328 = tpu.memref_squeeze %dma_start3A_327 : memref<1x32x256xf32, #tpu.memory_space<hbm>> -> memref<32x256xf32, #tpu.memory_space<hbm>>
      %dma_start3A_329 = arith.constant 0 : i32
      %dma_start3A_330 = tpu.memref_slice %arg4[%add3A_291, %add3A_317, %dma_start3A_329] : memref<512x512x256xf32, #tpu.memory_space<hbm>> -> memref<1x32x256xf32, #tpu.memory_space<hbm>>
      %dma_start3A_331 = tpu.memref_squeeze %dma_start3A_330 : memref<1x32x256xf32, #tpu.memory_space<hbm>> -> memref<32x256xf32, #tpu.memory_space<hbm>>
      tpu.enqueue_dma source(%arg11 : memref<32x256xf32, #tpu.memory_space<vmem>>) target(%dma_start3A_331 : memref<32x256xf32, #tpu.memory_space<hbm>>) target_semaphore(%arg15 : memref<!tpu.dma_semaphore, #tpu.memory_space<semaphore_mem>>)
      %add3A_332 = arith.constant 1 : i32
      %add3A_333 = arith.addi %add3A_291, %add3A_332 : i32
      %dma_start3A_334 = arith.constant 0 : i32
      %dma_start3A_335 = tpu.memref_slice %arg4[%add3A_333, %add3A_317, %dma_start3A_334] : memref<512x512x256xf32, #tpu.memory_space<hbm>> -> memref<1x32x256xf32, #tpu.memory_space<hbm>>
      %dma_start3A_336 = tpu.memref_squeeze %dma_start3A_335 : memref<1x32x256xf32, #tpu.memory_space<hbm>> -> memref<32x256xf32, #tpu.memory_space<hbm>>
      %dma_start3A_337 = arith.constant 0 : i32
      %dma_start3A_338 = tpu.memref_slice %arg4[%add3A_333, %add3A_317, %dma_start3A_337] : memref<512x512x256xf32, #tpu.memory_space<hbm>> -> memref<1x32x256xf32, #tpu.memory_space<hbm>>
      %dma_start3A_339 = tpu.memref_squeeze %dma_start3A_338 : memref<1x32x256xf32, #tpu.memory_space<hbm>> -> memref<32x256xf32, #tpu.memory_space<hbm>>
      tpu.enqueue_dma source(%arg12 : memref<32x256xf32, #tpu.memory_space<vmem>>) target(%dma_start3A_339 : memref<32x256xf32, #tpu.memory_space<hbm>>) target_semaphore(%arg15 : memref<!tpu.dma_semaphore, #tpu.memory_space<semaphore_mem>>)
    }
    %scan3A_275 = arith.constant 64 : i32
    %dma_wait3A_276 = arith.constant 0 : i32
    %dma_wait3A_277 = tpu.memref_slice %arg4[%mul3A_34, %mul3A_32, %dma_wait3A_276] : memref<512x512x256xf32, #tpu.memory_space<hbm>> -> memref<1x64x256xf32, #tpu.memory_space<hbm>>
    %dma_wait3A_278 = tpu.memref_squeeze %dma_wait3A_277 : memref<1x64x256xf32, #tpu.memory_space<hbm>> -> memref<64x256xf32, #tpu.memory_space<hbm>>
    %dma_wait3A_279 = arith.constant 0 : i32
    %dma_wait3A_280 = tpu.memref_slice %arg4[%mul3A_34, %mul3A_32, %dma_wait3A_279] : memref<512x512x256xf32, #tpu.memory_space<hbm>> -> memref<1x64x256xf32, #tpu.memory_space<hbm>>
    %dma_wait3A_281 = tpu.memref_squeeze %dma_wait3A_280 : memref<1x64x256xf32, #tpu.memory_space<hbm>> -> memref<64x256xf32, #tpu.memory_space<hbm>>
    tpu.wait_dma2 semaphore(%arg14 : memref<!tpu.dma_semaphore, #tpu.memory_space<semaphore_mem>>) src(%arg7 : memref<64x256xf32, #tpu.memory_space<vmem>>) dst(%dma_wait3A_281 : memref<64x256xf32, #tpu.memory_space<hbm>>)
    %dma_wait3A_282 = arith.constant 0 : i32
    %dma_wait3A_283 = tpu.memref_slice %arg4[%mul3A_34, %mul3A_32, %dma_wait3A_282] : memref<512x512x256xf32, #tpu.memory_space<hbm>> -> memref<1x64x256xf32, #tpu.memory_space<hbm>>
    %dma_wait3A_284 = tpu.memref_squeeze %dma_wait3A_283 : memref<1x64x256xf32, #tpu.memory_space<hbm>> -> memref<64x256xf32, #tpu.memory_space<hbm>>
    %dma_wait3A_285 = arith.constant 0 : i32
    %dma_wait3A_286 = tpu.memref_slice %arg4[%mul3A_34, %mul3A_32, %dma_wait3A_285] : memref<512x512x256xf32, #tpu.memory_space<hbm>> -> memref<1x64x256xf32, #tpu.memory_space<hbm>>
    %dma_wait3A_287 = tpu.memref_squeeze %dma_wait3A_286 : memref<1x64x256xf32, #tpu.memory_space<hbm>> -> memref<64x256xf32, #tpu.memory_space<hbm>>
    tpu.wait_dma2 semaphore(%arg15 : memref<!tpu.dma_semaphore, #tpu.memory_space<semaphore_mem>>) src(%arg7 : memref<64x256xf32, #tpu.memory_space<vmem>>) dst(%dma_wait3A_287 : memref<64x256xf32, #tpu.memory_space<hbm>>)
    return
  }
}

</mosaic_0001>

<sc_bundles>
// kernel: kernel.3.cloned.1.call-start
scs
__scs_entry_jumppad:
0x0: {  	(pc) =	sbr.rel $0x88, $3  }
0x1: {  	(tag) =	ssettag $0x0;
	lr =	simm.s32 $0x1  }
0x2: {  	[smem:$0x3F9F] =	sst lr;
	_ =	strace $0xD0000000  }
0x3: {  	_ = 	snop  }
0x4: {  	_ = 	snop  }
0x5: {  	_ = 	snop  }
0x6: {  	_ = 	snop  }
0x7: {  	_ = 	snop  }
__scs_overlays_trampoline_lowered:
0x8: {  	[smem:$0x3FAE] =	sst s0  }
0x9: {  	[smem:$0x3FAF] =	sst s1  }
0xa: {  	[smem:$0x3FB0] =	sst s2  }
0xb: {  	[smem:$0x3FB1] =	sst s3  }
0xc: {  	[smem:$0x3FB2] =	sst s4  }
0xd: {  	[smem:$0x3FB3] =	sst s5  }
0xe: {  	[smem:$0x3FB4] =	sst s6  }
0xf: {  	[smem:$0x3FB5] =	sst s7  }
0x10: {  	[smem:$0x3FB6] =	sst s8  }
0x11: {  	[smem:$0x3FB7] =	sst s9;
	s0 =	simm.s32 @!p0 $0x0  }
0x12: {  	s1 =	sld [smem:$0x3F9D];
	s0 =	simm.s32 @p0 $0x1  }
0x13: {  	[smem:$0x3FB8] =	sst s0;
	s0 =	simm.s32 @!p1 $0x0  }
0x14: {  	s2 =	sld [smem:$0x3F9C];
	s0 =	simm.s32 @p1 $0x1  }
0x15: {  	[smem:$0x3FB9] =	sst s0;
	s0 =	simm.s32 @!p2 $0x0  }
0x16: {  	s3 =	sld [smem:$0x3FDB];
	s0 =	simm.s32 @p2 $0x1  }
0x17: {  	s4 =	simm.s32 $0x1BF5;
	[smem:$0x3FBB] =	sst s0  }
0x18: {  	s0 =	sld [smem:$0x3F9E];
	_ =	swait.ge [sflag:s4], $0x0  }
0x19: {  	s7 =	sld [smem:$0x3F9F]  }
0x1a: {  	s8 =	sadd.s32 $0xFFFFE003, lr  }
0x1b: {  	s9 =	sadd.s32 $0xFFFFFEF7, lr;
	s5 =	simm.s32 $0xFFFFFFFF;
	p2 =	slt.u32 s8, $0xFFFFF086  }
0x1c: {  	p1 =	slt.u32 s9, $0xF7A;
	s5 =	simm.s32 @!p2 $0x0  }
0x1d: {  	s5 =	simm.s32 @p1 $0x1;
	p0 =	seq.s32 s7, s2  }
0x1e: {  	s7 =	smul.u32 @!p0 $0xF7A, s2;
	p2 =	seq.s32 @!p0 s5, $0x0  }
0x1f: {  	s9 =	smul.u32 $0xF7A, s1;
	s8 =	simm.s32 @!p0 $0x1BF5;
	p2 =	por !p2, p0  }
0x20: {  	[sflag:s8] =	ssyncset.s32 @!p0 $0xFFFFF086;
	s6 =	sadd.s32 @!p0 s3, s7;
	s7 =	simm.s32 @!p0 $0x108  }
0x21: {  	s3 =	sadd.s32 s3, s9;
	s6 =	sadd.s32 @!p0 $0x88, s6;
	s7 =	simm.s32 @p2 $0x1082  }
0x22: {  	[simem:s7], [sflag:s8] =	dma.local @!p0 [hbm:s6], $0xF7A  }
0x23: {  	s9 =	sor.u32 $0xD0000000, s2;
	s6 =	simm.s32 $0x108;
	_ =	swait.ge @!p0 [sflag:s8], $0x0  }
0x24: {  	s3 =	sadd.s32 $0x88, s3;
	s6 =	simm.s32 @!p1 $0x1082;
	[sflag:s4] =	ssyncset.s32 $0xFFFFF086  }
0x25: {  	[simem:s6], [sflag:s4] =	dma.local [hbm:s3], $0xF7A  }
0x26: {  	[smem:$0x3F9F] =	sst s1;
	(tag) =	ssettag s2;
	_ =	strace s9  }
0x27: {  	s1 =	sld [smem:$0x3FAF]  }
0x28: {  	s2 =	sld [smem:$0x3FB0]  }
0x29: {  	s4 =	sld [smem:$0x3FB2]  }
0x2a: {  	p0 =	seq.s32 s5, $0x0;
	s5 =	sld [smem:$0x3FB3]  }
0x2b: {  	s6 =	sld [smem:$0x3FB4]  }
0x2c: {  	s7 =	sld [smem:$0x3FB5]  }
0x2d: {  	s3 =	simm.s32 $0x108;
	s8 =	sld [smem:$0x3FB6]  }
0x2e: {  	s3 =	simm.s32 @!p0 $0x1082;
	s9 =	sld [smem:$0x3FB7]  }
0x2f: {  	lr =	sadd.s32 s0, s3;
	s0 =	sld [smem:$0x3FAE]  }
0x30: {  	s3 =	sld [smem:$0x3FB1]  }
0x31: {  	[smem:$0x3FBA] =	sst s10  }
0x32: {  	s10 =	sld [smem:$0x3FB8];
	_ =	sdelay $0x3  }
0x33: {  	p0 =	seq.s32 s10, $0x1;
	s10 =	sld [smem:$0x3FBA];
	_ =	sdelay $0x3  }
0x34: {  	[smem:$0x3FBA] =	sst s10  }
0x35: {  	s10 =	sld [smem:$0x3FB9];
	_ =	sdelay $0x3  }
0x36: {  	p1 =	seq.s32 s10, $0x1;
	s10 =	sld [smem:$0x3FBA];
	_ =	sdelay $0x3  }
0x37: {  	[smem:$0x3FBA] =	sst s10  }
0x38: {  	s10 =	sld [smem:$0x3FBB]  }
0x39: {  	_ = 	snop;
	(pc) =	sbr.ind lr, $3  }
0x3a: {  	_ = 	snop  }
0x3b: {  	_ = 	snop  }
0x3c: {  	p2 =	seq.s32 s10, $0x1;
	s10 =	sld [smem:$0x3FBA]  }
0x3d: {  	_ =	shalt  }
0x3e: {  	_ =	shalt  }
0x3f: {  	_ =	shalt  }
0x40: {  	_ =	shalt  }
0x41: {  	_ =	shalt  }
0x42: {  	_ =	shalt  }
0x43: {  	_ =	shalt  }
0x44: {  	_ =	shalt  }
0x45: {  	_ =	shalt  }
0x46: {  	_ =	shalt  }
0x47: {  	_ =	shalt  }
0x48: {  	_ =	shalt  }
0x49: {  	_ =	shalt  }
0x4a: {  	_ =	shalt  }
0x4b: {  	_ =	shalt  }
0x4c: {  	_ =	shalt  }
0x4d: {  	_ =	shalt  }
0x4e: {  	_ =	shalt  }
0x4f: {  	_ =	shalt  }
0x50: {  	_ =	shalt  }
0x51: {  	_ =	shalt  }
0x52: {  	_ =	shalt  }
0x53: {  	_ =	shalt  }
0x54: {  	_ =	shalt  }
0x55: {  	_ =	shalt  }
0x56: {  	_ =	shalt  }
0x57: {  	_ =	shalt  }
0x58: {  	_ =	shalt  }
0x59: {  	_ =	shalt  }
0x5a: {  	_ =	shalt  }
0x5b: {  	_ =	shalt  }
0x5c: {  	_ =	shalt  }
0x5d: {  	_ =	shalt  }
0x5e: {  	_ =	shalt  }
0x5f: {  	_ =	shalt  }
0x60: {  	_ =	shalt  }
0x61: {  	_ =	shalt  }
0x62: {  	_ =	shalt  }
0x63: {  	_ =	shalt  }
0x64: {  	_ =	shalt  }
0x65: {  	_ =	shalt  }
0x66: {  	_ =	shalt  }
0x67: {  	_ =	shalt  }
0x68: {  	_ =	shalt  }
0x69: {  	_ =	shalt  }
0x6a: {  	_ =	shalt  }
0x6b: {  	_ =	shalt  }
0x6c: {  	_ =	shalt  }
0x6d: {  	_ =	shalt  }
0x6e: {  	_ =	shalt  }
0x6f: {  	_ =	shalt  }
0x70: {  	_ =	shalt  }
0x71: {  	_ =	shalt  }
0x72: {  	_ =	shalt  }
0x73: {  	_ =	shalt  }
0x74: {  	_ =	shalt  }
0x75: {  	_ =	shalt  }
0x76: {  	_ =	shalt  }
0x77: {  	_ =	shalt  }
0x78: {  	_ =	shalt  }
0x79: {  	_ =	shalt  }
0x7a: {  	_ =	shalt  }
0x7b: {  	_ =	shalt  }
0x7c: {  	_ =	shalt  }
0x7d: {  	_ =	shalt  }
0x7e: {  	_ =	shalt  }
0x7f: {  	_ =	shalt  }
0x80: {  	_ =	shalt  }
0x81: {  	_ =	shalt  }
0x82: {  	_ =	shalt  }
0x83: {  	_ =	shalt  }
0x84: {  	_ =	shalt  }
0x85: {  	_ =	shalt  }
0x86: {  	_ =	shalt  }
0x87: {  	_ =	shalt  }
.Lfunc_end0:
.L_simem_size_0:
called_computation_lowered:
.L_overlay_start_0:
0x88: {  	s2 =	sld [smem:$0x3FD9]  }
0x89: {  	s3 =	sld [smem:$0x3FFE];
	_ =	sdelay $0x1  }
0x8a: {  	s1 =	srdreg.scid  }
0x8b: {  	s0 =	sand.u32 $0x1, s1  }
0x8c: {  	s18 =	sshll.u32 s0, $0xA;
	s2 =	sadd.s32 s3, s2  }
0x8d: {  	s2 =	sadd.s32 s2, s18  }
0x8e: {  	[smem:$0x3FC6] =	sst s2  }
0x8f: {  	_ = 	snop  }
0x90: {  	s2 =	sld [smem:$0x3FC9]  }
0x91: {  	s19 =	sld [smem:$0x3FC8]  }
0x92: {  	s4 =	sld [smem:$0x3FD0];
	(tm) =	ssettm $0x1  }
0x93: {  	s5 =	sld [smem:$0x3FFB];
	_ =	sdelay $0x3  }
0x94: {  	_ =	strace s5  }
0x95: {  	s5 =	sld [smem:$0x3FFC];
	_ =	sdelay $0x3  }
0x96: {  	_ =	strace s5  }
0x97: {  	s5 =	sld [smem:$0x3FFD];
	_ =	sdelay $0x3  }
0x98: {  	_ =	strace s5  }
0x99: {  	_ =	strace $0x8FFFFFFF  }
0x9a: {  	s20 =	sld [smem:$0x3FDB];
	_ =	sdelay $0x1  }
0x9b: {  	s6 =	simm.s32 $_scs_section_size  }
0x9c: {  	s7 =	simm.s32 $_size__tile_overlayer_lowered;
	s8 =	simm.s32 $_tile_overlayer_lowered  }
0x9d: {  	s23 =	simm.s32 $0x1BFF;
	s22 =	sshll.u32 s8, $0x1;
	s5 =	sadd.s32 s6, s20  }
0x9e: {  	s9 =	simm.s32 $0x0;
	s21 =	sshll.u32 s7, $0x1;
	s7 =	sadd.s32 s22, s5  }
0x9f: {  	[timem:s9], [sflag:s23] =	dma.local [hbm:s7], s21  }
0xa0: {  	_ =	swait.ge [sflag:s23], s21  }
0xa1: {  	s6 =	ssub.s32 $0x0, s21;
	[sflag:s23] =	ssyncset.done $0x0  }
0xa2: {  	[sflag:s23] =	ssyncadd.s32 s6;
	_ =	sdelay $0x1  }
0xa3: {  	s24 =	simm.s32 $0x1B8B  }
0xa4: {  	_ =	swait.ge [sflag:s24], $0x1  }
0xa5: {  	[sflag:s24] =	ssyncset.done $0x0  }
0xa6: {  	s25 =	simm.s32 $0x1B8E;
	[sflag:s24] =	ssyncadd.s32 $0xFFFFFFFF  }
0xa7: {  	s26 =	simm.s32 $execute0_lowered;
	[smem:$0x3FD2] =	sst s25  }
0xa8: {  	s6 =	sshll.u32 s26, $0x1;
	_ =	strace $0x80000046;
	[dreg:$0x1] =	wrdreg $0xFFFFFFFF  }
0xa9: {  	s28 =	simm.s32 $_size_execute0_lowered;
	s5 =	sadd.s32 s5, s6;
	[dreg:$0x0] =	wrdreg $0x0  }
0xaa: {  	s6 =	sshll.u32 s28, $0x1;
	[dreg:$0x2] =	wrdreg s5  }
0xab: {  	[dreg:$0x3] =	wrdreg s6  }
0xac: {  	[dreg:$0x4] =	wrdreg $0xC0  }
0xad: {  	_ =	task [dreg:s9], $0x5FFFF  }
0xae: {  	[dreg:$0x1] =	wrdreg $0xFFFFFFFF  }
0xaf: {  	[dreg:$0x0] =	wrdreg $0x60  }
0xb0: {  	[dreg:$0x2] =	wrdreg s2  }
0xb1: {  	[dreg:$0x3] =	wrdreg s19  }
0xb2: {  	[dreg:$0x4] =	wrdreg s4  }
0xb3: {  	[dreg:$0x5] =	wrdreg $0x9  }
0xb4: {  	_ =	task.clear_ibuf [dreg:s9], $0x6FFFF;
	_ =	strace $0x90000046  }
0xb5: {  	s29 =	simm.s32 $0x9;
	_ =	strace $0x80000048  }
0xb6: {  	_ =	swait.ge [sflag:s29], $0x1  }
0xb7: {  	[sflag:s29] =	ssyncadd.s32 $0xFFFFFFFF  }
0xb8: {  	_ =	strace $0x90000048  }
0xb9: {  	_ =	sfence  }
0xba: {  	s30 =	sld [smem:$0x0];
	_ =	sdelay $0x2  }
0xbb: {  	s31 =	sshll.u32 s1, $0xD;
	s1 =	sshrl.u32 s1, $0x2  }
0xbc: {  	s3 =	sand.u32 $0x4000, s31;
	s1 =	sadd.s32 s1, s30  }
0xbd: {  	s0 =	sor.u32 s3, s0;
	s1 =	sshll.u32 s1, $0x11  }
0xbe: {  	s0 =	sor.u32 s1, s0  }
0xbf: {  	s0 =	sadd.s32 $0x8F2B, s0  }
0xc0: {  	[sflag:s0] =	ssyncadd.remote.s32 $0x1  }
0xc1: {  	_ =	sfence.sel $0xFFFF  }
0xc2: {  	[dreg:$0x0] =	wrdreg $0xFFFFFFFF;
	(pc) =	sbr.abs _section_cstart, $3  }
0xc3: {  	[dreg:$0x1] =	wrdreg $0xFFFFFFFF  }
0xc4: {  	_ =	task.clear_ibuf [dreg:s9], $0x2FFFF;
	_ =	strace $0x9FFFFFFF  }
0xc5: {  	(tm) =	ssettm $0x7FFFFFFF  }
tec
execute0_lowered:
.L_overlay_start_1:
0x0: {  	(tag) =	ssettag $0x1  }
0x1: {  	s3 =	stileid.u32  }
0x2: {  	s0 =	srdreg.scid;
	s1 =	sshll.u32 s3, $0x1  }
0x3: {  	s2 =	sand.u32 $0x1, s0;
	s21 =	sand.u32 $0x6, s1  }
0x4: {  	s22 =	sshll.u32 s3, $0x5;
	s0 =	sor.u32 s2, s21  }
0x5: {  	s1 =	sand.u32 $0x180, s22;
	s23 =	sshll.u32 s0, $0x6  }
0x6: {  	[smem:$0x7F9] =	sst s1;
	s1 =	ssub.s32 s23, s1  }
0x7: {  	v14 =	vlaneseq.u32;
	s3 =	sadd.s32 $0xFFFFFF81, s1  }
0x8: {  	v0 =	vadd.s32 s3, v14  }
0x9: {  	v13 =	vshrl.u32 v14, $0x3;
	vm0 =	vgt.s32 v0, $0xFFFFFFC0  }
0xa: {  	v6 =	vor.u32 $0x60, v14;
	v13 =	vmul.u32 $0x8, v13;
	s24 =	sadd.s32 $0xFFFFFF91, s1;
	v0 =	vnsel vm0, $0xFFFFFFC0, v0  }
0xb: {  	v1 =	vadd.s32 s3, v6;
	v2 =	vadd.s32 s24, v14;
	vm0 =	vlt.s32 v0, $0x40  }
0xc: {  	s25 =	sadd.s32 $0xFFFFFFA1, s1;
	v3 =	vadd.s32 s24, v6;
	v0 =	vnsel vm0, $0x40, v0;
	vm0 =	vgt.s32 v1, $0xFFFFFFC0  }
0xd: {  	v4 =	vadd.s32 s25, v14;
	v1 =	vnsel vm0, $0xFFFFFFC0, v1;
	vm0 =	vgt.s32 v2, $0xFFFFFFC0  }
0xe: {  	s26 =	sadd.s32 $0xFFFFFFB1, s1;
	v5 =	vadd.s32 s25, v6;
	v2 =	vnsel vm0, $0xFFFFFFC0, v2;
	vm0 =	vgt.s32 v3, $0xFFFFFFC0  }
0xf: {  	v7 =	vadd.s32 s26, v14;
	v3 =	vnsel vm0, $0xFFFFFFC0, v3;
	vm0 =	vlt.s32 v2, $0x40  }
0x10: {  	s29 =	sadd.s32 $0xFFFFFFC1, s1;
	v8 =	vadd.s32 s26, v6;
	v2 =	vnsel vm0, $0x40, v2;
	vm0 =	vlt.s32 v3, $0x40  }
0x11: {  	v9 =	vadd.s32 s29, v14;
	v3 =	vnsel vm0, $0x40, v3;
	vm0 =	vgt.s32 v4, $0xFFFFFFC0  }
0x12: {  	s1 =	sadd.s32 $0xFFFFFFD1, s1;
	v10 =	vadd.s32 s29, v6;
	v4 =	vnsel vm0, $0xFFFFFFC0, v4;
	vm0 =	vgt.s32 v5, $0xFFFFFFC0  }
0x13: {  	v11 =	vadd.s32 s1, v14;
	v5 =	vnsel vm0, $0xFFFFFFC0, v5;
	vm0 =	vlt.s32 v4, $0x40  }
0x14: {  	v12 =	vadd.s32 s1, v6;
	v4 =	vnsel vm0, $0x40, v4;
	vm0 =	vlt.s32 v5, $0x40  }
0x15: {  	v0 =	vadd.s32 $0x40, v0;
	v5 =	vnsel vm0, $0x40, v5;
	vm0 =	vgt.s32 v7, $0xFFFFFFC0  }
0x16: {  	vm1 =	vlt.s32 v1, $0x40;
	v7 =	vnsel vm0, $0xFFFFFFC0, v7;
	vm0 =	vgt.s32 v8, $0xFFFFFFC0  }
0x17: {  	v1 =	vnsel vm1, $0x40, v1;
	v8 =	vnsel vm0, $0xFFFFFFC0, v8;
	vm0 =	vlt.s32 v7, $0x40  }
0x18: {  	v1 =	vadd.s32 $0x40, v1;
	v7 =	vnsel vm0, $0x40, v7;
	vm0 =	vlt.s32 v8, $0x40  }
0x19: {  	v2 =	vadd.s32 $0x40, v2;
	v8 =	vnsel vm0, $0x40, v8;
	vm0 =	vgt.s32 v9, $0xFFFFFFC0  }
0x1a: {  	v3 =	vadd.s32 $0x40, v3;
	v9 =	vnsel vm0, $0xFFFFFFC0, v9;
	vm0 =	vgt.s32 v10, $0xFFFFFFC0  }
0x1b: {  	v4 =	vadd.s32 $0x40, v4;
	v10 =	vnsel vm0, $0xFFFFFFC0, v10;
	vm0 =	vlt.s32 v9, $0x40  }
0x1c: {  	s4 =	rddreg [dreg:$0x0];
	s5 =	simm.s32 $0x0;
	v5 =	vadd.s32 $0x40, v5;
	v9 =	vnsel vm0, $0x40, v9;
	vm0 =	vlt.s32 v10, $0x40  }
0x1d: {  	[smem:$0x7FF] =	sst s5;
	s2 =	ssub.s32 $0x2, s2;
	v6 =	vadd.s32 $0x40, v7;
	v10 =	vnsel vm0, $0x40, v10;
	vm0 =	vgt.s32 v11, $0xFFFFFFC0  }
0x1e: {  	_ =	strace $0x80000047;
	s30 =	sshll.u32 s0, $0xB;
	s0 =	sshll.u32 s0, $0xE;
	v7 =	vadd.s32 $0x40, v8;
	v11 =	vnsel vm0, $0xFFFFFFC0, v11;
	vm0 =	vgt.s32 v12, $0xFFFFFFC0  }
0x1f: {  	s28 =	sshrl.u32 s2, $0x1;
	s4 =	sadd.s32 s4, s30;
	[smem:$0x7FB] =	sst s0;
	v8 =	vadd.s32 $0x40, v9;
	v12 =	vnsel vm0, $0xFFFFFFC0, v12;
	vm0 =	vlt.s32 v11, $0x40  }
0x20: {  	s2 =	ssub.s32 s2, s28;
	s0 =	sor.u32 $0x2000, s0;
	[smem:$0x7FA] =	sst s4;
	v9 =	vadd.s32 $0x40, v10;
	v11 =	vnsel vm0, $0x40, v11;
	vm0 =	vlt.s32 v12, $0x40  }
0x21: {  	[smem:$0x7FC] =	sst s0;
	s31 =	smax.u32 s2, $0x1;
	v10 =	vadd.s32 $0x40, v11;
	v11 =	vnsel vm0, $0x40, v12;
	v12 =	vand.u32 $0x7, v14  }
0x22: {  	s2 =	simm.s32 $0x0;
	[smem:$0x7FD] =	sst s31;
	vm0 =	vmmov $0xffff;
	v14 =	vor.u32 $0x8, v14;
	v11 =	vadd.s32 $0x40, v11  }
.LBB2_1:
0x23: {  	[tilespmem:$0x0] =	vst v0  }
0x24: {  	v15 =	vld [tilespmem:$0x0];
	_ =	sdelay $0x3  }
0x25: {  	[tilespmem:$0x80] =	vst v1  }
0x26: {  	[tilespmem:$0x10] =	vst v2;
	v16 =	vshll.u32 v15, $0x1  }
0x27: {  	[tilespmem:$0x90] =	vst v3;
	v15 =	vand.u32 $0x7, v15;
	v16 =	vand.u32 $0xFFFFFFF0, v16  }
0x28: {  	[tilespmem:$0x20] =	vst v4;
	v15 =	vor.u32 v15, v16  }
0x29: {  	[tilespmem:$0xA0] =	vst v5;
	v16 =	vperm.xlane v15, v12  }
0x2a: {  	[tilespmem:$0x30] =	vst v6  }
0x2b: {  	[tilespmem:$0xB0] =	vst v7;
	v15 =	vperm.xlane v15, v14;
	v16 =	vadd.s32 v13, v16  }
0x2c: {  	[tilespmem:$0x40] =	vst v8  }
0x2d: {  	[tilespmem:$0xC0] =	vst v9;
	v15 =	vadd.s32 v13, v15  }
0x2e: {  	[tilespmem:$0x50] =	vst v10  }
0x2f: {  	[tilespmem:$0xD0] =	vst v11;
	s0 =	rddreg [dreg:$0x1];
	s1 =	simm.s32 $0x0;
	s30 =	simm.s32 $0x4100  }
0x30: {  	[tilespmem:s30], [sflag:$0x1] =	stream.indirect_vreg.gather [hbm4b:s0+s1], $0x80, v16, vm0, $0xb8;
	[tilespmem:$0x18100] =	vst v63  }
0x31: {  	s31 =	simm.s32 $0x4900  }
0x32: {  	[tilespmem:s31], [sflag:$0x1] =	stream.indirect_vreg.gather [hbm4b:s0+s1], $0x80, v15, vm0, $0xb8;
	[tilespmem:$0x18100] =	vst v63  }
0x33: {  	v15 =	vld [tilespmem:$0x10];
	_ =	sdelay $0x4  }
0x34: {  	v53 =	vshll.u32 v15, $0x1  }
0x35: {  	v15 =	vand.u32 $0x7, v15;
	v16 =	vand.u32 $0xFFFFFFF0, v53  }
0x36: {  	v15 =	vor.u32 v15, v16  }
0x37: {  	v16 =	vperm.xlane v15, v12;
	_ =	sdelay $0x1  }
0x38: {  	v15 =	vperm.xlane v15, v14;
	v16 =	vadd.s32 v13, v16;
	_ =	sdelay $0x1  }
0x39: {  	v15 =	vadd.s32 v13, v15;
	_ =	sdelay $0x1  }
0x3a: {  	s3 =	simm.s32 $0x5100  }
0x3b: {  	[tilespmem:s3], [sflag:$0x1] =	stream.indirect_vreg.gather [hbm4b:s0+s1], $0x80, v16, vm0, $0xb8;
	[tilespmem:$0x18100] =	vst v63  }
0x3c: {  	s4 =	simm.s32 $0x5900  }
0x3d: {  	[tilespmem:s4], [sflag:$0x1] =	stream.indirect_vreg.gather [hbm4b:s0+s1], $0x80, v15, vm0, $0xb8;
	[tilespmem:$0x18100] =	vst v63  }
0x3e: {  	v15 =	vld [tilespmem:$0x20];
	_ =	sdelay $0x4  }
0x3f: {  	v54 =	vshll.u32 v15, $0x1  }
0x40: {  	v15 =	vand.u32 $0x7, v15;
	v16 =	vand.u32 $0xFFFFFFF0, v54  }
0x41: {  	v15 =	vor.u32 v15, v16  }
0x42: {  	v16 =	vperm.xlane v15, v12;
	_ =	sdelay $0x1  }
0x43: {  	v15 =	vperm.xlane v15, v14;
	v16 =	vadd.s32 v13, v16;
	_ =	sdelay $0x1  }
0x44: {  	v15 =	vadd.s32 v13, v15;
	_ =	sdelay $0x1  }
0x45: {  	s5 =	simm.s32 $0x6100  }
0x46: {  	[tilespmem:s5], [sflag:$0x1] =	stream.indirect_vreg.gather [hbm4b:s0+s1], $0x80, v16, vm0, $0xb8;
	[tilespmem:$0x18100] =	vst v63  }
0x47: {  	s6 =	simm.s32 $0x6900  }
0x48: {  	[tilespmem:s6], [sflag:$0x1] =	stream.indirect_vreg.gather [hbm4b:s0+s1], $0x80, v15, vm0, $0xb8;
	[tilespmem:$0x18100] =	vst v63  }
0x49: {  	v15 =	vld [tilespmem:$0x30];
	_ =	sdelay $0x4  }
0x4a: {  	v55 =	vshll.u32 v15, $0x1  }
0x4b: {  	v15 =	vand.u32 $0x7, v15;
	v16 =	vand.u32 $0xFFFFFFF0, v55  }
0x4c: {  	v15 =	vor.u32 v15, v16  }
0x4d: {  	v16 =	vperm.xlane v15, v12;
	_ =	sdelay $0x1  }
0x4e: {  	v15 =	vperm.xlane v15, v14;
	v16 =	vadd.s32 v13, v16;
	_ =	sdelay $0x1  }
0x4f: {  	v15 =	vadd.s32 v13, v15;
	_ =	sdelay $0x1  }
0x50: {  	s7 =	simm.s32 $0x7100  }
0x51: {  	[tilespmem:s7], [sflag:$0x1] =	stream.indirect_vreg.gather [hbm4b:s0+s1], $0x80, v16, vm0, $0xb8;
	[tilespmem:$0x18100] =	vst v63  }
0x52: {  	s8 =	simm.s32 $0x7900  }
0x53: {  	[tilespmem:s8], [sflag:$0x1] =	stream.indirect_vreg.gather [hbm4b:s0+s1], $0x80, v15, vm0, $0xb8;
	[tilespmem:$0x18100] =	vst v63  }
0x54: {  	v15 =	vld [tilespmem:$0x40];
	_ =	sdelay $0x4  }
0x55: {  	v56 =	vshll.u32 v15, $0x1  }
0x56: {  	v15 =	vand.u32 $0x7, v15;
	v16 =	vand.u32 $0xFFFFFFF0, v56  }
0x57: {  	v15 =	vor.u32 v15, v16  }
0x58: {  	v16 =	vperm.xlane v15, v12;
	_ =	sdelay $0x1  }
0x59: {  	v15 =	vperm.xlane v15, v14;
	v16 =	vadd.s32 v13, v16;
	_ =	sdelay $0x1  }
0x5a: {  	v15 =	vadd.s32 v13, v15;
	_ =	sdelay $0x1  }
0x5b: {  	s9 =	simm.s32 $0x8100  }
0x5c: {  	[tilespmem:s9], [sflag:$0x1] =	stream.indirect_vreg.gather [hbm4b:s0+s1], $0x80, v16, vm0, $0xb8;
	[tilespmem:$0x18100] =	vst v63  }
0x5d: {  	s10 =	simm.s32 $0x8900  }
0x5e: {  	[tilespmem:s10], [sflag:$0x1] =	stream.indirect_vreg.gather [hbm4b:s0+s1], $0x80, v15, vm0, $0xb8;
	[tilespmem:$0x18100] =	vst v63  }
0x5f: {  	v15 =	vld [tilespmem:$0x50];
	_ =	sdelay $0x4  }
0x60: {  	v57 =	vshll.u32 v15, $0x1  }
0x61: {  	v15 =	vand.u32 $0x7, v15;
	v16 =	vand.u32 $0xFFFFFFF0, v57  }
0x62: {  	v15 =	vor.u32 v15, v16  }
0x63: {  	v16 =	vperm.xlane v15, v12;
	_ =	sdelay $0x1  }
0x64: {  	v15 =	vperm.xlane v15, v14;
	v16 =	vadd.s32 v13, v16;
	_ =	sdelay $0x1  }
0x65: {  	v15 =	vadd.s32 v13, v15;
	_ =	sdelay $0x1  }
0x66: {  	s11 =	simm.s32 $0x9100  }
0x67: {  	[tilespmem:s11], [sflag:$0x1] =	stream.indirect_vreg.gather [hbm4b:s0+s1], $0x80, v16, vm0, $0xb8;
	[tilespmem:$0x18100] =	vst v63  }
0x68: {  	s12 =	simm.s32 $0x9900  }
0x69: {  	[tilespmem:s12], [sflag:$0x1] =	stream.indirect_vreg.gather [hbm4b:s0+s1], $0x80, v15, vm0, $0xb8;
	[tilespmem:$0x18100] =	vst v63  }
0x6a: {  	v15 =	vld [tilespmem:$0x80];
	_ =	sdelay $0x4  }
0x6b: {  	v58 =	vshll.u32 v15, $0x1  }
0x6c: {  	v15 =	vand.u32 $0x7, v15;
	v16 =	vand.u32 $0xFFFFFFF0, v58  }
0x6d: {  	v15 =	vor.u32 v15, v16  }
0x6e: {  	v16 =	vperm.xlane v15, v12;
	_ =	sdelay $0x1  }
0x6f: {  	v15 =	vperm.xlane v15, v14;
	v16 =	vadd.s32 v13, v16;
	_ =	sdelay $0x1  }
0x70: {  	v15 =	vadd.s32 v13, v15;
	_ =	sdelay $0x1  }
0x71: {  	s13 =	simm.s32 $0xA100  }
0x72: {  	[tilespmem:s13], [sflag:$0x1] =	stream.indirect_vreg.gather [hbm4b:s0+s1], $0x80, v16, vm0, $0xb8;
	[tilespmem:$0x18100] =	vst v63  }
0x73: {  	s14 =	simm.s32 $0xA900  }
0x74: {  	[tilespmem:s14], [sflag:$0x1] =	stream.indirect_vreg.gather [hbm4b:s0+s1], $0x80, v15, vm0, $0xb8;
	[tilespmem:$0x18100] =	vst v63  }
0x75: {  	v15 =	vld [tilespmem:$0x90];
	_ =	sdelay $0x4  }
0x76: {  	v59 =	vshll.u32 v15, $0x1  }
0x77: {  	v15 =	vand.u32 $0x7, v15;
	v16 =	vand.u32 $0xFFFFFFF0, v59  }
0x78: {  	v15 =	vor.u32 v15, v16  }
0x79: {  	v16 =	vperm.xlane v15, v12;
	_ =	sdelay $0x1  }
0x7a: {  	v15 =	vperm.xlane v15, v14;
	v16 =	vadd.s32 v13, v16;
	_ =	sdelay $0x1  }
0x7b: {  	v15 =	vadd.s32 v13, v15;
	_ =	sdelay $0x1  }
0x7c: {  	s15 =	simm.s32 $0xB100  }
0x7d: {  	[tilespmem:s15], [sflag:$0x1] =	stream.indirect_vreg.gather [hbm4b:s0+s1], $0x80, v16, vm0, $0xb8;
	[tilespmem:$0x18100] =	vst v63  }
0x7e: {  	s16 =	simm.s32 $0xB900  }
0x7f: {  	[tilespmem:s16], [sflag:$0x1] =	stream.indirect_vreg.gather [hbm4b:s0+s1], $0x80, v15, vm0, $0xb8;
	[tilespmem:$0x18100] =	vst v63  }
0x80: {  	v15 =	vld [tilespmem:$0xA0];
	_ =	sdelay $0x4  }
0x81: {  	v60 =	vshll.u32 v15, $0x1  }
0x82: {  	v15 =	vand.u32 $0x7, v15;
	v16 =	vand.u32 $0xFFFFFFF0, v60  }
0x83: {  	v15 =	vor.u32 v15, v16  }
0x84: {  	v16 =	vperm.xlane v15, v12;
	_ =	sdelay $0x1  }
0x85: {  	v15 =	vperm.xlane v15, v14;
	v16 =	vadd.s32 v13, v16;
	_ =	sdelay $0x1  }
0x86: {  	v15 =	vadd.s32 v13, v15;
	_ =	sdelay $0x1  }
0x87: {  	s17 =	simm.s32 $0xC100  }
0x88: {  	[tilespmem:s17], [sflag:$0x1] =	stream.indirect_vreg.gather [hbm4b:s0+s1], $0x80, v16, vm0, $0xb8;
	[tilespmem:$0x18100] =	vst v63  }
0x89: {  	s18 =	simm.s32 $0xC900  }
0x8a: {  	[tilespmem:s18], [sflag:$0x1] =	stream.indirect_vreg.gather [hbm4b:s0+s1], $0x80, v15, vm0, $0xb8;
	[tilespmem:$0x18100] =	vst v63  }
0x8b: {  	v15 =	vld [tilespmem:$0xB0];
	_ =	sdelay $0x4  }
0x8c: {  	v61 =	vshll.u32 v15, $0x1  }
0x8d: {  	v15 =	vand.u32 $0x7, v15;
	v16 =	vand.u32 $0xFFFFFFF0, v61  }
0x8e: {  	v15 =	vor.u32 v15, v16  }
0x8f: {  	v16 =	vperm.xlane v15, v12;
	_ =	sdelay $0x1  }
0x90: {  	v15 =	vperm.xlane v15, v14;
	v16 =	vadd.s32 v13, v16;
	_ =	sdelay $0x1  }
0x91: {  	v15 =	vadd.s32 v13, v15;
	_ =	sdelay $0x1  }
0x92: {  	s19 =	simm.s32 $0xD100  }
0x93: {  	[tilespmem:s19], [sflag:$0x1] =	stream.indirect_vreg.gather [hbm4b:s0+s1], $0x80, v16, vm0, $0xb8;
	[tilespmem:$0x18100] =	vst v63  }
0x94: {  	s20 =	simm.s32 $0xD900  }
0x95: {  	[tilespmem:s20], [sflag:$0x1] =	stream.indirect_vreg.gather [hbm4b:s0+s1], $0x80, v15, vm0, $0xb8;
	[tilespmem:$0x18100] =	vst v63  }
0x96: {  	v15 =	vld [tilespmem:$0xC0];
	_ =	sdelay $0x4  }
0x97: {  	v62 =	vshll.u32 v15, $0x1  }
0x98: {  	v15 =	vand.u32 $0x7, v15;
	v16 =	vand.u32 $0xFFFFFFF0, v62  }
0x99: {  	v15 =	vor.u32 v15, v16  }
0x9a: {  	v16 =	vperm.xlane v15, v12;
	_ =	sdelay $0x1  }
0x9b: {  	v15 =	vperm.xlane v15, v14;
	v16 =	vadd.s32 v13, v16;
	_ =	sdelay $0x1  }
0x9c: {  	v15 =	vadd.s32 v13, v15;
	_ =	sdelay $0x1  }
0x9d: {  	s21 =	simm.s32 $0xE100  }
0x9e: {  	[tilespmem:s21], [sflag:$0x1] =	stream.indirect_vreg.gather [hbm4b:s0+s1], $0x80, v16, vm0, $0xb8;
	[tilespmem:$0x18100] =	vst v63  }
0x9f: {  	s22 =	simm.s32 $0xE900  }
0xa0: {  	[tilespmem:s22], [sflag:$0x1] =	stream.indirect_vreg.gather [hbm4b:s0+s1], $0x80, v15, vm0, $0xb8;
	[tilespmem:$0x18100] =	vst v63  }
0xa1: {  	v15 =	vld [tilespmem:$0xD0];
	_ =	sdelay $0x4  }
0xa2: {  	v63 =	vshll.u32 v15, $0x1  }
0xa3: {  	v15 =	vand.u32 $0x7, v15;
	v16 =	vand.u32 $0xFFFFFFF0, v63  }
0xa4: {  	v15 =	vor.u32 v15, v16  }
0xa5: {  	v16 =	vperm.xlane v15, v12;
	_ =	sdelay $0x1  }
0xa6: {  	v15 =	vperm.xlane v15, v14;
	v16 =	vadd.s32 v13, v16;
	_ =	sdelay $0x1  }
0xa7: {  	v15 =	vadd.s32 v13, v15;
	_ =	sdelay $0x1  }
0xa8: {  	s23 =	simm.s32 $0xF100  }
0xa9: {  	[tilespmem:s23], [sflag:$0x1] =	stream.indirect_vreg.gather [hbm4b:s0+s1], $0x80, v16, vm0, $0xb8;
	[tilespmem:$0x18100] =	vst v63  }
0xaa: {  	s24 =	simm.s32 $0xF900;
	s25 =	sld [smem:$0x7FA]  }
0xab: {  	[tilespmem:s24], [sflag:$0x1] =	stream.indirect_vreg.gather [hbm4b:s0+s1], $0x80, v15, vm0, $0xb8;
	[tilespmem:$0x18100] =	vst v63  }
0xac: {  	[smem:$0x7F8] =	sst s2;
	s26 =	simm.s32 $0x100;
	s28 =	simm.s32 $0x4  }
0xad: {  	[tilespmem:s26], [sflag:$0x4] =	stream.linear.gather [hbm4b:s25+s1], $0x4000, $0x38;
	[tilespmem:$0x18100] =	vst v63  }
0xae: {  	_ =	swait.ge [sflag:s28], $0x4000  }
0xaf: {  	[sflag:s28] =	ssyncset.done $0x0  }
0xb0: {  	s29 =	simm.s32 $0x1;
	[sflag:s28] =	ssyncadd.s32 $0xFFFFC000  }
0xb1: {  	_ =	swait.ge [sflag:s29], $0x6000  }
0xb2: {  	[sflag:s29] =	ssyncset.done $0x0  }
0xb3: {  	[sflag:s29] =	ssyncadd.s32 $0xFFFFA000  }
0xb4: {  	s30 =	simm.s32 $0x0;
	_ =	swait.ge [sflag:s29], $0x6000  }
0xb5: {  	s31 =	simm.s32 $0x0;
	[dreg:$0x4] =	wrdreg s30;
	[sflag:s29] =	ssyncset.done $0x0  }
0xb6: {  	s25 =	simm.s32 $0x0;
	[dreg:$0x5] =	wrdreg s31;
	[sflag:s29] =	ssyncadd.s32 $0xFFFFA000  }
.LBB2_2:
0xb7: {  	p0 =	seq.s32 s25, $0x0  }
0xb8: {  	s1 =	simm.s32 @!p0 $0x2  }
0xb9: {  	_ =	swait.ge @!p0 [sflag:s1], $0x4000  }
0xba: {  	s0 =	simm.s32 $0x0;
	s7 =	simm.s32 $0x180;
	s13 =	rddreg [dreg:$0x4]  }
0xbb: {  	s5 =	sand.u32 $0x1800, s0;
	[sflag:s1] =	ssyncset.done @!p0 $0x0;
	s16 =	rddreg [dreg:$0x5]  }
0xbc: {  	[sflag:s1] =	ssyncadd.s32 @!p0 $0xFFFFC000;
	s8 =	sadd.s32 $0x0, s13;
	s9 =	sadd.s32 $0x0, s16  }
0xbd: {  	s1 =	sand.u32 $0x380, s7;
	s3 =	sadd.s32 $0x8200, s8;
	s4 =	sadd.s32 $0x4100, s9  }
0xbe: {  	s2 =	sor.u32 s5, s1;
	s10 =	sand.u32 $0xF800, s3;
	s11 =	sand.u32 $0x300, s4  }
0xbf: {  	v15 =	vld [tilespmem:s2+$0x100];
	s6 =	sor.u32 s11, s10  }
0xc0: {  	s18 =	simm.s32 $0x100;
	v16 =	vld [tilespmem:s6+$0x4100]  }
0xc1: {  	s7 =	simm.s32 $0x80;
	s14 =	sadd.s32 $0x8000, s8;
	s15 =	sadd.s32 $0x4000, s9  }
0xc2: {  	s12 =	sadd.s32 $0x7F00, s8;
	s3 =	sand.u32 $0xF800, s14;
	s4 =	sand.u32 $0x300, s15  }
0xc3: {  	s7 =	sand.u32 $0x280, s7;
	s19 =	sadd.s32 $0x8100, s8;
	s24 =	sor.u32 s4, s3  }
0xc4: {  	s1 =	sand.u32 $0xF800, s12;
	s20 =	sand.u32 $0xF800, s19;
	s4 =	sor.u32 s5, s7;
	v17 =	vld [tilespmem:s24+$0x4100]  }
0xc5: {  	s10 =	sadd.s32 $0x3F80, s9;
	s11 =	sadd.s32 $0x4080, s9;
	s7 =	sand.u32 $0x300, s18;
	v18 =	vld [tilespmem:s4+$0x100];
	v16 =	vadd.f32 v16, v15  }
0xc6: {  	s17 =	sand.u32 $0x380, s10;
	s21 =	sand.u32 $0x380, s11;
	s23 =	sor.u32 s5, s7  }
0xc7: {  	s22 =	sand.u32 $0x200, s0;
	s26 =	sor.u32 s17, s1;
	s1 =	sor.u32 s21, s20;
	v20 =	vld [tilespmem:s23+$0x100];
	[tilespmem:s2+$0x10100] =	vst v16  }
0xc8: {  	s11 =	sor.u32 s22, s5;
	v16 =	vld [tilespmem:s1+$0x4100]  }
0xc9: {  	v21 =	vld [tilespmem:s11+$0x100]  }
0xca: {  	v19 =	vld [tilespmem:s26+$0x4100];
	v17 =	vadd.f32 v17, v18  }
0xcb: {  	v22 =	vld [tilespmem:s1+$0x4100]  }
0xcc: {  	[tilespmem:s4+$0x10100] =	vst v17  }
0xcd: {  	v17 =	vld [tilespmem:s26+$0x4100];
	v15 =	vadd.f32 v16, v15;
	_ =	sdelay $0x1  }
0xce: {  	s12 =	sadd.s32 $0x7E00, s8;
	s14 =	sadd.s32 $0x3F00, s9;
	v19 =	vadd.f32 v19, v21;
	[tilespmem:s2+$0x12100] =	vst v15;
	v15 =	vld [tilespmem:s2+$0x110]  }
0xcf: {  	s8 =	sand.u32 $0x300, s14;
	s5 =	sand.u32 $0xF800, s12;
	v22 =	vadd.f32 v22, v20;
	v23 =	vld [tilespmem:s6+$0x4110]  }
0xd0: {  	s28 =	sor.u32 s8, s5;
	[tilespmem:s11+$0x10100] =	vst v19  }
0xd1: {  	[tilespmem:s23+$0x10100] =	vst v22;
	v17 =	vadd.f32 v17, v18;
	v18 =	vld [tilespmem:s28+$0x4100]  }
0xd2: {  	v19 =	vld [tilespmem:s24+$0x4100]  }
0xd3: {  	v16 =	vld [tilespmem:s4+$0x110];
	[tilespmem:s4+$0x12100] =	vst v17  }
0xd4: {  	v17 =	vld [tilespmem:s24+$0x4110];
	v23 =	vadd.f32 v23, v15;
	_ =	sdelay $0x1  }
0xd5: {  	v18 =	vadd.f32 v18, v21;
	[tilespmem:s2+$0x10110] =	vst v23  }
0xd6: {  	v21 =	vld [tilespmem:s1+$0x4110]  }
0xd7: {  	v22 =	vld [tilespmem:s11+$0x110];
	v19 =	vadd.f32 v19, v20;
	[tilespmem:s11+$0x12100] =	vst v18  }
0xd8: {  	v17 =	vadd.f32 v17, v16;
	v18 =	vld [tilespmem:s26+$0x4110]  }
0xd9: {  	v24 =	vld [tilespmem:s23+$0x110];
	[tilespmem:s23+$0x12100] =	vst v19  }
0xda: {  	[tilespmem:s4+$0x10110] =	vst v17;
	v17 =	vld [tilespmem:s1+$0x4110]  }
0xdb: {  	v19 =	vld [tilespmem:s26+$0x4110];
	v15 =	vadd.f32 v21, v15;
	_ =	sdelay $0x1  }
0xdc: {  	v18 =	vadd.f32 v18, v22;
	[tilespmem:s2+$0x12110] =	vst v15;
	v15 =	vld [tilespmem:s2+$0x120]  }
0xdd: {  	v20 =	vld [tilespmem:s6+$0x4120]  }
0xde: {  	v17 =	vadd.f32 v17, v24;
	[tilespmem:s11+$0x10110] =	vst v18  }
0xdf: {  	v16 =	vadd.f32 v19, v16;
	v18 =	vld [tilespmem:s28+$0x4110]  }
0xe0: {  	v25 =	vld [tilespmem:s4+$0x120];
	[tilespmem:s23+$0x10110] =	vst v17  }
0xe1: {  	[tilespmem:s4+$0x12110] =	vst v16;
	v16 =	vld [tilespmem:s24+$0x4110]  }
0xe2: {  	v17 =	vld [tilespmem:s24+$0x4120];
	v19 =	vadd.f32 v20, v15;
	_ =	sdelay $0x1  }
0xe3: {  	v26 =	vld [tilespmem:s23+$0x120];
	v18 =	vadd.f32 v18, v22;
	[tilespmem:s2+$0x10120] =	vst v19  }
0xe4: {  	v19 =	vld [tilespmem:s1+$0x4120]  }
0xe5: {  	v16 =	vadd.f32 v16, v24;
	[tilespmem:s11+$0x12110] =	vst v18;
	v20 =	vld [tilespmem:s11+$0x120]  }
0xe6: {  	v17 =	vadd.f32 v17, v25;
	v18 =	vld [tilespmem:s26+$0x4120]  }
0xe7: {  	[tilespmem:s23+$0x12110] =	vst v16  }
0xe8: {  	[tilespmem:s4+$0x10120] =	vst v17;
	v16 =	vld [tilespmem:s1+$0x4120]  }
0xe9: {  	v17 =	vld [tilespmem:s26+$0x4120];
	v15 =	vadd.f32 v19, v15;
	_ =	sdelay $0x1  }
0xea: {  	v18 =	vadd.f32 v18, v20;
	[tilespmem:s2+$0x12120] =	vst v15;
	v15 =	vld [tilespmem:s2+$0x130]  }
0xeb: {  	v19 =	vld [tilespmem:s6+$0x4130]  }
0xec: {  	v16 =	vadd.f32 v16, v26;
	[tilespmem:s11+$0x10120] =	vst v18  }
0xed: {  	v17 =	vadd.f32 v17, v25;
	v18 =	vld [tilespmem:s28+$0x4120]  }
0xee: {  	v21 =	vld [tilespmem:s4+$0x130];
	[tilespmem:s23+$0x10120] =	vst v16  }
0xef: {  	[tilespmem:s4+$0x12120] =	vst v17;
	v16 =	vld [tilespmem:s24+$0x4120]  }
0xf0: {  	v17 =	vld [tilespmem:s24+$0x4130];
	v19 =	vadd.f32 v19, v15;
	_ =	sdelay $0x1  }
0xf1: {  	v18 =	vadd.f32 v18, v20;
	[tilespmem:s2+$0x10130] =	vst v19  }
0xf2: {  	v19 =	vld [tilespmem:s1+$0x4130]  }
0xf3: {  	v20 =	vld [tilespmem:s11+$0x130];
	v16 =	vadd.f32 v16, v26;
	[tilespmem:s11+$0x12120] =	vst v18  }
0xf4: {  	v17 =	vadd.f32 v17, v21;
	v18 =	vld [tilespmem:s26+$0x4130]  }
0xf5: {  	v22 =	vld [tilespmem:s23+$0x130];
	[tilespmem:s23+$0x12120] =	vst v16  }
0xf6: {  	[tilespmem:s4+$0x10130] =	vst v17;
	v16 =	vld [tilespmem:s1+$0x4130]  }
0xf7: {  	v17 =	vld [tilespmem:s26+$0x4130];
	v15 =	vadd.f32 v19, v15;
	_ =	sdelay $0x1  }
0xf8: {  	v18 =	vadd.f32 v18, v20;
	[tilespmem:s2+$0x12130] =	vst v15;
	v15 =	vld [tilespmem:s2+$0x140]  }
0xf9: {  	v19 =	vld [tilespmem:s6+$0x4140]  }
0xfa: {  	v16 =	vadd.f32 v16, v22;
	[tilespmem:s11+$0x10130] =	vst v18  }
0xfb: {  	v17 =	vadd.f32 v17, v21;
	v18 =	vld [tilespmem:s28+$0x4130]  }
0xfc: {  	v21 =	vld [tilespmem:s4+$0x140];
	[tilespmem:s23+$0x10130] =	vst v16  }
0xfd: {  	[tilespmem:s4+$0x12130] =	vst v17;
	v16 =	vld [tilespmem:s24+$0x4130]  }
0xfe: {  	v17 =	vld [tilespmem:s24+$0x4140];
	v19 =	vadd.f32 v19, v15;
	_ =	sdelay $0x1  }
0xff: {  	v18 =	vadd.f32 v18, v20;
	[tilespmem:s2+$0x10140] =	vst v19  }
0x100: {  	v19 =	vld [tilespmem:s1+$0x4140]  }
0x101: {  	v20 =	vld [tilespmem:s11+$0x140];
	v16 =	vadd.f32 v16, v22;
	[tilespmem:s11+$0x12130] =	vst v18  }
0x102: {  	v17 =	vadd.f32 v17, v21;
	v18 =	vld [tilespmem:s26+$0x4140]  }
0x103: {  	v22 =	vld [tilespmem:s23+$0x140];
	[tilespmem:s23+$0x12130] =	vst v16  }
0x104: {  	[tilespmem:s4+$0x10140] =	vst v17;
	v16 =	vld [tilespmem:s1+$0x4140]  }
0x105: {  	v17 =	vld [tilespmem:s26+$0x4140];
	v15 =	vadd.f32 v19, v15;
	_ =	sdelay $0x1  }
0x106: {  	v18 =	vadd.f32 v18, v20;
	[tilespmem:s2+$0x12140] =	vst v15;
	v15 =	vld [tilespmem:s2+$0x150]  }
0x107: {  	v19 =	vld [tilespmem:s6+$0x4150]  }
0x108: {  	v16 =	vadd.f32 v16, v22;
	[tilespmem:s11+$0x10140] =	vst v18  }
0x109: {  	v17 =	vadd.f32 v17, v21;
	v18 =	vld [tilespmem:s28+$0x4140]  }
0x10a: {  	v21 =	vld [tilespmem:s4+$0x150];
	[tilespmem:s23+$0x10140] =	vst v16  }
0x10b: {  	[tilespmem:s4+$0x12140] =	vst v17;
	v16 =	vld [tilespmem:s24+$0x4140]  }
0x10c: {  	v17 =	vld [tilespmem:s24+$0x4150];
	v19 =	vadd.f32 v19, v15;
	_ =	sdelay $0x1  }
0x10d: {  	v18 =	vadd.f32 v18, v20;
	[tilespmem:s2+$0x10150] =	vst v19  }
0x10e: {  	v19 =	vld [tilespmem:s1+$0x4150]  }
0x10f: {  	v20 =	vld [tilespmem:s11+$0x150];
	v16 =	vadd.f32 v16, v22;
	[tilespmem:s11+$0x12140] =	vst v18  }
0x110: {  	v17 =	vadd.f32 v17, v21;
	v18 =	vld [tilespmem:s26+$0x4150]  }
0x111: {  	v22 =	vld [tilespmem:s23+$0x150];
	[tilespmem:s23+$0x12140] =	vst v16  }
0x112: {  	[tilespmem:s4+$0x10150] =	vst v17;
	v16 =	vld [tilespmem:s1+$0x4150]  }
0x113: {  	v17 =	vld [tilespmem:s26+$0x4150];
	v15 =	vadd.f32 v19, v15;
	_ =	sdelay $0x1  }
0x114: {  	v18 =	vadd.f32 v18, v20;
	[tilespmem:s2+$0x12150] =	vst v15;
	v15 =	vld [tilespmem:s2+$0x160]  }
0x115: {  	v19 =	vld [tilespmem:s6+$0x4160]  }
0x116: {  	v16 =	vadd.f32 v16, v22;
	[tilespmem:s11+$0x10150] =	vst v18  }
0x117: {  	v17 =	vadd.f32 v17, v21;
	v18 =	vld [tilespmem:s28+$0x4150]  }
0x118: {  	v21 =	vld [tilespmem:s4+$0x160];
	[tilespmem:s23+$0x10150] =	vst v16  }
0x119: {  	[tilespmem:s4+$0x12150] =	vst v17;
	v16 =	vld [tilespmem:s24+$0x4150]  }
0x11a: {  	v17 =	vld [tilespmem:s24+$0x4160];
	v19 =	vadd.f32 v19, v15;
	_ =	sdelay $0x1  }
0x11b: {  	v18 =	vadd.f32 v18, v20;
	[tilespmem:s2+$0x10160] =	vst v19  }
0x11c: {  	v19 =	vld [tilespmem:s1+$0x4160]  }
0x11d: {  	v20 =	vld [tilespmem:s11+$0x160];
	v16 =	vadd.f32 v16, v22;
	[tilespmem:s11+$0x12150] =	vst v18  }
0x11e: {  	v17 =	vadd.f32 v17, v21;
	v18 =	vld [tilespmem:s26+$0x4160]  }
0x11f: {  	v22 =	vld [tilespmem:s23+$0x160];
	[tilespmem:s23+$0x12150] =	vst v16  }
0x120: {  	[tilespmem:s4+$0x10160] =	vst v17;
	v16 =	vld [tilespmem:s1+$0x4160]  }
0x121: {  	v17 =	vld [tilespmem:s26+$0x4160];
	v15 =	vadd.f32 v19, v15;
	_ =	sdelay $0x1  }
0x122: {  	v18 =	vadd.f32 v18, v20;
	[tilespmem:s2+$0x12160] =	vst v15;
	v15 =	vld [tilespmem:s2+$0x170]  }
0x123: {  	v19 =	vld [tilespmem:s6+$0x4170]  }
0x124: {  	v16 =	vadd.f32 v16, v22;
	[tilespmem:s11+$0x10160] =	vst v18  }
0x125: {  	v17 =	vadd.f32 v17, v21;
	v18 =	vld [tilespmem:s28+$0x4160]  }
0x126: {  	v21 =	vld [tilespmem:s4+$0x170];
	[tilespmem:s23+$0x10160] =	vst v16  }
0x127: {  	[tilespmem:s4+$0x12160] =	vst v17;
	v16 =	vld [tilespmem:s24+$0x4160]  }
0x128: {  	v17 =	vld [tilespmem:s24+$0x4170];
	v19 =	vadd.f32 v19, v15;
	_ =	sdelay $0x1  }
0x129: {  	v18 =	vadd.f32 v18, v20;
	[tilespmem:s2+$0x10170] =	vst v19  }
0x12a: {  	v19 =	vld [tilespmem:s1+$0x4170]  }
0x12b: {  	v20 =	vld [tilespmem:s11+$0x170];
	v16 =	vadd.f32 v16, v22;
	[tilespmem:s11+$0x12160] =	vst v18  }
0x12c: {  	v17 =	vadd.f32 v17, v21;
	v18 =	vld [tilespmem:s26+$0x4170]  }
0x12d: {  	s15 =	sand.u32 $0x7, s0;
	v22 =	vld [tilespmem:s23+$0x170];
	[tilespmem:s23+$0x12160] =	vst v16  }
0x12e: {  	s5 =	sshll.u32 s15, $0x7;
	[tilespmem:s4+$0x10170] =	vst v17;
	v16 =	vld [tilespmem:s1+$0x4170]  }
0x12f: {  	s5 =	sadd.s32 $0x0, s5;
	v17 =	vld [tilespmem:s26+$0x4170];
	v15 =	vadd.f32 v19, v15  }
0x130: {  	s15 =	sadd.s32 $0x180, s5  }
0x131: {  	s17 =	sor.u32 $0x400, s15;
	v18 =	vadd.f32 v18, v20;
	[tilespmem:s2+$0x12170] =	vst v15  }
0x132: {  	v15 =	vld [tilespmem:s17+$0x100]  }
0x133: {  	v16 =	vadd.f32 v16, v22;
	[tilespmem:s11+$0x10170] =	vst v18;
	v18 =	vld [tilespmem:s6+$0x4500]  }
0x134: {  	v17 =	vadd.f32 v17, v21;
	v19 =	vld [tilespmem:s28+$0x4170]  }
0x135: {  	[tilespmem:s23+$0x10170] =	vst v16  }
0x136: {  	s2 =	sadd.s32 $0x80, s5;
	[tilespmem:s4+$0x12170] =	vst v17;
	v16 =	vld [tilespmem:s24+$0x4170]  }
0x137: {  	p1 =	por $0x0, $0x0;
	s4 =	simm.s32 $0x1;
	s18 =	sor.u32 $0x400, s2;
	v21 =	vld [tilespmem:s24+$0x4500]  }
0x138: {  	s4 =	simm.s32 @!p1 $0x0;
	v17 =	vld [tilespmem:s18+$0x100];
	v18 =	vadd.f32 v18, v15  }
0x139: {  	s0 =	sand.u32 $0x3, s0;
	s4 =	sshll.u32 s4, $0x9;
	v19 =	vadd.f32 v19, v20  }
0x13a: {  	s0 =	sshll.u32 s0, $0x8;
	s5 =	sadd.s32 $0x0, s4;
	[tilespmem:s17+$0x10100] =	vst v18  }
0x13b: {  	s0 =	sadd.s32 $0x0, s0;
	s19 =	sor.u32 $0x400, s5;
	v16 =	vadd.f32 v16, v22;
	[tilespmem:s11+$0x12170] =	vst v19;
	v18 =	vld [tilespmem:s1+$0x4500]  }
0x13c: {  	s4 =	sadd.s32 $0x100, s0;
	v19 =	vld [tilespmem:s19+$0x100]  }
0x13d: {  	s0 =	sor.u32 $0x400, s4;
	v20 =	vadd.f32 v21, v17;
	[tilespmem:s23+$0x12170] =	vst v16;
	v16 =	vld [tilespmem:s26+$0x4500]  }
0x13e: {  	v21 =	vld [tilespmem:s0+$0x100]  }
0x13f: {  	[tilespmem:s18+$0x10100] =	vst v20;
	v20 =	vld [tilespmem:s1+$0x4500]  }
0x140: {  	v22 =	vld [tilespmem:s26+$0x4500];
	v15 =	vadd.f32 v18, v15;
	_ =	sdelay $0x1  }
0x141: {  	s20 =	sor.u32 $0x410, s15;
	v16 =	vadd.f32 v16, v19;
	[tilespmem:s17+$0x12100] =	vst v15  }
0x142: {  	v15 =	vld [tilespmem:s20+$0x100]  }
0x143: {  	[tilespmem:s19+$0x10100] =	vst v16;
	v16 =	vadd.f32 v20, v21;
	v18 =	vld [tilespmem:s6+$0x4510]  }
0x144: {  	v17 =	vadd.f32 v22, v17;
	v20 =	vld [tilespmem:s28+$0x4500]  }
0x145: {  	[tilespmem:s0+$0x10100] =	vst v16  }
0x146: {  	s21 =	sor.u32 $0x410, s2;
	[tilespmem:s18+$0x12100] =	vst v17;
	v16 =	vld [tilespmem:s24+$0x4500]  }
0x147: {  	v17 =	vld [tilespmem:s21+$0x100]  }
0x148: {  	v22 =	vld [tilespmem:s24+$0x4510];
	v18 =	vadd.f32 v18, v15  }
0x149: {  	v19 =	vadd.f32 v20, v19  }
0x14a: {  	[tilespmem:s20+$0x10100] =	vst v18  }
0x14b: {  	s22 =	sor.u32 $0x410, s5;
	[tilespmem:s19+$0x12100] =	vst v19;
	v16 =	vadd.f32 v16, v21;
	v18 =	vld [tilespmem:s1+$0x4510]  }
0x14c: {  	v19 =	vld [tilespmem:s22+$0x100]  }
0x14d: {  	s23 =	sor.u32 $0x410, s4;
	v21 =	vadd.f32 v22, v17;
	v20 =	vld [tilespmem:s26+$0x4510];
	[tilespmem:s0+$0x12100] =	vst v16  }
0x14e: {  	v16 =	vld [tilespmem:s23+$0x100]  }
0x14f: {  	[tilespmem:s21+$0x10100] =	vst v21;
	v21 =	vld [tilespmem:s1+$0x4510]  }
0x150: {  	v22 =	vld [tilespmem:s26+$0x4510];
	v15 =	vadd.f32 v18, v15;
	_ =	sdelay $0x1  }
0x151: {  	s10 =	sor.u32 $0x420, s15;
	v18 =	vadd.f32 v20, v19;
	[tilespmem:s20+$0x12100] =	vst v15  }
0x152: {  	v15 =	vld [tilespmem:s10+$0x100]  }
0x153: {  	[tilespmem:s22+$0x10100] =	vst v18;
	v18 =	vadd.f32 v21, v16;
	v20 =	vld [tilespmem:s6+$0x4520]  }
0x154: {  	v17 =	vadd.f32 v22, v17;
	v21 =	vld [tilespmem:s28+$0x4510]  }
0x155: {  	[tilespmem:s23+$0x10100] =	vst v18  }
0x156: {  	[tilespmem:s21+$0x12100] =	vst v17;
	v17 =	vld [tilespmem:s24+$0x4510];
	_ =	sdelay $0x1  }
0x157: {  	s11 =	sor.u32 $0x420, s2;
	v20 =	vadd.f32 v20, v15  }
0x158: {  	v22 =	vld [tilespmem:s11+$0x100];
	v19 =	vadd.f32 v21, v19  }
0x159: {  	v18 =	vld [tilespmem:s24+$0x4520];
	[tilespmem:s10+$0x10100] =	vst v20  }
0x15a: {  	s7 =	sor.u32 $0x420, s5;
	[tilespmem:s22+$0x12100] =	vst v19;
	v16 =	vadd.f32 v17, v16;
	v17 =	vld [tilespmem:s1+$0x4520]  }
0x15b: {  	v20 =	vld [tilespmem:s7+$0x100]  }
0x15c: {  	v19 =	vld [tilespmem:s26+$0x4520];
	_ =	sdelay $0x1  }
0x15d: {  	s19 =	sor.u32 $0x420, s4;
	v21 =	vadd.f32 v18, v22;
	[tilespmem:s23+$0x12100] =	vst v16  }
0x15e: {  	v18 =	vld [tilespmem:s19+$0x100];
	v15 =	vadd.f32 v17, v15  }
0x15f: {  	[tilespmem:s11+$0x10100] =	vst v21;
	v16 =	vld [tilespmem:s1+$0x4520]  }
0x160: {  	s12 =	sor.u32 $0x430, s15;
	v21 =	vld [tilespmem:s26+$0x4520];
	v17 =	vadd.f32 v19, v20;
	[tilespmem:s10+$0x12100] =	vst v15  }
0x161: {  	v15 =	vld [tilespmem:s12+$0x100]  }
0x162: {  	s17 =	simm.s32 $0x400;
	s21 =	simm.s32 $0x380;
	[tilespmem:s7+$0x10100] =	vst v17;
	v17 =	vld [tilespmem:s6+$0x4530]  }
0x163: {  	s14 =	sand.u32 $0x1800, s17;
	s20 =	simm.s32 $0x400;
	s0 =	sand.u32 $0x380, s21  }
0x164: {  	v16 =	vadd.f32 v16, v18;
	s10 =	sadd.s32 $0x400, s13;
	s13 =	sor.u32 s14, s0;
	v23 =	vld [tilespmem:s28+$0x4520];
	[dreg:$0x17] =	wrdreg s20  }
0x165: {  	s17 =	sadd.s32 $0x200, s16;
	v19 =	vadd.f32 v21, v22;
	v24 =	vld [tilespmem:s13+$0x100]  }
0x166: {  	s23 =	sadd.s32 $0x4100, s17;
	s22 =	sadd.s32 $0x8200, s10;
	[tilespmem:s19+$0x10100] =	vst v16;
	v62 =	vld [tilespmem:s13+$0x140]  }
0x167: {  	[tilespmem:s11+$0x12100] =	vst v19;
	s9 =	sand.u32 $0xF800, s22;
	s11 =	sand.u32 $0x300, s23;
	v44 =	vld [tilespmem:s13+$0x150];
	v17 =	vadd.f32 v17, v15  }
0x168: {  	s21 =	sadd.s32 $0x4000, s17;
	v21 =	vld [tilespmem:s24+$0x4520];
	s3 =	sor.u32 s11, s9  }
0x169: {  	s18 =	sor.u32 $0x430, s2;
	s21 =	sand.u32 $0x300, s21;
	v20 =	vadd.f32 v23, v20;
	v23 =	vld [tilespmem:s3+$0x4100];
	[tilespmem:s12+$0x10100] =	vst v17  }
0x16a: {  	s16 =	sadd.s32 $0x7F00, s10;
	s22 =	sadd.s32 $0x3F80, s17;
	s23 =	sadd.s32 $0x8000, s10;
	v17 =	vld [tilespmem:s1+$0x4530]  }
0x16b: {  	s0 =	sand.u32 $0xF800, s16;
	v16 =	vld [tilespmem:s18+$0x100];
	s9 =	simm.s32 $0x280;
	s11 =	sand.u32 $0x380, s22  }
0x16c: {  	v19 =	vld [tilespmem:s24+$0x4530];
	s22 =	simm.s32 $0x300;
	s16 =	sand.u32 $0xF800, s23;
	s0 =	sor.u32 s11, s0  }
0x16d: {  	s23 =	sadd.s32 $0x8100, s10;
	s9 =	sand.u32 $0x280, s9;
	v25 =	vld [tilespmem:s0+$0x4100];
	[tilespmem:s7+$0x12100] =	vst v20;
	s7 =	sor.u32 s21, s16  }
0x16e: {  	s8 =	sand.u32 $0x300, s22;
	s11 =	sadd.s32 $0x4080, s17;
	s16 =	sor.u32 s14, s9;
	v26 =	vld [tilespmem:s7+$0x4100];
	v23 =	vadd.f32 v23, v24  }
0x16f: {  	s8 =	sor.u32 s14, s8;
	s9 =	sand.u32 $0xF800, s23;
	s21 =	sand.u32 $0x380, s11;
	v27 =	vld [tilespmem:s16+$0x100];
	v15 =	vadd.f32 v17, v15  }
0x170: {  	v51 =	vld [tilespmem:s8+$0x120];
	s9 =	sor.u32 s21, s9;
	[tilespmem:s13+$0x10100] =	vst v23  }
0x171: {  	v23 =	vld [tilespmem:s9+$0x4100];
	[tilespmem:s12+$0x12100] =	vst v15;
	s12 =	sor.u32 $0x440, s15  }
0x172: {  	s11 =	simm.s32 $0x200;
	v15 =	vld [tilespmem:s12+$0x100]  }
0x173: {  	s22 =	sand.u32 $0x200, s11;
	v28 =	vld [tilespmem:s6+$0x4540]  }
0x174: {  	s14 =	sor.u32 s22, s14;
	v29 =	vld [tilespmem:s9+$0x4100];
	v26 =	vadd.f32 v26, v27  }
0x175: {  	v30 =	vld [tilespmem:s14+$0x100]  }
0x176: {  	v17 =	vld [tilespmem:s8+$0x100];
	[tilespmem:s16+$0x10100] =	vst v26  }
0x177: {  	v31 =	vld [tilespmem:s0+$0x4100];
	v23 =	vadd.f32 v23, v24  }
0x178: {  	v56 =	vld [tilespmem:s8+$0x130];
	v28 =	vadd.f32 v28, v15  }
0x179: {  	[tilespmem:s13+$0x12100] =	vst v23;
	v23 =	vld [tilespmem:s13+$0x110]  }
0x17a: {  	s10 =	sadd.s32 $0x7E00, s10;
	s17 =	sadd.s32 $0x3F00, s17;
	v25 =	vadd.f32 v25, v30;
	v32 =	vld [tilespmem:s3+$0x4110];
	[tilespmem:s12+$0x10100] =	vst v28  }
0x17b: {  	s10 =	sand.u32 $0xF800, s10;
	s17 =	sand.u32 $0x300, s17;
	v29 =	vadd.f32 v29, v17;
	v28 =	vld [tilespmem:s1+$0x4540]  }
0x17c: {  	s10 =	sor.u32 s17, s10;
	v26 =	vld [tilespmem:s16+$0x110];
	[tilespmem:s14+$0x10100] =	vst v25;
	v25 =	vadd.f32 v31, v27  }
0x17d: {  	v49 =	vld [tilespmem:s10+$0x4100];
	[tilespmem:s8+$0x10100] =	vst v29  }
0x17e: {  	v27 =	vld [tilespmem:s7+$0x4100];
	[tilespmem:s16+$0x12100] =	vst v25  }
0x17f: {  	v25 =	vld [tilespmem:s7+$0x4110];
	v32 =	vadd.f32 v32, v23  }
0x180: {  	v50 =	vld [tilespmem:s14+$0x110];
	v15 =	vadd.f32 v28, v15  }
0x181: {  	v24 =	vld [tilespmem:s8+$0x110];
	[tilespmem:s13+$0x10110] =	vst v32  }
0x182: {  	s23 =	sor.u32 $0x450, s15;
	v29 =	vadd.f32 v49, v30;
	v52 =	vld [tilespmem:s9+$0x4110];
	[tilespmem:s12+$0x12100] =	vst v15  }
0x183: {  	v15 =	vadd.f32 v27, v17;
	v17 =	vld [tilespmem:s23+$0x100]  }
0x184: {  	[tilespmem:s14+$0x12100] =	vst v29;
	v25 =	vadd.f32 v25, v26;
	v27 =	vld [tilespmem:s6+$0x4550]  }
0x185: {  	[tilespmem:s8+$0x12100] =	vst v15;
	v15 =	vld [tilespmem:s0+$0x4110]  }
0x186: {  	[tilespmem:s16+$0x10110] =	vst v25;
	v25 =	vld [tilespmem:s9+$0x4110]  }
0x187: {  	v53 =	vld [tilespmem:s0+$0x4110]  }
0x188: {  	v58 =	vld [tilespmem:s8+$0x140];
	v23 =	vadd.f32 v52, v23  }
0x189: {  	v33 =	vld [tilespmem:s16+$0x120];
	v27 =	vadd.f32 v27, v17  }
0x18a: {  	[tilespmem:s13+$0x12110] =	vst v23;
	v23 =	vld [tilespmem:s13+$0x120];
	v15 =	vadd.f32 v15, v50  }
0x18b: {  	v34 =	vld [tilespmem:s3+$0x4120];
	v25 =	vadd.f32 v25, v24;
	[tilespmem:s23+$0x10100] =	vst v27  }
0x18c: {  	[tilespmem:s14+$0x10110] =	vst v15;
	v15 =	vadd.f32 v53, v26;
	v26 =	vld [tilespmem:s1+$0x4550]  }
0x18d: {  	v27 =	vld [tilespmem:s10+$0x4110];
	[tilespmem:s8+$0x10110] =	vst v25  }
0x18e: {  	[tilespmem:s16+$0x12110] =	vst v15;
	v15 =	vld [tilespmem:s7+$0x4110]  }
0x18f: {  	v25 =	vld [tilespmem:s7+$0x4120]  }
0x190: {  	s20 =	sor.u32 $0x430, s5;
	v37 =	vld [tilespmem:s8+$0x150];
	v34 =	vadd.f32 v34, v23  }
0x191: {  	v20 =	vld [tilespmem:s20+$0x100];
	v17 =	vadd.f32 v26, v17  }
0x192: {  	v54 =	vld [tilespmem:s14+$0x120];
	[tilespmem:s13+$0x10120] =	vst v34;
	v26 =	vadd.f32 v27, v50  }
0x193: {  	s12 =	sor.u32 $0x460, s15;
	v15 =	vadd.f32 v15, v24;
	v24 =	vld [tilespmem:s9+$0x4120];
	[tilespmem:s23+$0x12100] =	vst v17  }
0x194: {  	[tilespmem:s14+$0x12110] =	vst v26;
	v17 =	vadd.f32 v25, v33;
	v25 =	vld [tilespmem:s12+$0x100]  }
0x195: {  	[tilespmem:s8+$0x12110] =	vst v15;
	v15 =	vld [tilespmem:s0+$0x4120]  }
0x196: {  	[tilespmem:s16+$0x10120] =	vst v17;
	v17 =	vld [tilespmem:s9+$0x4120]  }
0x197: {  	v26 =	vld [tilespmem:s0+$0x4120]  }
0x198: {  	v57 =	vld [tilespmem:s6+$0x4560];
	v23 =	vadd.f32 v24, v23  }
0x199: {  	v22 =	vld [tilespmem:s26+$0x4530]  }
0x19a: {  	v15 =	vadd.f32 v15, v54;
	[tilespmem:s13+$0x12120] =	vst v23;
	v23 =	vld [tilespmem:s13+$0x130]  }
0x19b: {  	v17 =	vadd.f32 v17, v51;
	v24 =	vld [tilespmem:s3+$0x4130]  }
0x19c: {  	v55 =	vld [tilespmem:s16+$0x130];
	[tilespmem:s14+$0x10120] =	vst v15;
	v15 =	vadd.f32 v26, v33  }
0x19d: {  	v26 =	vadd.f32 v57, v25;
	v59 =	vld [tilespmem:s10+$0x4120];
	[tilespmem:s8+$0x10120] =	vst v17  }
0x19e: {  	[tilespmem:s16+$0x12120] =	vst v15;
	v15 =	vld [tilespmem:s7+$0x4120]  }
0x19f: {  	[tilespmem:s12+$0x10100] =	vst v26;
	v17 =	vld [tilespmem:s7+$0x4130]  }
0x1a0: {  	v26 =	vld [tilespmem:s1+$0x4560];
	v24 =	vadd.f32 v24, v23  }
0x1a1: {  	v60 =	vld [tilespmem:s16+$0x150]  }
0x1a2: {  	v63 =	vld [tilespmem:s16+$0x160];
	v31 =	vadd.f32 v59, v54;
	[tilespmem:s13+$0x10130] =	vst v24  }
0x1a3: {  	v15 =	vadd.f32 v15, v51;
	v24 =	vld [tilespmem:s9+$0x4130]  }
0x1a4: {  	v35 =	vld [tilespmem:s14+$0x130];
	[tilespmem:s14+$0x12120] =	vst v31;
	v17 =	vadd.f32 v17, v55  }
0x1a5: {  	v25 =	vadd.f32 v26, v25;
	[tilespmem:s8+$0x12120] =	vst v15;
	v26 =	vld [tilespmem:s0+$0x4130]  }
0x1a6: {  	v22 =	vadd.f32 v22, v20;
	[tilespmem:s16+$0x10130] =	vst v17;
	v17 =	vld [tilespmem:s9+$0x4130]  }
0x1a7: {  	[tilespmem:s12+$0x12100] =	vst v25;
	v25 =	vld [tilespmem:s0+$0x4130]  }
0x1a8: {  	v36 =	vld [tilespmem:s14+$0x140];
	[tilespmem:s20+$0x10100] =	vst v22;
	v23 =	vadd.f32 v24, v23  }
0x1a9: {  	v45 =	vld [tilespmem:s28+$0x4530]  }
0x1aa: {  	v61 =	vld [tilespmem:s14+$0x150];
	v26 =	vadd.f32 v26, v35;
	[tilespmem:s13+$0x12130] =	vst v23  }
0x1ab: {  	v17 =	vadd.f32 v17, v56;
	v23 =	vld [tilespmem:s3+$0x4140]  }
0x1ac: {  	v27 =	vld [tilespmem:s16+$0x140];
	[tilespmem:s14+$0x10130] =	vst v26;
	v25 =	vadd.f32 v25, v55  }
0x1ad: {  	v18 =	vadd.f32 v21, v18;
	v26 =	vld [tilespmem:s10+$0x4130];
	[tilespmem:s8+$0x10130] =	vst v17  }
0x1ae: {  	v20 =	vadd.f32 v45, v20;
	[tilespmem:s16+$0x12130] =	vst v25;
	v40 =	vld [tilespmem:s7+$0x4130]  }
0x1af: {  	[tilespmem:s19+$0x12100] =	vst v18;
	v38 =	vld [tilespmem:s7+$0x4140]  }
0x1b0: {  	s19 =	sor.u32 $0x440, s5;
	v43 =	vld [tilespmem:s1+$0x4530];
	[tilespmem:s20+$0x12100] =	vst v20;
	v23 =	vadd.f32 v23, v62  }
0x1b1: {  	s17 =	sor.u32 $0x470, s15;
	v46 =	vld [tilespmem:s19+$0x100]  }
0x1b2: {  	v15 =	vld [tilespmem:s17+$0x100];
	v26 =	vadd.f32 v26, v35;
	[tilespmem:s13+$0x10140] =	vst v23  }
0x1b3: {  	v29 =	vadd.f32 v40, v56;
	v41 =	vld [tilespmem:s9+$0x4140]  }
0x1b4: {  	v24 =	vld [tilespmem:s6+$0x4570];
	[tilespmem:s14+$0x12130] =	vst v26;
	v26 =	vadd.f32 v38, v27  }
0x1b5: {  	v21 =	vld [tilespmem:s0+$0x4140];
	[tilespmem:s8+$0x12130] =	vst v29  }
0x1b6: {  	[tilespmem:s16+$0x10140] =	vst v26;
	v26 =	vld [tilespmem:s9+$0x4140]  }
0x1b7: {  	v18 =	vld [tilespmem:s0+$0x4140]  }
0x1b8: {  	v47 =	vld [tilespmem:s26+$0x4540];
	s15 =	sor.u32 $0x430, s4;
	v30 =	vadd.f32 v41, v62  }
0x1b9: {  	v42 =	vld [tilespmem:s15+$0x100]  }
0x1ba: {  	v51 =	vld [tilespmem:s14+$0x170];
	[tilespmem:s13+$0x12140] =	vst v30;
	v21 =	vadd.f32 v21, v36  }
0x1bb: {  	v22 =	vld [tilespmem:s3+$0x4150];
	v26 =	vadd.f32 v26, v58  }
0x1bc: {  	v17 =	vadd.f32 v24, v15;
	v24 =	vld [tilespmem:s8+$0x160];
	[tilespmem:s14+$0x10140] =	vst v21;
	v21 =	vadd.f32 v18, v27  }
0x1bd: {  	v19 =	vadd.f32 v19, v16;
	[tilespmem:s8+$0x10140] =	vst v26;
	v26 =	vld [tilespmem:s10+$0x4140]  }
0x1be: {  	v27 =	vadd.f32 v43, v42;
	[tilespmem:s16+$0x12140] =	vst v21;
	v21 =	vld [tilespmem:s7+$0x4140]  }
0x1bf: {  	[tilespmem:s18+$0x10100] =	vst v19;
	v19 =	vld [tilespmem:s7+$0x4150]  }
0x1c0: {  	[tilespmem:s15+$0x10100] =	vst v27;
	v27 =	vld [tilespmem:s26+$0x4530];
	v22 =	vadd.f32 v22, v44  }
0x1c1: {  	v25 =	vld [tilespmem:s14+$0x160]  }
0x1c2: {  	[tilespmem:s13+$0x10150] =	vst v22;
	v22 =	vld [tilespmem:s24+$0x4530];
	v20 =	vadd.f32 v26, v36  }
0x1c3: {  	[tilespmem:s17+$0x10100] =	vst v17;
	v26 =	vld [tilespmem:s9+$0x4150];
	v21 =	vadd.f32 v21, v58  }
0x1c4: {  	v17 =	vld [tilespmem:s1+$0x4570];
	[tilespmem:s14+$0x12140] =	vst v20;
	v19 =	vadd.f32 v19, v60  }
0x1c5: {  	v16 =	vadd.f32 v27, v16;
	v20 =	vld [tilespmem:s0+$0x4150];
	[tilespmem:s8+$0x12140] =	vst v21  }
0x1c6: {  	[tilespmem:s16+$0x10150] =	vst v19;
	v19 =	vld [tilespmem:s9+$0x4150]  }
0x1c7: {  	s22 =	sor.u32 $0x440, s2;
	[tilespmem:s18+$0x12100] =	vst v16;
	v21 =	vld [tilespmem:s0+$0x4150];
	v22 =	vadd.f32 v22, v42  }
0x1c8: {  	v16 =	vadd.f32 v26, v44;
	v26 =	vld [tilespmem:s22+$0x100]  }
0x1c9: {  	[tilespmem:s15+$0x12100] =	vst v22;
	v22 =	vld [tilespmem:s24+$0x4540]  }
0x1ca: {  	[tilespmem:s13+$0x12150] =	vst v16;
	v16 =	vld [tilespmem:s13+$0x160];
	v20 =	vadd.f32 v20, v61  }
0x1cb: {  	s23 =	sor.u32 $0x440, s4;
	v27 =	vld [tilespmem:s3+$0x4160];
	v19 =	vadd.f32 v19, v37  }
0x1cc: {  	v48 =	vld [tilespmem:s23+$0x100];
	[tilespmem:s14+$0x10150] =	vst v20;
	v20 =	vadd.f32 v21, v60  }
0x1cd: {  	v21 =	vld [tilespmem:s10+$0x4150];
	[tilespmem:s8+$0x10150] =	vst v19  }
0x1ce: {  	v49 =	vadd.f32 v47, v46;
	[tilespmem:s16+$0x12150] =	vst v20;
	v19 =	vld [tilespmem:s7+$0x4150]  }
0x1cf: {  	v22 =	vadd.f32 v22, v26;
	v20 =	vld [tilespmem:s7+$0x4160]  }
0x1d0: {  	[tilespmem:s19+$0x10100] =	vst v49;
	v50 =	vld [tilespmem:s1+$0x4540];
	v27 =	vadd.f32 v27, v16  }
0x1d1: {  	v23 =	vld [tilespmem:s16+$0x170];
	[tilespmem:s22+$0x10100] =	vst v22  }
0x1d2: {  	v22 =	vld [tilespmem:s28+$0x4540];
	[tilespmem:s13+$0x10160] =	vst v27;
	v21 =	vadd.f32 v21, v61  }
0x1d3: {  	v27 =	vld [tilespmem:s9+$0x4160];
	v19 =	vadd.f32 v19, v37  }
0x1d4: {  	v52 =	vld [tilespmem:s26+$0x4540];
	[tilespmem:s14+$0x12150] =	vst v21;
	v20 =	vadd.f32 v20, v63  }
0x1d5: {  	v21 =	vld [tilespmem:s0+$0x4160];
	[tilespmem:s8+$0x12150] =	vst v19;
	v19 =	vadd.f32 v50, v48  }
0x1d6: {  	[tilespmem:s16+$0x10160] =	vst v20;
	v20 =	vld [tilespmem:s9+$0x4160]  }
0x1d7: {  	v53 =	vld [tilespmem:s0+$0x4160];
	[tilespmem:s23+$0x10100] =	vst v19;
	v19 =	vadd.f32 v22, v46  }
0x1d8: {  	v18 =	vld [tilespmem:s8+$0x170];
	v16 =	vadd.f32 v27, v16  }
0x1d9: {  	v26 =	vadd.f32 v52, v26;
	v22 =	vld [tilespmem:s24+$0x4540];
	[tilespmem:s19+$0x12100] =	vst v19  }
0x1da: {  	[tilespmem:s13+$0x12160] =	vst v16;
	v16 =	vld [tilespmem:s13+$0x170];
	v19 =	vadd.f32 v21, v25  }
0x1db: {  	s20 =	sor.u32 $0x450, s2;
	[tilespmem:s22+$0x12100] =	vst v26;
	v21 =	vld [tilespmem:s3+$0x4170];
	v20 =	vadd.f32 v20, v24  }
0x1dc: {  	v26 =	vld [tilespmem:s20+$0x100];
	[tilespmem:s14+$0x10160] =	vst v19;
	v19 =	vadd.f32 v53, v63  }
0x1dd: {  	v55 =	vld [tilespmem:s10+$0x4160];
	[tilespmem:s8+$0x10160] =	vst v20  }
0x1de: {  	s12 =	sor.u32 $0x450, s5;
	[tilespmem:s16+$0x12160] =	vst v19;
	v19 =	vld [tilespmem:s7+$0x4160]  }
0x1df: {  	v27 =	vld [tilespmem:s12+$0x100]  }
0x1e0: {  	v20 =	vld [tilespmem:s7+$0x4170];
	v21 =	vadd.f32 v21, v16  }
0x1e1: {  	v54 =	vld [tilespmem:s26+$0x4550];
	v22 =	vadd.f32 v22, v48  }
0x1e2: {  	v56 =	vld [tilespmem:s24+$0x4550];
	[tilespmem:s13+$0x10170] =	vst v21;
	v21 =	vadd.f32 v55, v25  }
0x1e3: {  	s19 =	sor.u32 $0x450, s4;
	[tilespmem:s23+$0x12100] =	vst v22;
	v22 =	vld [tilespmem:s9+$0x4170];
	v19 =	vadd.f32 v19, v24  }
0x1e4: {  	v25 =	vld [tilespmem:s19+$0x100];
	[tilespmem:s14+$0x12160] =	vst v21  }
0x1e5: {  	s21 =	simm.s32 $0x4;
	s22 =	simm.s32 $0x4;
	v24 =	vld [tilespmem:s1+$0x4550];
	v20 =	vadd.f32 v20, v23;
	[tilespmem:s8+$0x12160] =	vst v19  }
0x1e6: {  	s23 =	sand.u32 $0x7, s21;
	v21 =	vadd.f32 v54, v27;
	v57 =	vld [tilespmem:s0+$0x4170];
	[dreg:$0xa] =	wrdreg s22  }
0x1e7: {  	s6 =	sshll.u32 s23, $0x7;
	[tilespmem:s16+$0x10170] =	vst v20;
	v19 =	vld [tilespmem:s9+$0x4170];
	v20 =	vadd.f32 v56, v26  }
0x1e8: {  	s6 =	sadd.s32 $0x400, s6;
	[tilespmem:s12+$0x10100] =	vst v21;
	v16 =	vadd.f32 v22, v16  }
0x1e9: {  	s29 =	sadd.s32 $0x180, s6;
	v21 =	vld [tilespmem:s0+$0x4170];
	[tilespmem:s20+$0x10100] =	vst v20  }
0x1ea: {  	s21 =	sor.u32 $0x400, s29;
	v22 =	vld [tilespmem:s28+$0x4550];
	v20 =	vadd.f32 v24, v25;
	[tilespmem:s13+$0x12170] =	vst v16  }
0x1eb: {  	v16 =	vadd.f32 v57, v51;
	v58 =	vld [tilespmem:s21+$0x100]  }
0x1ec: {  	[tilespmem:s19+$0x10100] =	vst v20;
	v20 =	vld [tilespmem:s3+$0x4500];
	v19 =	vadd.f32 v19, v18  }
0x1ed: {  	v24 =	vld [tilespmem:s26+$0x4550];
	[tilespmem:s14+$0x10170] =	vst v16  }
0x1ee: {  	v16 =	vadd.f32 v21, v23;
	[tilespmem:s8+$0x10170] =	vst v19;
	v19 =	vld [tilespmem:s10+$0x4170]  }
0x1ef: {  	s13 =	sadd.s32 $0x80, s6;
	v59 =	vld [tilespmem:s24+$0x4550]  }
0x1f0: {  	s22 =	sor.u32 $0x400, s13;
	v21 =	vadd.f32 v22, v27;
	[tilespmem:s16+$0x12170] =	vst v16;
	v16 =	vld [tilespmem:s7+$0x4170]  }
0x1f1: {  	p1 =	por !p1, !p1;
	s16 =	simm.s32 $0x1;
	v22 =	vld [tilespmem:s22+$0x100];
	v20 =	vadd.f32 v20, v58  }
0x1f2: {  	s6 =	sor.u32 $0x460, s5;
	[tilespmem:s12+$0x12100] =	vst v21;
	s12 =	simm.s32 $0x2;
	v21 =	vld [tilespmem:s7+$0x4500];
	s16 =	simm.s32 @!p1 $0x0  }
0x1f3: {  	v23 =	vadd.f32 v24, v26;
	v24 =	vld [tilespmem:s6+$0x100];
	s18 =	sand.u32 $0x3, s12;
	s16 =	sshll.u32 s16, $0x9;
	[tilespmem:s21+$0x10100] =	vst v20;
	v19 =	vadd.f32 v19, v51  }
0x1f4: {  	s15 =	sshll.u32 s18, $0x8;
	s18 =	sadd.s32 $0x400, s16;
	v20 =	vld [tilespmem:s9+$0x4500]  }
0x1f5: {  	v26 =	vld [tilespmem:s26+$0x4560];
	s23 =	sadd.s32 $0x400, s15;
	s12 =	sor.u32 $0x400, s18;
	v16 =	vadd.f32 v16, v18;
	[tilespmem:s14+$0x12170] =	vst v19  }
0x1f6: {  	s14 =	sadd.s32 $0x100, s23;
	v18 =	vld [tilespmem:s12+$0x100]  }
0x1f7: {  	[tilespmem:s8+$0x12170] =	vst v16;
	v16 =	vadd.f32 v21, v22;
	v21 =	vld [tilespmem:s0+$0x4500];
	s23 =	sor.u32 $0x400, s14  }
0x1f8: {  	[tilespmem:s20+$0x12100] =	vst v23;
	v23 =	vld [tilespmem:s23+$0x100]  }
0x1f9: {  	[tilespmem:s22+$0x10100] =	vst v16;
	v16 =	vld [tilespmem:s9+$0x4500];
	v20 =	vadd.f32 v20, v58  }
0x1fa: {  	s16 =	sor.u32 $0x460, s2;
	v27 =	vld [tilespmem:s0+$0x4500]  }
0x1fb: {  	v19 =	vld [tilespmem:s16+$0x100];
	[tilespmem:s21+$0x12100] =	vst v20;
	v20 =	vadd.f32 v59, v25  }
0x1fc: {  	v25 =	vld [tilespmem:s24+$0x4560];
	s21 =	sor.u32 $0x410, s29;
	v21 =	vadd.f32 v21, v18  }
0x1fd: {  	v60 =	vld [tilespmem:s21+$0x100];
	[tilespmem:s19+$0x12100] =	vst v20  }
0x1fe: {  	v20 =	vld [tilespmem:s3+$0x4510];
	[tilespmem:s12+$0x10100] =	vst v21;
	v16 =	vadd.f32 v16, v23  }
0x1ff: {  	s8 =	sor.u32 $0x460, s4;
	v21 =	vld [tilespmem:s10+$0x4500];
	v22 =	vadd.f32 v27, v22  }
0x200: {  	v61 =	vld [tilespmem:s8+$0x100];
	[tilespmem:s23+$0x10100] =	vst v16  }
0x201: {  	s15 =	sor.u32 $0x410, s13;
	[tilespmem:s22+$0x12100] =	vst v22;
	v22 =	vadd.f32 v26, v24;
	v26 =	vld [tilespmem:s7+$0x4500]  }
0x202: {  	v27 =	vld [tilespmem:s15+$0x100]  }
0x203: {  	v20 =	vadd.f32 v20, v60;
	[tilespmem:s6+$0x10100] =	vst v22;
	v22 =	vadd.f32 v25, v19;
	v25 =	vld [tilespmem:s7+$0x4510]  }
0x204: {  	v16 =	vld [tilespmem:s1+$0x4560];
	v18 =	vadd.f32 v21, v18  }
0x205: {  	v21 =	vld [tilespmem:s28+$0x4560];
	[tilespmem:s21+$0x10100] =	vst v20  }
0x206: {  	s22 =	sor.u32 $0x410, s18;
	v20 =	vld [tilespmem:s9+$0x4510];
	[tilespmem:s12+$0x12100] =	vst v18;
	v18 =	vadd.f32 v26, v23  }
0x207: {  	v23 =	vld [tilespmem:s22+$0x100]  }
0x208: {  	s12 =	sor.u32 $0x410, s14;
	[tilespmem:s23+$0x12100] =	vst v18;
	v18 =	vld [tilespmem:s0+$0x4510];
	v25 =	vadd.f32 v25, v27  }
0x209: {  	v26 =	vld [tilespmem:s12+$0x100]  }
0x20a: {  	v16 =	vadd.f32 v16, v61;
	[tilespmem:s15+$0x10100] =	vst v25;
	v25 =	vld [tilespmem:s9+$0x4510]  }
0x20b: {  	[tilespmem:s16+$0x10100] =	vst v22;
	v20 =	vadd.f32 v20, v60  }
0x20c: {  	v22 =	vld [tilespmem:s26+$0x4560];
	[tilespmem:s8+$0x10100] =	vst v16  }
0x20d: {  	v16 =	vld [tilespmem:s0+$0x4510];
	[tilespmem:s21+$0x12100] =	vst v20;
	v20 =	vadd.f32 v21, v24  }
0x20e: {  	s23 =	smov.u32 s24;
	v21 =	vld [tilespmem:s24+$0x4560];
	s24 =	sor.u32 $0x420, s29;
	v24 =	vadd.f32 v18, v23  }
0x20f: {  	v62 =	vld [tilespmem:s24+$0x100];
	[tilespmem:s6+$0x12100] =	vst v20;
	v20 =	vadd.f32 v25, v26  }
0x210: {  	s21 =	sor.u32 $0x470, s5;
	v63 =	vld [tilespmem:s3+$0x4520];
	[tilespmem:s22+$0x10100] =	vst v24  }
0x211: {  	v18 =	vld [tilespmem:s21+$0x100];
	[tilespmem:s12+$0x10100] =	vst v20  }
0x212: {  	v24 =	vld [tilespmem:s10+$0x4510];
	v16 =	vadd.f32 v16, v27;
	[dreg:$0x6] =	wrdreg s26  }
0x213: {  	v25 =	vld [tilespmem:s26+$0x4570]  }
0x214: {  	s6 =	sor.u32 $0x420, s13;
	[tilespmem:s15+$0x12100] =	vst v16;
	v16 =	vadd.f32 v22, v19;
	v19 =	vld [tilespmem:s7+$0x4510]  }
0x215: {  	v22 =	vadd.f32 v63, v62;
	v20 =	vld [tilespmem:s6+$0x100]  }
0x216: {  	s15 =	sor.u32 $0x470, s2;
	v27 =	vld [tilespmem:s7+$0x4520];
	[tilespmem:s16+$0x12100] =	vst v16  }
0x217: {  	v21 =	vadd.f32 v21, v61;
	[tilespmem:s24+$0x10100] =	vst v22;
	v16 =	vld [tilespmem:s15+$0x100]  }
0x218: {  	v22 =	vadd.f32 v24, v23;
	v24 =	vld [tilespmem:s9+$0x4520];
	[smem:$0x7F4] =	sst s25  }
0x219: {  	[tilespmem:s8+$0x12100] =	vst v21  }
0x21a: {  	s19 =	sld [smem:$0x7F9];
	_ =	sdelay $0x1  }
0x21b: {  	s16 =	sshll.u32 s25, $0x1  }
0x21c: {  	s2 =	sor.u32 s19, s16  }
0x21d: {  	v21 =	vld [tilespmem:s23+$0x4570];
	[smem:$0x7F5] =	sst s2  }
0x21e: {  	s26 =	sor.u32 $0x430, s18;
	[tilespmem:s22+$0x12100] =	vst v22;
	v22 =	vadd.f32 v19, v26  }
0x21f: {  	v19 =	vld [tilespmem:s1+$0x4570];
	[dreg:$0x1a] =	wrdreg s26  }
0x220: {  	s20 =	sor.u32 $0x470, s4;
	s4 =	sor.u32 $0x440, s18;
	s25 =	sor.u32 $0x420, s18;
	[tilespmem:s12+$0x12100] =	vst v22  }
0x221: {  	v15 =	vadd.f32 v17, v15;
	s8 =	sor.u32 $0x450, s18;
	v23 =	vld [tilespmem:s25+$0x100];
	[dreg:$0x15] =	wrdreg s4  }
0x222: {  	v26 =	vld [tilespmem:s0+$0x4520];
	[dreg:$0xf] =	wrdreg s8  }
0x223: {  	s16 =	sor.u32 $0x420, s14;
	s12 =	sor.u32 $0x430, s14;
	[tilespmem:s17+$0x12100] =	vst v15  }
0x224: {  	v22 =	vld [tilespmem:s16+$0x100];
	s17 =	sor.u32 $0x440, s14;
	[dreg:$0x1b] =	wrdreg s12  }
0x225: {  	v17 =	vadd.f32 v27, v20;
	s22 =	sor.u32 $0x450, s14;
	[dreg:$0x1f] =	wrdreg s17  }
0x226: {  	v15 =	vadd.f32 v24, v62;
	[dreg:$0x10] =	wrdreg s22  }
0x227: {  	s5 =	smov.u32 s28;
	[tilespmem:s6+$0x10100] =	vst v17  }
0x228: {  	s28 =	sor.u32 $0x470, s18;
	s19 =	sor.u32 $0x460, s18;
	v24 =	vld [tilespmem:s9+$0x4520];
	[tilespmem:s24+$0x12100] =	vst v15;
	s24 =	sor.u32 $0x440, s13  }
0x229: {  	v25 =	vadd.f32 v25, v18;
	s18 =	smov.u32 s25;
	s25 =	sor.u32 $0x450, s13;
	v17 =	vld [tilespmem:s0+$0x4520];
	[smem:$0x7F6] =	sst s24  }
0x22a: {  	[dreg:$0x14] =	wrdreg s25  }
0x22b: {  	s31 =	sor.u32 $0x430, s13;
	p1 =	por !p1, !p1;
	s30 =	smov.u32 s21;
	v21 =	vadd.f32 v21, v16;
	[tilespmem:s21+$0x10100] =	vst v25  }
0x22c: {  	s2 =	sor.u32 $0x430, s29;
	s26 =	simm.s32 $0x4;
	v15 =	vld [tilespmem:s20+$0x100];
	[dreg:$0x9] =	wrdreg s15  }
0x22d: {  	s4 =	sor.u32 $0x470, s14;
	s8 =	sor.u32 $0x460, s14;
	s14 =	sor.u32 $0x460, s13;
	[tilespmem:s15+$0x10100] =	vst v21  }
0x22e: {  	s12 =	sor.u32 $0x470, s13;
	s13 =	simm.s32 $0x4;
	v25 =	vadd.f32 v26, v23;
	v21 =	vld [tilespmem:s2+$0x100];
	[smem:$0x7F7] =	sst s26  }
.LBB2_3:
0x22f: {  	[smem:$0x7E2] =	sst s23  }
0x230: {  	[smem:$0x7E5] =	sst s20  }
0x231: {  	[smem:$0x7E8] =	sst s19  }
0x232: {  	[smem:$0x7E6] =	sst s4  }
0x233: {  	[smem:$0x7EB] =	sst s14  }
0x234: {  	[smem:$0x7ED] =	sst s8;
	s1 =	sand.u32 $0x3, s13  }
0x235: {  	s4 =	simm.s32 $0x1;
	s24 =	smov.u32 s12;
	s11 =	sadd.s32 $0x200, s11  }
0x236: {  	s15 =	rddreg [dreg:$0x5];
	s4 =	simm.s32 @!p1 $0x0;
	[tilespmem:s18+$0x10100] =	vst v25;
	v25 =	vld [tilespmem:s3+$0x4530];
	s1 =	sshll.u32 s1, $0x8;
	v24 =	vadd.f32 v24, v22  }
0x237: {  	s19 =	sadd.s32 s11, s15;
	s8 =	sshll.u32 s4, $0x9;
	v26 =	vld [tilespmem:s10+$0x4520];
	s4 =	rddreg [dreg:$0x17];
	v17 =	vadd.f32 v17, v20  }
0x238: {  	s17 =	sadd.s32 $0x180, s11;
	s12 =	sadd.s32 $0x400, s4;
	v20 =	vld [tilespmem:s5+$0x4570];
	s5 =	rddreg [dreg:$0x4];
	[tilespmem:s16+$0x10100] =	vst v24  }
0x239: {  	s23 =	sadd.s32 $0x4100, s19;
	s14 =	sadd.s32 s12, s1;
	s22 =	sadd.s32 s12, s5;
	[tilespmem:s6+$0x12100] =	vst v17;
	v24 =	vld [tilespmem:s7+$0x4520]  }
0x23a: {  	s26 =	sand.u32 $0x1800, s12;
	v19 =	vadd.f32 v19, v15;
	s1 =	sand.u32 $0x380, s17;
	s21 =	sadd.s32 $0x8200, s22;
	v17 =	vld [tilespmem:s31+$0x100]  }
0x23b: {  	s25 =	sor.u32 s26, s1;
	s5 =	sand.u32 $0x300, s23;
	v25 =	vadd.f32 v25, v21;
	s4 =	sand.u32 $0xF800, s21;
	v27 =	vld [tilespmem:s7+$0x4530]  }
0x23c: {  	s15 =	sadd.s32 $0x4000, s19;
	s6 =	sadd.s32 $0x7F00, s22;
	[tilespmem:s20+$0x10100] =	vst v19;
	v19 =	vld [tilespmem:s25+$0x100];
	v23 =	vadd.f32 v26, v23;
	s17 =	sor.u32 s5, s4  }
0x23d: {  	s23 =	sadd.s32 $0x8000, s22;
	s21 =	sadd.s32 $0x3F80, s19;
	s20 =	sadd.s32 $0x80, s11;
	v26 =	vld [tilespmem:s17+$0x4100];
	[tilespmem:s2+$0x10100] =	vst v25;
	v20 =	vadd.f32 v20, v18  }
0x23e: {  	s1 =	sand.u32 $0x280, s20;
	s20 =	sand.u32 $0x300, s15;
	s15 =	rddreg [dreg:$0x1a];
	[tilespmem:s18+$0x12100] =	vst v23;
	v23 =	vld [tilespmem:s9+$0x4530]  }
0x23f: {  	s5 =	sand.u32 $0xF800, s6;
	s6 =	sand.u32 $0x380, s21;
	s4 =	sand.u32 $0xF800, s23;
	v18 =	vld [tilespmem:s15+$0x100];
	[tilespmem:s30+$0x12100] =	vst v20;
	v22 =	vadd.f32 v24, v22  }
0x240: {  	s21 =	sadd.s32 $0x100, s11;
	s23 =	sand.u32 $0x200, s11;
	s4 =	sor.u32 s20, s4;
	v20 =	vld [tilespmem:s0+$0x4530];
	v24 =	vadd.f32 v27, v17  }
0x241: {  	s6 =	sor.u32 s6, s5;
	s21 =	sand.u32 $0x300, s21;
	s5 =	sor.u32 s26, s1;
	v25 =	vld [tilespmem:s4+$0x4100];
	[tilespmem:s16+$0x12100] =	vst v22  }
0x242: {  	s20 =	sadd.s32 $0x8100, s22;
	s1 =	sor.u32 s26, s21;
	s21 =	sadd.s32 $0x4080, s19;
	v22 =	vld [tilespmem:s6+$0x4100];
	v26 =	vadd.f32 v26, v19;
	[tilespmem:s31+$0x10100] =	vst v24  }
0x243: {  	s22 =	sadd.s32 $0x7E00, s22;
	s16 =	sand.u32 $0xF800, s20;
	s20 =	sand.u32 $0x380, s21;
	v24 =	vld [tilespmem:s5+$0x100];
	v21 =	vadd.f32 v23, v21  }
0x244: {  	s19 =	sadd.s32 $0x3F00, s19;
	s21 =	sand.u32 $0xF800, s22;
	v23 =	vld [tilespmem:s1+$0x100];
	s22 =	sor.u32 s20, s16;
	[tilespmem:s25+$0x10100] =	vst v26  }
0x245: {  	s26 =	sor.u32 s23, s26;
	s23 =	sand.u32 $0x300, s19;
	s19 =	sor.u32 $0x440, s29;
	v26 =	vld [tilespmem:s22+$0x4100];
	v20 =	vadd.f32 v20, v18;
	[tilespmem:s2+$0x12100] =	vst v21  }
0x246: {  	v21 =	vld [tilespmem:s19+$0x100]  }
0x247: {  	[tilespmem:s15+$0x10100] =	vst v20;
	v20 =	vld [tilespmem:s3+$0x4540]  }
0x248: {  	v27 =	vld [tilespmem:s22+$0x4100];
	v25 =	vadd.f32 v25, v24  }
0x249: {  	v28 =	vld [tilespmem:s26+$0x100]  }
0x24a: {  	s16 =	sld [smem:$0x7F7];
	v31 =	vld [tilespmem:s5+$0x120];
	[tilespmem:s5+$0x10100] =	vst v25  }
0x24b: {  	v19 =	vadd.f32 v26, v19;
	v29 =	vld [tilespmem:s6+$0x4100]  }
0x24c: {  	v33 =	vld [tilespmem:s5+$0x130];
	v20 =	vadd.f32 v20, v21  }
0x24d: {  	s21 =	sor.u32 s23, s21;
	s23 =	sadd.s32 s8, s12;
	s2 =	sadd.s32 $0x4, s16;
	v27 =	vadd.f32 v27, v23;
	[tilespmem:s25+$0x12100] =	vst v19;
	v19 =	vld [tilespmem:s25+$0x110]  }
0x24e: {  	s16 =	sor.u32 $0x410, s23;
	[smem:$0x7F7] =	sst s2;
	v22 =	vadd.f32 v22, v28;
	v30 =	vld [tilespmem:s17+$0x4110];
	[tilespmem:s19+$0x10100] =	vst v20  }
0x24f: {  	s20 =	sadd.s32 $0x100, s14;
	p2 =	slt.u32 s2, $0x1C;
	[smem:$0x7EE] =	sst s16;
	[tilespmem:s1+$0x10100] =	vst v27;
	v20 =	vld [tilespmem:s9+$0x4540]  }
0x250: {  	s16 =	sor.u32 $0x420, s23;
	s2 =	smov.u32 s10;
	s10 =	smov.u32 s21;
	[tilespmem:s26+$0x10100] =	vst v22;
	v22 =	vadd.f32 v29, v24;
	v24 =	vld [tilespmem:s4+$0x4100]  }
0x251: {  	[smem:$0x7E9] =	sst s16;
	s16 =	sor.u32 $0x450, s20;
	v27 =	vld [tilespmem:s10+$0x4100]  }
0x252: {  	[smem:$0x7EA] =	sst s16;
	s16 =	sor.u32 $0x450, s23;
	v25 =	vld [tilespmem:s5+$0x110];
	[tilespmem:s5+$0x12100] =	vst v22  }
0x253: {  	[smem:$0x7E3] =	sst s16;
	s16 =	sor.u32 $0x460, s23;
	v30 =	vadd.f32 v30, v19;
	v22 =	vld [tilespmem:s4+$0x4110]  }
0x254: {  	v42 =	vld [tilespmem:s26+$0x110];
	[smem:$0x7F0] =	sst s16;
	s16 =	sor.u32 $0x460, s20;
	v20 =	vadd.f32 v20, v21  }
0x255: {  	v26 =	vld [tilespmem:s1+$0x110];
	[smem:$0x7F3] =	sst s16;
	s16 =	sor.u32 $0x470, s20;
	[tilespmem:s25+$0x10110] =	vst v30;
	v21 =	vadd.f32 v24, v23  }
0x256: {  	[smem:$0x7E7] =	sst s16;
	s16 =	sor.u32 $0x450, s29;
	v24 =	vadd.f32 v27, v28;
	v27 =	vld [tilespmem:s22+$0x4110];
	[tilespmem:s19+$0x12100] =	vst v20  }
0x257: {  	[tilespmem:s1+$0x12100] =	vst v21;
	v20 =	vld [tilespmem:s16+$0x100]  }
0x258: {  	[tilespmem:s26+$0x12100] =	vst v24;
	v21 =	vadd.f32 v22, v25;
	v22 =	vld [tilespmem:s3+$0x4550]  }
0x259: {  	v24 =	vld [tilespmem:s6+$0x4110]  }
0x25a: {  	[tilespmem:s5+$0x10110] =	vst v21;
	v21 =	vld [tilespmem:s22+$0x4110]  }
0x25b: {  	v43 =	vld [tilespmem:s6+$0x4110]  }
0x25c: {  	v34 =	vld [tilespmem:s1+$0x130];
	v19 =	vadd.f32 v27, v19  }
0x25d: {  	v44 =	vld [tilespmem:s5+$0x140];
	v22 =	vadd.f32 v22, v20  }
0x25e: {  	[tilespmem:s25+$0x12110] =	vst v19;
	v19 =	vld [tilespmem:s25+$0x120];
	v24 =	vadd.f32 v24, v42  }
0x25f: {  	v27 =	vld [tilespmem:s17+$0x4120];
	v21 =	vadd.f32 v21, v26;
	[tilespmem:s16+$0x10100] =	vst v22  }
0x260: {  	[tilespmem:s26+$0x10110] =	vst v24;
	v22 =	vadd.f32 v43, v25;
	v24 =	vld [tilespmem:s9+$0x4550]  }
0x261: {  	v25 =	vld [tilespmem:s10+$0x4110];
	[tilespmem:s1+$0x10110] =	vst v21  }
0x262: {  	[tilespmem:s5+$0x12110] =	vst v22;
	v21 =	vld [tilespmem:s4+$0x4110]  }
0x263: {  	s18 =	sor.u32 $0x400, s20;
	v22 =	vld [tilespmem:s4+$0x4120]  }
0x264: {  	v45 =	vld [tilespmem:s1+$0x140];
	[smem:$0x7EC] =	sst s18;
	s18 =	sor.u32 $0x410, s20;
	v27 =	vadd.f32 v27, v19  }
0x265: {  	s8 =	sor.u32 $0x420, s20;
	[smem:$0x7EF] =	sst s18;
	s18 =	sor.u32 $0x430, s20;
	v32 =	vld [tilespmem:s26+$0x120];
	v20 =	vadd.f32 v24, v20  }
0x266: {  	[smem:$0x7E1] =	sst s18;
	s18 =	sor.u32 $0x440, s20;
	s20 =	smov.u32 s28;
	v23 =	vld [tilespmem:s1+$0x120];
	[tilespmem:s25+$0x10120] =	vst v27;
	v24 =	vadd.f32 v25, v42  }
0x267: {  	[smem:$0x7F1] =	sst s20;
	s20 =	sor.u32 $0x460, s29;
	v25 =	vld [tilespmem:s22+$0x4120];
	v21 =	vadd.f32 v21, v26;
	[tilespmem:s16+$0x12100] =	vst v20  }
0x268: {  	[tilespmem:s26+$0x12110] =	vst v24;
	v20 =	vadd.f32 v22, v31;
	v22 =	vld [tilespmem:s20+$0x100]  }
0x269: {  	[tilespmem:s1+$0x12110] =	vst v21;
	v21 =	vld [tilespmem:s3+$0x4560]  }
0x26a: {  	v24 =	vld [tilespmem:s6+$0x4120]  }
0x26b: {  	[tilespmem:s5+$0x10120] =	vst v20;
	v20 =	vld [tilespmem:s22+$0x4120]  }
0x26c: {  	v35 =	vld [tilespmem:s26+$0x130];
	v19 =	vadd.f32 v25, v19  }
0x26d: {  	v26 =	vld [tilespmem:s6+$0x4120]  }
0x26e: {  	[tilespmem:s25+$0x12120] =	vst v19;
	v19 =	vld [tilespmem:s25+$0x130];
	v21 =	vadd.f32 v21, v22  }
0x26f: {  	v24 =	vadd.f32 v24, v32;
	v25 =	vld [tilespmem:s17+$0x4130]  }
0x270: {  	v46 =	vld [tilespmem:s26+$0x140];
	v20 =	vadd.f32 v20, v23;
	[tilespmem:s20+$0x10100] =	vst v21  }
0x271: {  	[tilespmem:s26+$0x10120] =	vst v24;
	v24 =	vld [tilespmem:s9+$0x4560]  }
0x272: {  	v21 =	vadd.f32 v26, v31;
	v26 =	vld [tilespmem:s10+$0x4120];
	[tilespmem:s1+$0x10120] =	vst v20  }
0x273: {  	v20 =	vld [tilespmem:s4+$0x4120]  }
0x274: {  	v27 =	vld [tilespmem:s5+$0x150];
	[tilespmem:s5+$0x12120] =	vst v21;
	v47 =	vadd.f32 v25, v19  }
0x275: {  	s14 =	sor.u32 $0x400, s23;
	s30 =	sor.u32 $0x440, s23;
	v21 =	vld [tilespmem:s4+$0x4130]  }
0x276: {  	[smem:$0x7E4] =	sst s8;
	s8 =	sor.u32 $0x430, s23;
	s23 =	sor.u32 $0x470, s23;
	v25 =	vld [tilespmem:s1+$0x150];
	[tilespmem:s25+$0x10130] =	vst v47;
	v22 =	vadd.f32 v24, v22  }
0x277: {  	s21 =	smov.u32 s23;
	v31 =	vld [tilespmem:s22+$0x4130];
	v24 =	vadd.f32 v26, v32  }
0x278: {  	[smem:$0x7F2] =	sst s21;
	s21 =	sor.u32 $0x470, s29;
	v26 =	vld [tilespmem:s26+$0x150];
	v20 =	vadd.f32 v20, v23;
	[tilespmem:s20+$0x12100] =	vst v22  }
0x279: {  	[tilespmem:s26+$0x12120] =	vst v24;
	v48 =	vld [tilespmem:s21+$0x100]  }
0x27a: {  	v21 =	vadd.f32 v21, v33;
	[tilespmem:s1+$0x12120] =	vst v20;
	v20 =	vld [tilespmem:s3+$0x4570]  }
0x27b: {  	v24 =	vld [tilespmem:s6+$0x4130]  }
0x27c: {  	[tilespmem:s5+$0x10130] =	vst v21;
	v21 =	vld [tilespmem:s22+$0x4130]  }
0x27d: {  	v36 =	vld [tilespmem:s6+$0x4130]  }
0x27e: {  	v23 =	vld [tilespmem:s5+$0x160];
	v19 =	vadd.f32 v31, v19  }
0x27f: {  	v22 =	vld [tilespmem:s1+$0x160];
	v20 =	vadd.f32 v20, v48  }
0x280: {  	s3 =	smov.u32 s17;
	v49 =	vld [tilespmem:s25+$0x140];
	[tilespmem:s25+$0x12130] =	vst v19;
	v24 =	vadd.f32 v24, v35  }
0x281: {  	v19 =	vadd.f32 v21, v34;
	v21 =	vld [tilespmem:s3+$0x4140];
	[tilespmem:s21+$0x10100] =	vst v20  }
0x282: {  	[tilespmem:s26+$0x10130] =	vst v24;
	v20 =	vadd.f32 v36, v33;
	v50 =	vld [tilespmem:s9+$0x4570]  }
0x283: {  	v51 =	vld [tilespmem:s10+$0x4130];
	[tilespmem:s1+$0x10130] =	vst v19  }
0x284: {  	[tilespmem:s5+$0x12130] =	vst v20;
	v37 =	vld [tilespmem:s4+$0x4130]  }
0x285: {  	v38 =	vld [tilespmem:s4+$0x4140]  }
0x286: {  	v24 =	vld [tilespmem:s26+$0x160];
	v20 =	vadd.f32 v21, v49  }
0x287: {  	v19 =	vld [tilespmem:s1+$0x170];
	v32 =	vadd.f32 v50, v48  }
0x288: {  	v21 =	vld [tilespmem:s5+$0x170];
	v52 =	vadd.f32 v51, v35;
	[tilespmem:s25+$0x10140] =	vst v20  }
0x289: {  	v20 =	vld [tilespmem:s26+$0x170];
	v34 =	vadd.f32 v37, v34;
	[tilespmem:s21+$0x12100] =	vst v32  }
0x28a: {  	[tilespmem:s26+$0x12130] =	vst v52;
	v53 =	vadd.f32 v38, v44;
	v54 =	vld [tilespmem:s22+$0x4140]  }
0x28b: {  	v55 =	vld [tilespmem:s6+$0x4140];
	[tilespmem:s1+$0x12130] =	vst v34  }
0x28c: {  	[tilespmem:s5+$0x10140] =	vst v53;
	v56 =	vld [tilespmem:s22+$0x4140]  }
0x28d: {  	v57 =	vld [tilespmem:s6+$0x4140]  }
0x28e: {  	s23 =	rddreg [dreg:$0x1b];
	v60 =	vld [tilespmem:s2+$0x4530]  }
0x28f: {  	v58 =	vld [tilespmem:s23+$0x100];
	v31 =	vadd.f32 v54, v49  }
0x290: {  	v59 =	vld [tilespmem:s9+$0x4530];
	v35 =	vadd.f32 v55, v46  }
0x291: {  	v61 =	vld [tilespmem:s25+$0x150];
	v32 =	vadd.f32 v56, v45;
	[tilespmem:s25+$0x12140] =	vst v31  }
0x292: {  	[tilespmem:s26+$0x10140] =	vst v35;
	v29 =	vadd.f32 v57, v44;
	v62 =	vld [tilespmem:s3+$0x4150]  }
0x293: {  	v35 =	vld [tilespmem:s10+$0x4140];
	[tilespmem:s1+$0x10140] =	vst v32  }
0x294: {  	v18 =	vadd.f32 v60, v18;
	[tilespmem:s5+$0x12140] =	vst v29;
	v63 =	vld [tilespmem:s4+$0x4140]  }
0x295: {  	v40 =	vadd.f32 v59, v58;
	v41 =	vld [tilespmem:s4+$0x4150]  }
0x296: {  	[tilespmem:s15+$0x12100] =	vst v18;
	s15 =	rddreg [dreg:$0x15];
	v42 =	vld [tilespmem:s0+$0x4530]  }
0x297: {  	[tilespmem:s23+$0x10100] =	vst v40;
	v44 =	vld [tilespmem:s15+$0x100];
	v43 =	vadd.f32 v62, v61  }
0x298: {  	v18 =	vld [tilespmem:s7+$0x4530];
	v30 =	vadd.f32 v35, v46  }
0x299: {  	s17 =	smov.u32 s8;
	v28 =	vadd.f32 v63, v45;
	v45 =	vld [tilespmem:s0+$0x4540];
	[tilespmem:s25+$0x10150] =	vst v43  }
0x29a: {  	[dreg:$0x1a] =	wrdreg s17;
	[tilespmem:s26+$0x12140] =	vst v30;
	v46 =	vadd.f32 v41, v27;
	v32 =	vld [tilespmem:s22+$0x4150]  }
0x29b: {  	s17 =	sld [smem:$0x7F6];
	v17 =	vadd.f32 v42, v17;
	v47 =	vld [tilespmem:s6+$0x4150];
	[tilespmem:s1+$0x12140] =	vst v28  }
0x29c: {  	[tilespmem:s5+$0x10150] =	vst v46;
	v28 =	vld [tilespmem:s22+$0x4150]  }
0x29d: {  	v18 =	vadd.f32 v18, v58;
	v30 =	vld [tilespmem:s6+$0x4150];
	[tilespmem:s31+$0x12100] =	vst v17  }
0x29e: {  	v17 =	vadd.f32 v45, v44;
	v48 =	vld [tilespmem:s17+$0x100]  }
0x29f: {  	s21 =	rddreg [dreg:$0x1f];
	[tilespmem:s23+$0x12100] =	vst v18;
	v49 =	vld [tilespmem:s7+$0x4540];
	v18 =	vadd.f32 v32, v61  }
0x2a0: {  	v50 =	vadd.f32 v47, v26;
	[tilespmem:s15+$0x10100] =	vst v17;
	v17 =	vld [tilespmem:s21+$0x100]  }
0x2a1: {  	v28 =	vadd.f32 v28, v25;
	[tilespmem:s25+$0x12150] =	vst v18;
	v18 =	vld [tilespmem:s25+$0x160]  }
0x2a2: {  	[tilespmem:s26+$0x10150] =	vst v50;
	v27 =	vadd.f32 v30, v27;
	v51 =	vld [tilespmem:s3+$0x4160]  }
0x2a3: {  	v32 =	vld [tilespmem:s10+$0x4150];
	[tilespmem:s1+$0x10150] =	vst v28  }
0x2a4: {  	[tilespmem:s5+$0x12150] =	vst v27;
	v27 =	vld [tilespmem:s4+$0x4150]  }
0x2a5: {  	v52 =	vadd.f32 v49, v48;
	v53 =	vld [tilespmem:s4+$0x4160]  }
0x2a6: {  	v55 =	vld [tilespmem:s2+$0x4540]  }
0x2a7: {  	v54 =	vld [tilespmem:s9+$0x4540];
	[tilespmem:s17+$0x10100] =	vst v52;
	v30 =	vadd.f32 v51, v18  }
0x2a8: {  	s23 =	rddreg [dreg:$0x6];
	v56 =	vld [tilespmem:s0+$0x4540];
	v26 =	vadd.f32 v32, v26  }
0x2a9: {  	v25 =	vadd.f32 v27, v25;
	v27 =	vld [tilespmem:s23+$0x4570];
	[tilespmem:s25+$0x10160] =	vst v30  }
0x2aa: {  	s28 =	smov.u32 s0;
	s19 =	sld [smem:$0x7E1];
	s0 =	smov.u32 s6;
	[tilespmem:s26+$0x12150] =	vst v26;
	v26 =	vadd.f32 v53, v23;
	v30 =	vld [tilespmem:s22+$0x4160]  }
0x2ab: {  	v58 =	vadd.f32 v55, v44;
	v57 =	vld [tilespmem:s0+$0x4160];
	[tilespmem:s1+$0x12150] =	vst v25  }
0x2ac: {  	v25 =	vadd.f32 v54, v17;
	[tilespmem:s5+$0x10160] =	vst v26;
	v26 =	vld [tilespmem:s22+$0x4160]  }
0x2ad: {  	s20 =	smov.u32 s19;
	s19 =	smov.u32 s30;
	s30 =	rddreg [dreg:$0xf];
	v29 =	vadd.f32 v56, v48;
	[tilespmem:s15+$0x12100] =	vst v58;
	v59 =	vld [tilespmem:s0+$0x4160]  }
0x2ae: {  	[dreg:$0x1b] =	wrdreg s20;
	v61 =	vld [tilespmem:s28+$0x4550];
	[tilespmem:s21+$0x10100] =	vst v25;
	v16 =	vadd.f32 v27, v16  }
0x2af: {  	s20 =	rddreg [dreg:$0x9];
	[tilespmem:s17+$0x12100] =	vst v29;
	v25 =	vld [tilespmem:s7+$0x4540];
	v18 =	vadd.f32 v30, v18  }
0x2b0: {  	v27 =	vld [tilespmem:s30+$0x100];
	v60 =	vadd.f32 v57, v24;
	[tilespmem:s20+$0x12100] =	vst v16  }
0x2b1: {  	v16 =	vadd.f32 v26, v22;
	[tilespmem:s25+$0x12160] =	vst v18;
	v18 =	vld [tilespmem:s25+$0x170]  }
0x2b2: {  	[tilespmem:s26+$0x10160] =	vst v60;
	v23 =	vadd.f32 v59, v23;
	v26 =	vld [tilespmem:s3+$0x4170]  }
0x2b3: {  	v28 =	vld [tilespmem:s10+$0x4160];
	[tilespmem:s1+$0x10160] =	vst v16  }
0x2b4: {  	v16 =	vadd.f32 v25, v17;
	[tilespmem:s5+$0x12160] =	vst v23;
	v17 =	vld [tilespmem:s4+$0x4160]  }
0x2b5: {  	s16 =	rddreg [dreg:$0x14];
	v25 =	vadd.f32 v61, v27;
	v23 =	vld [tilespmem:s4+$0x4170]  }
0x2b6: {  	[tilespmem:s21+$0x12100] =	vst v16;
	v16 =	vld [tilespmem:s16+$0x100]  }
0x2b7: {  	s21 =	smov.u32 s18;
	[tilespmem:s30+$0x10100] =	vst v25;
	v25 =	vld [tilespmem:s7+$0x4550];
	s18 =	rddreg [dreg:$0x10]  }
0x2b8: {  	v62 =	vld [tilespmem:s18+$0x100];
	v26 =	vadd.f32 v26, v18  }
0x2b9: {  	v24 =	vadd.f32 v28, v24;
	v17 =	vadd.f32 v17, v22;
	v22 =	vld [tilespmem:s9+$0x4550]  }
0x2ba: {  	s23 =	rddreg [dreg:$0xa];
	[tilespmem:s25+$0x10170] =	vst v26  }
0x2bb: {  	[dreg:$0x17] =	wrdreg s12;
	s6 =	sadd.s32 $0x4, s23;
	[tilespmem:s26+$0x12160] =	vst v24;
	v23 =	vadd.f32 v23, v21;
	v24 =	vld [tilespmem:s22+$0x4170]  }
0x2bc: {  	[dreg:$0xa] =	wrdreg s6;
	s6 =	sand.u32 $0x7, s6;
	v26 =	vld [tilespmem:s0+$0x4170];
	[tilespmem:s1+$0x12160] =	vst v17  }
0x2bd: {  	[dreg:$0x15] =	wrdreg s19;
	s6 =	sshll.u32 s6, $0x7;
	[tilespmem:s5+$0x10170] =	vst v23;
	v17 =	vld [tilespmem:s22+$0x4170];
	v23 =	vadd.f32 v25, v16  }
0x2be: {  	s6 =	sadd.s32 s12, s6;
	s12 =	sld [smem:$0x7E2];
	v25 =	vld [tilespmem:s0+$0x4170];
	v22 =	vadd.f32 v22, v62  }
0x2bf: {  	s23 =	smov.u32 s7;
	s15 =	smov.u32 s24;
	s24 =	sadd.s32 $0x80, s6;
	v63 =	vld [tilespmem:s2+$0x4550];
	[tilespmem:s16+$0x10100] =	vst v23  }
0x2c0: {  	s29 =	sadd.s32 $0x180, s6;
	s19 =	sor.u32 $0x400, s24;
	s17 =	sor.u32 $0x440, s24;
	v23 =	vld [tilespmem:s28+$0x4550];
	v18 =	vadd.f32 v24, v18;
	[tilespmem:s18+$0x10100] =	vst v22  }
0x2c1: {  	s8 =	sor.u32 $0x410, s24;
	s6 =	sor.u32 $0x420, s24;
	[smem:$0x7F6] =	sst s17;
	v24 =	vadd.f32 v26, v20;
	v22 =	vld [tilespmem:s12+$0x4570]  }
0x2c2: {  	s31 =	sor.u32 $0x430, s24;
	s20 =	sld [smem:$0x7E3];
	v17 =	vadd.f32 v17, v19;
	[tilespmem:s25+$0x12170] =	vst v18;
	s25 =	sor.u32 $0x400, s29;
	v18 =	vld [tilespmem:s23+$0x4550]  }
0x2c3: {  	s17 =	sor.u32 $0x460, s24;
	[dreg:$0x1f] =	wrdreg s21;
	s21 =	sor.u32 $0x450, s24;
	[tilespmem:s26+$0x10170] =	vst v24;
	v21 =	vadd.f32 v25, v21;
	v24 =	vld [tilespmem:s25+$0x100]  }
0x2c4: {  	s7 =	smov.u32 s4;
	s4 =	smov.u32 s21;
	s21 =	sld [smem:$0x7E6];
	v25 =	vadd.f32 v63, v27;
	[tilespmem:s1+$0x10170] =	vst v17;
	v17 =	vld [tilespmem:s3+$0x4500]  }
0x2c5: {  	s12 =	sor.u32 $0x470, s24;
	s24 =	smov.u32 s20;
	s20 =	sld [smem:$0x7E5];
	v26 =	vld [tilespmem:s10+$0x4170];
	[tilespmem:s5+$0x12170] =	vst v21;
	v16 =	vadd.f32 v23, v16  }
0x2c6: {  	v21 =	vld [tilespmem:s7+$0x4170];
	[tilespmem:s30+$0x12100] =	vst v25;
	s30 =	sld [smem:$0x7E8];
	v15 =	vadd.f32 v22, v15  }
0x2c7: {  	v22 =	vld [tilespmem:s19+$0x100];
	[tilespmem:s16+$0x12100] =	vst v16  }
0x2c8: {  	v16 =	vadd.f32 v18, v62;
	v18 =	vld [tilespmem:s7+$0x4500];
	[tilespmem:s20+$0x12100] =	vst v15;
	s20 =	smov.u32 s21;
	s21 =	sld [smem:$0x7EB]  }
0x2c9: {  	v15 =	vadd.f32 v17, v24;
	v17 =	vld [tilespmem:s30+$0x100]  }
0x2ca: {  	[tilespmem:s18+$0x12100] =	vst v16;
	v16 =	vadd.f32 v26, v20;
	v20 =	vld [tilespmem:s28+$0x4560]  }
0x2cb: {  	[dreg:$0xf] =	wrdreg s24;
	[tilespmem:s25+$0x10100] =	vst v15;
	v15 =	vld [tilespmem:s21+$0x100]  }
0x2cc: {  	s24 =	sld [smem:$0x7E7];
	v19 =	vadd.f32 v21, v19;
	[tilespmem:s26+$0x12170] =	vst v16;
	v16 =	vld [tilespmem:s22+$0x4500]  }
0x2cd: {  	s26 =	sld [smem:$0x7EC];
	v21 =	vld [tilespmem:s14+$0x100]  }
0x2ce: {  	s5 =	smov.u32 s2;
	s2 =	sld [smem:$0x7EA];
	[tilespmem:s1+$0x12170] =	vst v19;
	v18 =	vadd.f32 v18, v22;
	v19 =	vld [tilespmem:s0+$0x4500]  }
0x2cf: {  	v23 =	vld [tilespmem:s22+$0x4500]  }
0x2d0: {  	[dreg:$0x14] =	wrdreg s4;
	[tilespmem:s19+$0x10100] =	vst v18;
	v18 =	vld [tilespmem:s26+$0x100]  }
0x2d1: {  	s4 =	smov.u32 s24;
	s24 =	smov.u32 s2;
	s2 =	sld [smem:$0x7ED];
	v20 =	vadd.f32 v20, v17  }
0x2d2: {  	v25 =	vld [tilespmem:s0+$0x4500];
	v16 =	vadd.f32 v16, v24  }
0x2d3: {  	[tilespmem:s30+$0x10100] =	vst v20;
	v20 =	vld [tilespmem:s23+$0x4560];
	v19 =	vadd.f32 v19, v21  }
0x2d4: {  	s1 =	sor.u32 $0x410, s29;
	[tilespmem:s25+$0x12100] =	vst v16;
	v16 =	vld [tilespmem:s2+$0x100]  }
0x2d5: {  	v24 =	vld [tilespmem:s1+$0x100];
	[tilespmem:s14+$0x10100] =	vst v19;
	v19 =	vadd.f32 v23, v18  }
0x2d6: {  	v23 =	vld [tilespmem:s3+$0x4510]  }
0x2d7: {  	v26 =	vld [tilespmem:s10+$0x4500];
	v22 =	vadd.f32 v25, v22;
	[tilespmem:s26+$0x10100] =	vst v19  }
0x2d8: {  	v19 =	vadd.f32 v20, v15;
	v20 =	vld [tilespmem:s9+$0x4560]  }
0x2d9: {  	[tilespmem:s19+$0x12100] =	vst v22;
	v22 =	vld [tilespmem:s7+$0x4500]  }
0x2da: {  	v25 =	vld [tilespmem:s8+$0x100];
	[tilespmem:s21+$0x10100] =	vst v19  }
0x2db: {  	v19 =	vld [tilespmem:s7+$0x4510];
	v23 =	vadd.f32 v23, v24  }
0x2dc: {  	v21 =	vadd.f32 v26, v21;
	v26 =	vld [tilespmem:s5+$0x4560]  }
0x2dd: {  	s25 =	sld [smem:$0x7EE];
	[tilespmem:s1+$0x10100] =	vst v23;
	v23 =	vld [tilespmem:s28+$0x4560]  }
0x2de: {  	[dreg:$0x10] =	wrdreg s24;
	v20 =	vadd.f32 v20, v16;
	[tilespmem:s14+$0x12100] =	vst v21;
	v21 =	vld [tilespmem:s22+$0x4510]  }
0x2df: {  	s24 =	sld [smem:$0x7EF];
	v18 =	vadd.f32 v22, v18  }
0x2e0: {  	v22 =	vld [tilespmem:s25+$0x100];
	[tilespmem:s2+$0x10100] =	vst v20  }
0x2e1: {  	v20 =	vld [tilespmem:s0+$0x4510];
	v19 =	vadd.f32 v19, v25;
	[tilespmem:s26+$0x12100] =	vst v18  }
0x2e2: {  	v27 =	vld [tilespmem:s24+$0x100];
	v15 =	vadd.f32 v23, v15  }
0x2e3: {  	[tilespmem:s8+$0x10100] =	vst v19;
	v19 =	vld [tilespmem:s22+$0x4510];
	v18 =	vadd.f32 v21, v24  }
0x2e4: {  	v17 =	vadd.f32 v26, v17;
	v23 =	vld [tilespmem:s0+$0x4510];
	[tilespmem:s21+$0x12100] =	vst v15;
	s21 =	sld [smem:$0x7F1]  }
0x2e5: {  	v15 =	vld [tilespmem:s23+$0x4560];
	[tilespmem:s1+$0x12100] =	vst v18;
	s1 =	sor.u32 $0x420, s29  }
0x2e6: {  	[tilespmem:s30+$0x12100] =	vst v17;
	v17 =	vadd.f32 v20, v22;
	v21 =	vld [tilespmem:s1+$0x100]  }
0x2e7: {  	v18 =	vld [tilespmem:s21+$0x100]  }
0x2e8: {  	[tilespmem:s25+$0x10100] =	vst v17;
	v17 =	vadd.f32 v19, v27;
	v19 =	vld [tilespmem:s3+$0x4520]  }
0x2e9: {  	v24 =	vld [tilespmem:s10+$0x4510];
	v20 =	vadd.f32 v23, v25  }
0x2ea: {  	[tilespmem:s24+$0x10100] =	vst v17;
	v17 =	vld [tilespmem:s28+$0x4570]  }
0x2eb: {  	v15 =	vadd.f32 v15, v16;
	[tilespmem:s8+$0x12100] =	vst v20;
	v23 =	vld [tilespmem:s7+$0x4510]  }
0x2ec: {  	v20 =	vld [tilespmem:s6+$0x100]  }
0x2ed: {  	[tilespmem:s2+$0x12100] =	vst v15;
	v15 =	vld [tilespmem:s7+$0x4520];
	v19 =	vadd.f32 v19, v21  }
0x2ee: {  	s18 =	sld [smem:$0x7E9];
	v16 =	vld [tilespmem:s15+$0x100];
	v22 =	vadd.f32 v24, v22  }
0x2ef: {  	[tilespmem:s1+$0x10100] =	vst v19;
	v17 =	vadd.f32 v17, v18;
	v19 =	vld [tilespmem:s23+$0x4570]  }
0x2f0: {  	s16 =	sld [smem:$0x7E4];
	[tilespmem:s25+$0x12100] =	vst v22;
	v22 =	vadd.f32 v23, v27;
	v25 =	vld [tilespmem:s22+$0x4520]  }
0x2f1: {  	v23 =	vld [tilespmem:s18+$0x100];
	[tilespmem:s21+$0x10100] =	vst v17  }
0x2f2: {  	s26 =	sld [smem:$0x7F0];
	v15 =	vadd.f32 v15, v20;
	v26 =	vld [tilespmem:s0+$0x4520];
	[tilespmem:s24+$0x12100] =	vst v22  }
0x2f3: {  	v22 =	vld [tilespmem:s16+$0x100]  }
.Ltmp0:
0x2f4: {  	[dreg:$0x6] =	wrdreg s28;
	[tilespmem:s6+$0x10100] =	vst v15;
	v24 =	vld [tilespmem:s22+$0x4520];
	v15 =	vadd.f32 v19, v16;
	(pc) =	sbr.rel @p2 .LBB2_3-.Ltmp0, $4  }
0x2f5: {  	s19 =	smov.u32 s26;
	s26 =	sld [smem:$0x7F3];
	v17 =	vld [tilespmem:s0+$0x4520];
	v19 =	vadd.f32 v25, v21  }
0x2f6: {  	s13 =	sadd.s32 $0x2, s13;
	p1 =	por !p1, !p1;
	[dreg:$0x9] =	wrdreg s15;
	[tilespmem:s15+$0x10100] =	vst v15;
	v15 =	vld [tilespmem:s20+$0x100]  }
0x2f7: {  	s14 =	smov.u32 s17;
	s30 =	smov.u32 s21;
	s2 =	sor.u32 $0x430, s29;
	[tilespmem:s1+$0x12100] =	vst v19;
	v19 =	vld [tilespmem:s9+$0x4570]  }
0x2f8: {  	s28 =	sld [smem:$0x7F2];
	s8 =	smov.u32 s26;
	v25 =	vadd.f32 v26, v23;
	s9 =	smov.u32 s22;
	v21 =	vld [tilespmem:s2+$0x100]  }
0x2f9: {  	_ = 	snop  }
0x2fa: {  	[tilespmem:s18+$0x10100] =	vst v25  }
0x2fb: {  	v24 =	vadd.f32 v24, v22;
	v25 =	vld [tilespmem:s10+$0x4520];
	_ =	sdelay $0x1  }
0x2fc: {  	[tilespmem:s16+$0x10100] =	vst v24  }
0x2fd: {  	v24 =	vld [tilespmem:s7+$0x4520];
	_ =	sdelay $0x1  }
0x2fe: {  	v23 =	vadd.f32 v25, v23  }
0x2ff: {  	v17 =	vadd.f32 v17, v20  }
0x300: {  	[tilespmem:s18+$0x12100] =	vst v23;
	v23 =	vld [tilespmem:s3+$0x4530]  }
0x301: {  	s11 =	rddreg [dreg:$0x1a];
	[tilespmem:s6+$0x12100] =	vst v17;
	v17 =	vadd.f32 v24, v22;
	v22 =	vld [tilespmem:s0+$0x4530]  }
0x302: {  	v20 =	vld [tilespmem:s11+$0x100]  }
0x303: {  	v24 =	vld [tilespmem:s31+$0x100]  }
0x304: {  	[tilespmem:s16+$0x12100] =	vst v17;
	v17 =	vld [tilespmem:s7+$0x4530];
	_ =	sdelay $0x1  }
0x305: {  	s6 =	rddreg [dreg:$0x1b];
	v26 =	vld [tilespmem:s9+$0x4530]  }
0x306: {  	v23 =	vadd.f32 v23, v21;
	v25 =	vld [tilespmem:s6+$0x100]  }
0x307: {  	v22 =	vadd.f32 v22, v20  }
0x308: {  	[tilespmem:s2+$0x10100] =	vst v23;
	v17 =	vadd.f32 v17, v24  }
0x309: {  	v23 =	vld [tilespmem:s9+$0x4530];
	[tilespmem:s11+$0x10100] =	vst v22  }
0x30a: {  	v22 =	vld [tilespmem:s10+$0x4530];
	[tilespmem:s31+$0x10100] =	vst v17  }
0x30b: {  	v17 =	vadd.f32 v26, v25;
	v26 =	vld [tilespmem:s0+$0x4530];
	_ =	sdelay $0x1  }
0x30c: {  	[tilespmem:s6+$0x10100] =	vst v17  }
0x30d: {  	v21 =	vadd.f32 v23, v21;
	v17 =	vld [tilespmem:s7+$0x4530]  }
0x30e: {  	v20 =	vadd.f32 v22, v20  }
0x30f: {  	s1 =	sor.u32 $0x440, s29;
	[tilespmem:s2+$0x12100] =	vst v21;
	v22 =	vadd.f32 v26, v24  }
0x310: {  	v21 =	vld [tilespmem:s1+$0x100];
	[tilespmem:s11+$0x12100] =	vst v20  }
0x311: {  	v20 =	vld [tilespmem:s3+$0x4540];
	s2 =	rddreg [dreg:$0x15];
	[tilespmem:s31+$0x12100] =	vst v22  }
0x312: {  	v22 =	vld [tilespmem:s0+$0x4540];
	v17 =	vadd.f32 v17, v25;
	s11 =	sld [smem:$0x7F6]  }
0x313: {  	v23 =	vld [tilespmem:s2+$0x100]  }
0x314: {  	[tilespmem:s6+$0x12100] =	vst v17;
	v17 =	vld [tilespmem:s7+$0x4540]  }
0x315: {  	v24 =	vld [tilespmem:s11+$0x100]  }
0x316: {  	v20 =	vadd.f32 v20, v21  }
0x317: {  	s6 =	rddreg [dreg:$0x1f];
	v26 =	vld [tilespmem:s9+$0x4540]  }
0x318: {  	v25 =	vld [tilespmem:s6+$0x100];
	[tilespmem:s1+$0x10100] =	vst v20;
	v20 =	vadd.f32 v22, v23  }
0x319: {  	v22 =	vld [tilespmem:s9+$0x4540]  }
0x31a: {  	[tilespmem:s2+$0x10100] =	vst v20;
	v17 =	vadd.f32 v17, v24  }
0x31b: {  	v20 =	vld [tilespmem:s10+$0x4540]  }
0x31c: {  	[tilespmem:s11+$0x10100] =	vst v17  }
0x31d: {  	v17 =	vadd.f32 v26, v25;
	v26 =	vld [tilespmem:s0+$0x4540]  }
0x31e: {  	v21 =	vadd.f32 v22, v21  }
0x31f: {  	[tilespmem:s6+$0x10100] =	vst v17  }
0x320: {  	s24 =	sor.u32 $0x450, s29;
	v17 =	vld [tilespmem:s7+$0x4540];
	[tilespmem:s1+$0x12100] =	vst v21;
	v20 =	vadd.f32 v20, v23  }
0x321: {  	v21 =	vld [tilespmem:s24+$0x100]  }
0x322: {  	v22 =	vld [tilespmem:s3+$0x4550];
	[tilespmem:s2+$0x12100] =	vst v20;
	v23 =	vadd.f32 v26, v24  }
0x323: {  	s2 =	rddreg [dreg:$0xf]  }
0x324: {  	v20 =	vld [tilespmem:s2+$0x100];
	[tilespmem:s11+$0x12100] =	vst v23  }
0x325: {  	v23 =	vld [tilespmem:s0+$0x4550];
	v17 =	vadd.f32 v17, v25;
	s11 =	rddreg [dreg:$0x14]  }
0x326: {  	v24 =	vld [tilespmem:s11+$0x100]  }
0x327: {  	v22 =	vadd.f32 v22, v21;
	[tilespmem:s6+$0x12100] =	vst v17;
	v17 =	vld [tilespmem:s7+$0x4550]  }
0x328: {  	s6 =	rddreg [dreg:$0x10];
	v26 =	vld [tilespmem:s9+$0x4550]  }
0x329: {  	[tilespmem:s24+$0x10100] =	vst v22;
	v25 =	vld [tilespmem:s6+$0x100]  }
0x32a: {  	v22 =	vadd.f32 v23, v20;
	v23 =	vld [tilespmem:s9+$0x4550];
	_ =	sdelay $0x1  }
0x32b: {  	[tilespmem:s2+$0x10100] =	vst v22;
	v17 =	vadd.f32 v17, v24  }
0x32c: {  	v22 =	vld [tilespmem:s10+$0x4550]  }
0x32d: {  	[tilespmem:s11+$0x10100] =	vst v17;
	v17 =	vadd.f32 v26, v25  }
0x32e: {  	v26 =	vld [tilespmem:s0+$0x4550];
	v21 =	vadd.f32 v23, v21  }
0x32f: {  	[tilespmem:s6+$0x10100] =	vst v17  }
0x330: {  	s25 =	sor.u32 $0x460, s29;
	v17 =	vld [tilespmem:s7+$0x4550];
	[tilespmem:s24+$0x12100] =	vst v21  }
0x331: {  	v20 =	vadd.f32 v22, v20;
	v21 =	vld [tilespmem:s25+$0x100]  }
0x332: {  	v22 =	vld [tilespmem:s3+$0x4560]  }
0x333: {  	v23 =	vadd.f32 v26, v24;
	[tilespmem:s2+$0x12100] =	vst v20  }
0x334: {  	v20 =	vld [tilespmem:s19+$0x100]  }
0x335: {  	[tilespmem:s11+$0x12100] =	vst v23;
	v17 =	vadd.f32 v17, v25;
	v23 =	vld [tilespmem:s0+$0x4560]  }
0x336: {  	v24 =	vld [tilespmem:s14+$0x100]  }
0x337: {  	v22 =	vadd.f32 v22, v21;
	[tilespmem:s6+$0x12100] =	vst v17;
	v17 =	vld [tilespmem:s7+$0x4560]  }
0x338: {  	v25 =	vld [tilespmem:s8+$0x100]  }
0x339: {  	v26 =	vld [tilespmem:s9+$0x4560];
	[tilespmem:s25+$0x10100] =	vst v22  }
0x33a: {  	v22 =	vadd.f32 v23, v20;
	v23 =	vld [tilespmem:s9+$0x4560];
	_ =	sdelay $0x1  }
0x33b: {  	[tilespmem:s19+$0x10100] =	vst v22;
	v17 =	vadd.f32 v17, v24  }
0x33c: {  	v22 =	vld [tilespmem:s10+$0x4560]  }
0x33d: {  	[tilespmem:s14+$0x10100] =	vst v17;
	v17 =	vadd.f32 v26, v25  }
0x33e: {  	v26 =	vld [tilespmem:s0+$0x4560];
	v21 =	vadd.f32 v23, v21  }
0x33f: {  	[tilespmem:s8+$0x10100] =	vst v17  }
0x340: {  	s26 =	sor.u32 $0x470, s29;
	v17 =	vld [tilespmem:s7+$0x4560];
	[tilespmem:s25+$0x12100] =	vst v21  }
0x341: {  	v20 =	vadd.f32 v22, v20;
	v21 =	vld [tilespmem:s26+$0x100]  }
0x342: {  	v22 =	vld [tilespmem:s3+$0x4570]  }
0x343: {  	v27 =	vld [tilespmem:s5+$0x4570];
	v23 =	vadd.f32 v26, v24;
	[tilespmem:s19+$0x12100] =	vst v20  }
0x344: {  	v20 =	vld [tilespmem:s28+$0x100]  }
0x345: {  	[tilespmem:s14+$0x12100] =	vst v23;
	v23 =	vld [tilespmem:s0+$0x4570];
	v17 =	vadd.f32 v17, v25  }
0x346: {  	v24 =	vld [tilespmem:s12+$0x100]  }
0x347: {  	v22 =	vadd.f32 v22, v21;
	[tilespmem:s8+$0x12100] =	vst v17;
	v17 =	vld [tilespmem:s7+$0x4570]  }
0x348: {  	v19 =	vadd.f32 v19, v15;
	v25 =	vld [tilespmem:s4+$0x100]  }
0x349: {  	v26 =	vld [tilespmem:s9+$0x4570];
	[tilespmem:s26+$0x10100] =	vst v22  }
0x34a: {  	[tilespmem:s20+$0x10100] =	vst v19;
	v22 =	vld [tilespmem:s9+$0x4570]  }
0x34b: {  	s2 =	rddreg [dreg:$0x6];
	v23 =	vadd.f32 v23, v20  }
0x34c: {  	v19 =	vld [tilespmem:s2+$0x4570];
	v17 =	vadd.f32 v17, v24  }
0x34d: {  	v18 =	vadd.f32 v27, v18;
	v28 =	vld [tilespmem:s23+$0x4570];
	[tilespmem:s28+$0x10100] =	vst v23  }
0x34e: {  	v23 =	vadd.f32 v26, v25;
	[tilespmem:s12+$0x10100] =	vst v17;
	v17 =	vld [tilespmem:s10+$0x4570]  }
0x34f: {  	[tilespmem:s30+$0x12100] =	vst v18;
	v21 =	vadd.f32 v22, v21  }
0x350: {  	[tilespmem:s4+$0x10100] =	vst v23  }
0x351: {  	v16 =	vadd.f32 v19, v16;
	[tilespmem:s26+$0x12100] =	vst v21  }
0x352: {  	v15 =	vadd.f32 v28, v15;
	s29 =	rddreg [dreg:$0x9]  }
0x353: {  	v23 =	vld [tilespmem:s0+$0x4570];
	[tilespmem:s29+$0x12100] =	vst v16;
	v16 =	vadd.f32 v17, v20  }
0x354: {  	v22 =	vld [tilespmem:s7+$0x4570];
	[tilespmem:s20+$0x12100] =	vst v15  }
0x355: {  	s0 =	sld [smem:$0x7F5];
	[tilespmem:s28+$0x12100] =	vst v16  }
0x356: {  	s2 =	sld [smem:$0x7FB];
	_ =	sdelay $0x1  }
0x357: {  	v15 =	vadd.f32 v23, v24;
	s1 =	sshll.u32 s0, $0x11  }
0x358: {  	v16 =	vadd.f32 v22, v25;
	s0 =	sor.u32 s2, s1  }
0x359: {  	s6 =	rddreg [dreg:$0x2];
	s8 =	simm.s32 $0x10100;
	[tilespmem:s12+$0x12100] =	vst v15;
	s0 =	sshrl.u32 s0, $0x3  }
0x35a: {  	s7 =	simm.s32 $0x0;
	[tilespmem:s4+$0x12100] =	vst v16;
	s9 =	sor.u32 $0x20000, s1;
	s0 =	sadd.s32 s6, s0  }
0x35b: {  	[hbm4b:s0+s7] =	stream.linear.scatter [tilespmem:s8], [sflag:$0x2], $0x2000, $0x38;
	[tilespmem:$0x18100] =	vst v63  }
0x35c: {  	s0 =	sor.u32 s2, s9  }
0x35d: {  	s0 =	sshrl.u32 s0, $0x3  }
0x35e: {  	s10 =	simm.s32 $0x12100;
	[smem:$0x7D6] =	sst s1;
	s0 =	sadd.s32 s6, s0  }
0x35f: {  	[hbm4b:s0+s7] =	stream.linear.scatter [tilespmem:s10], [sflag:$0x2], $0x2000, $0x38;
	[tilespmem:$0x18100] =	vst v63  }
0x360: {  	[smem:$0x7D7] =	sst s9;
	s0 =	simm.s32 @!p0 $0x3  }
0x361: {  	_ =	swait.ge @!p0 [sflag:s0], $0x4000  }
0x362: {  	s13 =	simm.s32 $0x1180;
	s11 =	simm.s32 $0x2300;
	s12 =	rddreg [dreg:$0x4]  }
0x363: {  	s1 =	sand.u32 $0x380, s13;
	[sflag:s0] =	ssyncset.done @!p0 $0x0;
	s17 =	rddreg [dreg:$0x5]  }
0x364: {  	[sflag:s0] =	ssyncadd.s32 @!p0 $0xFFFFC000;
	s7 =	sadd.s32 $0x0, s12;
	s9 =	sadd.s32 $0x0, s17  }
0x365: {  	s0 =	sand.u32 $0x3800, s11;
	s14 =	sadd.s32 $0xA200, s7;
	s15 =	sadd.s32 $0x5100, s9  }
0x366: {  	s0 =	sor.u32 s1, s0;
	s16 =	sand.u32 $0x1F800, s14;
	s18 =	sand.u32 $0x300, s15  }
0x367: {  	v15 =	vld [tilespmem:s0+$0x100];
	s6 =	sor.u32 s18, s16  }
0x368: {  	v16 =	vld [tilespmem:s6+$0x4100];
	_ =	sdelay $0x2  }
0x369: {  	s19 =	simm.s32 $0x180  }
0x36a: {  	s2 =	sand.u32 $0x380, s19;
	s1 =	simm.s32 $0x0  }
0x36b: {  	s20 =	sadd.s32 $0xA100, s7;
	s21 =	sadd.s32 $0x5080, s9;
	s10 =	sand.u32 $0x1800, s1;
	v16 =	vadd.f32 v16, v15  }
0x36c: {  	s3 =	sand.u32 $0x1F800, s20;
	s4 =	sand.u32 $0x380, s21;
	s8 =	sor.u32 s10, s2  }
0x36d: {  	s25 =	sor.u32 s4, s3;
	[tilespmem:s8+$0x14100] =	vst v16  }
0x36e: {  	v16 =	vld [tilespmem:s25+$0x4100];
	_ =	sdelay $0x4  }
0x36f: {  	v15 =	vadd.f32 v16, v15;
	_ =	sdelay $0x1  }
0x370: {  	[tilespmem:s8+$0x16100] =	vst v15  }
0x371: {  	v15 =	vld [tilespmem:s0+$0x110]  }
0x372: {  	v16 =	vld [tilespmem:s6+$0x4110];
	_ =	sdelay $0x4  }
0x373: {  	v16 =	vadd.f32 v16, v15;
	_ =	sdelay $0x1  }
0x374: {  	[tilespmem:s8+$0x14110] =	vst v16  }
0x375: {  	v16 =	vld [tilespmem:s25+$0x4110];
	_ =	sdelay $0x4  }
0x376: {  	v15 =	vadd.f32 v16, v15;
	_ =	sdelay $0x1  }
0x377: {  	[tilespmem:s8+$0x16110] =	vst v15  }
0x378: {  	v15 =	vld [tilespmem:s0+$0x120]  }
0x379: {  	v16 =	vld [tilespmem:s6+$0x4120];
	_ =	sdelay $0x4  }
0x37a: {  	v16 =	vadd.f32 v16, v15;
	_ =	sdelay $0x1  }
0x37b: {  	[tilespmem:s8+$0x14120] =	vst v16  }
0x37c: {  	v16 =	vld [tilespmem:s25+$0x4120];
	_ =	sdelay $0x4  }
0x37d: {  	v15 =	vadd.f32 v16, v15;
	_ =	sdelay $0x1  }
0x37e: {  	[tilespmem:s8+$0x16120] =	vst v15  }
0x37f: {  	v15 =	vld [tilespmem:s0+$0x130]  }
0x380: {  	v16 =	vld [tilespmem:s6+$0x4130];
	_ =	sdelay $0x4  }
0x381: {  	v16 =	vadd.f32 v16, v15;
	_ =	sdelay $0x1  }
0x382: {  	[tilespmem:s8+$0x14130] =	vst v16  }
0x383: {  	v16 =	vld [tilespmem:s25+$0x4130];
	_ =	sdelay $0x4  }
0x384: {  	v15 =	vadd.f32 v16, v15;
	_ =	sdelay $0x1  }
0x385: {  	[tilespmem:s8+$0x16130] =	vst v15  }
0x386: {  	v15 =	vld [tilespmem:s0+$0x140]  }
0x387: {  	v16 =	vld [tilespmem:s6+$0x4140];
	_ =	sdelay $0x4  }
0x388: {  	v16 =	vadd.f32 v16, v15;
	_ =	sdelay $0x1  }
0x389: {  	[tilespmem:s8+$0x14140] =	vst v16  }
0x38a: {  	v16 =	vld [tilespmem:s25+$0x4140];
	_ =	sdelay $0x4  }
0x38b: {  	v15 =	vadd.f32 v16, v15  }
0x38c: {  	s22 =	simm.s32 $0x2100;
	s13 =	simm.s32 $0x1080  }
0x38d: {  	s23 =	sadd.s32 $0x9F00, s7;
	s26 =	sadd.s32 $0xA000, s7;
	s29 =	sadd.s32 $0x5000, s9;
	[tilespmem:s8+$0x16140] =	vst v15  }
0x38e: {  	s24 =	sadd.s32 $0x4F80, s9;
	s5 =	sand.u32 $0x1F800, s26;
	s11 =	sand.u32 $0x300, s29;
	v15 =	vld [tilespmem:s0+$0x150]  }
0x38f: {  	s3 =	sand.u32 $0x1F800, s23;
	s4 =	sand.u32 $0x380, s24;
	s14 =	sor.u32 s11, s5;
	v16 =	vld [tilespmem:s6+$0x4150]  }
0x390: {  	s2 =	sand.u32 $0x3800, s22;
	s29 =	sor.u32 s4, s3;
	s3 =	sand.u32 $0x280, s13  }
0x391: {  	v18 =	vld [tilespmem:s14+$0x4100];
	s5 =	sor.u32 s3, s2  }
0x392: {  	v20 =	vld [tilespmem:s5+$0x100];
	_ =	sdelay $0x1  }
0x393: {  	s19 =	sand.u32 $0x200, s1;
	v16 =	vadd.f32 v16, v15  }
0x394: {  	v17 =	vld [tilespmem:s29+$0x4100];
	s2 =	sor.u32 s19, s10  }
0x395: {  	s15 =	simm.s32 $0x2200;
	s20 =	simm.s32 $0x80;
	s16 =	simm.s32 $0x1100;
	v22 =	vld [tilespmem:s2+$0x2100];
	[tilespmem:s8+$0x14150] =	vst v16  }
0x396: {  	s4 =	sand.u32 $0x3800, s15;
	s18 =	sand.u32 $0x300, s16;
	s3 =	sand.u32 $0x280, s20;
	v16 =	vadd.f32 v18, v20;
	v18 =	vld [tilespmem:s25+$0x4150]  }
0x397: {  	v19 =	vld [tilespmem:s25+$0x4100];
	s31 =	sor.u32 s18, s4;
	s3 =	sor.u32 s10, s3  }
0x398: {  	v21 =	vld [tilespmem:s31+$0x100];
	[tilespmem:s3+$0x14100] =	vst v16  }
0x399: {  	v16 =	vld [tilespmem:s29+$0x4100]  }
0x39a: {  	s7 =	sadd.s32 $0x9E00, s7;
	s9 =	sadd.s32 $0x4F00, s9;
	v17 =	vadd.f32 v17, v22  }
0x39b: {  	s7 =	sand.u32 $0x1F800, s7;
	s9 =	sand.u32 $0x300, s9;
	v15 =	vadd.f32 v18, v15  }
0x39c: {  	s21 =	simm.s32 $0x100;
	s13 =	sor.u32 s9, s7;
	[tilespmem:s2+$0x14100] =	vst v17  }
0x39d: {  	s22 =	sand.u32 $0x300, s21;
	v17 =	vadd.f32 v19, v21;
	v18 =	vld [tilespmem:s13+$0x4100];
	[tilespmem:s8+$0x16150] =	vst v15  }
0x39e: {  	s7 =	sor.u32 s10, s22;
	v15 =	vadd.f32 v16, v20;
	v16 =	vld [tilespmem:s0+$0x160]  }
0x39f: {  	[tilespmem:s7+$0x14100] =	vst v17;
	v17 =	vld [tilespmem:s6+$0x4160]  }
0x3a0: {  	v19 =	vld [tilespmem:s14+$0x4100];
	[tilespmem:s3+$0x16100] =	vst v15  }
0x3a1: {  	v15 =	vld [tilespmem:s5+$0x110]  }
0x3a2: {  	v20 =	vld [tilespmem:s14+$0x4110]  }
0x3a3: {  	v18 =	vadd.f32 v18, v22  }
0x3a4: {  	v17 =	vadd.f32 v17, v16  }
0x3a5: {  	v22 =	vld [tilespmem:s2+$0x2110];
	v19 =	vadd.f32 v19, v21;
	[tilespmem:s2+$0x16100] =	vst v18  }
0x3a6: {  	v18 =	vld [tilespmem:s29+$0x4110];
	[tilespmem:s8+$0x14160] =	vst v17  }
0x3a7: {  	[tilespmem:s7+$0x16100] =	vst v19;
	v17 =	vadd.f32 v20, v15;
	v19 =	vld [tilespmem:s25+$0x4160]  }
0x3a8: {  	v21 =	vld [tilespmem:s25+$0x4110]  }
0x3a9: {  	v20 =	vld [tilespmem:s31+$0x110];
	[tilespmem:s3+$0x14110] =	vst v17  }
0x3aa: {  	v17 =	vld [tilespmem:s29+$0x4110]  }
0x3ab: {  	v18 =	vadd.f32 v18, v22  }
0x3ac: {  	v16 =	vadd.f32 v19, v16  }
0x3ad: {  	[tilespmem:s2+$0x14110] =	vst v18  }
0x3ae: {  	v18 =	vadd.f32 v21, v20;
	v19 =	vld [tilespmem:s13+$0x4110];
	[tilespmem:s8+$0x16160] =	vst v16  }
0x3af: {  	v15 =	vadd.f32 v17, v15;
	v16 =	vld [tilespmem:s0+$0x170]  }
0x3b0: {  	[tilespmem:s7+$0x14110] =	vst v18;
	v17 =	vld [tilespmem:s6+$0x4170]  }
0x3b1: {  	v18 =	vld [tilespmem:s14+$0x4110];
	[tilespmem:s3+$0x16110] =	vst v15  }
0x3b2: {  	v15 =	vld [tilespmem:s5+$0x120]  }
0x3b3: {  	v21 =	vld [tilespmem:s14+$0x4120]  }
0x3b4: {  	v19 =	vadd.f32 v19, v22  }
0x3b5: {  	v17 =	vadd.f32 v17, v16  }
0x3b6: {  	v22 =	vld [tilespmem:s2+$0x2120];
	v18 =	vadd.f32 v18, v20;
	[tilespmem:s2+$0x16110] =	vst v19  }
0x3b7: {  	v19 =	vld [tilespmem:s29+$0x4120];
	[tilespmem:s8+$0x14170] =	vst v17  }
0x3b8: {  	[tilespmem:s7+$0x16110] =	vst v18;
	v17 =	vadd.f32 v21, v15;
	v18 =	vld [tilespmem:s25+$0x4170]  }
0x3b9: {  	v20 =	vld [tilespmem:s31+$0x120]  }
0x3ba: {  	[tilespmem:s3+$0x14120] =	vst v17;
	v17 =	vld [tilespmem:s25+$0x4120]  }
0x3bb: {  	v21 =	vld [tilespmem:s29+$0x4120]  }
0x3bc: {  	v19 =	vadd.f32 v19, v22  }
0x3bd: {  	v16 =	vadd.f32 v18, v16  }
0x3be: {  	[tilespmem:s2+$0x14120] =	vst v19  }
0x3bf: {  	v18 =	vld [tilespmem:s13+$0x4120];
	v17 =	vadd.f32 v17, v20;
	[tilespmem:s8+$0x16170] =	vst v16  }
0x3c0: {  	v15 =	vadd.f32 v21, v15;
	v16 =	vld [tilespmem:s0+$0x500]  }
0x3c1: {  	[tilespmem:s7+$0x14120] =	vst v17;
	v17 =	vld [tilespmem:s6+$0x4500]  }
0x3c2: {  	[tilespmem:s3+$0x16120] =	vst v15;
	v15 =	vld [tilespmem:s14+$0x4120]  }
0x3c3: {  	s23 =	sand.u32 $0x7, s1;
	v19 =	vld [tilespmem:s5+$0x130]  }
0x3c4: {  	s8 =	sshll.u32 s23, $0x7;
	v21 =	vld [tilespmem:s14+$0x4130]  }
0x3c5: {  	s24 =	sadd.s32 $0x0, s8;
	v18 =	vadd.f32 v18, v22  }
0x3c6: {  	s26 =	sadd.s32 $0x180, s24;
	v17 =	vadd.f32 v17, v16  }
0x3c7: {  	v22 =	vld [tilespmem:s2+$0x2130];
	s4 =	sor.u32 $0x400, s26;
	[tilespmem:s2+$0x16120] =	vst v18;
	v15 =	vadd.f32 v15, v20  }
0x3c8: {  	v18 =	vld [tilespmem:s29+$0x4130];
	[tilespmem:s4+$0x14100] =	vst v17  }
0x3c9: {  	v17 =	vadd.f32 v21, v19;
	[tilespmem:s7+$0x16120] =	vst v15;
	v15 =	vld [tilespmem:s25+$0x4500]  }
0x3ca: {  	v20 =	vld [tilespmem:s31+$0x130]  }
0x3cb: {  	[tilespmem:s3+$0x14130] =	vst v17;
	v17 =	vld [tilespmem:s25+$0x4130]  }
0x3cc: {  	v21 =	vld [tilespmem:s29+$0x4130]  }
0x3cd: {  	v18 =	vadd.f32 v18, v22  }
0x3ce: {  	v15 =	vadd.f32 v15, v16  }
0x3cf: {  	[tilespmem:s2+$0x14130] =	vst v18  }
0x3d0: {  	v16 =	vld [tilespmem:s13+$0x4130];
	v17 =	vadd.f32 v17, v20;
	[tilespmem:s4+$0x16100] =	vst v15  }
0x3d1: {  	v15 =	vadd.f32 v21, v19;
	v18 =	vld [tilespmem:s0+$0x510]  }
0x3d2: {  	[tilespmem:s7+$0x14130] =	vst v17;
	v17 =	vld [tilespmem:s6+$0x4510]  }
0x3d3: {  	[tilespmem:s3+$0x16130] =	vst v15;
	v15 =	vld [tilespmem:s14+$0x4130]  }
0x3d4: {  	v19 =	vld [tilespmem:s5+$0x140]  }
0x3d5: {  	v21 =	vld [tilespmem:s14+$0x4140]  }
0x3d6: {  	v16 =	vadd.f32 v16, v22  }
0x3d7: {  	v17 =	vadd.f32 v17, v18  }
0x3d8: {  	s8 =	sor.u32 $0x410, s26;
	v22 =	vld [tilespmem:s2+$0x2140];
	[tilespmem:s2+$0x16130] =	vst v16;
	v15 =	vadd.f32 v15, v20  }
0x3d9: {  	v16 =	vld [tilespmem:s29+$0x4140];
	[tilespmem:s8+$0x14100] =	vst v17  }
0x3da: {  	v17 =	vadd.f32 v21, v19;
	[tilespmem:s7+$0x16130] =	vst v15;
	v15 =	vld [tilespmem:s25+$0x4510]  }
0x3db: {  	v20 =	vld [tilespmem:s31+$0x140]  }
0x3dc: {  	[tilespmem:s3+$0x14140] =	vst v17;
	v17 =	vld [tilespmem:s25+$0x4140]  }
0x3dd: {  	v21 =	vld [tilespmem:s29+$0x4140]  }
0x3de: {  	v16 =	vadd.f32 v16, v22  }
0x3df: {  	v15 =	vadd.f32 v15, v18  }
0x3e0: {  	[tilespmem:s2+$0x14140] =	vst v16  }
0x3e1: {  	v16 =	vld [tilespmem:s13+$0x4140];
	v17 =	vadd.f32 v17, v20;
	[tilespmem:s8+$0x16100] =	vst v15  }
0x3e2: {  	v15 =	vadd.f32 v21, v19;
	v18 =	vld [tilespmem:s0+$0x520]  }
0x3e3: {  	[tilespmem:s7+$0x14140] =	vst v17;
	v17 =	vld [tilespmem:s6+$0x4520]  }
0x3e4: {  	[tilespmem:s3+$0x16140] =	vst v15;
	v15 =	vld [tilespmem:s14+$0x4140]  }
0x3e5: {  	v19 =	vld [tilespmem:s5+$0x150]  }
0x3e6: {  	v21 =	vld [tilespmem:s14+$0x4150]  }
0x3e7: {  	v16 =	vadd.f32 v16, v22  }
0x3e8: {  	v17 =	vadd.f32 v17, v18  }
0x3e9: {  	s15 =	sor.u32 $0x420, s26;
	v22 =	vld [tilespmem:s2+$0x2150];
	[tilespmem:s2+$0x16140] =	vst v16;
	v15 =	vadd.f32 v15, v20  }
0x3ea: {  	v16 =	vld [tilespmem:s29+$0x4150];
	[tilespmem:s15+$0x14100] =	vst v17  }
0x3eb: {  	v17 =	vadd.f32 v21, v19;
	[tilespmem:s7+$0x16140] =	vst v15;
	v15 =	vld [tilespmem:s25+$0x4520]  }
0x3ec: {  	v20 =	vld [tilespmem:s31+$0x150]  }
0x3ed: {  	[tilespmem:s3+$0x14150] =	vst v17;
	v17 =	vld [tilespmem:s25+$0x4150]  }
0x3ee: {  	v21 =	vld [tilespmem:s29+$0x4150]  }
0x3ef: {  	v16 =	vadd.f32 v16, v22  }
0x3f0: {  	v15 =	vadd.f32 v15, v18  }
0x3f1: {  	[tilespmem:s2+$0x14150] =	vst v16  }
0x3f2: {  	v16 =	vld [tilespmem:s13+$0x4150];
	v17 =	vadd.f32 v17, v20;
	[tilespmem:s15+$0x16100] =	vst v15  }
0x3f3: {  	v15 =	vadd.f32 v21, v19;
	v18 =	vld [tilespmem:s0+$0x530]  }
0x3f4: {  	[tilespmem:s7+$0x14150] =	vst v17;
	v17 =	vld [tilespmem:s6+$0x4530]  }
0x3f5: {  	[tilespmem:s3+$0x16150] =	vst v15;
	v15 =	vld [tilespmem:s14+$0x4150]  }
0x3f6: {  	v19 =	vld [tilespmem:s5+$0x160]  }
0x3f7: {  	v16 =	vadd.f32 v16, v22;
	v21 =	vld [tilespmem:s14+$0x4160];
	_ =	sdelay $0x1  }
0x3f8: {  	[tilespmem:s2+$0x16150] =	vst v16;
	v16 =	vadd.f32 v17, v18  }
0x3f9: {  	s16 =	sor.u32 $0x430, s26;
	v22 =	vld [tilespmem:s2+$0x2160];
	v15 =	vadd.f32 v15, v20  }
0x3fa: {  	v17 =	vld [tilespmem:s29+$0x4160];
	[tilespmem:s16+$0x14100] =	vst v16  }
0x3fb: {  	v16 =	vadd.f32 v21, v19;
	[tilespmem:s7+$0x16150] =	vst v15;
	v15 =	vld [tilespmem:s25+$0x4530]  }
0x3fc: {  	v20 =	vld [tilespmem:s31+$0x160]  }
0x3fd: {  	[tilespmem:s3+$0x14160] =	vst v16;
	v16 =	vld [tilespmem:s25+$0x4160]  }
0x3fe: {  	v21 =	vld [tilespmem:s29+$0x4160]  }
0x3ff: {  	v17 =	vadd.f32 v17, v22  }
0x400: {  	v15 =	vadd.f32 v15, v18  }
0x401: {  	[tilespmem:s2+$0x14160] =	vst v17  }
0x402: {  	v17 =	vld [tilespmem:s13+$0x4160];
	v16 =	vadd.f32 v16, v20;
	[tilespmem:s16+$0x16100] =	vst v15  }
0x403: {  	v15 =	vadd.f32 v21, v19;
	v18 =	vld [tilespmem:s0+$0x540]  }
0x404: {  	[tilespmem:s7+$0x14160] =	vst v16;
	v16 =	vld [tilespmem:s6+$0x4540]  }
0x405: {  	[tilespmem:s3+$0x16160] =	vst v15;
	v15 =	vld [tilespmem:s14+$0x4160]  }
0x406: {  	v19 =	vld [tilespmem:s5+$0x170]  }
0x407: {  	v17 =	vadd.f32 v17, v22;
	v21 =	vld [tilespmem:s14+$0x4170];
	_ =	sdelay $0x1  }
0x408: {  	v22 =	vld [tilespmem:s2+$0x2170];
	[tilespmem:s2+$0x16160] =	vst v17;
	v16 =	vadd.f32 v16, v18  }
0x409: {  	s18 =	sor.u32 $0x440, s26;
	v17 =	vld [tilespmem:s29+$0x4170];
	v15 =	vadd.f32 v15, v20  }
0x40a: {  	[tilespmem:s18+$0x14100] =	vst v16  }
0x40b: {  	v16 =	vadd.f32 v21, v19;
	[tilespmem:s7+$0x16160] =	vst v15;
	v15 =	vld [tilespmem:s25+$0x4540]  }
0x40c: {  	v20 =	vld [tilespmem:s31+$0x170]  }
0x40d: {  	[tilespmem:s3+$0x14170] =	vst v16;
	v16 =	vld [tilespmem:s25+$0x4170]  }
0x40e: {  	v17 =	vadd.f32 v17, v22;
	v21 =	vld [tilespmem:s29+$0x4170];
	_ =	sdelay $0x1  }
0x40f: {  	[tilespmem:s2+$0x14170] =	vst v17;
	v15 =	vadd.f32 v15, v18  }
0x410: {  	v17 =	vld [tilespmem:s13+$0x4170]  }
0x411: {  	v16 =	vadd.f32 v16, v20;
	[tilespmem:s18+$0x16100] =	vst v15  }
0x412: {  	v15 =	vadd.f32 v21, v19;
	v18 =	vld [tilespmem:s0+$0x550]  }
0x413: {  	p0 =	por $0x0, $0x0;
	s10 =	simm.s32 $0x1;
	[tilespmem:s7+$0x14170] =	vst v16;
	v16 =	vld [tilespmem:s6+$0x4550]  }
0x414: {  	s10 =	simm.s32 @!p0 $0x0;
	[tilespmem:s3+$0x16170] =	vst v15;
	v15 =	vld [tilespmem:s14+$0x4170]  }
0x415: {  	s19 =	smov.u32 s14;
	s10 =	sshll.u32 s10, $0x9;
	v17 =	vadd.f32 v17, v22;
	v19 =	vld [tilespmem:s5+$0x500]  }
0x416: {  	s14 =	sadd.s32 $0x0, s10;
	v21 =	vld [tilespmem:s19+$0x4500]  }
0x417: {  	s8 =	sor.u32 $0x2400, s14;
	[tilespmem:s2+$0x16170] =	vst v17  }
0x418: {  	v17 =	vld [tilespmem:s8+$0x100];
	v16 =	vadd.f32 v16, v18  }
0x419: {  	s21 =	sor.u32 $0x450, s26;
	v22 =	vld [tilespmem:s29+$0x4500];
	[smem:$0x7D9] =	sst s26;
	v15 =	vadd.f32 v15, v20  }
0x41a: {  	[tilespmem:s21+$0x14100] =	vst v16  }
0x41b: {  	s18 =	smov.u32 s26;
	s26 =	sadd.s32 $0x80, s24;
	v16 =	vadd.f32 v21, v19;
	[tilespmem:s7+$0x16170] =	vst v15;
	v15 =	vld [tilespmem:s25+$0x4550]  }
0x41c: {  	s22 =	sor.u32 $0x400, s26;
	v20 =	vld [tilespmem:s31+$0x500]  }
0x41d: {  	[tilespmem:s22+$0x14100] =	vst v16;
	v16 =	vld [tilespmem:s25+$0x4500]  }
0x41e: {  	v21 =	vadd.f32 v22, v17;
	v22 =	vld [tilespmem:s29+$0x4500]  }
0x41f: {  	s1 =	sand.u32 $0x3, s1  }
0x420: {  	s1 =	sshll.u32 s1, $0x8;
	s23 =	sor.u32 $0x400, s14;
	v15 =	vadd.f32 v15, v18  }
0x421: {  	s1 =	sadd.s32 $0x0, s1;
	[tilespmem:s23+$0x14100] =	vst v21  }
0x422: {  	s15 =	sadd.s32 $0x100, s1;
	v21 =	vld [tilespmem:s13+$0x4500];
	v16 =	vadd.f32 v16, v20;
	[tilespmem:s21+$0x16100] =	vst v15  }
0x423: {  	s1 =	sor.u32 $0x400, s15;
	v15 =	vadd.f32 v22, v19;
	v18 =	vld [tilespmem:s0+$0x560]  }
0x424: {  	s20 =	smov.u32 s19;
	[tilespmem:s1+$0x14100] =	vst v16;
	v16 =	vld [tilespmem:s6+$0x4560]  }
0x425: {  	[tilespmem:s22+$0x16100] =	vst v15;
	v15 =	vld [tilespmem:s20+$0x4500]  }
0x426: {  	s11 =	simm.s32 $0x1380;
	s10 =	simm.s32 $0x2700;
	s24 =	smov.u32 s20;
	v19 =	vld [tilespmem:s5+$0x510]  }
0x427: {  	s16 =	sand.u32 $0x380, s11;
	s3 =	sand.u32 $0x3800, s10;
	v17 =	vadd.f32 v21, v17;
	v21 =	vld [tilespmem:s24+$0x4510]  }
0x428: {  	s4 =	sor.u32 s16, s3;
	s2 =	sadd.s32 $0x400, s12;
	s7 =	sadd.s32 $0x200, s17  }
0x429: {  	s17 =	sadd.s32 $0xA200, s2;
	s19 =	sadd.s32 $0x5100, s7;
	v22 =	vld [tilespmem:s4+$0x100];
	[tilespmem:s23+$0x16100] =	vst v17  }
0x42a: {  	s21 =	sand.u32 $0x1F800, s17;
	s22 =	sand.u32 $0x300, s19;
	v17 =	vld [tilespmem:s8+$0x110];
	v16 =	vadd.f32 v16, v18  }
0x42b: {  	s11 =	sor.u32 s22, s21;
	s23 =	sor.u32 $0x460, s18;
	v23 =	vld [tilespmem:s29+$0x4510];
	v15 =	vadd.f32 v15, v20  }
0x42c: {  	v20 =	vld [tilespmem:s11+$0x4100];
	[tilespmem:s23+$0x14100] =	vst v16;
	v16 =	vadd.f32 v21, v19  }
0x42d: {  	s12 =	sor.u32 $0x410, s26;
	[tilespmem:s1+$0x16100] =	vst v15;
	v15 =	vld [tilespmem:s25+$0x4560]  }
0x42e: {  	s9 =	simm.s32 $0x400;
	v21 =	vld [tilespmem:s31+$0x510];
	[tilespmem:s12+$0x14100] =	vst v16  }
0x42f: {  	s16 =	simm.s32 $0x380;
	v16 =	vld [tilespmem:s25+$0x4510];
	[smem:$0x7D8] =	sst s9  }
0x430: {  	s17 =	sadd.s32 $0x5080, s7;
	s20 =	smov.u32 s24;
	s24 =	simm.s32 $0x400;
	v24 =	vld [tilespmem:s29+$0x4510]  }
0x431: {  	s18 =	sadd.s32 $0xA100, s2;
	s1 =	sand.u32 $0x380, s16;
	s9 =	sand.u32 $0x1800, s24;
	v20 =	vadd.f32 v20, v22  }
0x432: {  	s17 =	sand.u32 $0x380, s17;
	s3 =	sand.u32 $0x1F800, s18;
	s1 =	sor.u32 s9, s1;
	v15 =	vadd.f32 v15, v18  }
0x433: {  	s16 =	sor.u32 s17, s3;
	[tilespmem:s1+$0x14100] =	vst v20;
	v18 =	vadd.f32 v23, v17  }
0x434: {  	s21 =	sor.u32 $0x410, s14;
	v20 =	vld [tilespmem:s16+$0x4100];
	v16 =	vadd.f32 v16, v21;
	[tilespmem:s23+$0x16100] =	vst v15  }
0x435: {  	s22 =	sor.u32 $0x410, s15;
	[tilespmem:s21+$0x14100] =	vst v18;
	v18 =	vadd.f32 v24, v19;
	v15 =	vld [tilespmem:s0+$0x570]  }
0x436: {  	s19 =	sadd.s32 $0xA000, s2;
	s3 =	simm.s32 $0x1280;
	s23 =	sadd.s32 $0x5000, s7;
	v23 =	vld [tilespmem:s13+$0x4510];
	[tilespmem:s22+$0x14100] =	vst v16  }
0x437: {  	s24 =	simm.s32 $0x2500;
	s0 =	sand.u32 $0x1F800, s19;
	s10 =	sand.u32 $0x300, s23;
	v16 =	vld [tilespmem:s20+$0x4510];
	[tilespmem:s12+$0x16100] =	vst v18  }
0x438: {  	s19 =	sand.u32 $0x3800, s24;
	s23 =	sand.u32 $0x280, s3;
	s18 =	sor.u32 s10, s0;
	v19 =	vld [tilespmem:s5+$0x520]  }
0x439: {  	s28 =	sor.u32 s23, s19;
	v18 =	vadd.f32 v20, v22;
	v20 =	vld [tilespmem:s18+$0x4100]  }
0x43a: {  	s17 =	simm.s32 $0x200;
	v22 =	vld [tilespmem:s28+$0x100]  }
0x43b: {  	s24 =	sadd.s32 $0x9F00, s2;
	s3 =	simm.s32 $0x2600;
	s0 =	sadd.s32 $0x4F80, s7;
	v25 =	vld [tilespmem:s20+$0x4520];
	[tilespmem:s1+$0x16100] =	vst v18  }
0x43c: {  	s10 =	sand.u32 $0x1F800, s24;
	s19 =	simm.s32 $0x1300;
	s12 =	sand.u32 $0x380, s0;
	v18 =	vld [tilespmem:s4+$0x110]  }
0x43d: {  	s24 =	simm.s32 $0x200;
	s30 =	sor.u32 s12, s10;
	s12 =	sand.u32 $0x3800, s3;
	v24 =	vld [tilespmem:s11+$0x4110]  }
0x43e: {  	s3 =	sand.u32 $0x200, s17;
	s10 =	simm.s32 $0x280;
	v26 =	vld [tilespmem:s30+$0x4100];
	[dreg:$0x7] =	wrdreg s24  }
0x43f: {  	s17 =	sor.u32 s3, s9;
	s24 =	sand.u32 $0x300, s19;
	s19 =	sand.u32 $0x280, s10;
	v27 =	vld [tilespmem:s16+$0x4100];
	v20 =	vadd.f32 v20, v22  }
0x440: {  	s0 =	smov.u32 s20;
	v17 =	vadd.f32 v23, v17;
	s23 =	sor.u32 s24, s12;
	s20 =	sor.u32 s9, s19;
	v23 =	vld [tilespmem:s17+$0x2100]  }
0x441: {  	v16 =	vadd.f32 v16, v21;
	v59 =	vld [tilespmem:s23+$0x100];
	[tilespmem:s20+$0x14100] =	vst v20  }
0x442: {  	[tilespmem:s21+$0x16100] =	vst v17;
	v20 =	vadd.f32 v24, v18;
	v17 =	vld [tilespmem:s30+$0x4100]  }
0x443: {  	[tilespmem:s22+$0x16100] =	vst v16  }
0x444: {  	v16 =	vld [tilespmem:s29+$0x4520];
	[tilespmem:s1+$0x14110] =	vst v20  }
0x445: {  	s2 =	sadd.s32 $0x9E00, s2;
	s7 =	sadd.s32 $0x4F00, s7;
	s24 =	simm.s32 $0x300;
	v21 =	vadd.f32 v26, v23;
	v20 =	vld [tilespmem:s16+$0x4110]  }
0x446: {  	s2 =	sand.u32 $0x1F800, s2;
	s7 =	sand.u32 $0x300, s7;
	s3 =	sand.u32 $0x300, s24;
	v29 =	vld [tilespmem:s25+$0x4520];
	v27 =	vadd.f32 v27, v59  }
0x447: {  	s10 =	sor.u32 s7, s2;
	s21 =	sor.u32 s9, s3;
	v24 =	vld [tilespmem:s8+$0x120];
	[tilespmem:s17+$0x14100] =	vst v21;
	v17 =	vadd.f32 v17, v22  }
0x448: {  	[tilespmem:s21+$0x14100] =	vst v27;
	v21 =	vld [tilespmem:s10+$0x4100]  }
0x449: {  	v22 =	vld [tilespmem:s18+$0x4100];
	[tilespmem:s20+$0x16100] =	vst v17  }
0x44a: {  	v17 =	vadd.f32 v20, v18;
	v18 =	vld [tilespmem:s28+$0x110]  }
0x44b: {  	v20 =	vadd.f32 v25, v19;
	v25 =	vld [tilespmem:s18+$0x4110]  }
0x44c: {  	s19 =	sor.u32 $0x420, s26;
	v26 =	vld [tilespmem:s31+$0x520];
	[tilespmem:s1+$0x16110] =	vst v17  }
0x44d: {  	[tilespmem:s19+$0x14100] =	vst v20;
	v20 =	vadd.f32 v21, v23;
	v17 =	vld [tilespmem:s4+$0x120]  }
0x44e: {  	v22 =	vadd.f32 v22, v59;
	v21 =	vld [tilespmem:s11+$0x4120]  }
0x44f: {  	v27 =	vld [tilespmem:s17+$0x2110];
	[tilespmem:s17+$0x16100] =	vst v20  }
0x450: {  	[tilespmem:s21+$0x16100] =	vst v22;
	v20 =	vld [tilespmem:s30+$0x4110];
	v22 =	vadd.f32 v25, v18  }
0x451: {  	v16 =	vadd.f32 v16, v24;
	v25 =	vld [tilespmem:s23+$0x110]  }
0x452: {  	s22 =	sor.u32 $0x420, s14;
	v60 =	vld [tilespmem:s16+$0x4110];
	[tilespmem:s20+$0x14110] =	vst v22  }
0x453: {  	[tilespmem:s22+$0x14100] =	vst v16;
	v21 =	vadd.f32 v21, v17;
	v16 =	vld [tilespmem:s30+$0x4110];
	_ =	sdelay $0x1  }
0x454: {  	v30 =	vld [tilespmem:s17+$0x2120];
	v29 =	vadd.f32 v29, v26;
	[tilespmem:s1+$0x14120] =	vst v21  }
0x455: {  	s24 =	sor.u32 $0x420, s15;
	v20 =	vadd.f32 v20, v27;
	v21 =	vld [tilespmem:s16+$0x4120]  }
0x456: {  	v31 =	vld [tilespmem:s17+$0x2130];
	[tilespmem:s24+$0x14100] =	vst v29;
	v28 =	vadd.f32 v60, v25  }
0x457: {  	v36 =	vld [tilespmem:s0+$0x4520];
	[tilespmem:s17+$0x14110] =	vst v20;
	v16 =	vadd.f32 v16, v18  }
0x458: {  	[tilespmem:s21+$0x14110] =	vst v28;
	v32 =	vld [tilespmem:s10+$0x4110]  }
0x459: {  	v28 =	vld [tilespmem:s18+$0x4110];
	[tilespmem:s20+$0x16110] =	vst v16  }
0x45a: {  	v16 =	vadd.f32 v21, v17;
	v21 =	vld [tilespmem:s28+$0x120]  }
0x45b: {  	v17 =	vld [tilespmem:s18+$0x4120]  }
0x45c: {  	v23 =	vld [tilespmem:s29+$0x4520];
	[tilespmem:s1+$0x16120] =	vst v16  }
0x45d: {  	v16 =	vadd.f32 v32, v27;
	v27 =	vld [tilespmem:s4+$0x130]  }
0x45e: {  	v25 =	vadd.f32 v28, v25;
	v61 =	vld [tilespmem:s11+$0x4130]  }
0x45f: {  	v22 =	vld [tilespmem:s13+$0x4520];
	[tilespmem:s17+$0x16110] =	vst v16  }
0x460: {  	[tilespmem:s21+$0x16110] =	vst v25;
	v62 =	vld [tilespmem:s30+$0x4120];
	v17 =	vadd.f32 v17, v21  }
0x461: {  	v25 =	vld [tilespmem:s23+$0x120]  }
0x462: {  	v33 =	vld [tilespmem:s16+$0x4120];
	[tilespmem:s20+$0x14120] =	vst v17  }
0x463: {  	v17 =	vadd.f32 v61, v27;
	v63 =	vld [tilespmem:s30+$0x4120]  }
0x464: {  	v20 =	vld [tilespmem:s17+$0x2140];
	v22 =	vadd.f32 v22, v24  }
0x465: {  	v18 =	vld [tilespmem:s17+$0x2150];
	[tilespmem:s1+$0x14130] =	vst v17;
	v28 =	vadd.f32 v62, v30  }
0x466: {  	[tilespmem:s22+$0x16100] =	vst v22;
	v24 =	vld [tilespmem:s16+$0x4130]  }
0x467: {  	v38 =	vld [tilespmem:s8+$0x130];
	v37 =	vadd.f32 v33, v25;
	[tilespmem:s17+$0x14120] =	vst v28  }
0x468: {  	v22 =	vld [tilespmem:s10+$0x4120];
	v21 =	vadd.f32 v63, v21  }
0x469: {  	v39 =	vld [tilespmem:s29+$0x4530];
	[tilespmem:s21+$0x14120] =	vst v37  }
0x46a: {  	v19 =	vadd.f32 v23, v19;
	[tilespmem:s20+$0x16120] =	vst v21;
	v21 =	vld [tilespmem:s18+$0x4120]  }
0x46b: {  	v24 =	vadd.f32 v24, v27;
	v27 =	vld [tilespmem:s28+$0x130]  }
0x46c: {  	[tilespmem:s19+$0x16100] =	vst v19;
	v40 =	vld [tilespmem:s18+$0x4130]  }
0x46d: {  	v22 =	vadd.f32 v22, v30;
	[tilespmem:s1+$0x16130] =	vst v24;
	v24 =	vld [tilespmem:s5+$0x530]  }
0x46e: {  	v23 =	vld [tilespmem:s4+$0x140]  }
0x46f: {  	[tilespmem:s17+$0x16120] =	vst v22;
	v22 =	vld [tilespmem:s11+$0x4140]  }
0x470: {  	v21 =	vadd.f32 v21, v25;
	v19 =	vld [tilespmem:s30+$0x4130]  }
0x471: {  	v29 =	vadd.f32 v39, v38;
	v25 =	vld [tilespmem:s0+$0x4530]  }
0x472: {  	s19 =	sor.u32 $0x430, s14;
	v16 =	vld [tilespmem:s17+$0x2160];
	v30 =	vadd.f32 v40, v27;
	[tilespmem:s21+$0x16120] =	vst v21  }
0x473: {  	[tilespmem:s19+$0x14100] =	vst v29;
	v21 =	vadd.f32 v36, v26;
	v26 =	vld [tilespmem:s23+$0x130]  }
0x474: {  	[tilespmem:s20+$0x14130] =	vst v30;
	v41 =	vld [tilespmem:s16+$0x4130];
	v22 =	vadd.f32 v22, v23  }
0x475: {  	[tilespmem:s24+$0x16100] =	vst v21;
	v21 =	vld [tilespmem:s30+$0x4130];
	v19 =	vadd.f32 v19, v31  }
0x476: {  	v25 =	vadd.f32 v25, v24;
	v43 =	vld [tilespmem:s25+$0x4530];
	[tilespmem:s1+$0x14140] =	vst v22  }
0x477: {  	s22 =	sor.u32 $0x430, s26;
	[tilespmem:s17+$0x14130] =	vst v19;
	v19 =	vld [tilespmem:s16+$0x4140]  }
0x478: {  	[tilespmem:s22+$0x14100] =	vst v25;
	v25 =	vld [tilespmem:s13+$0x4530]  }
0x479: {  	v28 =	vadd.f32 v41, v26;
	v42 =	vld [tilespmem:s10+$0x4130]  }
0x47a: {  	v22 =	vld [tilespmem:s31+$0x530];
	v21 =	vadd.f32 v21, v27  }
0x47b: {  	v27 =	vld [tilespmem:s29+$0x4530];
	[tilespmem:s21+$0x14130] =	vst v28  }
0x47c: {  	[tilespmem:s20+$0x16130] =	vst v21;
	v21 =	vld [tilespmem:s18+$0x4130];
	v19 =	vadd.f32 v19, v23  }
0x47d: {  	v45 =	vld [tilespmem:s18+$0x4140];
	v25 =	vadd.f32 v25, v38  }
0x47e: {  	v23 =	vld [tilespmem:s28+$0x140];
	v44 =	vadd.f32 v42, v31;
	[tilespmem:s1+$0x16140] =	vst v19  }
0x47f: {  	[tilespmem:s19+$0x16100] =	vst v25;
	v19 =	vadd.f32 v43, v22;
	v46 =	vld [tilespmem:s4+$0x150]  }
0x480: {  	s24 =	sor.u32 $0x430, s15;
	[tilespmem:s17+$0x16130] =	vst v44;
	v47 =	vld [tilespmem:s11+$0x4150]  }
0x481: {  	v21 =	vadd.f32 v21, v26;
	[tilespmem:s24+$0x14100] =	vst v19;
	v19 =	vld [tilespmem:s30+$0x4140]  }
0x482: {  	v24 =	vadd.f32 v27, v24;
	v27 =	vld [tilespmem:s29+$0x4540]  }
0x483: {  	v25 =	vld [tilespmem:s0+$0x4530];
	v26 =	vadd.f32 v45, v23;
	[tilespmem:s21+$0x16130] =	vst v21  }
0x484: {  	v48 =	vld [tilespmem:s23+$0x140]  }
0x485: {  	[tilespmem:s20+$0x14140] =	vst v26;
	v26 =	vld [tilespmem:s16+$0x4140];
	v28 =	vadd.f32 v47, v46  }
0x486: {  	v49 =	vld [tilespmem:s30+$0x4140];
	v19 =	vadd.f32 v19, v20  }
0x487: {  	v21 =	vld [tilespmem:s8+$0x140];
	[tilespmem:s1+$0x14150] =	vst v28  }
0x488: {  	[tilespmem:s17+$0x14140] =	vst v19;
	v19 =	vld [tilespmem:s16+$0x4150]  }
0x489: {  	[tilespmem:s22+$0x16100] =	vst v24;
	v22 =	vadd.f32 v25, v22;
	v24 =	vld [tilespmem:s10+$0x4140]  }
0x48a: {  	v25 =	vadd.f32 v26, v48;
	v26 =	vld [tilespmem:s5+$0x540]  }
0x48b: {  	[tilespmem:s24+$0x16100] =	vst v22;
	v22 =	vadd.f32 v49, v23;
	v23 =	vld [tilespmem:s0+$0x4540]  }
0x48c: {  	v52 =	vld [tilespmem:s25+$0x4540];
	[tilespmem:s21+$0x14140] =	vst v25  }
0x48d: {  	[tilespmem:s20+$0x16140] =	vst v22;
	v22 =	vld [tilespmem:s18+$0x4140];
	v19 =	vadd.f32 v19, v46  }
0x48e: {  	v50 =	vld [tilespmem:s28+$0x150]  }
0x48f: {  	v20 =	vadd.f32 v24, v20;
	v24 =	vld [tilespmem:s18+$0x4150];
	[tilespmem:s1+$0x16150] =	vst v19  }
0x490: {  	v19 =	vadd.f32 v27, v21;
	v27 =	vld [tilespmem:s4+$0x160]  }
0x491: {  	s9 =	sor.u32 $0x440, s14;
	[tilespmem:s17+$0x16140] =	vst v20;
	v20 =	vld [tilespmem:s11+$0x4160]  }
0x492: {  	[tilespmem:s9+$0x14100] =	vst v19;
	v19 =	vld [tilespmem:s30+$0x4150];
	v22 =	vadd.f32 v22, v48  }
0x493: {  	v51 =	vld [tilespmem:s13+$0x4540]  }
0x494: {  	v25 =	vld [tilespmem:s31+$0x540];
	v24 =	vadd.f32 v24, v50;
	[tilespmem:s21+$0x16140] =	vst v22  }
0x495: {  	v22 =	vadd.f32 v23, v26;
	v23 =	vld [tilespmem:s23+$0x150]  }
0x496: {  	s19 =	sor.u32 $0x440, s26;
	[tilespmem:s20+$0x14150] =	vst v24;
	v24 =	vld [tilespmem:s16+$0x4150];
	v20 =	vadd.f32 v20, v27  }
0x497: {  	[tilespmem:s19+$0x14100] =	vst v22;
	v19 =	vadd.f32 v19, v18;
	v22 =	vld [tilespmem:s30+$0x4150]  }
0x498: {  	v17 =	vld [tilespmem:s17+$0x2170];
	[tilespmem:s1+$0x14160] =	vst v20;
	v21 =	vadd.f32 v51, v21  }
0x499: {  	[tilespmem:s17+$0x14150] =	vst v19;
	v19 =	vld [tilespmem:s16+$0x4160]  }
0x49a: {  	[tilespmem:s9+$0x16100] =	vst v21;
	v21 =	vadd.f32 v52, v25;
	v53 =	vld [tilespmem:s10+$0x4150]  }
0x49b: {  	s22 =	sor.u32 $0x440, s15;
	v54 =	vld [tilespmem:s8+$0x150]  }
0x49c: {  	v24 =	vadd.f32 v24, v23;
	[tilespmem:s22+$0x14100] =	vst v21;
	v21 =	vadd.f32 v22, v50;
	v22 =	vld [tilespmem:s29+$0x4550]  }
0x49d: {  	s3 =	smov.u32 s0;
	v20 =	vld [tilespmem:s29+$0x4540]  }
0x49e: {  	v55 =	vld [tilespmem:s3+$0x4540];
	[tilespmem:s21+$0x14150] =	vst v24  }
0x49f: {  	[tilespmem:s20+$0x16150] =	vst v21;
	v21 =	vld [tilespmem:s18+$0x4150];
	v19 =	vadd.f32 v19, v27  }
0x4a0: {  	v24 =	vld [tilespmem:s28+$0x160];
	v18 =	vadd.f32 v53, v18  }
0x4a1: {  	v27 =	vld [tilespmem:s18+$0x4160];
	[tilespmem:s1+$0x16160] =	vst v19;
	v22 =	vadd.f32 v22, v54  }
0x4a2: {  	s24 =	sor.u32 $0x450, s14;
	v20 =	vadd.f32 v20, v26;
	v19 =	vld [tilespmem:s4+$0x170];
	[tilespmem:s17+$0x16150] =	vst v18  }
0x4a3: {  	v18 =	vld [tilespmem:s11+$0x4170];
	[tilespmem:s24+$0x14100] =	vst v22  }
0x4a4: {  	[tilespmem:s19+$0x16100] =	vst v20;
	v20 =	vadd.f32 v21, v23;
	v21 =	vld [tilespmem:s13+$0x4550]  }
0x4a5: {  	v26 =	vld [tilespmem:s30+$0x4160]  }
0x4a6: {  	v22 =	vld [tilespmem:s5+$0x550];
	v23 =	vadd.f32 v27, v24;
	[tilespmem:s21+$0x16150] =	vst v20  }
0x4a7: {  	v25 =	vadd.f32 v55, v25;
	v27 =	vld [tilespmem:s23+$0x160]  }
0x4a8: {  	[tilespmem:s20+$0x14160] =	vst v23;
	v23 =	vld [tilespmem:s16+$0x4160];
	v18 =	vadd.f32 v18, v19  }
0x4a9: {  	[tilespmem:s22+$0x16100] =	vst v25;
	v20 =	vld [tilespmem:s3+$0x4550];
	v21 =	vadd.f32 v21, v54  }
0x4aa: {  	v25 =	vld [tilespmem:s30+$0x4160];
	[tilespmem:s1+$0x14170] =	vst v18  }
0x4ab: {  	[tilespmem:s24+$0x16100] =	vst v21;
	v21 =	vadd.f32 v26, v16;
	v26 =	vld [tilespmem:s16+$0x4170]  }
0x4ac: {  	v56 =	vld [tilespmem:s8+$0x160]  }
0x4ad: {  	[tilespmem:s17+$0x14160] =	vst v21;
	v21 =	vadd.f32 v23, v27;
	v23 =	vld [tilespmem:s29+$0x4560]  }
0x4ae: {  	v18 =	vld [tilespmem:s31+$0x550]  }
0x4af: {  	v24 =	vadd.f32 v25, v24;
	v57 =	vld [tilespmem:s10+$0x4160]  }
0x4b0: {  	s0 =	smov.u32 s26;
	v20 =	vadd.f32 v20, v22;
	v25 =	vld [tilespmem:s25+$0x4550];
	[tilespmem:s21+$0x14160] =	vst v21  }
0x4b1: {  	s9 =	sor.u32 $0x450, s0;
	[tilespmem:s20+$0x16160] =	vst v24;
	v21 =	vld [tilespmem:s18+$0x4160];
	v19 =	vadd.f32 v26, v19  }
0x4b2: {  	[tilespmem:s9+$0x14100] =	vst v20;
	v24 =	vld [tilespmem:s28+$0x170];
	v23 =	vadd.f32 v23, v56  }
0x4b3: {  	s7 =	sor.u32 $0x460, s14;
	[tilespmem:s1+$0x16170] =	vst v19;
	v19 =	vld [tilespmem:s18+$0x4170]  }
0x4b4: {  	v26 =	vld [tilespmem:s4+$0x500];
	v16 =	vadd.f32 v57, v16;
	[tilespmem:s7+$0x14100] =	vst v23  }
0x4b5: {  	v58 =	vld [tilespmem:s11+$0x4500];
	[dreg:$0xb] =	wrdreg s13  }
0x4b6: {  	s22 =	simm.s32 $0x4;
	v20 =	vadd.f32 v21, v27;
	v21 =	vld [tilespmem:s13+$0x4560];
	[tilespmem:s17+$0x16160] =	vst v16  }
0x4b7: {  	v23 =	vld [tilespmem:s29+$0x4550];
	[dreg:$0xc] =	wrdreg s22  }
0x4b8: {  	v19 =	vadd.f32 v19, v24;
	v16 =	vld [tilespmem:s30+$0x4170];
	[tilespmem:s21+$0x16160] =	vst v20  }
0x4b9: {  	s19 =	simm.s32 $0x4;
	v20 =	vld [tilespmem:s23+$0x170]  }
0x4ba: {  	s2 =	sand.u32 $0x7, s19;
	[tilespmem:s20+$0x14170] =	vst v19;
	v19 =	vld [tilespmem:s16+$0x4170]  }
0x4bb: {  	s2 =	sshll.u32 s2, $0x7  }
0x4bc: {  	s24 =	sadd.s32 $0x400, s2;
	v21 =	vadd.f32 v21, v56  }
0x4bd: {  	s13 =	sadd.s32 $0x180, s24;
	v27 =	vadd.f32 v58, v26  }
0x4be: {  	s1 =	sor.u32 $0x400, s13;
	v59 =	vld [tilespmem:s30+$0x4170];
	[tilespmem:s7+$0x16100] =	vst v21;
	v21 =	vadd.f32 v16, v17  }
0x4bf: {  	[tilespmem:s1+$0x14100] =	vst v27;
	v19 =	vadd.f32 v19, v20  }
0x4c0: {  	v25 =	vadd.f32 v25, v18;
	v27 =	vld [tilespmem:s16+$0x4500];
	[tilespmem:s17+$0x14170] =	vst v21  }
0x4c1: {  	s2 =	sor.u32 $0x450, s15;
	v22 =	vadd.f32 v23, v22;
	v21 =	vld [tilespmem:s10+$0x4170];
	[tilespmem:s21+$0x14170] =	vst v19  }
0x4c2: {  	[tilespmem:s2+$0x14100] =	vst v25;
	v19 =	vld [tilespmem:s18+$0x4170]  }
0x4c3: {  	v60 =	vld [tilespmem:s6+$0x4570];
	[tilespmem:s9+$0x16100] =	vst v22;
	v22 =	vadd.f32 v59, v24  }
0x4c4: {  	v23 =	vld [tilespmem:s3+$0x4550]  }
0x4c5: {  	v16 =	vld [tilespmem:s8+$0x170];
	[tilespmem:s20+$0x16170] =	vst v22;
	v22 =	vadd.f32 v27, v26  }
0x4c6: {  	v24 =	vld [tilespmem:s5+$0x560];
	v17 =	vadd.f32 v21, v17  }
0x4c7: {  	p0 =	por !p0, !p0;
	s6 =	simm.s32 $0x1;
	v25 =	vld [tilespmem:s28+$0x500];
	[tilespmem:s1+$0x16100] =	vst v22;
	v19 =	vadd.f32 v19, v20  }
0x4c8: {  	s6 =	simm.s32 @!p0 $0x0;
	v22 =	vld [tilespmem:s18+$0x4500];
	[tilespmem:s17+$0x16170] =	vst v17  }
0x4c9: {  	s6 =	sshll.u32 s6, $0x9;
	v26 =	vld [tilespmem:s11+$0x4510];
	[tilespmem:s21+$0x16170] =	vst v19  }
0x4ca: {  	s7 =	sadd.s32 $0x400, s6;
	v21 =	vld [tilespmem:s4+$0x510];
	s21 =	sld [smem:$0x7D9]  }
0x4cb: {  	s8 =	sor.u32 $0x2400, s7;
	v17 =	vld [tilespmem:s3+$0x4560]  }
0x4cc: {  	v20 =	vld [tilespmem:s8+$0x100]  }
0x4cd: {  	s12 =	smov.u32 s23;
	s19 =	sadd.s32 $0x80, s24;
	v19 =	vld [tilespmem:s30+$0x4500];
	v22 =	vadd.f32 v22, v25;
	s1 =	sor.u32 $0x470, s21  }
0x4ce: {  	v27 =	vadd.f32 v60, v15;
	s20 =	sor.u32 $0x400, s19;
	v61 =	vld [tilespmem:s12+$0x500];
	[smem:$0x7DE] =	sst s1  }
0x4cf: {  	v26 =	vadd.f32 v26, v21;
	[tilespmem:s20+$0x14100] =	vst v22;
	v22 =	vld [tilespmem:s16+$0x4500]  }
0x4d0: {  	s22 =	simm.s32 $0x2;
	s23 =	sor.u32 $0x410, s13;
	v18 =	vadd.f32 v23, v18;
	[tilespmem:s1+$0x14100] =	vst v27;
	v23 =	vld [tilespmem:s30+$0x4500]  }
0x4d1: {  	s17 =	sand.u32 $0x3, s22;
	[tilespmem:s23+$0x14100] =	vst v26;
	v27 =	vld [tilespmem:s25+$0x4570]  }
0x4d2: {  	s17 =	sshll.u32 s17, $0x8;
	[tilespmem:s2+$0x16100] =	vst v18;
	v18 =	vadd.f32 v19, v20;
	v19 =	vld [tilespmem:s16+$0x4510]  }
0x4d3: {  	s17 =	sadd.s32 $0x400, s17;
	v17 =	vadd.f32 v17, v24;
	s1 =	sor.u32 $0x400, s7;
	v26 =	vld [tilespmem:s31+$0x560];
	[smem:$0x7DA] =	sst s25  }
0x4d4: {  	s22 =	sor.u32 $0x460, s0;
	s17 =	sadd.s32 $0x100, s17;
	v62 =	vld [tilespmem:s25+$0x4560];
	[tilespmem:s1+$0x14100] =	vst v18;
	v18 =	vadd.f32 v22, v61  }
0x4d5: {  	s2 =	sor.u32 $0x400, s17;
	[tilespmem:s22+$0x14100] =	vst v17;
	v17 =	vld [tilespmem:s10+$0x4500];
	v22 =	vadd.f32 v23, v25  }
0x4d6: {  	v23 =	vld [tilespmem:s29+$0x4560];
	[tilespmem:s2+$0x14100] =	vst v18  }
0x4d7: {  	v19 =	vadd.f32 v19, v21;
	[tilespmem:s20+$0x16100] =	vst v22;
	v18 =	vld [tilespmem:s18+$0x4500]  }
0x4d8: {  	v25 =	vld [tilespmem:s28+$0x510]  }
0x4d9: {  	[tilespmem:s23+$0x16100] =	vst v19;
	v19 =	vadd.f32 v62, v26;
	v22 =	vld [tilespmem:s18+$0x4510]  }
0x4da: {  	s9 =	sor.u32 $0x460, s15;
	v17 =	vadd.f32 v17, v20;
	v63 =	vld [tilespmem:s4+$0x520]  }
0x4db: {  	[tilespmem:s9+$0x14100] =	vst v19;
	v19 =	vld [tilespmem:s11+$0x4520]  }
0x4dc: {  	[tilespmem:s1+$0x16100] =	vst v17;
	v17 =	vld [tilespmem:s3+$0x4560];
	v18 =	vadd.f32 v18, v61  }
0x4dd: {  	v21 =	vld [tilespmem:s8+$0x110]  }
0x4de: {  	s25 =	smov.u32 s11;
	s11 =	smov.u32 s10;
	s10 =	sor.u32 $0x470, s14;
	v22 =	vadd.f32 v22, v25;
	[tilespmem:s2+$0x16100] =	vst v18;
	v18 =	vld [tilespmem:s30+$0x4510]  }
0x4df: {  	s24 =	smov.u32 s0;
	s20 =	sor.u32 $0x410, s19;
	v20 =	vld [tilespmem:s12+$0x510];
	[smem:$0x7DB] =	sst s10  }
0x4e0: {  	s6 =	smov.u32 s3;
	s3 =	smov.u32 s12;
	v19 =	vadd.f32 v19, v63;
	s12 =	sor.u32 $0x470, s24;
	[tilespmem:s20+$0x14100] =	vst v22  }
0x4e1: {  	s1 =	sor.u32 $0x470, s15;
	s15 =	sor.u32 $0x420, s13;
	v22 =	vld [tilespmem:s16+$0x4510];
	[dreg:$0x19] =	wrdreg s12  }
0x4e2: {  	[tilespmem:s15+$0x14100] =	vst v19  }
0x4e3: {  	s14 =	sor.u32 $0x420, s17;
	v23 =	vadd.f32 v23, v24;
	v24 =	vld [tilespmem:s30+$0x4510];
	[smem:$0x7DC] =	sst s29  }
0x4e4: {  	s21 =	sor.u32 $0x430, s17;
	v19 =	vld [tilespmem:s29+$0x4570];
	[dreg:$0x18] =	wrdreg s14  }
0x4e5: {  	s24 =	sor.u32 $0x440, s17;
	[dreg:$0x12] =	wrdreg s21  }
0x4e6: {  	[dreg:$0xe] =	wrdreg s24  }
0x4e7: {  	v17 =	vadd.f32 v17, v26;
	s29 =	sor.u32 $0x450, s17;
	[tilespmem:s22+$0x16100] =	vst v23  }
0x4e8: {  	[smem:$0x7DD] =	sst s29  }
0x4e9: {  	s26 =	smov.u32 s31;
	s2 =	sor.u32 $0x420, s7;
	v26 =	vld [tilespmem:s16+$0x4520];
	[tilespmem:s9+$0x16100] =	vst v17  }
0x4ea: {  	s31 =	smov.u32 s4;
	s4 =	sor.u32 $0x430, s7;
	v18 =	vadd.f32 v18, v21;
	v17 =	vld [tilespmem:s5+$0x570];
	[dreg:$0x1c] =	wrdreg s2  }
0x4eb: {  	s12 =	sor.u32 $0x410, s7;
	[dreg:$0x16] =	wrdreg s4  }
0x4ec: {  	s0 =	smov.u32 s28;
	[tilespmem:s12+$0x14100] =	vst v18  }
0x4ed: {  	s28 =	smov.u32 s16;
	s5 =	sor.u32 $0x440, s7;
	s16 =	sld [smem:$0x7DE]  }
0x4ee: {  	v23 =	vadd.f32 v27, v15;
	s9 =	sor.u32 $0x450, s7;
	v15 =	vld [tilespmem:s26+$0x570];
	[dreg:$0x11] =	wrdreg s5  }
0x4ef: {  	s23 =	sor.u32 $0x410, s17;
	s10 =	smov.u32 s13;
	[dreg:$0xd] =	wrdreg s9  }
0x4f0: {  	s13 =	sor.u32 $0x470, s17;
	s14 =	sor.u32 $0x460, s17;
	s17 =	sor.u32 $0x470, s7;
	[tilespmem:s16+$0x16100] =	vst v23  }
0x4f1: {  	s21 =	sor.u32 $0x430, s19;
	v27 =	vadd.f32 v22, v20;
	[dreg:$0x8] =	wrdreg s17  }
0x4f2: {  	v22 =	vld [tilespmem:s11+$0x4510];
	[smem:$0x7DF] =	sst s21  }
0x4f3: {  	s24 =	sor.u32 $0x470, s19;
	s22 =	sor.u32 $0x450, s19;
	s29 =	simm.s32 $0x4;
	v23 =	vadd.f32 v24, v25;
	[tilespmem:s23+$0x14100] =	vst v27  }
0x4f4: {  	s26 =	sor.u32 $0x420, s19;
	s5 =	sor.u32 $0x460, s7;
	v18 =	vld [tilespmem:s6+$0x4570];
	[dreg:$0x13] =	wrdreg s22  }
0x4f5: {  	s9 =	smov.u32 s18;
	s16 =	smov.u32 s11;
	s17 =	smov.u32 s6;
	[tilespmem:s20+$0x16100] =	vst v23  }
0x4f6: {  	s21 =	sor.u32 $0x460, s19;
	s6 =	sor.u32 $0x440, s19;
	[smem:$0x7E0] =	sst s24  }
0x4f7: {  	v19 =	vadd.f32 v19, v16;
	v24 =	vadd.f32 v26, v63;
	s20 =	smov.u32 s1;
	s1 =	simm.s32 $0x4;
	v23 =	vld [tilespmem:s18+$0x4510];
	[dreg:$0x1d] =	wrdreg s29  }
.LBB2_5:
0x4f8: {  	[smem:$0x7C0] =	sst s8  }
0x4f9: {  	[smem:$0x7C3] =	sst s6  }
0x4fa: {  	[smem:$0x7C8] =	sst s5  }
0x4fb: {  	[smem:$0x7CB] =	sst s21  }
0x4fc: {  	[smem:$0x7D2] =	sst s20  }
0x4fd: {  	[smem:$0x7CF] =	sst s17  }
0x4fe: {  	[smem:$0x7D3] =	sst s13  }
0x4ff: {  	[smem:$0x7CD] =	sst s14  }
0x500: {  	[dreg:$0x1e] =	wrdreg s1  }
0x501: {  	[smem:$0x7C1] =	sst s0  }
0x502: {  	s18 =	sld [smem:$0x7DB]  }
0x503: {  	[smem:$0x7BF] =	sst s9  }
0x504: {  	s22 =	rddreg [dreg:$0x7]  }
0x505: {  	s2 =	rddreg [dreg:$0x4]  }
0x506: {  	s4 =	sand.u32 $0x3, s1;
	s7 =	rddreg [dreg:$0x5]  }
0x507: {  	[smem:$0x7C2] =	sst s3;
	s19 =	sshll.u32 s4, $0x8  }
0x508: {  	v25 =	vld [tilespmem:s0+$0x520];
	p0 =	por !p0, !p0;
	s0 =	smov.u32 s31;
	[smem:$0x7BD] =	sst s19  }
0x509: {  	s11 =	smov.u32 s25;
	s4 =	simm.s32 $0x1;
	s19 =	sld [smem:$0x7D8]  }
0x50a: {  	s14 =	sadd.s32 $0x200, s22;
	s4 =	simm.s32 @!p0 $0x0;
	[smem:$0x7DB] =	sst s18  }
0x50b: {  	s29 =	sadd.s32 $0x1180, s14;
	[tilespmem:s18+$0x14100] =	vst v19;
	s21 =	sshll.u32 s4, $0x9;
	s18 =	rddreg [dreg:$0x19]  }
0x50c: {  	[tilespmem:s15+$0x16100] =	vst v24;
	s6 =	sand.u32 $0x380, s29;
	s29 =	sadd.s32 $0x1100, s14;
	v19 =	vadd.f32 v22, v21;
	v21 =	vld [tilespmem:s9+$0x4520];
	[smem:$0x7BE] =	sst s21  }
0x50d: {  	v22 =	vld [tilespmem:s31+$0x530];
	v18 =	vadd.f32 v18, v17;
	s21 =	sadd.s32 s14, s7;
	s9 =	sld [smem:$0x7DD];
	s7 =	smov.u32 s16  }
0x50e: {  	v20 =	vadd.f32 v23, v20;
	s16 =	smov.u32 s28;
	s31 =	sand.u32 $0x300, s29;
	s19 =	sadd.s32 $0x400, s19;
	[tilespmem:s12+$0x16100] =	vst v19;
	v19 =	vld [tilespmem:s25+$0x4530]  }
0x50f: {  	s22 =	sadd.s32 $0x5100, s21;
	s4 =	sadd.s32 $0x2100, s19;
	s24 =	sadd.s32 $0x2300, s19;
	[tilespmem:s18+$0x14100] =	vst v18;
	v24 =	vld [tilespmem:s8+$0x120]  }
0x510: {  	s17 =	sadd.s32 s19, s2;
	[tilespmem:s23+$0x16100] =	vst v20;
	s5 =	sand.u32 $0x3800, s24;
	v18 =	vld [tilespmem:s30+$0x4520];
	s24 =	sld [smem:$0x7DA]  }
0x511: {  	[smem:$0x7DD] =	sst s9;
	s12 =	sadd.s32 $0xA200, s17;
	v20 =	vld [tilespmem:s3+$0x520];
	s9 =	sor.u32 s6, s5  }
0x512: {  	s15 =	sand.u32 $0x300, s22;
	s25 =	sadd.s32 $0x1080, s14;
	s13 =	sand.u32 $0x1F800, s12;
	v21 =	vadd.f32 v21, v25;
	v26 =	vld [tilespmem:s9+$0x100]  }
0x513: {  	s2 =	smov.u32 s26;
	s23 =	sor.u32 $0x430, s10;
	s15 =	sor.u32 s15, s13;
	v23 =	vld [tilespmem:s24+$0x4570];
	v19 =	vadd.f32 v19, v22  }
0x514: {  	s22 =	sadd.s32 $0x9F00, s17;
	s1 =	sadd.s32 $0xA000, s17;
	s8 =	sadd.s32 $0x5000, s21;
	v27 =	vld [tilespmem:s15+$0x4100];
	[tilespmem:s26+$0x14100] =	vst v21  }
0x515: {  	s4 =	sand.u32 $0x3800, s4;
	s12 =	smov.u32 s30;
	s22 =	sand.u32 $0x1F800, s22;
	v21 =	vld [tilespmem:s28+$0x4520];
	v18 =	vadd.f32 v18, v24;
	[tilespmem:s23+$0x14100] =	vst v19  }
0x516: {  	s5 =	sand.u32 $0x280, s25;
	s28 =	smov.u32 s11;
	s11 =	rddreg [dreg:$0x1c];
	v19 =	vld [tilespmem:s16+$0x4530]  }
0x517: {  	s3 =	sand.u32 $0x300, s8;
	s25 =	sadd.s32 $0xA100, s17;
	s26 =	sadd.s32 $0x5080, s21;
	[tilespmem:s11+$0x14100] =	vst v18;
	v18 =	vld [tilespmem:s30+$0x4520]  }
0x518: {  	s8 =	sand.u32 $0x1800, s19;
	s25 =	sand.u32 $0x1F800, s25;
	s30 =	sand.u32 $0x380, s26;
	v23 =	vadd.f32 v23, v15;
	v28 =	vld [tilespmem:s7+$0x4520]  }
0x519: {  	s6 =	sadd.s32 $0x180, s14;
	s29 =	sor.u32 s30, s25;
	s25 =	sld [smem:$0x7DC]  }
0x51a: {  	s13 =	sadd.s32 $0x2200, s19;
	s6 =	sand.u32 $0x380, s6;
	v27 =	vadd.f32 v27, v26;
	[tilespmem:s20+$0x14100] =	vst v23;
	s20 =	rddreg [dreg:$0xb]  }
0x51b: {  	s1 =	sand.u32 $0x1F800, s1;
	s13 =	sand.u32 $0x3800, s13;
	s26 =	sor.u32 s8, s6;
	v21 =	vadd.f32 v21, v20;
	v23 =	vld [tilespmem:s20+$0x4570]  }
0x51c: {  	s24 =	sadd.s32 $0x4F80, s21;
	s6 =	sor.u32 s31, s13;
	s31 =	rddreg [dreg:$0x18];
	[tilespmem:s26+$0x14100] =	vst v27;
	v27 =	vld [tilespmem:s25+$0x4570];
	v19 =	vadd.f32 v19, v22  }
0x51d: {  	s4 =	sor.u32 s5, s4;
	s5 =	sor.u32 s3, s1;
	s24 =	sand.u32 $0x380, s24;
	v29 =	vld [tilespmem:s29+$0x4100];
	[tilespmem:s31+$0x14100] =	vst v21;
	v22 =	vadd.f32 v28, v24  }
0x51e: {  	[dreg:$0x7] =	wrdreg s14;
	s17 =	sadd.s32 $0x9E00, s17;
	s25 =	sor.u32 s24, s22;
	v21 =	vld [tilespmem:s5+$0x4100];
	v18 =	vadd.f32 v18, v25;
	[tilespmem:s23+$0x16100] =	vst v19  }
0x51f: {  	s3 =	sadd.s32 $0x4F00, s21;
	s20 =	sand.u32 $0x200, s14;
	v30 =	vld [tilespmem:s25+$0x4100];
	[tilespmem:s11+$0x16100] =	vst v22;
	s11 =	sld [smem:$0x7DB]  }
0x520: {  	s22 =	sadd.s32 $0x100, s14;
	s24 =	sor.u32 s20, s8;
	s23 =	rddreg [dreg:$0x1d];
	[tilespmem:s2+$0x16100] =	vst v18;
	v18 =	vld [tilespmem:s0+$0x540];
	v16 =	vadd.f32 v23, v16  }
0x521: {  	s20 =	sadd.s32 $0x80, s14;
	s14 =	sld [smem:$0x7BD];
	s21 =	sadd.s32 $0x4, s23;
	v19 =	vld [tilespmem:s28+$0x4540];
	v17 =	vadd.f32 v27, v17  }
0x522: {  	s1 =	sand.u32 $0x280, s20;
	s20 =	sand.u32 $0x300, s22;
	v22 =	vld [tilespmem:s29+$0x4100];
	[dreg:$0x1d] =	wrdreg s21;
	v23 =	vadd.f32 v29, v26;
	[tilespmem:s11+$0x16100] =	vst v16  }
0x523: {  	p1 =	slt.u32 s21, $0x1C;
	s21 =	sor.u32 s8, s20;
	s20 =	sld [smem:$0x7BE];
	v16 =	vld [tilespmem:s4+$0x100];
	[tilespmem:s18+$0x16100] =	vst v17  }
0x524: {  	s13 =	sand.u32 $0x1F800, s17;
	s17 =	sadd.s32 s19, s14;
	v17 =	vld [tilespmem:s6+$0x100];
	[tilespmem:s26+$0x16100] =	vst v23  }
0x525: {  	s22 =	sor.u32 s8, s1;
	s1 =	sadd.s32 $0x100, s17;
	v23 =	vld [tilespmem:s9+$0x110]  }
0x526: {  	s8 =	sadd.s32 s20, s19;
	v24 =	vld [tilespmem:s15+$0x4110];
	s20 =	sor.u32 $0x440, s1;
	v19 =	vadd.f32 v19, v18  }
0x527: {  	v25 =	vld [tilespmem:s24+$0x2100];
	[smem:$0x7C5] =	sst s20;
	s20 =	sor.u32 $0x440, s10  }
0x528: {  	s18 =	smov.u32 s16;
	v26 =	vld [tilespmem:s24+$0x2110];
	[tilespmem:s20+$0x14100] =	vst v19;
	v21 =	vadd.f32 v21, v16  }
0x529: {  	v19 =	vadd.f32 v22, v17;
	v27 =	vld [tilespmem:s18+$0x4540]  }
0x52a: {  	s17 =	sor.u32 $0x420, s8;
	v22 =	vld [tilespmem:s24+$0x2120];
	[tilespmem:s22+$0x14100] =	vst v21  }
0x52b: {  	[dreg:$0x1c] =	wrdreg s17;
	s17 =	sor.u32 $0x450, s8;
	[tilespmem:s21+$0x14100] =	vst v19;
	v19 =	vadd.f32 v24, v23;
	v61 =	vld [tilespmem:s25+$0x4100]  }
0x52c: {  	[smem:$0x7C6] =	sst s17;
	s17 =	sor.u32 $0x460, s8;
	v24 =	vadd.f32 v30, v25;
	v62 =	vld [tilespmem:s5+$0x4100]  }
0x52d: {  	s2 =	sand.u32 $0x300, s3;
	[smem:$0x7D0] =	sst s17;
	s17 =	smov.u32 s29;
	v21 =	vld [tilespmem:s24+$0x2130];
	[tilespmem:s26+$0x14110] =	vst v19  }
0x52e: {  	s13 =	sor.u32 s2, s13;
	[tilespmem:s24+$0x14100] =	vst v24;
	v24 =	vld [tilespmem:s17+$0x4110];
	v18 =	vadd.f32 v27, v18  }
0x52f: {  	s30 =	smov.u32 s25;
	s25 =	smov.u32 s19;
	s19 =	smov.u32 s13;
	v19 =	vld [tilespmem:s24+$0x2140]  }
0x530: {  	s23 =	smov.u32 s0;
	v27 =	vld [tilespmem:s19+$0x4100];
	[tilespmem:s20+$0x16100] =	vst v18;
	v16 =	vadd.f32 v61, v16  }
0x531: {  	s3 =	smov.u32 s28;
	v17 =	vadd.f32 v62, v17;
	v63 =	vld [tilespmem:s23+$0x550]  }
0x532: {  	[tilespmem:s22+$0x16100] =	vst v16;
	v16 =	vld [tilespmem:s3+$0x4550]  }
0x533: {  	[tilespmem:s21+$0x16100] =	vst v17;
	v17 =	vadd.f32 v24, v23;
	v36 =	vld [tilespmem:s4+$0x110]  }
0x534: {  	v23 =	vld [tilespmem:s5+$0x4110]  }
0x535: {  	v18 =	vadd.f32 v27, v25;
	v24 =	vld [tilespmem:s6+$0x110];
	[tilespmem:s26+$0x16110] =	vst v17  }
0x536: {  	v25 =	vld [tilespmem:s9+$0x120]  }
0x537: {  	s2 =	rddreg [dreg:$0x8];
	[tilespmem:s24+$0x16100] =	vst v18;
	v17 =	vld [tilespmem:s15+$0x4120];
	v16 =	vadd.f32 v16, v63  }
0x538: {  	s29 =	smov.u32 s7;
	s7 =	smov.u32 s2;
	s2 =	sor.u32 $0x450, s10;
	v27 =	vld [tilespmem:s30+$0x4110]  }
0x539: {  	v37 =	vld [tilespmem:s17+$0x4110];
	v23 =	vadd.f32 v23, v36;
	[tilespmem:s2+$0x14100] =	vst v16  }
0x53a: {  	v31 =	vld [tilespmem:s18+$0x4550]  }
0x53b: {  	v18 =	vld [tilespmem:s24+$0x2150];
	[tilespmem:s22+$0x14110] =	vst v23  }
0x53c: {  	v32 =	vadd.f32 v17, v25;
	v23 =	vld [tilespmem:s30+$0x4110]  }
0x53d: {  	v16 =	vld [tilespmem:s24+$0x2170];
	v27 =	vadd.f32 v27, v26  }
0x53e: {  	v30 =	vadd.f32 v37, v24;
	v17 =	vld [tilespmem:s24+$0x2160];
	[tilespmem:s26+$0x14120] =	vst v32  }
0x53f: {  	[tilespmem:s24+$0x14110] =	vst v27;
	v27 =	vld [tilespmem:s17+$0x4120];
	v28 =	vadd.f32 v31, v63  }
0x540: {  	[tilespmem:s21+$0x14110] =	vst v30;
	v38 =	vld [tilespmem:s19+$0x4110]  }
0x541: {  	s28 =	smov.u32 s12;
	s12 =	sld [smem:$0x7E0];
	s14 =	sor.u32 $0x400, s1;
	v39 =	vld [tilespmem:s5+$0x4110];
	v23 =	vadd.f32 v23, v36;
	[tilespmem:s2+$0x16100] =	vst v28  }
0x542: {  	[smem:$0x7CE] =	sst s14;
	v28 =	vld [tilespmem:s23+$0x560]  }
0x543: {  	s0 =	sor.u32 $0x2400, s8;
	s2 =	sld [smem:$0x7BF];
	[tilespmem:s22+$0x16110] =	vst v23;
	v23 =	vld [tilespmem:s3+$0x4560]  }
0x544: {  	s11 =	sor.u32 $0x410, s8;
	[smem:$0x7CA] =	sst s0;
	v25 =	vadd.f32 v27, v25;
	v40 =	vld [tilespmem:s4+$0x120]  }
0x545: {  	s0 =	sor.u32 $0x400, s8;
	[smem:$0x7D5] =	sst s11;
	v26 =	vadd.f32 v38, v26;
	v27 =	vld [tilespmem:s5+$0x4120]  }
0x546: {  	[smem:$0x7CC] =	sst s0;
	s0 =	sor.u32 $0x440, s8;
	v24 =	vadd.f32 v39, v24;
	[tilespmem:s26+$0x16120] =	vst v25;
	v25 =	vld [tilespmem:s2+$0x4520]  }
0x547: {  	s16 =	sor.u32 $0x410, s1;
	s14 =	sor.u32 $0x430, s1;
	[smem:$0x7C4] =	sst s0;
	[tilespmem:s24+$0x16110] =	vst v26;
	v26 =	vld [tilespmem:s9+$0x130]  }
0x548: {  	s11 =	sor.u32 $0x420, s1;
	s0 =	sor.u32 $0x450, s1;
	[smem:$0x7DB] =	sst s7;
	[tilespmem:s21+$0x16110] =	vst v24;
	v24 =	vld [tilespmem:s15+$0x4130];
	v23 =	vadd.f32 v23, v28  }
0x549: {  	s7 =	sor.u32 $0x460, s10;
	s13 =	smov.u32 s12;
	s12 =	sld [smem:$0x7C0];
	v41 =	vld [tilespmem:s30+$0x4120]  }
0x54a: {  	[smem:$0x7C7] =	sst s0;
	s0 =	sor.u32 $0x460, s1;
	s1 =	sor.u32 $0x470, s1;
	v42 =	vld [tilespmem:s6+$0x120];
	[tilespmem:s7+$0x14100] =	vst v23  }
0x54b: {  	[smem:$0x7D4] =	sst s1;
	s1 =	sor.u32 $0x470, s8;
	v27 =	vadd.f32 v27, v40;
	v23 =	vld [tilespmem:s18+$0x4560]  }
0x54c: {  	[smem:$0x7C9] =	sst s16;
	s16 =	sor.u32 $0x430, s8;
	s8 =	smov.u32 s1;
	v43 =	vld [tilespmem:s12+$0x130];
	v20 =	vadd.f32 v25, v20  }
0x54d: {  	[dreg:$0x8] =	wrdreg s8;
	v25 =	vld [tilespmem:s17+$0x4120];
	[tilespmem:s22+$0x14120] =	vst v27;
	v24 =	vadd.f32 v24, v26  }
0x54e: {  	s8 =	sld [smem:$0x7C1];
	v27 =	vld [tilespmem:s30+$0x4120];
	[tilespmem:s31+$0x16100] =	vst v20;
	v20 =	vadd.f32 v41, v22  }
0x54f: {  	[tilespmem:s26+$0x14130] =	vst v24;
	v24 =	vld [tilespmem:s28+$0x4530]  }
0x550: {  	[tilespmem:s24+$0x14120] =	vst v20;
	v20 =	vld [tilespmem:s17+$0x4130];
	v23 =	vadd.f32 v23, v28  }
0x551: {  	v45 =	vld [tilespmem:s8+$0x530]  }
0x552: {  	v44 =	vld [tilespmem:s19+$0x4120];
	v25 =	vadd.f32 v25, v42;
	[tilespmem:s7+$0x16100] =	vst v23  }
0x553: {  	[dreg:$0x19] =	wrdreg s13;
	s13 =	smov.u32 s11;
	v27 =	vadd.f32 v27, v40;
	v23 =	vld [tilespmem:s23+$0x570]  }
0x554: {  	[dreg:$0x18] =	wrdreg s13;
	[tilespmem:s21+$0x14120] =	vst v25;
	v24 =	vadd.f32 v24, v43;
	v25 =	vld [tilespmem:s3+$0x4570]  }
0x555: {  	s13 =	smov.u32 s15;
	s15 =	rddreg [dreg:$0x16];
	[tilespmem:s22+$0x16120] =	vst v27;
	v27 =	vld [tilespmem:s5+$0x4120];
	v20 =	vadd.f32 v20, v26  }
0x556: {  	v26 =	vld [tilespmem:s4+$0x130];
	[tilespmem:s15+$0x14100] =	vst v24  }
0x557: {  	s20 =	smov.u32 s9;
	v22 =	vadd.f32 v44, v22;
	v24 =	vld [tilespmem:s5+$0x4130];
	[tilespmem:s26+$0x16130] =	vst v20  }
0x558: {  	v20 =	vld [tilespmem:s20+$0x140]  }
0x559: {  	[tilespmem:s24+$0x16120] =	vst v22;
	v22 =	vld [tilespmem:s13+$0x4140];
	v25 =	vadd.f32 v25, v23  }
0x55a: {  	s23 =	sor.u32 $0x470, s10;
	v46 =	vld [tilespmem:s30+$0x4130];
	v27 =	vadd.f32 v27, v42  }
0x55b: {  	v47 =	vld [tilespmem:s2+$0x4530];
	[tilespmem:s23+$0x14100] =	vst v25  }
0x55c: {  	v24 =	vadd.f32 v24, v26;
	[tilespmem:s21+$0x16120] =	vst v27;
	v25 =	vld [tilespmem:s18+$0x4570]  }
0x55d: {  	s11 =	sld [smem:$0x7C2];
	v27 =	vld [tilespmem:s6+$0x130]  }
0x55e: {  	[tilespmem:s22+$0x14130] =	vst v24;
	v24 =	vld [tilespmem:s17+$0x4130];
	v22 =	vadd.f32 v22, v20  }
0x55f: {  	[smem:$0x7D1] =	sst s0;
	v28 =	vadd.f32 v46, v21;
	v48 =	vld [tilespmem:s30+$0x4130]  }
0x560: {  	s0 =	sld [smem:$0x7DF];
	v49 =	vld [tilespmem:s11+$0x530];
	[tilespmem:s26+$0x14140] =	vst v22  }
0x561: {  	v22 =	vadd.f32 v47, v45;
	[tilespmem:s24+$0x14130] =	vst v28;
	v50 =	vld [tilespmem:s17+$0x4140]  }
0x562: {  	v23 =	vadd.f32 v25, v23;
	v25 =	vld [tilespmem:s19+$0x4130]  }
0x563: {  	[tilespmem:s0+$0x14100] =	vst v22;
	v22 =	vadd.f32 v24, v27;
	v24 =	vld [tilespmem:s18+$0x4530]  }
0x564: {  	[tilespmem:s23+$0x16100] =	vst v23;
	v23 =	vadd.f32 v48, v26;
	v26 =	vld [tilespmem:s29+$0x4530]  }
0x565: {  	[tilespmem:s21+$0x14130] =	vst v22;
	v22 =	vld [tilespmem:s28+$0x4530]  }
0x566: {  	v20 =	vadd.f32 v50, v20;
	[tilespmem:s22+$0x16130] =	vst v23;
	v23 =	vld [tilespmem:s5+$0x4130]  }
0x567: {  	v21 =	vadd.f32 v25, v21;
	v25 =	vld [tilespmem:s4+$0x140]  }
0x568: {  	v51 =	vld [tilespmem:s5+$0x4140];
	[tilespmem:s26+$0x16140] =	vst v20;
	v20 =	vadd.f32 v24, v49  }
0x569: {  	s3 =	rddreg [dreg:$0x12];
	[tilespmem:s24+$0x16130] =	vst v21;
	v21 =	vld [tilespmem:s20+$0x150];
	v24 =	vadd.f32 v26, v43  }
0x56a: {  	v26 =	vld [tilespmem:s13+$0x4150];
	v22 =	vadd.f32 v22, v45;
	[tilespmem:s3+$0x14100] =	vst v20  }
0x56b: {  	v20 =	vld [tilespmem:s30+$0x4140];
	v23 =	vadd.f32 v23, v27;
	[tilespmem:s15+$0x16100] =	vst v24  }
0x56c: {  	s31 =	smov.u32 s2;
	[tilespmem:s0+$0x16100] =	vst v22  }
0x56d: {  	v22 =	vld [tilespmem:s31+$0x4530];
	v24 =	vadd.f32 v51, v25;
	[tilespmem:s21+$0x16130] =	vst v23  }
0x56e: {  	v27 =	vld [tilespmem:s6+$0x140]  }
0x56f: {  	[tilespmem:s22+$0x14140] =	vst v24;
	v24 =	vld [tilespmem:s17+$0x4140]  }
0x570: {  	v23 =	vld [tilespmem:s12+$0x140];
	v26 =	vadd.f32 v26, v21  }
0x571: {  	v20 =	vadd.f32 v20, v19;
	v52 =	vld [tilespmem:s30+$0x4140]  }
0x572: {  	[tilespmem:s26+$0x14150] =	vst v26;
	v26 =	vld [tilespmem:s28+$0x4540];
	v22 =	vadd.f32 v22, v49  }
0x573: {  	[tilespmem:s24+$0x14140] =	vst v20;
	v20 =	vld [tilespmem:s17+$0x4150]  }
0x574: {  	v53 =	vld [tilespmem:s19+$0x4140];
	[tilespmem:s3+$0x16100] =	vst v22;
	v22 =	vadd.f32 v24, v27  }
0x575: {  	v54 =	vld [tilespmem:s31+$0x4540]  }
0x576: {  	v24 =	vld [tilespmem:s8+$0x540];
	v25 =	vadd.f32 v52, v25;
	[tilespmem:s21+$0x14140] =	vst v22  }
0x577: {  	v22 =	vadd.f32 v26, v23;
	v26 =	vld [tilespmem:s11+$0x540]  }
0x578: {  	s10 =	smov.u32 s14;
	s14 =	rddreg [dreg:$0x11];
	[tilespmem:s22+$0x16140] =	vst v25;
	v25 =	vld [tilespmem:s5+$0x4140];
	v20 =	vadd.f32 v20, v21  }
0x579: {  	v19 =	vadd.f32 v53, v19;
	v21 =	vld [tilespmem:s4+$0x150];
	[tilespmem:s14+$0x14100] =	vst v22  }
0x57a: {  	v22 =	vld [tilespmem:s5+$0x4150];
	[tilespmem:s26+$0x16150] =	vst v20  }
0x57b: {  	s15 =	sld [smem:$0x7C3];
	[tilespmem:s24+$0x16140] =	vst v19;
	v19 =	vld [tilespmem:s20+$0x160]  }
0x57c: {  	v20 =	vadd.f32 v54, v24;
	v55 =	vld [tilespmem:s13+$0x4160]  }
0x57d: {  	v56 =	vld [tilespmem:s30+$0x4150];
	v25 =	vadd.f32 v25, v27  }
0x57e: {  	[tilespmem:s15+$0x14100] =	vst v20;
	v20 =	vld [tilespmem:s18+$0x4540]  }
0x57f: {  	v22 =	vadd.f32 v22, v21;
	[tilespmem:s21+$0x16140] =	vst v25;
	v25 =	vld [tilespmem:s29+$0x4540]  }
0x580: {  	v27 =	vld [tilespmem:s6+$0x150]  }
0x581: {  	[tilespmem:s22+$0x14150] =	vst v22;
	v22 =	vld [tilespmem:s17+$0x4150];
	v28 =	vadd.f32 v55, v19  }
0x582: {  	v29 =	vadd.f32 v56, v18;
	v57 =	vld [tilespmem:s30+$0x4150]  }
0x583: {  	v58 =	vld [tilespmem:s28+$0x4540];
	v20 =	vadd.f32 v20, v26;
	[tilespmem:s26+$0x14160] =	vst v28  }
0x584: {  	s23 =	rddreg [dreg:$0xe];
	[tilespmem:s24+$0x14150] =	vst v29;
	v59 =	vld [tilespmem:s17+$0x4160];
	v23 =	vadd.f32 v25, v23  }
0x585: {  	[tilespmem:s23+$0x14100] =	vst v20;
	v25 =	vld [tilespmem:s19+$0x4150]  }
0x586: {  	v20 =	vadd.f32 v22, v27;
	v22 =	vld [tilespmem:s31+$0x4540];
	[tilespmem:s14+$0x16100] =	vst v23  }
0x587: {  	v21 =	vadd.f32 v57, v21;
	v23 =	vld [tilespmem:s12+$0x150]  }
0x588: {  	v24 =	vadd.f32 v58, v24;
	[tilespmem:s21+$0x14150] =	vst v20;
	v20 =	vld [tilespmem:s28+$0x4550]  }
0x589: {  	[tilespmem:s22+$0x16150] =	vst v21;
	v21 =	vld [tilespmem:s5+$0x4150];
	v19 =	vadd.f32 v59, v19  }
0x58a: {  	v18 =	vadd.f32 v25, v18;
	v25 =	vld [tilespmem:s4+$0x160];
	[tilespmem:s15+$0x16100] =	vst v24  }
0x58b: {  	v24 =	vld [tilespmem:s5+$0x4160];
	[tilespmem:s26+$0x16160] =	vst v19  }
0x58c: {  	v19 =	vadd.f32 v22, v26;
	[tilespmem:s24+$0x16150] =	vst v18;
	v18 =	vld [tilespmem:s20+$0x170]  }
0x58d: {  	v22 =	vld [tilespmem:s13+$0x4170];
	v20 =	vadd.f32 v20, v23  }
0x58e: {  	s15 =	rddreg [dreg:$0xd];
	[tilespmem:s23+$0x16100] =	vst v19;
	v19 =	vld [tilespmem:s30+$0x4160];
	v21 =	vadd.f32 v21, v27  }
0x58f: {  	[tilespmem:s15+$0x14100] =	vst v20;
	v20 =	vld [tilespmem:s8+$0x550]  }
0x590: {  	v24 =	vadd.f32 v24, v25;
	[tilespmem:s21+$0x16150] =	vst v21;
	v21 =	vld [tilespmem:s31+$0x4550]  }
0x591: {  	v26 =	vld [tilespmem:s6+$0x160]  }
0x592: {  	v22 =	vadd.f32 v22, v18;
	[tilespmem:s22+$0x14160] =	vst v24;
	v24 =	vld [tilespmem:s17+$0x4160]  }
0x593: {  	v19 =	vadd.f32 v19, v17;
	v27 =	vld [tilespmem:s30+$0x4160]  }
0x594: {  	[tilespmem:s26+$0x14170] =	vst v22;
	v22 =	vld [tilespmem:s11+$0x550]  }
0x595: {  	s1 =	sld [smem:$0x7C4];
	[tilespmem:s24+$0x14160] =	vst v19;
	v19 =	vld [tilespmem:s17+$0x4170];
	v21 =	vadd.f32 v21, v20  }
0x596: {  	s23 =	rddreg [dreg:$0x13];
	v60 =	vld [tilespmem:s19+$0x4160]  }
0x597: {  	v24 =	vadd.f32 v24, v26;
	[tilespmem:s23+$0x14100] =	vst v21;
	v21 =	vld [tilespmem:s18+$0x4550]  }
0x598: {  	v25 =	vadd.f32 v27, v25;
	v27 =	vld [tilespmem:s29+$0x4550]  }
0x599: {  	s3 =	smov.u32 s1;
	[tilespmem:s21+$0x14160] =	vst v24;
	v24 =	vld [tilespmem:s28+$0x4550]  }
0x59a: {  	[dreg:$0x11] =	wrdreg s3;
	v18 =	vadd.f32 v19, v18;
	[tilespmem:s22+$0x16160] =	vst v25;
	v25 =	vld [tilespmem:s5+$0x4160]  }
0x59b: {  	s3 =	sld [smem:$0x7DD];
	v17 =	vadd.f32 v60, v17;
	v19 =	vld [tilespmem:s4+$0x170]  }
0x59c: {  	v61 =	vld [tilespmem:s5+$0x4170];
	[tilespmem:s26+$0x16170] =	vst v18;
	v18 =	vadd.f32 v21, v22  }
0x59d: {  	[dreg:$0x12] =	wrdreg s10;
	[tilespmem:s24+$0x16160] =	vst v17;
	v17 =	vld [tilespmem:s20+$0x500];
	v21 =	vadd.f32 v27, v23  }
0x59e: {  	s10 =	sld [smem:$0x7C5];
	v23 =	vld [tilespmem:s13+$0x4500];
	v20 =	vadd.f32 v24, v20;
	[tilespmem:s3+$0x14100] =	vst v18  }
0x59f: {  	s2 =	smov.u32 s8;
	s8 =	rddreg [dreg:$0xc];
	v18 =	vld [tilespmem:s30+$0x4170];
	v24 =	vadd.f32 v25, v26;
	[tilespmem:s15+$0x16100] =	vst v21  }
0x5a0: {  	s0 =	sadd.s32 $0x4, s8;
	[tilespmem:s23+$0x16100] =	vst v20;
	v20 =	vld [tilespmem:s31+$0x4550]  }
0x5a1: {  	s15 =	sand.u32 $0x7, s0;
	v21 =	vadd.f32 v61, v19;
	[tilespmem:s21+$0x16160] =	vst v24;
	v24 =	vld [tilespmem:s12+$0x160]  }
0x5a2: {  	s14 =	smov.u32 s10;
	s10 =	sld [smem:$0x7C6];
	s1 =	sshll.u32 s15, $0x7;
	v25 =	vld [tilespmem:s6+$0x170]  }
0x5a3: {  	s1 =	sadd.s32 s25, s1;
	[tilespmem:s22+$0x14170] =	vst v21;
	v21 =	vld [tilespmem:s17+$0x4170]  }
0x5a4: {  	s9 =	smov.u32 s16;
	s16 =	smov.u32 s12;
	s12 =	sadd.s32 $0x180, s1;
	v23 =	vadd.f32 v23, v17;
	v26 =	vld [tilespmem:s30+$0x4170]  }
0x5a5: {  	[dreg:$0xe] =	wrdreg s14;
	s14 =	smov.u32 s10;
	v18 =	vadd.f32 v18, v16;
	s8 =	sor.u32 $0x400, s12  }
0x5a6: {  	[dreg:$0xd] =	wrdreg s14;
	[tilespmem:s8+$0x14100] =	vst v23;
	v23 =	vld [tilespmem:s28+$0x4560];
	v20 =	vadd.f32 v20, v22  }
0x5a7: {  	s14 =	sld [smem:$0x7C7];
	s1 =	sadd.s32 $0x80, s1;
	[tilespmem:s24+$0x14170] =	vst v18;
	v18 =	vld [tilespmem:s17+$0x4500]  }
0x5a8: {  	s23 =	sor.u32 $0x430, s1;
	v22 =	vld [tilespmem:s19+$0x4170];
	[tilespmem:s3+$0x16100] =	vst v20;
	v20 =	vadd.f32 v21, v25  }
0x5a9: {  	[smem:$0x7DF] =	sst s23;
	v21 =	vld [tilespmem:s2+$0x560];
	v19 =	vadd.f32 v26, v19  }
0x5aa: {  	s23 =	smov.u32 s14;
	s14 =	sld [smem:$0x7C8];
	v26 =	vld [tilespmem:s31+$0x4560];
	[tilespmem:s21+$0x14170] =	vst v20  }
0x5ab: {  	s10 =	sor.u32 $0x470, s1;
	v20 =	vadd.f32 v23, v24;
	[tilespmem:s22+$0x16170] =	vst v19;
	v19 =	vld [tilespmem:s5+$0x4170]  }
0x5ac: {  	[smem:$0x7E0] =	sst s10;
	v23 =	vld [tilespmem:s11+$0x560];
	v17 =	vadd.f32 v18, v17  }
0x5ad: {  	s10 =	sld [smem:$0x7CB];
	v16 =	vadd.f32 v22, v16;
	v18 =	vld [tilespmem:s4+$0x500];
	[tilespmem:s14+$0x14100] =	vst v20  }
0x5ae: {  	s3 =	sld [smem:$0x7CA];
	v20 =	vld [tilespmem:s5+$0x4500];
	[tilespmem:s8+$0x16100] =	vst v17  }
0x5af: {  	[tilespmem:s24+$0x16170] =	vst v16;
	v16 =	vld [tilespmem:s20+$0x510];
	v17 =	vadd.f32 v26, v21  }
0x5b0: {  	v22 =	vld [tilespmem:s13+$0x4510];
	v19 =	vadd.f32 v19, v25  }
0x5b1: {  	v26 =	vld [tilespmem:s3+$0x100];
	[tilespmem:s10+$0x14100] =	vst v17  }
0x5b2: {  	[smem:$0x7DA] =	sst s18;
	v17 =	vld [tilespmem:s30+$0x4500];
	[tilespmem:s21+$0x16170] =	vst v19  }
0x5b3: {  	[dreg:$0x16] =	wrdreg s9;
	s9 =	smov.u32 s6;
	v20 =	vadd.f32 v20, v18;
	v19 =	vld [tilespmem:s18+$0x4560]  }
0x5b4: {  	[dreg:$0xb] =	wrdreg s29;
	s15 =	sor.u32 $0x400, s1;
	v25 =	vld [tilespmem:s9+$0x500]  }
0x5b5: {  	[smem:$0x7D8] =	sst s25;
	s7 =	sor.u32 $0x410, s1;
	s25 =	sor.u32 $0x450, s1;
	[tilespmem:s15+$0x14100] =	vst v20;
	v20 =	vld [tilespmem:s17+$0x4500]  }
0x5b6: {  	s26 =	sor.u32 $0x420, s1;
	s6 =	sor.u32 $0x440, s1;
	[dreg:$0x13] =	wrdreg s25;
	v22 =	vadd.f32 v22, v16  }
0x5b7: {  	s25 =	sor.u32 $0x460, s1;
	s1 =	sor.u32 $0x410, s12;
	s24 =	sld [smem:$0x7CC];
	v27 =	vld [tilespmem:s30+$0x4500]  }
0x5b8: {  	s8 =	sld [smem:$0x7CD];
	v17 =	vadd.f32 v17, v26;
	[tilespmem:s1+$0x14100] =	vst v22;
	v22 =	vld [tilespmem:s29+$0x4560]  }
0x5b9: {  	s18 =	sld [smem:$0x7CE];
	v62 =	vld [tilespmem:s17+$0x4510];
	v19 =	vadd.f32 v19, v23  }
0x5ba: {  	s29 =	sld [smem:$0x7CF];
	[tilespmem:s24+$0x14100] =	vst v17;
	v17 =	vld [tilespmem:s28+$0x4560];
	v20 =	vadd.f32 v20, v25  }
0x5bb: {  	v63 =	vld [tilespmem:s19+$0x4500];
	[tilespmem:s8+$0x14100] =	vst v19  }
0x5bc: {  	v18 =	vadd.f32 v27, v18;
	v19 =	vld [tilespmem:s31+$0x4560];
	[tilespmem:s18+$0x14100] =	vst v20  }
0x5bd: {  	s22 =	smov.u32 s5;
	s21 =	sld [smem:$0x7D0];
	v20 =	vadd.f32 v22, v24;
	v22 =	vld [tilespmem:s29+$0x4570]  }
0x5be: {  	[tilespmem:s15+$0x16100] =	vst v18;
	v16 =	vadd.f32 v62, v16;
	v18 =	vld [tilespmem:s22+$0x4500]  }
0x5bf: {  	v24 =	vld [tilespmem:s4+$0x510];
	v17 =	vadd.f32 v17, v21;
	[tilespmem:s14+$0x16100] =	vst v20  }
0x5c0: {  	s5 =	smov.u32 s21;
	v20 =	vadd.f32 v63, v26;
	v26 =	vld [tilespmem:s22+$0x4510];
	[tilespmem:s1+$0x16100] =	vst v16  }
0x5c1: {  	s21 =	smov.u32 s25;
	s25 =	smov.u32 s13;
	[tilespmem:s10+$0x16100] =	vst v17;
	v17 =	vld [tilespmem:s13+$0x4520];
	s13 =	sld [smem:$0x7D2];
	v16 =	vadd.f32 v19, v23  }
0x5c2: {  	[tilespmem:s24+$0x16100] =	vst v20;
	v15 =	vadd.f32 v22, v15  }
0x5c3: {  	v27 =	vld [tilespmem:s20+$0x520];
	v18 =	vadd.f32 v18, v25;
	[tilespmem:s8+$0x16100] =	vst v16  }
0x5c4: {  	[smem:$0x7DC] =	sst s28;
	v21 =	vld [tilespmem:s3+$0x110];
	[tilespmem:s13+$0x16100] =	vst v15  }
0x5c5: {  	s15 =	sld [smem:$0x7D3];
	v19 =	vld [tilespmem:s30+$0x4510];
	v15 =	vadd.f32 v26, v24;
	[tilespmem:s18+$0x16100] =	vst v18  }
0x5c6: {  	s10 =	sld [smem:$0x7D1];
	v20 =	vld [tilespmem:s9+$0x510]  }
0x5c7: {  	[dreg:$0xc] =	wrdreg s0;
	s29 =	smov.u32 s31;
	[tilespmem:s7+$0x14100] =	vst v15;
	v15 =	vld [tilespmem:s17+$0x4510]  }
0x5c8: {  	s31 =	smov.u32 s20;
	s20 =	smov.u32 s15;
	s15 =	sor.u32 $0x420, s12;
	v23 =	vld [tilespmem:s28+$0x4570];
	v17 =	vadd.f32 v17, v27  }
0x5c9: {  	s14 =	smov.u32 s10;
	s10 =	smov.u32 s12;
	s12 =	sld [smem:$0x7D5];
	v18 =	vld [tilespmem:s30+$0x4510]  }
0x5ca: {  	[smem:$0x7DD] =	sst s23;
	v16 =	vld [tilespmem:s16+$0x170];
	v19 =	vadd.f32 v19, v21;
	[tilespmem:s15+$0x14100] =	vst v17  }
0x5cb: {  	s23 =	sld [smem:$0x7C9];
	v25 =	vld [tilespmem:s17+$0x4520]  }
.Ltmp1:
0x5cc: {  	s1 =	rddreg [dreg:$0x1e];
	v17 =	vld [tilespmem:s2+$0x570];
	[tilespmem:s12+$0x14100] =	vst v19;
	v15 =	vadd.f32 v15, v20;
	(pc) =	sbr.rel @p1 .LBB2_5-.Ltmp1, $4  }
0x5cd: {  	s24 =	sld [smem:$0x7D4];
	v22 =	vld [tilespmem:s19+$0x4510]  }
0x5ce: {  	s0 =	smov.u32 s4;
	s1 =	sadd.s32 $0x2, s1;
	s28 =	smov.u32 s17;
	v24 =	vadd.f32 v18, v24;
	v18 =	vld [tilespmem:s29+$0x4570];
	[tilespmem:s23+$0x14100] =	vst v15  }
0x5cf: {  	s8 =	smov.u32 s3;
	s16 =	smov.u32 s19;
	s3 =	smov.u32 s9;
	v15 =	vld [tilespmem:s11+$0x570]  }
0x5d0: {  	s13 =	smov.u32 s24;
	s9 =	smov.u32 s22;
	s17 =	smov.u32 s29;
	v19 =	vadd.f32 v23, v16;
	[tilespmem:s7+$0x16100] =	vst v24;
	v23 =	vld [tilespmem:s22+$0x4510];
	v24 =	vadd.f32 v25, v27  }
0x5d1: {  	_ = 	snop  }
0x5d2: {  	v21 =	vadd.f32 v22, v21;
	_ =	sdelay $0x1  }
0x5d3: {  	[tilespmem:s12+$0x16100] =	vst v21  }
0x5d4: {  	v21 =	vld [tilespmem:s8+$0x120]  }
0x5d5: {  	v58 =	vld [tilespmem:s30+$0x4520];
	_ =	sdelay $0x2  }
0x5d6: {  	v59 =	vld [tilespmem:s0+$0x520];
	v20 =	vadd.f32 v23, v20  }
0x5d7: {  	v60 =	vld [tilespmem:s9+$0x4520]  }
0x5d8: {  	[tilespmem:s23+$0x16100] =	vst v20;
	v22 =	vadd.f32 v58, v21  }
0x5d9: {  	v25 =	vld [tilespmem:s3+$0x520];
	s4 =	rddreg [dreg:$0x1c]  }
0x5da: {  	v26 =	vld [tilespmem:s28+$0x4520];
	[tilespmem:s4+$0x14100] =	vst v22  }
0x5db: {  	v22 =	vld [tilespmem:s16+$0x4520]  }
0x5dc: {  	v20 =	vadd.f32 v60, v59;
	_ =	sdelay $0x1  }
0x5dd: {  	[tilespmem:s26+$0x14100] =	vst v20  }
0x5de: {  	v62 =	vld [tilespmem:s30+$0x4520];
	v61 =	vadd.f32 v26, v25;
	s1 =	rddreg [dreg:$0x18];
	[tilespmem:s15+$0x16100] =	vst v24  }
0x5df: {  	v63 =	vld [tilespmem:s31+$0x530];
	v21 =	vadd.f32 v22, v21  }
0x5e0: {  	v29 =	vld [tilespmem:s25+$0x4530];
	[tilespmem:s1+$0x14100] =	vst v61  }
0x5e1: {  	v20 =	vld [tilespmem:s9+$0x4520];
	[tilespmem:s4+$0x16100] =	vst v21  }
0x5e2: {  	v30 =	vld [tilespmem:s8+$0x130]  }
0x5e3: {  	v23 =	vadd.f32 v62, v59;
	v31 =	vld [tilespmem:s30+$0x4530];
	_ =	sdelay $0x1  }
0x5e4: {  	s22 =	smov.u32 s0;
	[tilespmem:s26+$0x16100] =	vst v23;
	v21 =	vadd.f32 v29, v63  }
0x5e5: {  	s26 =	sor.u32 $0x430, s10;
	v32 =	vld [tilespmem:s22+$0x530];
	v20 =	vadd.f32 v20, v25  }
0x5e6: {  	v33 =	vld [tilespmem:s9+$0x4530];
	[tilespmem:s26+$0x14100] =	vst v21  }
0x5e7: {  	[tilespmem:s1+$0x16100] =	vst v20;
	v35 =	vadd.f32 v31, v30  }
0x5e8: {  	v36 =	vld [tilespmem:s28+$0x4530];
	s2 =	rddreg [dreg:$0x16]  }
0x5e9: {  	v34 =	vld [tilespmem:s3+$0x530];
	[tilespmem:s2+$0x14100] =	vst v35  }
0x5ea: {  	v27 =	vld [tilespmem:s28+$0x4530];
	s29 =	sld [smem:$0x7DF]  }
0x5eb: {  	v20 =	vadd.f32 v33, v32  }
0x5ec: {  	v21 =	vld [tilespmem:s16+$0x4530]  }
0x5ed: {  	v22 =	vadd.f32 v36, v63;
	[tilespmem:s29+$0x14100] =	vst v20  }
0x5ee: {  	v38 =	vld [tilespmem:s30+$0x4530]  }
0x5ef: {  	v37 =	vadd.f32 v27, v34;
	s4 =	rddreg [dreg:$0x12];
	[tilespmem:s26+$0x16100] =	vst v22  }
0x5f0: {  	v22 =	vld [tilespmem:s31+$0x540]  }
0x5f1: {  	[tilespmem:s4+$0x14100] =	vst v37;
	v21 =	vadd.f32 v21, v30;
	v39 =	vld [tilespmem:s25+$0x4540]  }
0x5f2: {  	v20 =	vld [tilespmem:s9+$0x4530]  }
0x5f3: {  	[tilespmem:s2+$0x16100] =	vst v21;
	v40 =	vadd.f32 v38, v32  }
0x5f4: {  	v41 =	vld [tilespmem:s8+$0x140]  }
0x5f5: {  	v42 =	vld [tilespmem:s30+$0x4540];
	[tilespmem:s29+$0x16100] =	vst v40  }
0x5f6: {  	v21 =	vadd.f32 v39, v22;
	v43 =	vld [tilespmem:s22+$0x540]  }
0x5f7: {  	s7 =	sor.u32 $0x440, s10;
	v20 =	vadd.f32 v20, v34;
	v44 =	vld [tilespmem:s9+$0x4540]  }
0x5f8: {  	[tilespmem:s7+$0x14100] =	vst v21  }
0x5f9: {  	s24 =	smov.u32 s3;
	[tilespmem:s4+$0x16100] =	vst v20;
	v48 =	vld [tilespmem:s28+$0x4540]  }
0x5fa: {  	v47 =	vadd.f32 v42, v41;
	v45 =	vld [tilespmem:s24+$0x540]  }
0x5fb: {  	v46 =	vld [tilespmem:s28+$0x4540];
	s2 =	rddreg [dreg:$0x11]  }
0x5fc: {  	[tilespmem:s2+$0x14100] =	vst v47;
	v20 =	vadd.f32 v44, v43  }
0x5fd: {  	v21 =	vld [tilespmem:s16+$0x4540]  }
0x5fe: {  	[tilespmem:s6+$0x14100] =	vst v20  }
0x5ff: {  	v22 =	vadd.f32 v48, v22;
	v50 =	vld [tilespmem:s30+$0x4540]  }
0x600: {  	v49 =	vadd.f32 v46, v45  }
0x601: {  	s4 =	rddreg [dreg:$0xe];
	[tilespmem:s7+$0x16100] =	vst v22  }
0x602: {  	[tilespmem:s4+$0x14100] =	vst v49;
	v21 =	vadd.f32 v21, v41;
	v22 =	vld [tilespmem:s31+$0x550]  }
0x603: {  	v20 =	vld [tilespmem:s9+$0x4540]  }
0x604: {  	v51 =	vld [tilespmem:s25+$0x4550];
	[tilespmem:s2+$0x16100] =	vst v21;
	v52 =	vadd.f32 v50, v43  }
0x605: {  	v53 =	vld [tilespmem:s8+$0x150]  }
0x606: {  	v54 =	vld [tilespmem:s30+$0x4550];
	[tilespmem:s6+$0x16100] =	vst v52  }
0x607: {  	v55 =	vld [tilespmem:s22+$0x550]  }
0x608: {  	v20 =	vadd.f32 v20, v45;
	v56 =	vld [tilespmem:s9+$0x4550]  }
0x609: {  	v21 =	vadd.f32 v51, v22  }
0x60a: {  	s11 =	sor.u32 $0x450, s10;
	[tilespmem:s4+$0x16100] =	vst v20  }
0x60b: {  	[tilespmem:s11+$0x14100] =	vst v21;
	v59 =	vadd.f32 v54, v53;
	v57 =	vld [tilespmem:s24+$0x550]  }
0x60c: {  	v58 =	vld [tilespmem:s28+$0x4550];
	s4 =	rddreg [dreg:$0xd]  }
0x60d: {  	[tilespmem:s4+$0x14100] =	vst v59;
	v20 =	vadd.f32 v56, v55  }
0x60e: {  	v60 =	vld [tilespmem:s28+$0x4550];
	s6 =	rddreg [dreg:$0x13]  }
0x60f: {  	[tilespmem:s6+$0x14100] =	vst v20  }
0x610: {  	v21 =	vld [tilespmem:s16+$0x4550];
	s2 =	sld [smem:$0x7DD]  }
0x611: {  	v61 =	vadd.f32 v58, v57  }
0x612: {  	v62 =	vld [tilespmem:s30+$0x4550]  }
0x613: {  	v22 =	vadd.f32 v60, v22;
	[tilespmem:s2+$0x14100] =	vst v61  }
0x614: {  	v20 =	vld [tilespmem:s9+$0x4550]  }
0x615: {  	[tilespmem:s11+$0x16100] =	vst v22;
	v21 =	vadd.f32 v21, v53  }
0x616: {  	v22 =	vld [tilespmem:s31+$0x560]  }
0x617: {  	v63 =	vld [tilespmem:s25+$0x4560];
	[tilespmem:s4+$0x16100] =	vst v21;
	v29 =	vadd.f32 v62, v55  }
0x618: {  	v30 =	vld [tilespmem:s8+$0x160]  }
0x619: {  	v31 =	vld [tilespmem:s30+$0x4560];
	[tilespmem:s6+$0x16100] =	vst v29;
	v20 =	vadd.f32 v20, v57  }
0x61a: {  	v32 =	vld [tilespmem:s22+$0x560]  }
0x61b: {  	v33 =	vld [tilespmem:s9+$0x4560];
	[tilespmem:s2+$0x16100] =	vst v20  }
0x61c: {  	v34 =	vld [tilespmem:s24+$0x560]  }
0x61d: {  	v35 =	vld [tilespmem:s28+$0x4560];
	_ =	sdelay $0x1  }
0x61e: {  	v21 =	vadd.f32 v63, v22  }
0x61f: {  	s15 =	sor.u32 $0x460, s10;
	v36 =	vadd.f32 v31, v30  }
0x620: {  	[tilespmem:s15+$0x14100] =	vst v21;
	v20 =	vadd.f32 v33, v32  }
0x621: {  	v37 =	vld [tilespmem:s28+$0x4560];
	[tilespmem:s5+$0x14100] =	vst v36;
	v38 =	vadd.f32 v35, v34  }
0x622: {  	v39 =	vld [tilespmem:s16+$0x4560];
	[tilespmem:s21+$0x14100] =	vst v20  }
0x623: {  	v40 =	vld [tilespmem:s30+$0x4560];
	[tilespmem:s14+$0x14100] =	vst v38  }
0x624: {  	v21 =	vld [tilespmem:s9+$0x4560];
	_ =	sdelay $0x1  }
0x625: {  	v22 =	vadd.f32 v37, v22  }
0x626: {  	v20 =	vadd.f32 v39, v30  }
0x627: {  	s2 =	sld [smem:$0x7DA];
	[tilespmem:s15+$0x16100] =	vst v22;
	v42 =	vadd.f32 v40, v32  }
0x628: {  	[tilespmem:s5+$0x16100] =	vst v20;
	v44 =	vadd.f32 v21, v34  }
0x629: {  	v22 =	vld [tilespmem:s31+$0x570];
	[tilespmem:s21+$0x16100] =	vst v42  }
0x62a: {  	v43 =	vld [tilespmem:s25+$0x4570];
	[tilespmem:s14+$0x16100] =	vst v44  }
0x62b: {  	v41 =	vld [tilespmem:s2+$0x4570];
	s18 =	sld [smem:$0x7DB]  }
0x62c: {  	v45 =	vld [tilespmem:s8+$0x170]  }
0x62d: {  	v48 =	vld [tilespmem:s30+$0x4570]  }
0x62e: {  	v18 =	vadd.f32 v18, v17;
	v46 =	vld [tilespmem:s22+$0x570];
	[tilespmem:s18+$0x14100] =	vst v19  }
0x62f: {  	v50 =	vadd.f32 v43, v22;
	v47 =	vld [tilespmem:s24+$0x570];
	s19 =	rddreg [dreg:$0x19]  }
0x630: {  	s21 =	sor.u32 $0x470, s10;
	v28 =	vld [tilespmem:s28+$0x4570];
	v52 =	vadd.f32 v41, v15;
	s1 =	rddreg [dreg:$0xb];
	[tilespmem:s19+$0x14100] =	vst v18  }
0x631: {  	v49 =	vld [tilespmem:s9+$0x4570];
	s22 =	sld [smem:$0x7DC];
	[tilespmem:s21+$0x14100] =	vst v50  }
0x632: {  	v54 =	vadd.f32 v48, v45;
	v51 =	vld [tilespmem:s1+$0x4570];
	[tilespmem:s20+$0x14100] =	vst v52  }
0x633: {  	v55 =	vld [tilespmem:s28+$0x4570];
	s23 =	rddreg [dreg:$0x8]  }
0x634: {  	v57 =	vld [tilespmem:s17+$0x4570];
	[tilespmem:s23+$0x14100] =	vst v54  }
0x635: {  	v58 =	vadd.f32 v28, v47;
	v53 =	vld [tilespmem:s22+$0x4570];
	s4 =	sld [smem:$0x7E0]  }
0x636: {  	v56 =	vadd.f32 v49, v46;
	v59 =	vld [tilespmem:s16+$0x4570]  }
0x637: {  	[tilespmem:s13+$0x14100] =	vst v58;
	v16 =	vadd.f32 v51, v16  }
0x638: {  	[tilespmem:s4+$0x14100] =	vst v56;
	v61 =	vadd.f32 v55, v22  }
0x639: {  	[tilespmem:s18+$0x16100] =	vst v16;
	v15 =	vadd.f32 v57, v15  }
0x63a: {  	v19 =	vld [tilespmem:s9+$0x4570];
	v60 =	vadd.f32 v53, v17;
	[tilespmem:s21+$0x16100] =	vst v61  }
0x63b: {  	v18 =	vld [tilespmem:s30+$0x4570];
	v62 =	vadd.f32 v59, v45;
	[tilespmem:s20+$0x16100] =	vst v15  }
0x63c: {  	[tilespmem:s19+$0x16100] =	vst v60  }
0x63d: {  	[tilespmem:s23+$0x16100] =	vst v62  }
0x63e: {  	s3 =	sld [smem:$0x7FC]  }
0x63f: {  	v63 =	vadd.f32 v19, v47;
	s0 =	sld [smem:$0x7D6]  }
0x640: {  	v15 =	vadd.f32 v18, v46  }
0x641: {  	[tilespmem:s13+$0x16100] =	vst v63  }
0x642: {  	s24 =	rddreg [dreg:$0x2];
	s0 =	sor.u32 s3, s0;
	[tilespmem:s4+$0x16100] =	vst v15  }
0x643: {  	s0 =	sshrl.u32 s0, $0x3;
	s28 =	sld [smem:$0x7D7]  }
0x644: {  	s26 =	simm.s32 $0x14100;
	s25 =	simm.s32 $0x0;
	s0 =	sadd.s32 s24, s0  }
0x645: {  	[hbm4b:s0+s25] =	stream.linear.scatter [tilespmem:s26], [sflag:$0x3], $0x2000, $0x38;
	[tilespmem:$0x18100] =	vst v63  }
0x646: {  	s0 =	sor.u32 s3, s28  }
0x647: {  	s0 =	sshrl.u32 s0, $0x3  }
0x648: {  	s29 =	simm.s32 $0x16100;
	s0 =	sadd.s32 s24, s0  }
0x649: {  	[hbm4b:s0+s25] =	stream.linear.scatter [tilespmem:s29], [sflag:$0x3], $0x2000, $0x38;
	[tilespmem:$0x18100] =	vst v63  }
0x64a: {  	s25 =	sld [smem:$0x7F4];
	_ =	sdelay $0x2  }
0x64b: {  	s25 =	sadd.s32 $0x1, s25  }
0x64c: {  	p0 =	sne.s32 s25, $0x40  }
.Ltmp2:
0x64d: {  	_ = 	snop;
	(pc) =	sbr.rel @p0 .LBB2_2-.Ltmp2, $4  }
0x64e: {  	s30 =	rddreg [dreg:$0x5]  }
0x64f: {  	s31 =	rddreg [dreg:$0x4];
	s0 =	sadd.s32 $0xFFFFFF00, s30  }
0x650: {  	[dreg:$0x5] =	wrdreg s0;
	s0 =	sadd.s32 $0xFFFFFE00, s31  }
0x651: {  	[dreg:$0x4] =	wrdreg s0  }
0x652: {  	s0 =	simm.s32 $0x2  }
0x653: {  	_ =	swait.ge [sflag:s0], $0x4000  }
0x654: {  	[sflag:s0] =	ssyncset.done $0x0  }
0x655: {  	s1 =	simm.s32 $0x3;
	[sflag:s0] =	ssyncadd.s32 $0xFFFFC000  }
0x656: {  	_ =	swait.ge [sflag:s1], $0x4000  }
0x657: {  	s2 =	sld [smem:$0x7F8]  }
0x658: {  	s31 =	sld [smem:$0x7FD];
	_ =	sdelay $0x1  }
0x659: {  	s2 =	sadd.s32 $0x1, s2  }
0x65a: {  	p0 =	sne.s32 s2, s31  }
.Ltmp3:
0x65b: {  	_ = 	snop;
	(pc) =	sbr.rel @p0 .LBB2_1-.Ltmp3, $3  }
0x65c: {  	_ =	sdelay $0x1  }
0x65d: {  	[sflag:s1] =	ssyncset.done $0x0  }
0x65e: {  	[sflag:s1] =	ssyncadd.s32 $0xFFFFC000  }
0x65f: {  	_ =	sfence.sel $0x180000  }
0x660: {  	[bflag:$0x0] =	sbarrier.arrive $0xFFFF  }
0x661: {  	_ =	strace $0x90000047  }
0x662: {  	s0 =	stileid.u32;
	[bflag:$0x2] =	sbarrier.arrive $0xFFFF  }
0x663: {  	p0 =	sne.s32 s0, $0x0;
	s0 =	rddreg [dreg:$0x3]  }
0x664: {  	s0 =	sadd.s32 @!p0 $0x100000, s0  }
0x665: {  	[sflag:s0] =	ssyncadd.tile.s32 @!p0 $0x1;
	_ =	shalt  }
.Lfunc_end2:
_tile_overlayer_lowered:
.L_overlay_start_2:
0x666: {  	(tag) =	ssettag $0x2  }
0x667: {  	s0 =	rddreg [dreg:$0x0];
	s2 =	stileid.u32  }
0x668: {  	s1 =	rddreg [dreg:$0x1];
	p0 =	sne.s32 s2, $0x0  }
0x669: {  	s3 =	rddreg [dreg:$0x2];
	[bflag:$0x3] =	sbarrier.arrive $0xFFFF;
	s2 =	simm.s32 @!p0 $0x1C04  }
0x66a: {  	[timem:s3], [sflag:s2] =	dma.local @!p0 [hbm:s0], s1  }
0x66b: {  	s0 =	simm.s32 @!p0 $0x4  }
0x66c: {  	_ =	swait.ge @!p0 [sflag:s0], s1  }
0x66d: {  	s1 =	ssub.s32 @!p0 $0x0, s1;
	[sflag:s0] =	ssyncset.done @!p0 $0x0  }
0x66e: {  	[sflag:s0] =	ssyncadd.s32 @!p0 s1  }
0x66f: {  	[bflag:$0x3] =	sbarrier.arrive $0xFFFF  }
0x670: {  	_ =	shalt  }

</sc_bundles>
